<compile_context>
chip_gen: v7x
topology: tpu7x:2x2x1
jax: 0.10.2.dev20260603
libtpu: 0.0.44.dev20260713+nightly
codegen_flags: <defaults>
</compile_context>

<pallas_src>
import functools
import math

import jax
import jax.numpy as jnp
import numpy as np
from jax import lax
from jax.experimental import pallas as pl
from jax.experimental.pallas import tpu as pltpu
from jax.experimental.pallas import tpu_sc as plsc

D_Z = 128
D_H = 64
B = 16
DEPTH = 4
BUCKETS = 1 << 20
LEVEL_SIZES = [B ** l for l in range(DEPTH + 1)]
TOTAL_NONROOT = sum(LEVEL_SIZES[1:])

RB = 1024
LEVEL_OFF = [0, 1024, 2048, 6144]
N_USED = 6144 + 65536
NBLK = N_USED // RB
NW = 32
CHUNK = 128
N_PAD = 73728
CPW = N_PAD // (NW * CHUNK)
NG = N_PAD // B
PIECES = [10, 4, 4]
PIECE_N = [NW * c * CHUNK for c in PIECES]
PIECE_G = [n // B for n in PIECE_N]

_BLK_LVL = np.zeros((NBLK,), np.int32)
_BLK_LVL[1] = 1
_BLK_LVL[2:6] = 2
_BLK_LVL[6:] = 3
_ONEHOT = np.zeros((NBLK, 4), np.float32)
_ONEHOT[np.arange(NBLK), _BLK_LVL] = 1.0
_SIZES4 = np.array([[math.log1p(float(B ** (DEPTH - l)))] for l in range(1, 5)],
                   np.float32)
_PAD_IDX = (np.arange(N_PAD, dtype=np.int32) * 977) % BUCKETS


def _gather_body(cpw, flatT_hbm, idx_hbm, outT_hbm, idx_v, eidx0, eidx1,
                 cols0, cols1, gs0, gs1, os0, os1):
    wid = lax.axis_index("s") * 2 + lax.axis_index("c")
    pltpu.sync_copy(idx_hbm.at[wid], idx_v)
    base = wid * (cpw * CHUNK)
    cols = (cols0, cols1)
    eidx = (eidx0, eidx1)
    gsem = (gs0, gs1)
    osem = (os0, os1)

    def fire_chunk(c):
        buf, sem, eix = cols[c % 2], gsem[c % 2], eidx[c % 2]
        for g in range(CHUNK // 16):
            iv = idx_v[c, pl.ds(g * 16, 16)]
            eix[pl.ds(g * 16, 16)] = ((iv >> 7) << 10) + (iv & 127)

        def body(k, carry):
            off = (k // 8) * (BUCKETS * 8) + (k % 8) * 128
            pltpu.make_async_copy(
                flatT_hbm.at[pl.ds(off, BUCKETS * 8)].at[eix],
                buf.at[k], sem).start()
            return carry

        lax.fori_loop(0, D_H, body, 0)

    def drain_chunk(c):
        pltpu.make_async_copy(outT_hbm.at[:, pl.ds(0, CHUNK)], cols[c % 2],
                              gsem[c % 2]).wait()

    oh = [None] * cpw
    fire_chunk(0)
    for c in range(cpw):
        nxt = c + 1
        if nxt < cpw:
            if c >= 1:
                oh[c - 1].wait()
            fire_chunk(nxt)
        drain_chunk(c)
        oh[c] = pltpu.async_copy(
            cols[c % 2], outT_hbm.at[:, pl.ds(base + c * CHUNK, CHUNK)],
            osem[c % 2])
    oh[cpw - 2].wait()
    oh[cpw - 1].wait()


@functools.cache
def _make_gather(cpw):
    return pl.kernel(
        functools.partial(_gather_body, cpw),
        out_type=jax.ShapeDtypeStruct((D_H, NW * cpw * CHUNK), jnp.float32),
        mesh=plsc.VectorSubcoreMesh(core_axis_name="c", subcore_axis_name="s"),
        compiler_params=pltpu.CompilerParams(use_tc_tiling_on_sc=True),
        scratch_types=[
            pltpu.VMEM((cpw, CHUNK), jnp.int32),
            pltpu.VMEM((CHUNK,), jnp.int32),
            pltpu.VMEM((CHUNK,), jnp.int32),
            pltpu.VMEM((D_H, CHUNK), jnp.float32),
            pltpu.VMEM((D_H, CHUNK), jnp.float32),
            pltpu.SemaphoreType.DMA,
            pltpu.SemaphoreType.DMA,
            pltpu.SemaphoreType.DMA,
            pltpu.SemaphoreType.DMA,
        ],
    )


def _gather(tableT, idx3):
    flat_phys = tableT.reshape(8, 8, BUCKETS // 128, 128)
    flat_phys = flat_phys.transpose(0, 2, 1, 3).reshape(-1)
    return _make_gather(idx3.shape[1])(flat_phys, idx3)


def _prep_body(z2, rW1T, rb1r, rW2r, rb2r, cW1zT, cW1lT, cW1sr, cb1r, lt4,
               sizes4, onehot, root_o, bias_o):
    h = jnp.maximum(jnp.dot(z2[...], rW1T[...],
                            preferred_element_type=jnp.float32) + rb1r[...], 0.0)
    x = jnp.sum(h * rW2r[...], axis=1, keepdims=True) + rb2r[...]
    root_o[...] = jnp.maximum(x, 0.0) + jnp.log(1.0 + jnp.exp(-jnp.abs(x)))
    bias4 = (jnp.dot(z2[...], cW1zT[...], preferred_element_type=jnp.float32)
             + jnp.dot(lt4[...], cW1lT[...], preferred_element_type=jnp.float32)
             + sizes4[...] * cW1sr[...] + cb1r[...])
    bias_o[...] = jnp.dot(onehot[...], bias4, preferred_element_type=jnp.float32)


def _run_prep(z2, rW1T, rb1r, rW2r, rb2r, cW1zT, cW1lT, cW1sr, cb1r, lt4):
    return pl.pallas_call(
        _prep_body,
        out_shape=[
            jax.ShapeDtypeStruct((1, 1), jnp.float32),
            jax.ShapeDtypeStruct((NBLK, D_H), jnp.float32),
        ],
    )(z2, rW1T, rb1r, rW2r, rb2r, cW1zT, cW1lT, cW1sr, cb1r, lt4,
      jnp.asarray(_SIZES4), jnp.asarray(_ONEHOT))


def _score_body(peT, bias, w1, w2, logit_o):
    hhT = jnp.maximum(jnp.dot(w1[...], peT[...],
                              preferred_element_type=jnp.float32)
                      + bias[...].reshape(D_H, 1), 0.0)
    logit_o[...] = jnp.dot(w2[...], hhT, preferred_element_type=jnp.float32)


def _run_score(peT_pad, bias3, w1, w2):
    nblk = bias3.shape[0]
    width = peT_pad.shape[1]
    return pl.pallas_call(
        _score_body,
        grid=(nblk,),
        in_specs=[
            pl.BlockSpec((D_H, RB), lambda i: (0, i)),
            pl.BlockSpec((1, D_H, 1), lambda i: (i, 0, 0)),
            pl.BlockSpec((D_H, D_H), lambda i: (0, 0)),
            pl.BlockSpec((1, D_H), lambda i: (0, 0)),
        ],
        out_specs=pl.BlockSpec((1, RB), lambda i: (0, i)),
        out_shape=jax.ShapeDtypeStruct((1, width), jnp.float32),
    )(peT_pad, bias3, w1, w2)


def _softmax16(x):
    m = jnp.max(x, axis=1, keepdims=True)
    e = jnp.exp(x - m)
    return e / jnp.sum(e, axis=1, keepdims=True)


def _mass_body(lga, lgb, lgc, root, m1_o, m2_o, m3_o, m4_o):
    c = root[...]
    m1 = _softmax16(lga[0:1, :]) * c
    m1_o[...] = m1
    a2 = _softmax16(lga[64:80, :])
    m2 = (a2.reshape(1, B, B) * m1[:, :, None]).reshape(B, B)
    m2_o[...] = m2
    a3 = _softmax16(lga[128:384, :])
    m3 = (a3.reshape(B, B, B) * m2[:, :, None]).reshape(B * B, B)
    m3_o[...] = m3
    ga, gb = PIECE_G[0], PIECE_G[1]
    lg4 = jnp.concatenate(
        [lga[384:ga, :], lgb[...], lgc[0:4480 - ga - gb, :]],
        axis=0)
    a4 = _softmax16(lg4)
    m4_o[...] = (a4.reshape(B * B, B, B) * m3[:, :, None]).reshape(B ** 3, B)


def _run_mass(lga, lgb, lgc, root):
    return pl.pallas_call(
        _mass_body,
        out_shape=[
            jax.ShapeDtypeStruct((1, B), jnp.float32),
            jax.ShapeDtypeStruct((B, B), jnp.float32),
            jax.ShapeDtypeStruct((B * B, B), jnp.float32),
            jax.ShapeDtypeStruct((B ** 3, B), jnp.float32),
        ],
    )(lga, lgb, lgc, root)


def kernel(z_c, prefix_hash, prefix_table, level_table, rW1, rb1, rW2, rb2,
           cW1, cb1, cW2, cb2):
    ph = prefix_hash.astype(jnp.int32)
    idx_pad = jnp.asarray(_PAD_IDX)
    off = 0
    for l in range(4):
        n = LEVEL_SIZES[l + 1]
        idx_pad = idx_pad.at[LEVEL_OFF[l]:LEVEL_OFF[l] + n].set(ph[off:off + n])
        off += n
    tT = prefix_table.T
    pes = []
    node0 = 0
    for cpw, n in zip(PIECES, PIECE_N):
        pes.append(_gather(tT, idx_pad[node0:node0 + n].reshape(
            NW, cpw, CHUNK)))
        node0 += n

    z2 = z_c.reshape(1, D_Z)
    root, bias = _run_prep(
        z2, rW1.T, rb1.reshape(1, D_H), rW2.reshape(1, D_H),
        rb2.reshape(1, 1), cW1[:, :D_Z].T, cW1[:, D_Z + D_H:D_Z + 2 * D_H].T,
        cW1[:, D_Z + 2 * D_H].reshape(1, D_H), cb1.reshape(1, D_H),
        level_table[1:5])

    bias3 = bias.reshape(NBLK, D_H, 1)
    w1 = cW1[:, D_Z:D_Z + D_H]
    w2 = cW2.reshape(1, D_H)
    lgs = []
    blk0 = 0
    for pe, g in zip(pes, PIECE_G):
        nblk = min(pe.shape[1] // RB, NBLK - blk0)
        lgs.append(_run_score(pe, bias3[blk0:blk0 + nblk], w1, w2)
                   .reshape(g, B))
        blk0 += nblk

    m1, m2, m3, m4 = _run_mass(lgs[0], lgs[1], lgs[2], root)
    m4f = m4.reshape(-1)
    return (m4f, root.reshape(1), m1.reshape(-1), m2.reshape(-1),
            m3.reshape(-1), m4f)

# --- scband reference (transcript-rebuilt; emitter-appended) ---
"""Pipeline reference for scband-prefix-tree-decoder-60730837566103 (READ-ONLY COPY).

The authoritative reference and input builder live on the scoring server;
editing this copy changes nothing except your own understanding.
"""

import jax, jax.numpy as jnp
import numpy as np

D_Z = 128
D_H = 64
B = 16
DEPTH = 4
BUCKETS = 1 << 20
MAX_LEVEL = 8
LEVEL_SIZES = [B ** l for l in range(DEPTH + 1)]  # [1, 16, 256, 4096, 65536]
TOTAL_NONROOT = sum(LEVEL_SIZES[1:])  # 69904


def setup_inputs(seed: int = 0) -> dict:
    key = jax.random.key(seed)
    ks = jax.random.split(key, 12)
    # prefix_id of non-root node = its BFS node_id (1..TOTAL_NONROOT); apply the
    # module's multiplicative hash in uint64 arithmetic, mod BUCKETS.
    ids = np.arange(1, TOTAL_NONROOT + 1, dtype=np.uint64)
    h = (ids * np.uint64(11400714819323198485)) % np.uint64(BUCKETS)
    prefix_hash = jnp.asarray(h.astype(np.int64))
    inp = {
        "z_c": jax.random.normal(ks[0], (D_Z,), jnp.float32),
        "prefix_hash": prefix_hash,
        "prefix_table": jax.random.normal(ks[1], (BUCKETS, D_H), jnp.float32) * 0.02,
        "level_table": jax.random.normal(ks[2], (MAX_LEVEL, D_H), jnp.float32) * 0.02,
        "rW1": jax.random.normal(ks[3], (D_H, D_Z), jnp.float32) * (1.0 / np.sqrt(D_Z)),
        "rb1": jnp.zeros((D_H,), jnp.float32),
        "rW2": jax.random.normal(ks[4], (1, D_H), jnp.float32) * (1.0 / np.sqrt(D_H)),
        "rb2": jnp.zeros((1,), jnp.float32),
        "cW1": jax.random.normal(ks[5], (D_H, D_Z + 2 * D_H + 1), jnp.float32) * (1.0 / np.sqrt(D_Z + 2 * D_H + 1)),
        "cb1": jnp.zeros((D_H,), jnp.float32),
        "cW2": jax.random.normal(ks[6], (1, D_H), jnp.float32) * (1.0 / np.sqrt(D_H)),
        "cb2": jnp.zeros((1,), jnp.float32),
    }
    return inp


def reference(z_c, prefix_hash, prefix_table, level_table, rW1, rb1, rW2, rb2, cW1, cb1, cW2, cb2):
    # Root mass: softplus(Linear-ReLU-(dropout=0)-Linear applied to z_c)
    h = jnp.maximum(z_c @ rW1.T + rb1, 0.0)
    c_root = jax.nn.softplus(h @ rW2.T + rb2)[0]
    masses = [jnp.reshape(c_root, (1,))]
    parent_mass = masses[0]
    offset = 0
    for lvl in range(1, DEPTH + 1):
        n = LEVEL_SIZES[lvl]
        ph = prefix_hash[offset:offset + n]
        offset += n
        pe = jnp.take(prefix_table, ph, axis=0)                      # gather (SparseCore)
        le = jnp.broadcast_to(level_table[min(lvl, MAX_LEVEL - 1)], (n, D_H))
        size = jnp.full((n, 1), np.log1p(float(B ** (DEPTH - lvl))), jnp.float32)
        zb = jnp.broadcast_to(z_c, (n, D_Z))
        feat = jnp.concatenate([zb, pe, le, size], axis=1)           # [n, 257]
        hh = jnp.maximum(feat @ cW1.T + cb1, 0.0)
        logits = (hh @ cW2.T + cb2)[:, 0]
        # children of each parent are contiguous groups of B in BFS order
        alpha = jax.nn.softmax(logits.reshape(-1, B), axis=1)
        m = (alpha * parent_mass[:, None]).reshape(-1)
        masses.append(m)
        parent_mass = m
    x_hat = masses[-1]  # leaf_of_key is identity: key i -> leaf i
    return (x_hat,) + tuple(masses)

if __name__ == "__main__":
    import jax
    _d = setup_inputs()
    print(jax.jit(kernel)(*tuple(_d.values())))

</pallas_src>

<mosaic_0001>
#map = affine_map<(d0, d1) -> (0)>
#map1 = affine_map<(d0, d1) -> (0, 0, 0)>
#map2 = affine_map<(d0, d1) -> (0, 0)>
module attributes {stable_mosaic.version = 14 : i64} {
  func.func @_gather_body(%arg0: i32, %arg1: i32, %arg2: memref<67108864xf32, #tpu.memory_space<hbm>>, %arg3: memref<32x10x128xi32, #tpu.memory_space<hbm>>, %arg4: memref<64x40960xf32, #tpu.memory_space<hbm>>, %arg5: memref<10x128xi32, #tpu.memory_space<vmem>>, %arg6: memref<128xi32, #tpu.memory_space<vmem>>, %arg7: memref<128xi32, #tpu.memory_space<vmem>>, %arg8: memref<64x128xf32, #tpu.memory_space<vmem>>, %arg9: memref<64x128xf32, #tpu.memory_space<vmem>>, %arg10: memref<!tpu.dma_semaphore, #tpu.memory_space<semaphore_mem>>, %arg11: memref<!tpu.dma_semaphore, #tpu.memory_space<semaphore_mem>>, %arg12: memref<!tpu.dma_semaphore, #tpu.memory_space<semaphore_mem>>, %arg13: memref<!tpu.dma_semaphore, #tpu.memory_space<semaphore_mem>>) attributes {dimension_semantics = [#tpu.dimension_semantics<core_parallel>, #tpu.dimension_semantics<subcore_parallel>], iteration_bounds = array<i64: 2, 16>, scalar_prefetch = 0 : i64, scratch_operands = 9 : i64, tpu.core_type = #tpu.core_type<sc_vector_subcore>, window_params = [{transform_indices = #map}, {transform_indices = #map1}, {transform_indices = #map2}]} {
    %mul3A = arith.constant 2 : i32
    %mul3A_0 = arith.muli %arg1, %mul3A : i32
    %add3A = arith.addi %mul3A_0, %arg0 : i32
    "tpu.region"() ({
      %run_scoped3A = tpu.sem_alloc : memref<!tpu.dma_semaphore, #tpu.memory_space<semaphore_mem>>
      %dma_start3A_1735 = arith.constant 0 : i32
      %dma_start3A_1736 = arith.constant 0 : i32
      %dma_start3A_1737 = tpu.memref_slice %arg3[%add3A, %dma_start3A_1735, %dma_start3A_1736] : memref<32x10x128xi32, #tpu.memory_space<hbm>> -> memref<1x10x128xi32, #tpu.memory_space<hbm>>
      %dma_start3A_1738 = tpu.memref_squeeze %dma_start3A_1737 : memref<1x10x128xi32, #tpu.memory_space<hbm>> -> memref<10x128xi32, #tpu.memory_space<hbm>>
      %dma_start3A_1739 = arith.constant 0 : i32
      %dma_start3A_1740 = arith.constant 0 : i32
      %dma_start3A_1741 = tpu.memref_slice %arg3[%add3A, %dma_start3A_1739, %dma_start3A_1740] : memref<32x10x128xi32, #tpu.memory_space<hbm>> -> memref<1x10x128xi32, #tpu.memory_space<hbm>>
      %dma_start3A_1742 = tpu.memref_squeeze %dma_start3A_1741 : memref<1x10x128xi32, #tpu.memory_space<hbm>> -> memref<10x128xi32, #tpu.memory_space<hbm>>
      tpu.enqueue_dma source(%dma_start3A_1742 : memref<10x128xi32, #tpu.memory_space<hbm>>) target(%arg5 : memref<10x128xi32, #tpu.memory_space<vmem>>) target_semaphore(%run_scoped3A : memref<!tpu.dma_semaphore, #tpu.memory_space<semaphore_mem>>)
      %dma_wait3A_1743 = arith.constant 0 : i32
      %dma_wait3A_1744 = arith.constant 0 : i32
      %dma_wait3A_1745 = tpu.memref_slice %arg3[%add3A, %dma_wait3A_1743, %dma_wait3A_1744] : memref<32x10x128xi32, #tpu.memory_space<hbm>> -> memref<1x10x128xi32, #tpu.memory_space<hbm>>
      %dma_wait3A_1746 = tpu.memref_squeeze %dma_wait3A_1745 : memref<1x10x128xi32, #tpu.memory_space<hbm>> -> memref<10x128xi32, #tpu.memory_space<hbm>>
      %dma_wait3A_1747 = arith.constant 0 : i32
      %dma_wait3A_1748 = arith.constant 0 : i32
      %dma_wait3A_1749 = tpu.memref_slice %arg3[%add3A, %dma_wait3A_1747, %dma_wait3A_1748] : memref<32x10x128xi32, #tpu.memory_space<hbm>> -> memref<1x10x128xi32, #tpu.memory_space<hbm>>
      %dma_wait3A_1750 = tpu.memref_squeeze %dma_wait3A_1749 : memref<1x10x128xi32, #tpu.memory_space<hbm>> -> memref<10x128xi32, #tpu.memory_space<hbm>>
      tpu.wait_dma2 semaphore(%run_scoped3A : memref<!tpu.dma_semaphore, #tpu.memory_space<semaphore_mem>>) src(%dma_wait3A_1750 : memref<10x128xi32, #tpu.memory_space<hbm>>) dst(%arg5 : memref<10x128xi32, #tpu.memory_space<vmem>>)
      tpu.yield
    }) : () -> ()
    %mul3A_1 = arith.constant 1280 : i32
    %mul3A_2 = arith.muli %add3A, %mul3A_1 : i32
    %get3A = arith.constant 0 : i32
    %get3A_3 = arith.index_cast %get3A : i32 to index
    %get3A_4 = arith.constant 0 : index
    %get3A_5 = tpu.vector_load %arg5[%get3A_3, %get3A_4] {strides = array<i32>} : memref<10x128xi32, #tpu.memory_space<vmem>>, vector<1x16xi32>,
    %get3A_6 = vector.shape_cast %get3A_5 : vector<1x16xi32> to vector<16xi32>
    %shift_right_arithmetic3A = arith.constant 7 : i32
    %shift_right_arithmetic3A_7 = vector.broadcast %shift_right_arithmetic3A : i32 to vector<16xi32>
    %shift_right_arithmetic3A_8 = arith.shrsi %get3A_6, %shift_right_arithmetic3A_7 : vector<16xi32>
    %shift_left3A = arith.constant 10 : i32
    %shift_left3A_9 = vector.broadcast %shift_left3A : i32 to vector<16xi32>
    %shift_left3A_10 = arith.shli %shift_right_arithmetic3A_8, %shift_left3A_9 : vector<16xi32>
    %and3A = arith.constant 127 : i32
    %and3A_11 = vector.broadcast %and3A : i32 to vector<16xi32>
    %and3A_12 = arith.andi %get3A_6, %and3A_11 : vector<16xi32>
    %add3A_13 = arith.addi %shift_left3A_10, %and3A_12 : vector<16xi32>
    %swap3A = arith.constant 0 : index
    %swap3A_14 = tpu.vector_load %arg6[%swap3A] {strides = array<i32>} : memref<128xi32, #tpu.memory_space<vmem>>, vector<16xi32>,
    %swap3A_15 = vector.shape_cast %swap3A_14 : vector<16xi32> to vector<16xi32>
    %swap3A_16 = vector.shape_cast %add3A_13 : vector<16xi32> to vector<16xi32>
    tpu.vector_store %arg6[%swap3A], %swap3A_16 {strides = array<i32>} : memref<128xi32, #tpu.memory_space<vmem>>, vector<16xi32>,
    %get3A_17 = arith.constant 0 : i32
    %get3A_18 = arith.index_cast %get3A_17 : i32 to index
    %get3A_19 = arith.constant 16 : index
    %get3A_20 = tpu.vector_load %arg5[%get3A_18, %get3A_19] {strides = array<i32>} : memref<10x128xi32, #tpu.memory_space<vmem>>, vector<1x16xi32>,
    %get3A_21 = vector.shape_cast %get3A_20 : vector<1x16xi32> to vector<16xi32>
    %shift_right_arithmetic3A_22 = arith.constant 7 : i32
    %shift_right_arithmetic3A_23 = vector.broadcast %shift_right_arithmetic3A_22 : i32 to vector<16xi32>
    %shift_right_arithmetic3A_24 = arith.shrsi %get3A_21, %shift_right_arithmetic3A_23 : vector<16xi32>
    %shift_left3A_25 = arith.constant 10 : i32
    %shift_left3A_26 = vector.broadcast %shift_left3A_25 : i32 to vector<16xi32>
    %shift_left3A_27 = arith.shli %shift_right_arithmetic3A_24, %shift_left3A_26 : vector<16xi32>
    %and3A_28 = arith.constant 127 : i32
    %and3A_29 = vector.broadcast %and3A_28 : i32 to vector<16xi32>
    %and3A_30 = arith.andi %get3A_21, %and3A_29 : vector<16xi32>
    %add3A_31 = arith.addi %shift_left3A_27, %and3A_30 : vector<16xi32>
    %swap3A_32 = arith.constant 16 : index
    %swap3A_33 = tpu.vector_load %arg6[%swap3A_32] {strides = array<i32>} : memref<128xi32, #tpu.memory_space<vmem>>, vector<16xi32>,
    %swap3A_34 = vector.shape_cast %swap3A_33 : vector<16xi32> to vector<16xi32>
    %swap3A_35 = vector.shape_cast %add3A_31 : vector<16xi32> to vector<16xi32>
    tpu.vector_store %arg6[%swap3A_32], %swap3A_35 {strides = array<i32>} : memref<128xi32, #tpu.memory_space<vmem>>, vector<16xi32>,
    %get3A_36 = arith.constant 0 : i32
    %get3A_37 = arith.index_cast %get3A_36 : i32 to index
    %get3A_38 = arith.constant 32 : index
    %get3A_39 = tpu.vector_load %arg5[%get3A_37, %get3A_38] {strides = array<i32>} : memref<10x128xi32, #tpu.memory_space<vmem>>, vector<1x16xi32>,
    %get3A_40 = vector.shape_cast %get3A_39 : vector<1x16xi32> to vector<16xi32>
    %shift_right_arithmetic3A_41 = arith.constant 7 : i32
    %shift_right_arithmetic3A_42 = vector.broadcast %shift_right_arithmetic3A_41 : i32 to vector<16xi32>
    %shift_right_arithmetic3A_43 = arith.shrsi %get3A_40, %shift_right_arithmetic3A_42 : vector<16xi32>
    %shift_left3A_44 = arith.constant 10 : i32
    %shift_left3A_45 = vector.broadcast %shift_left3A_44 : i32 to vector<16xi32>
    %shift_left3A_46 = arith.shli %shift_right_arithmetic3A_43, %shift_left3A_45 : vector<16xi32>
    %and3A_47 = arith.constant 127 : i32
    %and3A_48 = vector.broadcast %and3A_47 : i32 to vector<16xi32>
    %and3A_49 = arith.andi %get3A_40, %and3A_48 : vector<16xi32>
    %add3A_50 = arith.addi %shift_left3A_46, %and3A_49 : vector<16xi32>
    %swap3A_51 = arith.constant 32 : index
    %swap3A_52 = tpu.vector_load %arg6[%swap3A_51] {strides = array<i32>} : memref<128xi32, #tpu.memory_space<vmem>>, vector<16xi32>,
    %swap3A_53 = vector.shape_cast %swap3A_52 : vector<16xi32> to vector<16xi32>
    %swap3A_54 = vector.shape_cast %add3A_50 : vector<16xi32> to vector<16xi32>
    tpu.vector_store %arg6[%swap3A_51], %swap3A_54 {strides = array<i32>} : memref<128xi32, #tpu.memory_space<vmem>>, vector<16xi32>,
    %get3A_55 = arith.constant 0 : i32
    %get3A_56 = arith.index_cast %get3A_55 : i32 to index
    %get3A_57 = arith.constant 48 : index
    %get3A_58 = tpu.vector_load %arg5[%get3A_56, %get3A_57] {strides = array<i32>} : memref<10x128xi32, #tpu.memory_space<vmem>>, vector<1x16xi32>,
    %get3A_59 = vector.shape_cast %get3A_58 : vector<1x16xi32> to vector<16xi32>
    %shift_right_arithmetic3A_60 = arith.constant 7 : i32
    %shift_right_arithmetic3A_61 = vector.broadcast %shift_right_arithmetic3A_60 : i32 to vector<16xi32>
    %shift_right_arithmetic3A_62 = arith.shrsi %get3A_59, %shift_right_arithmetic3A_61 : vector<16xi32>
    %shift_left3A_63 = arith.constant 10 : i32
    %shift_left3A_64 = vector.broadcast %shift_left3A_63 : i32 to vector<16xi32>
    %shift_left3A_65 = arith.shli %shift_right_arithmetic3A_62, %shift_left3A_64 : vector<16xi32>
    %and3A_66 = arith.constant 127 : i32
    %and3A_67 = vector.broadcast %and3A_66 : i32 to vector<16xi32>
    %and3A_68 = arith.andi %get3A_59, %and3A_67 : vector<16xi32>
    %add3A_69 = arith.addi %shift_left3A_65, %and3A_68 : vector<16xi32>
    %swap3A_70 = arith.constant 48 : index
    %swap3A_71 = tpu.vector_load %arg6[%swap3A_70] {strides = array<i32>} : memref<128xi32, #tpu.memory_space<vmem>>, vector<16xi32>,
    %swap3A_72 = vector.shape_cast %swap3A_71 : vector<16xi32> to vector<16xi32>
    %swap3A_73 = vector.shape_cast %add3A_69 : vector<16xi32> to vector<16xi32>
    tpu.vector_store %arg6[%swap3A_70], %swap3A_73 {strides = array<i32>} : memref<128xi32, #tpu.memory_space<vmem>>, vector<16xi32>,
    %get3A_74 = arith.constant 0 : i32
    %get3A_75 = arith.index_cast %get3A_74 : i32 to index
    %get3A_76 = arith.constant 64 : index
    %get3A_77 = tpu.vector_load %arg5[%get3A_75, %get3A_76] {strides = array<i32>} : memref<10x128xi32, #tpu.memory_space<vmem>>, vector<1x16xi32>,
    %get3A_78 = vector.shape_cast %get3A_77 : vector<1x16xi32> to vector<16xi32>
    %shift_right_arithmetic3A_79 = arith.constant 7 : i32
    %shift_right_arithmetic3A_80 = vector.broadcast %shift_right_arithmetic3A_79 : i32 to vector<16xi32>
    %shift_right_arithmetic3A_81 = arith.shrsi %get3A_78, %shift_right_arithmetic3A_80 : vector<16xi32>
    %shift_left3A_82 = arith.constant 10 : i32
    %shift_left3A_83 = vector.broadcast %shift_left3A_82 : i32 to vector<16xi32>
    %shift_left3A_84 = arith.shli %shift_right_arithmetic3A_81, %shift_left3A_83 : vector<16xi32>
    %and3A_85 = arith.constant 127 : i32
    %and3A_86 = vector.broadcast %and3A_85 : i32 to vector<16xi32>
    %and3A_87 = arith.andi %get3A_78, %and3A_86 : vector<16xi32>
    %add3A_88 = arith.addi %shift_left3A_84, %and3A_87 : vector<16xi32>
    %swap3A_89 = arith.constant 64 : index
    %swap3A_90 = tpu.vector_load %arg6[%swap3A_89] {strides = array<i32>} : memref<128xi32, #tpu.memory_space<vmem>>, vector<16xi32>,
    %swap3A_91 = vector.shape_cast %swap3A_90 : vector<16xi32> to vector<16xi32>
    %swap3A_92 = vector.shape_cast %add3A_88 : vector<16xi32> to vector<16xi32>
    tpu.vector_store %arg6[%swap3A_89], %swap3A_92 {strides = array<i32>} : memref<128xi32, #tpu.memory_space<vmem>>, vector<16xi32>,
    %get3A_93 = arith.constant 0 : i32
    %get3A_94 = arith.index_cast %get3A_93 : i32 to index
    %get3A_95 = arith.constant 80 : index
    %get3A_96 = tpu.vector_load %arg5[%get3A_94, %get3A_95] {strides = array<i32>} : memref<10x128xi32, #tpu.memory_space<vmem>>, vector<1x16xi32>,
    %get3A_97 = vector.shape_cast %get3A_96 : vector<1x16xi32> to vector<16xi32>
    %shift_right_arithmetic3A_98 = arith.constant 7 : i32
    %shift_right_arithmetic3A_99 = vector.broadcast %shift_right_arithmetic3A_98 : i32 to vector<16xi32>
    %shift_right_arithmetic3A_100 = arith.shrsi %get3A_97, %shift_right_arithmetic3A_99 : vector<16xi32>
    %shift_left3A_101 = arith.constant 10 : i32
    %shift_left3A_102 = vector.broadcast %shift_left3A_101 : i32 to vector<16xi32>
    %shift_left3A_103 = arith.shli %shift_right_arithmetic3A_100, %shift_left3A_102 : vector<16xi32>
    %and3A_104 = arith.constant 127 : i32
    %and3A_105 = vector.broadcast %and3A_104 : i32 to vector<16xi32>
    %and3A_106 = arith.andi %get3A_97, %and3A_105 : vector<16xi32>
    %add3A_107 = arith.addi %shift_left3A_103, %and3A_106 : vector<16xi32>
    %swap3A_108 = arith.constant 80 : index
    %swap3A_109 = tpu.vector_load %arg6[%swap3A_108] {strides = array<i32>} : memref<128xi32, #tpu.memory_space<vmem>>, vector<16xi32>,
    %swap3A_110 = vector.shape_cast %swap3A_109 : vector<16xi32> to vector<16xi32>
    %swap3A_111 = vector.shape_cast %add3A_107 : vector<16xi32> to vector<16xi32>
    tpu.vector_store %arg6[%swap3A_108], %swap3A_111 {strides = array<i32>} : memref<128xi32, #tpu.memory_space<vmem>>, vector<16xi32>,
    %get3A_112 = arith.constant 0 : i32
    %get3A_113 = arith.index_cast %get3A_112 : i32 to index
    %get3A_114 = arith.constant 96 : index
    %get3A_115 = tpu.vector_load %arg5[%get3A_113, %get3A_114] {strides = array<i32>} : memref<10x128xi32, #tpu.memory_space<vmem>>, vector<1x16xi32>,
    %get3A_116 = vector.shape_cast %get3A_115 : vector<1x16xi32> to vector<16xi32>
    %shift_right_arithmetic3A_117 = arith.constant 7 : i32
    %shift_right_arithmetic3A_118 = vector.broadcast %shift_right_arithmetic3A_117 : i32 to vector<16xi32>
    %shift_right_arithmetic3A_119 = arith.shrsi %get3A_116, %shift_right_arithmetic3A_118 : vector<16xi32>
    %shift_left3A_120 = arith.constant 10 : i32
    %shift_left3A_121 = vector.broadcast %shift_left3A_120 : i32 to vector<16xi32>
    %shift_left3A_122 = arith.shli %shift_right_arithmetic3A_119, %shift_left3A_121 : vector<16xi32>
    %and3A_123 = arith.constant 127 : i32
    %and3A_124 = vector.broadcast %and3A_123 : i32 to vector<16xi32>
    %and3A_125 = arith.andi %get3A_116, %and3A_124 : vector<16xi32>
    %add3A_126 = arith.addi %shift_left3A_122, %and3A_125 : vector<16xi32>
    %swap3A_127 = arith.constant 96 : index
    %swap3A_128 = tpu.vector_load %arg6[%swap3A_127] {strides = array<i32>} : memref<128xi32, #tpu.memory_space<vmem>>, vector<16xi32>,
    %swap3A_129 = vector.shape_cast %swap3A_128 : vector<16xi32> to vector<16xi32>
    %swap3A_130 = vector.shape_cast %add3A_126 : vector<16xi32> to vector<16xi32>
    tpu.vector_store %arg6[%swap3A_127], %swap3A_130 {strides = array<i32>} : memref<128xi32, #tpu.memory_space<vmem>>, vector<16xi32>,
    %get3A_131 = arith.constant 0 : i32
    %get3A_132 = arith.index_cast %get3A_131 : i32 to index
    %get3A_133 = arith.constant 112 : index
    %get3A_134 = tpu.vector_load %arg5[%get3A_132, %get3A_133] {strides = array<i32>} : memref<10x128xi32, #tpu.memory_space<vmem>>, vector<1x16xi32>,
    %get3A_135 = vector.shape_cast %get3A_134 : vector<1x16xi32> to vector<16xi32>
    %shift_right_arithmetic3A_136 = arith.constant 7 : i32
    %shift_right_arithmetic3A_137 = vector.broadcast %shift_right_arithmetic3A_136 : i32 to vector<16xi32>
    %shift_right_arithmetic3A_138 = arith.shrsi %get3A_135, %shift_right_arithmetic3A_137 : vector<16xi32>
    %shift_left3A_139 = arith.constant 10 : i32
    %shift_left3A_140 = vector.broadcast %shift_left3A_139 : i32 to vector<16xi32>
    %shift_left3A_141 = arith.shli %shift_right_arithmetic3A_138, %shift_left3A_140 : vector<16xi32>
    %and3A_142 = arith.constant 127 : i32
    %and3A_143 = vector.broadcast %and3A_142 : i32 to vector<16xi32>
    %and3A_144 = arith.andi %get3A_135, %and3A_143 : vector<16xi32>
    %add3A_145 = arith.addi %shift_left3A_141, %and3A_144 : vector<16xi32>
    %swap3A_146 = arith.constant 112 : index
    %swap3A_147 = tpu.vector_load %arg6[%swap3A_146] {strides = array<i32>} : memref<128xi32, #tpu.memory_space<vmem>>, vector<16xi32>,
    %swap3A_148 = vector.shape_cast %swap3A_147 : vector<16xi32> to vector<16xi32>
    %swap3A_149 = vector.shape_cast %add3A_145 : vector<16xi32> to vector<16xi32>
    tpu.vector_store %arg6[%swap3A_146], %swap3A_149 {strides = array<i32>} : memref<128xi32, #tpu.memory_space<vmem>>, vector<16xi32>,
    %scan3A = arith.constant 0 : i32
    %scan3A_150 = arith.constant 0 : i32
    %scan3A_151 = arith.constant 64 : i32
    %scan3A_152 = arith.addi %scan3A_150, %scan3A_151 : i32
    %scan3A_153 = arith.constant 1 : i32
    scf.for %scan3A_1735 = %scan3A_150 to %scan3A_152 step %scan3A_153  : i32 {
      %jit3A = arith.constant 8 : i32
      %div3A = arith.divsi %scan3A_1735, %jit3A : i32
      %sign3A = arith.constant 0 : i32
      %sign3A_1736 = arith.cmpi sgt, %scan3A_1735, %sign3A : i32
      %sign3A_1737 = arith.extui %sign3A_1736 : i1 to i32
      %sign3A_1738 = arith.constant 0 : i32
      %sign3A_1739 = arith.cmpi slt, %scan3A_1735, %sign3A_1738 : i32
      %sign3A_1740 = arith.extui %sign3A_1739 : i1 to i32
      %sign3A_1741 = arith.subi %sign3A_1737, %sign3A_1740 : i32
      %sign3A_1742 = arith.constant 0 : i32
      %sign3A_1743 = arith.cmpi sgt, %jit3A, %sign3A_1742 : i32
      %sign3A_1744 = arith.extui %sign3A_1743 : i1 to i32
      %sign3A_1745 = arith.constant 0 : i32
      %sign3A_1746 = arith.cmpi slt, %jit3A, %sign3A_1745 : i32
      %sign3A_1747 = arith.extui %sign3A_1746 : i1 to i32
      %sign3A_1748 = arith.subi %sign3A_1744, %sign3A_1747 : i32
      %ne3A = arith.cmpi ne, %sign3A_1741, %sign3A_1748 : i32
      %rem3A = arith.remsi %scan3A_1735, %jit3A : i32
      %ne3A_1749 = arith.constant 0 : i32
      %ne3A_1750 = arith.cmpi ne, %rem3A, %ne3A_1749 : i32
      %and3A_1751 = arith.andi %ne3A, %ne3A_1750 : i1
      %sub3A = arith.constant 1 : i32
      %sub3A_1752 = arith.subi %div3A, %sub3A : i32
      %select_n3A = arith.select %and3A_1751, %sub3A_1752, %div3A : i32
      %mul3A_1753 = arith.constant 8388608 : i32
      %mul3A_1754 = arith.muli %select_n3A, %mul3A_1753 : i32
      %jit3A_1755 = arith.constant 8 : i32
      %eq3A = arith.constant 0 : i32
      %eq3A_1756 = arith.cmpi eq, %jit3A_1755, %eq3A : i32
      %jit3A_1757 = arith.constant 1 : i32
      %select_n3A_1758 = arith.select %eq3A_1756, %jit3A_1757, %jit3A_1755 : i32
      %rem3A_1759 = arith.remsi %scan3A_1735, %select_n3A_1758 : i32
      %ne3A_1760 = arith.constant 0 : i32
      %ne3A_1761 = arith.cmpi ne, %rem3A_1759, %ne3A_1760 : i32
      %lt3A = arith.constant 0 : i32
      %lt3A_1762 = arith.cmpi slt, %rem3A_1759, %lt3A : i32
      %lt3A_1763 = arith.constant 0 : i32
      %lt3A_1764 = arith.cmpi slt, %select_n3A_1758, %lt3A_1763 : i32
      %ne3A_1765 = arith.xori %lt3A_1762, %lt3A_1764 : i1
      %and3A_1766 = arith.andi %ne3A_1765, %ne3A_1761 : i1
      %add3A_1767 = arith.addi %rem3A_1759, %select_n3A_1758 : i32
      %select_n3A_1768 = arith.select %and3A_1766, %add3A_1767, %rem3A_1759 : i32
      %mul3A_1769 = arith.constant 128 : i32
      %mul3A_1770 = arith.muli %select_n3A_1768, %mul3A_1769 : i32
      %add3A_1771 = arith.addi %mul3A_1754, %mul3A_1770 : i32
      %dma_start3A_1772 = arith.constant 0 : i32
      %dma_start3A_1773 = tpu.memref_slice %arg8[%scan3A_1735, %dma_start3A_1772] : memref<64x128xf32, #tpu.memory_space<vmem>> -> memref<1x128xf32, #tpu.memory_space<vmem>>
      %dma_start3A_1774 = tpu.memref_squeeze %dma_start3A_1773 : memref<1x128xf32, #tpu.memory_space<vmem>> -> memref<128xf32, #tpu.memory_space<vmem>>
      %dma_start3A_1775 = tpu.memref_slice %arg2[%add3A_1771] : memref<67108864xf32, #tpu.memory_space<hbm>> -> memref<8388608xf32, #tpu.memory_space<hbm>>
      %dma_start3A_1776 = arith.constant 0 : i32
      %dma_start3A_1777 = tpu.memref_slice %dma_start3A_1775[%dma_start3A_1776] : memref<8388608xf32, #tpu.memory_space<hbm>> -> memref<8388608xf32, #tpu.memory_space<hbm>>
      tpu.enqueue_indirect_dma source(%dma_start3A_1777 : memref<8388608xf32, #tpu.memory_space<hbm>>) target(%dma_start3A_1774 : memref<128xf32, #tpu.memory_space<vmem>>) offsets(%arg6 : memref<128xi32, #tpu.memory_space<vmem>>) semaphore(%arg10 : memref<!tpu.dma_semaphore, #tpu.memory_space<semaphore_mem>>)
    }
    %scan3A_154 = arith.constant 64 : i32
    %get3A_155 = arith.constant 1 : i32
    %get3A_156 = arith.index_cast %get3A_155 : i32 to index
    %get3A_157 = arith.constant 0 : index
    %get3A_158 = tpu.vector_load %arg5[%get3A_156, %get3A_157] {strides = array<i32>} : memref<10x128xi32, #tpu.memory_space<vmem>>, vector<1x16xi32>,
    %get3A_159 = vector.shape_cast %get3A_158 : vector<1x16xi32> to vector<16xi32>
    %shift_right_arithmetic3A_160 = arith.constant 7 : i32
    %shift_right_arithmetic3A_161 = vector.broadcast %shift_right_arithmetic3A_160 : i32 to vector<16xi32>
    %shift_right_arithmetic3A_162 = arith.shrsi %get3A_159, %shift_right_arithmetic3A_161 : vector<16xi32>
    %shift_left3A_163 = arith.constant 10 : i32
    %shift_left3A_164 = vector.broadcast %shift_left3A_163 : i32 to vector<16xi32>
    %shift_left3A_165 = arith.shli %shift_right_arithmetic3A_162, %shift_left3A_164 : vector<16xi32>
    %and3A_166 = arith.constant 127 : i32
    %and3A_167 = vector.broadcast %and3A_166 : i32 to vector<16xi32>
    %and3A_168 = arith.andi %get3A_159, %and3A_167 : vector<16xi32>
    %add3A_169 = arith.addi %shift_left3A_165, %and3A_168 : vector<16xi32>
    %swap3A_170 = arith.constant 0 : index
    %swap3A_171 = tpu.vector_load %arg7[%swap3A_170] {strides = array<i32>} : memref<128xi32, #tpu.memory_space<vmem>>, vector<16xi32>,
    %swap3A_172 = vector.shape_cast %swap3A_171 : vector<16xi32> to vector<16xi32>
    %swap3A_173 = vector.shape_cast %add3A_169 : vector<16xi32> to vector<16xi32>
    tpu.vector_store %arg7[%swap3A_170], %swap3A_173 {strides = array<i32>} : memref<128xi32, #tpu.memory_space<vmem>>, vector<16xi32>,
    %get3A_174 = arith.constant 1 : i32
    %get3A_175 = arith.index_cast %get3A_174 : i32 to index
    %get3A_176 = arith.constant 16 : index
    %get3A_177 = tpu.vector_load %arg5[%get3A_175, %get3A_176] {strides = array<i32>} : memref<10x128xi32, #tpu.memory_space<vmem>>, vector<1x16xi32>,
    %get3A_178 = vector.shape_cast %get3A_177 : vector<1x16xi32> to vector<16xi32>
    %shift_right_arithmetic3A_179 = arith.constant 7 : i32
    %shift_right_arithmetic3A_180 = vector.broadcast %shift_right_arithmetic3A_179 : i32 to vector<16xi32>
    %shift_right_arithmetic3A_181 = arith.shrsi %get3A_178, %shift_right_arithmetic3A_180 : vector<16xi32>
    %shift_left3A_182 = arith.constant 10 : i32
    %shift_left3A_183 = vector.broadcast %shift_left3A_182 : i32 to vector<16xi32>
    %shift_left3A_184 = arith.shli %shift_right_arithmetic3A_181, %shift_left3A_183 : vector<16xi32>
    %and3A_185 = arith.constant 127 : i32
    %and3A_186 = vector.broadcast %and3A_185 : i32 to vector<16xi32>
    %and3A_187 = arith.andi %get3A_178, %and3A_186 : vector<16xi32>
    %add3A_188 = arith.addi %shift_left3A_184, %and3A_187 : vector<16xi32>
    %swap3A_189 = arith.constant 16 : index
    %swap3A_190 = tpu.vector_load %arg7[%swap3A_189] {strides = array<i32>} : memref<128xi32, #tpu.memory_space<vmem>>, vector<16xi32>,
    %swap3A_191 = vector.shape_cast %swap3A_190 : vector<16xi32> to vector<16xi32>
    %swap3A_192 = vector.shape_cast %add3A_188 : vector<16xi32> to vector<16xi32>
    tpu.vector_store %arg7[%swap3A_189], %swap3A_192 {strides = array<i32>} : memref<128xi32, #tpu.memory_space<vmem>>, vector<16xi32>,
    %get3A_193 = arith.constant 1 : i32
    %get3A_194 = arith.index_cast %get3A_193 : i32 to index
    %get3A_195 = arith.constant 32 : index
    %get3A_196 = tpu.vector_load %arg5[%get3A_194, %get3A_195] {strides = array<i32>} : memref<10x128xi32, #tpu.memory_space<vmem>>, vector<1x16xi32>,
    %get3A_197 = vector.shape_cast %get3A_196 : vector<1x16xi32> to vector<16xi32>
    %shift_right_arithmetic3A_198 = arith.constant 7 : i32
    %shift_right_arithmetic3A_199 = vector.broadcast %shift_right_arithmetic3A_198 : i32 to vector<16xi32>
    %shift_right_arithmetic3A_200 = arith.shrsi %get3A_197, %shift_right_arithmetic3A_199 : vector<16xi32>
    %shift_left3A_201 = arith.constant 10 : i32
    %shift_left3A_202 = vector.broadcast %shift_left3A_201 : i32 to vector<16xi32>
    %shift_left3A_203 = arith.shli %shift_right_arithmetic3A_200, %shift_left3A_202 : vector<16xi32>
    %and3A_204 = arith.constant 127 : i32
    %and3A_205 = vector.broadcast %and3A_204 : i32 to vector<16xi32>
    %and3A_206 = arith.andi %get3A_197, %and3A_205 : vector<16xi32>
    %add3A_207 = arith.addi %shift_left3A_203, %and3A_206 : vector<16xi32>
    %swap3A_208 = arith.constant 32 : index
    %swap3A_209 = tpu.vector_load %arg7[%swap3A_208] {strides = array<i32>} : memref<128xi32, #tpu.memory_space<vmem>>, vector<16xi32>,
    %swap3A_210 = vector.shape_cast %swap3A_209 : vector<16xi32> to vector<16xi32>
    %swap3A_211 = vector.shape_cast %add3A_207 : vector<16xi32> to vector<16xi32>
    tpu.vector_store %arg7[%swap3A_208], %swap3A_211 {strides = array<i32>} : memref<128xi32, #tpu.memory_space<vmem>>, vector<16xi32>,
    %get3A_212 = arith.constant 1 : i32
    %get3A_213 = arith.index_cast %get3A_212 : i32 to index
    %get3A_214 = arith.constant 48 : index
    %get3A_215 = tpu.vector_load %arg5[%get3A_213, %get3A_214] {strides = array<i32>} : memref<10x128xi32, #tpu.memory_space<vmem>>, vector<1x16xi32>,
    %get3A_216 = vector.shape_cast %get3A_215 : vector<1x16xi32> to vector<16xi32>
    %shift_right_arithmetic3A_217 = arith.constant 7 : i32
    %shift_right_arithmetic3A_218 = vector.broadcast %shift_right_arithmetic3A_217 : i32 to vector<16xi32>
    %shift_right_arithmetic3A_219 = arith.shrsi %get3A_216, %shift_right_arithmetic3A_218 : vector<16xi32>
    %shift_left3A_220 = arith.constant 10 : i32
    %shift_left3A_221 = vector.broadcast %shift_left3A_220 : i32 to vector<16xi32>
    %shift_left3A_222 = arith.shli %shift_right_arithmetic3A_219, %shift_left3A_221 : vector<16xi32>
    %and3A_223 = arith.constant 127 : i32
    %and3A_224 = vector.broadcast %and3A_223 : i32 to vector<16xi32>
    %and3A_225 = arith.andi %get3A_216, %and3A_224 : vector<16xi32>
    %add3A_226 = arith.addi %shift_left3A_222, %and3A_225 : vector<16xi32>
    %swap3A_227 = arith.constant 48 : index
    %swap3A_228 = tpu.vector_load %arg7[%swap3A_227] {strides = array<i32>} : memref<128xi32, #tpu.memory_space<vmem>>, vector<16xi32>,
    %swap3A_229 = vector.shape_cast %swap3A_228 : vector<16xi32> to vector<16xi32>
    %swap3A_230 = vector.shape_cast %add3A_226 : vector<16xi32> to vector<16xi32>
    tpu.vector_store %arg7[%swap3A_227], %swap3A_230 {strides = array<i32>} : memref<128xi32, #tpu.memory_space<vmem>>, vector<16xi32>,
    %get3A_231 = arith.constant 1 : i32
    %get3A_232 = arith.index_cast %get3A_231 : i32 to index
    %get3A_233 = arith.constant 64 : index
    %get3A_234 = tpu.vector_load %arg5[%get3A_232, %get3A_233] {strides = array<i32>} : memref<10x128xi32, #tpu.memory_space<vmem>>, vector<1x16xi32>,
    %get3A_235 = vector.shape_cast %get3A_234 : vector<1x16xi32> to vector<16xi32>
    %shift_right_arithmetic3A_236 = arith.constant 7 : i32
    %shift_right_arithmetic3A_237 = vector.broadcast %shift_right_arithmetic3A_236 : i32 to vector<16xi32>
    %shift_right_arithmetic3A_238 = arith.shrsi %get3A_235, %shift_right_arithmetic3A_237 : vector<16xi32>
    %shift_left3A_239 = arith.constant 10 : i32
    %shift_left3A_240 = vector.broadcast %shift_left3A_239 : i32 to vector<16xi32>
    %shift_left3A_241 = arith.shli %shift_right_arithmetic3A_238, %shift_left3A_240 : vector<16xi32>
    %and3A_242 = arith.constant 127 : i32
    %and3A_243 = vector.broadcast %and3A_242 : i32 to vector<16xi32>
    %and3A_244 = arith.andi %get3A_235, %and3A_243 : vector<16xi32>
    %add3A_245 = arith.addi %shift_left3A_241, %and3A_244 : vector<16xi32>
    %swap3A_246 = arith.constant 64 : index
    %swap3A_247 = tpu.vector_load %arg7[%swap3A_246] {strides = array<i32>} : memref<128xi32, #tpu.memory_space<vmem>>, vector<16xi32>,
    %swap3A_248 = vector.shape_cast %swap3A_247 : vector<16xi32> to vector<16xi32>
    %swap3A_249 = vector.shape_cast %add3A_245 : vector<16xi32> to vector<16xi32>
    tpu.vector_store %arg7[%swap3A_246], %swap3A_249 {strides = array<i32>} : memref<128xi32, #tpu.memory_space<vmem>>, vector<16xi32>,
    %get3A_250 = arith.constant 1 : i32
    %get3A_251 = arith.index_cast %get3A_250 : i32 to index
    %get3A_252 = arith.constant 80 : index
    %get3A_253 = tpu.vector_load %arg5[%get3A_251, %get3A_252] {strides = array<i32>} : memref<10x128xi32, #tpu.memory_space<vmem>>, vector<1x16xi32>,
    %get3A_254 = vector.shape_cast %get3A_253 : vector<1x16xi32> to vector<16xi32>
    %shift_right_arithmetic3A_255 = arith.constant 7 : i32
    %shift_right_arithmetic3A_256 = vector.broadcast %shift_right_arithmetic3A_255 : i32 to vector<16xi32>
    %shift_right_arithmetic3A_257 = arith.shrsi %get3A_254, %shift_right_arithmetic3A_256 : vector<16xi32>
    %shift_left3A_258 = arith.constant 10 : i32
    %shift_left3A_259 = vector.broadcast %shift_left3A_258 : i32 to vector<16xi32>
    %shift_left3A_260 = arith.shli %shift_right_arithmetic3A_257, %shift_left3A_259 : vector<16xi32>
    %and3A_261 = arith.constant 127 : i32
    %and3A_262 = vector.broadcast %and3A_261 : i32 to vector<16xi32>
    %and3A_263 = arith.andi %get3A_254, %and3A_262 : vector<16xi32>
    %add3A_264 = arith.addi %shift_left3A_260, %and3A_263 : vector<16xi32>
    %swap3A_265 = arith.constant 80 : index
    %swap3A_266 = tpu.vector_load %arg7[%swap3A_265] {strides = array<i32>} : memref<128xi32, #tpu.memory_space<vmem>>, vector<16xi32>,
    %swap3A_267 = vector.shape_cast %swap3A_266 : vector<16xi32> to vector<16xi32>
    %swap3A_268 = vector.shape_cast %add3A_264 : vector<16xi32> to vector<16xi32>
    tpu.vector_store %arg7[%swap3A_265], %swap3A_268 {strides = array<i32>} : memref<128xi32, #tpu.memory_space<vmem>>, vector<16xi32>,
    %get3A_269 = arith.constant 1 : i32
    %get3A_270 = arith.index_cast %get3A_269 : i32 to index
    %get3A_271 = arith.constant 96 : index
    %get3A_272 = tpu.vector_load %arg5[%get3A_270, %get3A_271] {strides = array<i32>} : memref<10x128xi32, #tpu.memory_space<vmem>>, vector<1x16xi32>,
    %get3A_273 = vector.shape_cast %get3A_272 : vector<1x16xi32> to vector<16xi32>
    %shift_right_arithmetic3A_274 = arith.constant 7 : i32
    %shift_right_arithmetic3A_275 = vector.broadcast %shift_right_arithmetic3A_274 : i32 to vector<16xi32>
    %shift_right_arithmetic3A_276 = arith.shrsi %get3A_273, %shift_right_arithmetic3A_275 : vector<16xi32>
    %shift_left3A_277 = arith.constant 10 : i32
    %shift_left3A_278 = vector.broadcast %shift_left3A_277 : i32 to vector<16xi32>
    %shift_left3A_279 = arith.shli %shift_right_arithmetic3A_276, %shift_left3A_278 : vector<16xi32>
    %and3A_280 = arith.constant 127 : i32
    %and3A_281 = vector.broadcast %and3A_280 : i32 to vector<16xi32>
    %and3A_282 = arith.andi %get3A_273, %and3A_281 : vector<16xi32>
    %add3A_283 = arith.addi %shift_left3A_279, %and3A_282 : vector<16xi32>
    %swap3A_284 = arith.constant 96 : index
    %swap3A_285 = tpu.vector_load %arg7[%swap3A_284] {strides = array<i32>} : memref<128xi32, #tpu.memory_space<vmem>>, vector<16xi32>,
    %swap3A_286 = vector.shape_cast %swap3A_285 : vector<16xi32> to vector<16xi32>
    %swap3A_287 = vector.shape_cast %add3A_283 : vector<16xi32> to vector<16xi32>
    tpu.vector_store %arg7[%swap3A_284], %swap3A_287 {strides = array<i32>} : memref<128xi32, #tpu.memory_space<vmem>>, vector<16xi32>,
    %get3A_288 = arith.constant 1 : i32
    %get3A_289 = arith.index_cast %get3A_288 : i32 to index
    %get3A_290 = arith.constant 112 : index
    %get3A_291 = tpu.vector_load %arg5[%get3A_289, %get3A_290] {strides = array<i32>} : memref<10x128xi32, #tpu.memory_space<vmem>>, vector<1x16xi32>,
    %get3A_292 = vector.shape_cast %get3A_291 : vector<1x16xi32> to vector<16xi32>
    %shift_right_arithmetic3A_293 = arith.constant 7 : i32
    %shift_right_arithmetic3A_294 = vector.broadcast %shift_right_arithmetic3A_293 : i32 to vector<16xi32>
    %shift_right_arithmetic3A_295 = arith.shrsi %get3A_292, %shift_right_arithmetic3A_294 : vector<16xi32>
    %shift_left3A_296 = arith.constant 10 : i32
    %shift_left3A_297 = vector.broadcast %shift_left3A_296 : i32 to vector<16xi32>
    %shift_left3A_298 = arith.shli %shift_right_arithmetic3A_295, %shift_left3A_297 : vector<16xi32>
    %and3A_299 = arith.constant 127 : i32
    %and3A_300 = vector.broadcast %and3A_299 : i32 to vector<16xi32>
    %and3A_301 = arith.andi %get3A_292, %and3A_300 : vector<16xi32>
    %add3A_302 = arith.addi %shift_left3A_298, %and3A_301 : vector<16xi32>
    %swap3A_303 = arith.constant 112 : index
    %swap3A_304 = tpu.vector_load %arg7[%swap3A_303] {strides = array<i32>} : memref<128xi32, #tpu.memory_space<vmem>>, vector<16xi32>,
    %swap3A_305 = vector.shape_cast %swap3A_304 : vector<16xi32> to vector<16xi32>
    %swap3A_306 = vector.shape_cast %add3A_302 : vector<16xi32> to vector<16xi32>
    tpu.vector_store %arg7[%swap3A_303], %swap3A_306 {strides = array<i32>} : memref<128xi32, #tpu.memory_space<vmem>>, vector<16xi32>,
    %scan3A_307 = arith.constant 0 : i32
    %scan3A_308 = arith.constant 0 : i32
    %scan3A_309 = arith.constant 64 : i32
    %scan3A_310 = arith.addi %scan3A_308, %scan3A_309 : i32
    %scan3A_311 = arith.constant 1 : i32
    scf.for %scan3A_1735 = %scan3A_308 to %scan3A_310 step %scan3A_311  : i32 {
      %jit3A = arith.constant 8 : i32
      %div3A = arith.divsi %scan3A_1735, %jit3A : i32
      %sign3A = arith.constant 0 : i32
      %sign3A_1736 = arith.cmpi sgt, %scan3A_1735, %sign3A : i32
      %sign3A_1737 = arith.extui %sign3A_1736 : i1 to i32
      %sign3A_1738 = arith.constant 0 : i32
      %sign3A_1739 = arith.cmpi slt, %scan3A_1735, %sign3A_1738 : i32
      %sign3A_1740 = arith.extui %sign3A_1739 : i1 to i32
      %sign3A_1741 = arith.subi %sign3A_1737, %sign3A_1740 : i32
      %sign3A_1742 = arith.constant 0 : i32
      %sign3A_1743 = arith.cmpi sgt, %jit3A, %sign3A_1742 : i32
      %sign3A_1744 = arith.extui %sign3A_1743 : i1 to i32
      %sign3A_1745 = arith.constant 0 : i32
      %sign3A_1746 = arith.cmpi slt, %jit3A, %sign3A_1745 : i32
      %sign3A_1747 = arith.extui %sign3A_1746 : i1 to i32
      %sign3A_1748 = arith.subi %sign3A_1744, %sign3A_1747 : i32
      %ne3A = arith.cmpi ne, %sign3A_1741, %sign3A_1748 : i32
      %rem3A = arith.remsi %scan3A_1735, %jit3A : i32
      %ne3A_1749 = arith.constant 0 : i32
      %ne3A_1750 = arith.cmpi ne, %rem3A, %ne3A_1749 : i32
      %and3A_1751 = arith.andi %ne3A, %ne3A_1750 : i1
      %sub3A = arith.constant 1 : i32
      %sub3A_1752 = arith.subi %div3A, %sub3A : i32
      %select_n3A = arith.select %and3A_1751, %sub3A_1752, %div3A : i32
      %mul3A_1753 = arith.constant 8388608 : i32
      %mul3A_1754 = arith.muli %select_n3A, %mul3A_1753 : i32
      %jit3A_1755 = arith.constant 8 : i32
      %eq3A = arith.constant 0 : i32
      %eq3A_1756 = arith.cmpi eq, %jit3A_1755, %eq3A : i32
      %jit3A_1757 = arith.constant 1 : i32
      %select_n3A_1758 = arith.select %eq3A_1756, %jit3A_1757, %jit3A_1755 : i32
      %rem3A_1759 = arith.remsi %scan3A_1735, %select_n3A_1758 : i32
      %ne3A_1760 = arith.constant 0 : i32
      %ne3A_1761 = arith.cmpi ne, %rem3A_1759, %ne3A_1760 : i32
      %lt3A = arith.constant 0 : i32
      %lt3A_1762 = arith.cmpi slt, %rem3A_1759, %lt3A : i32
      %lt3A_1763 = arith.constant 0 : i32
      %lt3A_1764 = arith.cmpi slt, %select_n3A_1758, %lt3A_1763 : i32
      %ne3A_1765 = arith.xori %lt3A_1762, %lt3A_1764 : i1
      %and3A_1766 = arith.andi %ne3A_1765, %ne3A_1761 : i1
      %add3A_1767 = arith.addi %rem3A_1759, %select_n3A_1758 : i32
      %select_n3A_1768 = arith.select %and3A_1766, %add3A_1767, %rem3A_1759 : i32
      %mul3A_1769 = arith.constant 128 : i32
      %mul3A_1770 = arith.muli %select_n3A_1768, %mul3A_1769 : i32
      %add3A_1771 = arith.addi %mul3A_1754, %mul3A_1770 : i32
      %dma_start3A_1772 = arith.constant 0 : i32
      %dma_start3A_1773 = tpu.memref_slice %arg9[%scan3A_1735, %dma_start3A_1772] : memref<64x128xf32, #tpu.memory_space<vmem>> -> memref<1x128xf32, #tpu.memory_space<vmem>>
      %dma_start3A_1774 = tpu.memref_squeeze %dma_start3A_1773 : memref<1x128xf32, #tpu.memory_space<vmem>> -> memref<128xf32, #tpu.memory_space<vmem>>
      %dma_start3A_1775 = tpu.memref_slice %arg2[%add3A_1771] : memref<67108864xf32, #tpu.memory_space<hbm>> -> memref<8388608xf32, #tpu.memory_space<hbm>>
      %dma_start3A_1776 = arith.constant 0 : i32
      %dma_start3A_1777 = tpu.memref_slice %dma_start3A_1775[%dma_start3A_1776] : memref<8388608xf32, #tpu.memory_space<hbm>> -> memref<8388608xf32, #tpu.memory_space<hbm>>
      tpu.enqueue_indirect_dma source(%dma_start3A_1777 : memref<8388608xf32, #tpu.memory_space<hbm>>) target(%dma_start3A_1774 : memref<128xf32, #tpu.memory_space<vmem>>) offsets(%arg7 : memref<128xi32, #tpu.memory_space<vmem>>) semaphore(%arg11 : memref<!tpu.dma_semaphore, #tpu.memory_space<semaphore_mem>>)
    }
    %scan3A_312 = arith.constant 64 : i32
    %dma_wait3A = arith.constant 0 : i32
    %dma_wait3A_313 = arith.constant 0 : i32
    %dma_wait3A_314 = tpu.memref_slice %arg4[%dma_wait3A, %dma_wait3A_313] : memref<64x40960xf32, #tpu.memory_space<hbm>> -> memref<64x128xf32, #tpu.memory_space<hbm>>
    %dma_wait3A_315 = arith.constant 0 : i32
    %dma_wait3A_316 = arith.constant 0 : i32
    %dma_wait3A_317 = tpu.memref_slice %arg4[%dma_wait3A_315, %dma_wait3A_316] : memref<64x40960xf32, #tpu.memory_space<hbm>> -> memref<64x128xf32, #tpu.memory_space<hbm>>
    tpu.wait_dma2 semaphore(%arg10 : memref<!tpu.dma_semaphore, #tpu.memory_space<semaphore_mem>>) src(%dma_wait3A_317 : memref<64x128xf32, #tpu.memory_space<hbm>>) dst(%arg8 : memref<64x128xf32, #tpu.memory_space<vmem>>)
    %add3A_318 = arith.constant 0 : i32
    %add3A_319 = arith.addi %mul3A_2, %add3A_318 : i32
    %dma_start3A = arith.constant 0 : i32
    %dma_start3A_320 = tpu.memref_slice %arg4[%dma_start3A, %add3A_319] : memref<64x40960xf32, #tpu.memory_space<hbm>> -> memref<64x128xf32, #tpu.memory_space<hbm>>
    %dma_start3A_321 = arith.constant 0 : i32
    %dma_start3A_322 = tpu.memref_slice %arg4[%dma_start3A_321, %add3A_319] : memref<64x40960xf32, #tpu.memory_space<hbm>> -> memref<64x128xf32, #tpu.memory_space<hbm>>
    tpu.enqueue_dma source(%arg8 : memref<64x128xf32, #tpu.memory_space<vmem>>) target(%dma_start3A_322 : memref<64x128xf32, #tpu.memory_space<hbm>>) target_semaphore(%arg12 : memref<!tpu.dma_semaphore, #tpu.memory_space<semaphore_mem>>)
    %dma_wait3A_323 = arith.constant 0 : i32
    %dma_wait3A_324 = tpu.memref_slice %arg4[%dma_wait3A_323, %add3A_319] : memref<64x40960xf32, #tpu.memory_space<hbm>> -> memref<64x128xf32, #tpu.memory_space<hbm>>
    %dma_wait3A_325 = arith.constant 0 : i32
    %dma_wait3A_326 = tpu.memref_slice %arg4[%dma_wait3A_325, %add3A_319] : memref<64x40960xf32, #tpu.memory_space<hbm>> -> memref<64x128xf32, #tpu.memory_space<hbm>>
    tpu.wait_dma2 semaphore(%arg12 : memref<!tpu.dma_semaphore, #tpu.memory_space<semaphore_mem>>) src(%arg8 : memref<64x128xf32, #tpu.memory_space<vmem>>) dst(%dma_wait3A_326 : memref<64x128xf32, #tpu.memory_space<hbm>>)
    %get3A_327 = arith.constant 2 : i32
    %get3A_328 = arith.index_cast %get3A_327 : i32 to index
    %get3A_329 = arith.constant 0 : index
    %get3A_330 = tpu.vector_load %arg5[%get3A_328, %get3A_329] {strides = array<i32>} : memref<10x128xi32, #tpu.memory_space<vmem>>, vector<1x16xi32>,
    %get3A_331 = vector.shape_cast %get3A_330 : vector<1x16xi32> to vector<16xi32>
    %shift_right_arithmetic3A_332 = arith.constant 7 : i32
    %shift_right_arithmetic3A_333 = vector.broadcast %shift_right_arithmetic3A_332 : i32 to vector<16xi32>
    %shift_right_arithmetic3A_334 = arith.shrsi %get3A_331, %shift_right_arithmetic3A_333 : vector<16xi32>
    %shift_left3A_335 = arith.constant 10 : i32
    %shift_left3A_336 = vector.broadcast %shift_left3A_335 : i32 to vector<16xi32>
    %shift_left3A_337 = arith.shli %shift_right_arithmetic3A_334, %shift_left3A_336 : vector<16xi32>
    %and3A_338 = arith.constant 127 : i32
    %and3A_339 = vector.broadcast %and3A_338 : i32 to vector<16xi32>
    %and3A_340 = arith.andi %get3A_331, %and3A_339 : vector<16xi32>
    %add3A_341 = arith.addi %shift_left3A_337, %and3A_340 : vector<16xi32>
    %swap3A_342 = arith.constant 0 : index
    %swap3A_343 = tpu.vector_load %arg6[%swap3A_342] {strides = array<i32>} : memref<128xi32, #tpu.memory_space<vmem>>, vector<16xi32>,
    %swap3A_344 = vector.shape_cast %swap3A_343 : vector<16xi32> to vector<16xi32>
    %swap3A_345 = vector.shape_cast %add3A_341 : vector<16xi32> to vector<16xi32>
    tpu.vector_store %arg6[%swap3A_342], %swap3A_345 {strides = array<i32>} : memref<128xi32, #tpu.memory_space<vmem>>, vector<16xi32>,
    %get3A_346 = arith.constant 2 : i32
    %get3A_347 = arith.index_cast %get3A_346 : i32 to index
    %get3A_348 = arith.constant 16 : index
    %get3A_349 = tpu.vector_load %arg5[%get3A_347, %get3A_348] {strides = array<i32>} : memref<10x128xi32, #tpu.memory_space<vmem>>, vector<1x16xi32>,
    %get3A_350 = vector.shape_cast %get3A_349 : vector<1x16xi32> to vector<16xi32>
    %shift_right_arithmetic3A_351 = arith.constant 7 : i32
    %shift_right_arithmetic3A_352 = vector.broadcast %shift_right_arithmetic3A_351 : i32 to vector<16xi32>
    %shift_right_arithmetic3A_353 = arith.shrsi %get3A_350, %shift_right_arithmetic3A_352 : vector<16xi32>
    %shift_left3A_354 = arith.constant 10 : i32
    %shift_left3A_355 = vector.broadcast %shift_left3A_354 : i32 to vector<16xi32>
    %shift_left3A_356 = arith.shli %shift_right_arithmetic3A_353, %shift_left3A_355 : vector<16xi32>
    %and3A_357 = arith.constant 127 : i32
    %and3A_358 = vector.broadcast %and3A_357 : i32 to vector<16xi32>
    %and3A_359 = arith.andi %get3A_350, %and3A_358 : vector<16xi32>
    %add3A_360 = arith.addi %shift_left3A_356, %and3A_359 : vector<16xi32>
    %swap3A_361 = arith.constant 16 : index
    %swap3A_362 = tpu.vector_load %arg6[%swap3A_361] {strides = array<i32>} : memref<128xi32, #tpu.memory_space<vmem>>, vector<16xi32>,
    %swap3A_363 = vector.shape_cast %swap3A_362 : vector<16xi32> to vector<16xi32>
    %swap3A_364 = vector.shape_cast %add3A_360 : vector<16xi32> to vector<16xi32>
    tpu.vector_store %arg6[%swap3A_361], %swap3A_364 {strides = array<i32>} : memref<128xi32, #tpu.memory_space<vmem>>, vector<16xi32>,
    %get3A_365 = arith.constant 2 : i32
    %get3A_366 = arith.index_cast %get3A_365 : i32 to index
    %get3A_367 = arith.constant 32 : index
    %get3A_368 = tpu.vector_load %arg5[%get3A_366, %get3A_367] {strides = array<i32>} : memref<10x128xi32, #tpu.memory_space<vmem>>, vector<1x16xi32>,
    %get3A_369 = vector.shape_cast %get3A_368 : vector<1x16xi32> to vector<16xi32>
    %shift_right_arithmetic3A_370 = arith.constant 7 : i32
    %shift_right_arithmetic3A_371 = vector.broadcast %shift_right_arithmetic3A_370 : i32 to vector<16xi32>
    %shift_right_arithmetic3A_372 = arith.shrsi %get3A_369, %shift_right_arithmetic3A_371 : vector<16xi32>
    %shift_left3A_373 = arith.constant 10 : i32
    %shift_left3A_374 = vector.broadcast %shift_left3A_373 : i32 to vector<16xi32>
    %shift_left3A_375 = arith.shli %shift_right_arithmetic3A_372, %shift_left3A_374 : vector<16xi32>
    %and3A_376 = arith.constant 127 : i32
    %and3A_377 = vector.broadcast %and3A_376 : i32 to vector<16xi32>
    %and3A_378 = arith.andi %get3A_369, %and3A_377 : vector<16xi32>
    %add3A_379 = arith.addi %shift_left3A_375, %and3A_378 : vector<16xi32>
    %swap3A_380 = arith.constant 32 : index
    %swap3A_381 = tpu.vector_load %arg6[%swap3A_380] {strides = array<i32>} : memref<128xi32, #tpu.memory_space<vmem>>, vector<16xi32>,
    %swap3A_382 = vector.shape_cast %swap3A_381 : vector<16xi32> to vector<16xi32>
    %swap3A_383 = vector.shape_cast %add3A_379 : vector<16xi32> to vector<16xi32>
    tpu.vector_store %arg6[%swap3A_380], %swap3A_383 {strides = array<i32>} : memref<128xi32, #tpu.memory_space<vmem>>, vector<16xi32>,
    %get3A_384 = arith.constant 2 : i32
    %get3A_385 = arith.index_cast %get3A_384 : i32 to index
    %get3A_386 = arith.constant 48 : index
    %get3A_387 = tpu.vector_load %arg5[%get3A_385, %get3A_386] {strides = array<i32>} : memref<10x128xi32, #tpu.memory_space<vmem>>, vector<1x16xi32>,
    %get3A_388 = vector.shape_cast %get3A_387 : vector<1x16xi32> to vector<16xi32>
    %shift_right_arithmetic3A_389 = arith.constant 7 : i32
    %shift_right_arithmetic3A_390 = vector.broadcast %shift_right_arithmetic3A_389 : i32 to vector<16xi32>
    %shift_right_arithmetic3A_391 = arith.shrsi %get3A_388, %shift_right_arithmetic3A_390 : vector<16xi32>
    %shift_left3A_392 = arith.constant 10 : i32
    %shift_left3A_393 = vector.broadcast %shift_left3A_392 : i32 to vector<16xi32>
    %shift_left3A_394 = arith.shli %shift_right_arithmetic3A_391, %shift_left3A_393 : vector<16xi32>
    %and3A_395 = arith.constant 127 : i32
    %and3A_396 = vector.broadcast %and3A_395 : i32 to vector<16xi32>
    %and3A_397 = arith.andi %get3A_388, %and3A_396 : vector<16xi32>
    %add3A_398 = arith.addi %shift_left3A_394, %and3A_397 : vector<16xi32>
    %swap3A_399 = arith.constant 48 : index
    %swap3A_400 = tpu.vector_load %arg6[%swap3A_399] {strides = array<i32>} : memref<128xi32, #tpu.memory_space<vmem>>, vector<16xi32>,
    %swap3A_401 = vector.shape_cast %swap3A_400 : vector<16xi32> to vector<16xi32>
    %swap3A_402 = vector.shape_cast %add3A_398 : vector<16xi32> to vector<16xi32>
    tpu.vector_store %arg6[%swap3A_399], %swap3A_402 {strides = array<i32>} : memref<128xi32, #tpu.memory_space<vmem>>, vector<16xi32>,
    %get3A_403 = arith.constant 2 : i32
    %get3A_404 = arith.index_cast %get3A_403 : i32 to index
    %get3A_405 = arith.constant 64 : index
    %get3A_406 = tpu.vector_load %arg5[%get3A_404, %get3A_405] {strides = array<i32>} : memref<10x128xi32, #tpu.memory_space<vmem>>, vector<1x16xi32>,
    %get3A_407 = vector.shape_cast %get3A_406 : vector<1x16xi32> to vector<16xi32>
    %shift_right_arithmetic3A_408 = arith.constant 7 : i32
    %shift_right_arithmetic3A_409 = vector.broadcast %shift_right_arithmetic3A_408 : i32 to vector<16xi32>
    %shift_right_arithmetic3A_410 = arith.shrsi %get3A_407, %shift_right_arithmetic3A_409 : vector<16xi32>
    %shift_left3A_411 = arith.constant 10 : i32
    %shift_left3A_412 = vector.broadcast %shift_left3A_411 : i32 to vector<16xi32>
    %shift_left3A_413 = arith.shli %shift_right_arithmetic3A_410, %shift_left3A_412 : vector<16xi32>
    %and3A_414 = arith.constant 127 : i32
    %and3A_415 = vector.broadcast %and3A_414 : i32 to vector<16xi32>
    %and3A_416 = arith.andi %get3A_407, %and3A_415 : vector<16xi32>
    %add3A_417 = arith.addi %shift_left3A_413, %and3A_416 : vector<16xi32>
    %swap3A_418 = arith.constant 64 : index
    %swap3A_419 = tpu.vector_load %arg6[%swap3A_418] {strides = array<i32>} : memref<128xi32, #tpu.memory_space<vmem>>, vector<16xi32>,
    %swap3A_420 = vector.shape_cast %swap3A_419 : vector<16xi32> to vector<16xi32>
    %swap3A_421 = vector.shape_cast %add3A_417 : vector<16xi32> to vector<16xi32>
    tpu.vector_store %arg6[%swap3A_418], %swap3A_421 {strides = array<i32>} : memref<128xi32, #tpu.memory_space<vmem>>, vector<16xi32>,
    %get3A_422 = arith.constant 2 : i32
    %get3A_423 = arith.index_cast %get3A_422 : i32 to index
    %get3A_424 = arith.constant 80 : index
    %get3A_425 = tpu.vector_load %arg5[%get3A_423, %get3A_424] {strides = array<i32>} : memref<10x128xi32, #tpu.memory_space<vmem>>, vector<1x16xi32>,
    %get3A_426 = vector.shape_cast %get3A_425 : vector<1x16xi32> to vector<16xi32>
    %shift_right_arithmetic3A_427 = arith.constant 7 : i32
    %shift_right_arithmetic3A_428 = vector.broadcast %shift_right_arithmetic3A_427 : i32 to vector<16xi32>
    %shift_right_arithmetic3A_429 = arith.shrsi %get3A_426, %shift_right_arithmetic3A_428 : vector<16xi32>
    %shift_left3A_430 = arith.constant 10 : i32
    %shift_left3A_431 = vector.broadcast %shift_left3A_430 : i32 to vector<16xi32>
    %shift_left3A_432 = arith.shli %shift_right_arithmetic3A_429, %shift_left3A_431 : vector<16xi32>
    %and3A_433 = arith.constant 127 : i32
    %and3A_434 = vector.broadcast %and3A_433 : i32 to vector<16xi32>
    %and3A_435 = arith.andi %get3A_426, %and3A_434 : vector<16xi32>
    %add3A_436 = arith.addi %shift_left3A_432, %and3A_435 : vector<16xi32>
    %swap3A_437 = arith.constant 80 : index
    %swap3A_438 = tpu.vector_load %arg6[%swap3A_437] {strides = array<i32>} : memref<128xi32, #tpu.memory_space<vmem>>, vector<16xi32>,
    %swap3A_439 = vector.shape_cast %swap3A_438 : vector<16xi32> to vector<16xi32>
    %swap3A_440 = vector.shape_cast %add3A_436 : vector<16xi32> to vector<16xi32>
    tpu.vector_store %arg6[%swap3A_437], %swap3A_440 {strides = array<i32>} : memref<128xi32, #tpu.memory_space<vmem>>, vector<16xi32>,
    %get3A_441 = arith.constant 2 : i32
    %get3A_442 = arith.index_cast %get3A_441 : i32 to index
    %get3A_443 = arith.constant 96 : index
    %get3A_444 = tpu.vector_load %arg5[%get3A_442, %get3A_443] {strides = array<i32>} : memref<10x128xi32, #tpu.memory_space<vmem>>, vector<1x16xi32>,
    %get3A_445 = vector.shape_cast %get3A_444 : vector<1x16xi32> to vector<16xi32>
    %shift_right_arithmetic3A_446 = arith.constant 7 : i32
    %shift_right_arithmetic3A_447 = vector.broadcast %shift_right_arithmetic3A_446 : i32 to vector<16xi32>
    %shift_right_arithmetic3A_448 = arith.shrsi %get3A_445, %shift_right_arithmetic3A_447 : vector<16xi32>
    %shift_left3A_449 = arith.constant 10 : i32
    %shift_left3A_450 = vector.broadcast %shift_left3A_449 : i32 to vector<16xi32>
    %shift_left3A_451 = arith.shli %shift_right_arithmetic3A_448, %shift_left3A_450 : vector<16xi32>
    %and3A_452 = arith.constant 127 : i32
    %and3A_453 = vector.broadcast %and3A_452 : i32 to vector<16xi32>
    %and3A_454 = arith.andi %get3A_445, %and3A_453 : vector<16xi32>
    %add3A_455 = arith.addi %shift_left3A_451, %and3A_454 : vector<16xi32>
    %swap3A_456 = arith.constant 96 : index
    %swap3A_457 = tpu.vector_load %arg6[%swap3A_456] {strides = array<i32>} : memref<128xi32, #tpu.memory_space<vmem>>, vector<16xi32>,
    %swap3A_458 = vector.shape_cast %swap3A_457 : vector<16xi32> to vector<16xi32>
    %swap3A_459 = vector.shape_cast %add3A_455 : vector<16xi32> to vector<16xi32>
    tpu.vector_store %arg6[%swap3A_456], %swap3A_459 {strides = array<i32>} : memref<128xi32, #tpu.memory_space<vmem>>, vector<16xi32>,
    %get3A_460 = arith.constant 2 : i32
    %get3A_461 = arith.index_cast %get3A_460 : i32 to index
    %get3A_462 = arith.constant 112 : index
    %get3A_463 = tpu.vector_load %arg5[%get3A_461, %get3A_462] {strides = array<i32>} : memref<10x128xi32, #tpu.memory_space<vmem>>, vector<1x16xi32>,
    %get3A_464 = vector.shape_cast %get3A_463 : vector<1x16xi32> to vector<16xi32>
    %shift_right_arithmetic3A_465 = arith.constant 7 : i32
    %shift_right_arithmetic3A_466 = vector.broadcast %shift_right_arithmetic3A_465 : i32 to vector<16xi32>
    %shift_right_arithmetic3A_467 = arith.shrsi %get3A_464, %shift_right_arithmetic3A_466 : vector<16xi32>
    %shift_left3A_468 = arith.constant 10 : i32
    %shift_left3A_469 = vector.broadcast %shift_left3A_468 : i32 to vector<16xi32>
    %shift_left3A_470 = arith.shli %shift_right_arithmetic3A_467, %shift_left3A_469 : vector<16xi32>
    %and3A_471 = arith.constant 127 : i32
    %and3A_472 = vector.broadcast %and3A_471 : i32 to vector<16xi32>
    %and3A_473 = arith.andi %get3A_464, %and3A_472 : vector<16xi32>
    %add3A_474 = arith.addi %shift_left3A_470, %and3A_473 : vector<16xi32>
    %swap3A_475 = arith.constant 112 : index
    %swap3A_476 = tpu.vector_load %arg6[%swap3A_475] {strides = array<i32>} : memref<128xi32, #tpu.memory_space<vmem>>, vector<16xi32>,
    %swap3A_477 = vector.shape_cast %swap3A_476 : vector<16xi32> to vector<16xi32>
    %swap3A_478 = vector.shape_cast %add3A_474 : vector<16xi32> to vector<16xi32>
    tpu.vector_store %arg6[%swap3A_475], %swap3A_478 {strides = array<i32>} : memref<128xi32, #tpu.memory_space<vmem>>, vector<16xi32>,
    %scan3A_479 = arith.constant 0 : i32
    %scan3A_480 = arith.constant 0 : i32
    %scan3A_481 = arith.constant 64 : i32
    %scan3A_482 = arith.addi %scan3A_480, %scan3A_481 : i32
    %scan3A_483 = arith.constant 1 : i32
    scf.for %scan3A_1735 = %scan3A_480 to %scan3A_482 step %scan3A_483  : i32 {
      %jit3A = arith.constant 8 : i32
      %div3A = arith.divsi %scan3A_1735, %jit3A : i32
      %sign3A = arith.constant 0 : i32
      %sign3A_1736 = arith.cmpi sgt, %scan3A_1735, %sign3A : i32
      %sign3A_1737 = arith.extui %sign3A_1736 : i1 to i32
      %sign3A_1738 = arith.constant 0 : i32
      %sign3A_1739 = arith.cmpi slt, %scan3A_1735, %sign3A_1738 : i32
      %sign3A_1740 = arith.extui %sign3A_1739 : i1 to i32
      %sign3A_1741 = arith.subi %sign3A_1737, %sign3A_1740 : i32
      %sign3A_1742 = arith.constant 0 : i32
      %sign3A_1743 = arith.cmpi sgt, %jit3A, %sign3A_1742 : i32
      %sign3A_1744 = arith.extui %sign3A_1743 : i1 to i32
      %sign3A_1745 = arith.constant 0 : i32
      %sign3A_1746 = arith.cmpi slt, %jit3A, %sign3A_1745 : i32
      %sign3A_1747 = arith.extui %sign3A_1746 : i1 to i32
      %sign3A_1748 = arith.subi %sign3A_1744, %sign3A_1747 : i32
      %ne3A = arith.cmpi ne, %sign3A_1741, %sign3A_1748 : i32
      %rem3A = arith.remsi %scan3A_1735, %jit3A : i32
      %ne3A_1749 = arith.constant 0 : i32
      %ne3A_1750 = arith.cmpi ne, %rem3A, %ne3A_1749 : i32
      %and3A_1751 = arith.andi %ne3A, %ne3A_1750 : i1
      %sub3A = arith.constant 1 : i32
      %sub3A_1752 = arith.subi %div3A, %sub3A : i32
      %select_n3A = arith.select %and3A_1751, %sub3A_1752, %div3A : i32
      %mul3A_1753 = arith.constant 8388608 : i32
      %mul3A_1754 = arith.muli %select_n3A, %mul3A_1753 : i32
      %jit3A_1755 = arith.constant 8 : i32
      %eq3A = arith.constant 0 : i32
      %eq3A_1756 = arith.cmpi eq, %jit3A_1755, %eq3A : i32
      %jit3A_1757 = arith.constant 1 : i32
      %select_n3A_1758 = arith.select %eq3A_1756, %jit3A_1757, %jit3A_1755 : i32
      %rem3A_1759 = arith.remsi %scan3A_1735, %select_n3A_1758 : i32
      %ne3A_1760 = arith.constant 0 : i32
      %ne3A_1761 = arith.cmpi ne, %rem3A_1759, %ne3A_1760 : i32
      %lt3A = arith.constant 0 : i32
      %lt3A_1762 = arith.cmpi slt, %rem3A_1759, %lt3A : i32
      %lt3A_1763 = arith.constant 0 : i32
      %lt3A_1764 = arith.cmpi slt, %select_n3A_1758, %lt3A_1763 : i32
      %ne3A_1765 = arith.xori %lt3A_1762, %lt3A_1764 : i1
      %and3A_1766 = arith.andi %ne3A_1765, %ne3A_1761 : i1
      %add3A_1767 = arith.addi %rem3A_1759, %select_n3A_1758 : i32
      %select_n3A_1768 = arith.select %and3A_1766, %add3A_1767, %rem3A_1759 : i32
      %mul3A_1769 = arith.constant 128 : i32
      %mul3A_1770 = arith.muli %select_n3A_1768, %mul3A_1769 : i32
      %add3A_1771 = arith.addi %mul3A_1754, %mul3A_1770 : i32
      %dma_start3A_1772 = arith.constant 0 : i32
      %dma_start3A_1773 = tpu.memref_slice %arg8[%scan3A_1735, %dma_start3A_1772] : memref<64x128xf32, #tpu.memory_space<vmem>> -> memref<1x128xf32, #tpu.memory_space<vmem>>
      %dma_start3A_1774 = tpu.memref_squeeze %dma_start3A_1773 : memref<1x128xf32, #tpu.memory_space<vmem>> -> memref<128xf32, #tpu.memory_space<vmem>>
      %dma_start3A_1775 = tpu.memref_slice %arg2[%add3A_1771] : memref<67108864xf32, #tpu.memory_space<hbm>> -> memref<8388608xf32, #tpu.memory_space<hbm>>
      %dma_start3A_1776 = arith.constant 0 : i32
      %dma_start3A_1777 = tpu.memref_slice %dma_start3A_1775[%dma_start3A_1776] : memref<8388608xf32, #tpu.memory_space<hbm>> -> memref<8388608xf32, #tpu.memory_space<hbm>>
      tpu.enqueue_indirect_dma source(%dma_start3A_1777 : memref<8388608xf32, #tpu.memory_space<hbm>>) target(%dma_start3A_1774 : memref<128xf32, #tpu.memory_space<vmem>>) offsets(%arg6 : memref<128xi32, #tpu.memory_space<vmem>>) semaphore(%arg10 : memref<!tpu.dma_semaphore, #tpu.memory_space<semaphore_mem>>)
    }
    %scan3A_484 = arith.constant 64 : i32
    %dma_wait3A_485 = arith.constant 0 : i32
    %dma_wait3A_486 = arith.constant 0 : i32
    %dma_wait3A_487 = tpu.memref_slice %arg4[%dma_wait3A_485, %dma_wait3A_486] : memref<64x40960xf32, #tpu.memory_space<hbm>> -> memref<64x128xf32, #tpu.memory_space<hbm>>
    %dma_wait3A_488 = arith.constant 0 : i32
    %dma_wait3A_489 = arith.constant 0 : i32
    %dma_wait3A_490 = tpu.memref_slice %arg4[%dma_wait3A_488, %dma_wait3A_489] : memref<64x40960xf32, #tpu.memory_space<hbm>> -> memref<64x128xf32, #tpu.memory_space<hbm>>
    tpu.wait_dma2 semaphore(%arg11 : memref<!tpu.dma_semaphore, #tpu.memory_space<semaphore_mem>>) src(%dma_wait3A_490 : memref<64x128xf32, #tpu.memory_space<hbm>>) dst(%arg9 : memref<64x128xf32, #tpu.memory_space<vmem>>)
    %add3A_491 = arith.constant 128 : i32
    %add3A_492 = arith.addi %mul3A_2, %add3A_491 : i32
    %dma_start3A_493 = arith.constant 0 : i32
    %dma_start3A_494 = tpu.memref_slice %arg4[%dma_start3A_493, %add3A_492] : memref<64x40960xf32, #tpu.memory_space<hbm>> -> memref<64x128xf32, #tpu.memory_space<hbm>>
    %dma_start3A_495 = arith.constant 0 : i32
    %dma_start3A_496 = tpu.memref_slice %arg4[%dma_start3A_495, %add3A_492] : memref<64x40960xf32, #tpu.memory_space<hbm>> -> memref<64x128xf32, #tpu.memory_space<hbm>>
    tpu.enqueue_dma source(%arg9 : memref<64x128xf32, #tpu.memory_space<vmem>>) target(%dma_start3A_496 : memref<64x128xf32, #tpu.memory_space<hbm>>) target_semaphore(%arg13 : memref<!tpu.dma_semaphore, #tpu.memory_space<semaphore_mem>>)
    %dma_wait3A_497 = arith.constant 0 : i32
    %dma_wait3A_498 = tpu.memref_slice %arg4[%dma_wait3A_497, %add3A_492] : memref<64x40960xf32, #tpu.memory_space<hbm>> -> memref<64x128xf32, #tpu.memory_space<hbm>>
    %dma_wait3A_499 = arith.constant 0 : i32
    %dma_wait3A_500 = tpu.memref_slice %arg4[%dma_wait3A_499, %add3A_492] : memref<64x40960xf32, #tpu.memory_space<hbm>> -> memref<64x128xf32, #tpu.memory_space<hbm>>
    tpu.wait_dma2 semaphore(%arg13 : memref<!tpu.dma_semaphore, #tpu.memory_space<semaphore_mem>>) src(%arg9 : memref<64x128xf32, #tpu.memory_space<vmem>>) dst(%dma_wait3A_500 : memref<64x128xf32, #tpu.memory_space<hbm>>)
    %get3A_501 = arith.constant 3 : i32
    %get3A_502 = arith.index_cast %get3A_501 : i32 to index
    %get3A_503 = arith.constant 0 : index
    %get3A_504 = tpu.vector_load %arg5[%get3A_502, %get3A_503] {strides = array<i32>} : memref<10x128xi32, #tpu.memory_space<vmem>>, vector<1x16xi32>,
    %get3A_505 = vector.shape_cast %get3A_504 : vector<1x16xi32> to vector<16xi32>
    %shift_right_arithmetic3A_506 = arith.constant 7 : i32
    %shift_right_arithmetic3A_507 = vector.broadcast %shift_right_arithmetic3A_506 : i32 to vector<16xi32>
    %shift_right_arithmetic3A_508 = arith.shrsi %get3A_505, %shift_right_arithmetic3A_507 : vector<16xi32>
    %shift_left3A_509 = arith.constant 10 : i32
    %shift_left3A_510 = vector.broadcast %shift_left3A_509 : i32 to vector<16xi32>
    %shift_left3A_511 = arith.shli %shift_right_arithmetic3A_508, %shift_left3A_510 : vector<16xi32>
    %and3A_512 = arith.constant 127 : i32
    %and3A_513 = vector.broadcast %and3A_512 : i32 to vector<16xi32>
    %and3A_514 = arith.andi %get3A_505, %and3A_513 : vector<16xi32>
    %add3A_515 = arith.addi %shift_left3A_511, %and3A_514 : vector<16xi32>
    %swap3A_516 = arith.constant 0 : index
    %swap3A_517 = tpu.vector_load %arg7[%swap3A_516] {strides = array<i32>} : memref<128xi32, #tpu.memory_space<vmem>>, vector<16xi32>,
    %swap3A_518 = vector.shape_cast %swap3A_517 : vector<16xi32> to vector<16xi32>
    %swap3A_519 = vector.shape_cast %add3A_515 : vector<16xi32> to vector<16xi32>
    tpu.vector_store %arg7[%swap3A_516], %swap3A_519 {strides = array<i32>} : memref<128xi32, #tpu.memory_space<vmem>>, vector<16xi32>,
    %get3A_520 = arith.constant 3 : i32
    %get3A_521 = arith.index_cast %get3A_520 : i32 to index
    %get3A_522 = arith.constant 16 : index
    %get3A_523 = tpu.vector_load %arg5[%get3A_521, %get3A_522] {strides = array<i32>} : memref<10x128xi32, #tpu.memory_space<vmem>>, vector<1x16xi32>,
    %get3A_524 = vector.shape_cast %get3A_523 : vector<1x16xi32> to vector<16xi32>
    %shift_right_arithmetic3A_525 = arith.constant 7 : i32
    %shift_right_arithmetic3A_526 = vector.broadcast %shift_right_arithmetic3A_525 : i32 to vector<16xi32>
    %shift_right_arithmetic3A_527 = arith.shrsi %get3A_524, %shift_right_arithmetic3A_526 : vector<16xi32>
    %shift_left3A_528 = arith.constant 10 : i32
    %shift_left3A_529 = vector.broadcast %shift_left3A_528 : i32 to vector<16xi32>
    %shift_left3A_530 = arith.shli %shift_right_arithmetic3A_527, %shift_left3A_529 : vector<16xi32>
    %and3A_531 = arith.constant 127 : i32
    %and3A_532 = vector.broadcast %and3A_531 : i32 to vector<16xi32>
    %and3A_533 = arith.andi %get3A_524, %and3A_532 : vector<16xi32>
    %add3A_534 = arith.addi %shift_left3A_530, %and3A_533 : vector<16xi32>
    %swap3A_535 = arith.constant 16 : index
    %swap3A_536 = tpu.vector_load %arg7[%swap3A_535] {strides = array<i32>} : memref<128xi32, #tpu.memory_space<vmem>>, vector<16xi32>,
    %swap3A_537 = vector.shape_cast %swap3A_536 : vector<16xi32> to vector<16xi32>
    %swap3A_538 = vector.shape_cast %add3A_534 : vector<16xi32> to vector<16xi32>
    tpu.vector_store %arg7[%swap3A_535], %swap3A_538 {strides = array<i32>} : memref<128xi32, #tpu.memory_space<vmem>>, vector<16xi32>,
    %get3A_539 = arith.constant 3 : i32
    %get3A_540 = arith.index_cast %get3A_539 : i32 to index
    %get3A_541 = arith.constant 32 : index
    %get3A_542 = tpu.vector_load %arg5[%get3A_540, %get3A_541] {strides = array<i32>} : memref<10x128xi32, #tpu.memory_space<vmem>>, vector<1x16xi32>,
    %get3A_543 = vector.shape_cast %get3A_542 : vector<1x16xi32> to vector<16xi32>
    %shift_right_arithmetic3A_544 = arith.constant 7 : i32
    %shift_right_arithmetic3A_545 = vector.broadcast %shift_right_arithmetic3A_544 : i32 to vector<16xi32>
    %shift_right_arithmetic3A_546 = arith.shrsi %get3A_543, %shift_right_arithmetic3A_545 : vector<16xi32>
    %shift_left3A_547 = arith.constant 10 : i32
    %shift_left3A_548 = vector.broadcast %shift_left3A_547 : i32 to vector<16xi32>
    %shift_left3A_549 = arith.shli %shift_right_arithmetic3A_546, %shift_left3A_548 : vector<16xi32>
    %and3A_550 = arith.constant 127 : i32
    %and3A_551 = vector.broadcast %and3A_550 : i32 to vector<16xi32>
    %and3A_552 = arith.andi %get3A_543, %and3A_551 : vector<16xi32>
    %add3A_553 = arith.addi %shift_left3A_549, %and3A_552 : vector<16xi32>
    %swap3A_554 = arith.constant 32 : index
    %swap3A_555 = tpu.vector_load %arg7[%swap3A_554] {strides = array<i32>} : memref<128xi32, #tpu.memory_space<vmem>>, vector<16xi32>,
    %swap3A_556 = vector.shape_cast %swap3A_555 : vector<16xi32> to vector<16xi32>
    %swap3A_557 = vector.shape_cast %add3A_553 : vector<16xi32> to vector<16xi32>
    tpu.vector_store %arg7[%swap3A_554], %swap3A_557 {strides = array<i32>} : memref<128xi32, #tpu.memory_space<vmem>>, vector<16xi32>,
    %get3A_558 = arith.constant 3 : i32
    %get3A_559 = arith.index_cast %get3A_558 : i32 to index
    %get3A_560 = arith.constant 48 : index
    %get3A_561 = tpu.vector_load %arg5[%get3A_559, %get3A_560] {strides = array<i32>} : memref<10x128xi32, #tpu.memory_space<vmem>>, vector<1x16xi32>,
    %get3A_562 = vector.shape_cast %get3A_561 : vector<1x16xi32> to vector<16xi32>
    %shift_right_arithmetic3A_563 = arith.constant 7 : i32
    %shift_right_arithmetic3A_564 = vector.broadcast %shift_right_arithmetic3A_563 : i32 to vector<16xi32>
    %shift_right_arithmetic3A_565 = arith.shrsi %get3A_562, %shift_right_arithmetic3A_564 : vector<16xi32>
    %shift_left3A_566 = arith.constant 10 : i32
    %shift_left3A_567 = vector.broadcast %shift_left3A_566 : i32 to vector<16xi32>
    %shift_left3A_568 = arith.shli %shift_right_arithmetic3A_565, %shift_left3A_567 : vector<16xi32>
    %and3A_569 = arith.constant 127 : i32
    %and3A_570 = vector.broadcast %and3A_569 : i32 to vector<16xi32>
    %and3A_571 = arith.andi %get3A_562, %and3A_570 : vector<16xi32>
    %add3A_572 = arith.addi %shift_left3A_568, %and3A_571 : vector<16xi32>
    %swap3A_573 = arith.constant 48 : index
    %swap3A_574 = tpu.vector_load %arg7[%swap3A_573] {strides = array<i32>} : memref<128xi32, #tpu.memory_space<vmem>>, vector<16xi32>,
    %swap3A_575 = vector.shape_cast %swap3A_574 : vector<16xi32> to vector<16xi32>
    %swap3A_576 = vector.shape_cast %add3A_572 : vector<16xi32> to vector<16xi32>
    tpu.vector_store %arg7[%swap3A_573], %swap3A_576 {strides = array<i32>} : memref<128xi32, #tpu.memory_space<vmem>>, vector<16xi32>,
    %get3A_577 = arith.constant 3 : i32
    %get3A_578 = arith.index_cast %get3A_577 : i32 to index
    %get3A_579 = arith.constant 64 : index
    %get3A_580 = tpu.vector_load %arg5[%get3A_578, %get3A_579] {strides = array<i32>} : memref<10x128xi32, #tpu.memory_space<vmem>>, vector<1x16xi32>,
    %get3A_581 = vector.shape_cast %get3A_580 : vector<1x16xi32> to vector<16xi32>
    %shift_right_arithmetic3A_582 = arith.constant 7 : i32
    %shift_right_arithmetic3A_583 = vector.broadcast %shift_right_arithmetic3A_582 : i32 to vector<16xi32>
    %shift_right_arithmetic3A_584 = arith.shrsi %get3A_581, %shift_right_arithmetic3A_583 : vector<16xi32>
    %shift_left3A_585 = arith.constant 10 : i32
    %shift_left3A_586 = vector.broadcast %shift_left3A_585 : i32 to vector<16xi32>
    %shift_left3A_587 = arith.shli %shift_right_arithmetic3A_584, %shift_left3A_586 : vector<16xi32>
    %and3A_588 = arith.constant 127 : i32
    %and3A_589 = vector.broadcast %and3A_588 : i32 to vector<16xi32>
    %and3A_590 = arith.andi %get3A_581, %and3A_589 : vector<16xi32>
    %add3A_591 = arith.addi %shift_left3A_587, %and3A_590 : vector<16xi32>
    %swap3A_592 = arith.constant 64 : index
    %swap3A_593 = tpu.vector_load %arg7[%swap3A_592] {strides = array<i32>} : memref<128xi32, #tpu.memory_space<vmem>>, vector<16xi32>,
    %swap3A_594 = vector.shape_cast %swap3A_593 : vector<16xi32> to vector<16xi32>
    %swap3A_595 = vector.shape_cast %add3A_591 : vector<16xi32> to vector<16xi32>
    tpu.vector_store %arg7[%swap3A_592], %swap3A_595 {strides = array<i32>} : memref<128xi32, #tpu.memory_space<vmem>>, vector<16xi32>,
    %get3A_596 = arith.constant 3 : i32
    %get3A_597 = arith.index_cast %get3A_596 : i32 to index
    %get3A_598 = arith.constant 80 : index
    %get3A_599 = tpu.vector_load %arg5[%get3A_597, %get3A_598] {strides = array<i32>} : memref<10x128xi32, #tpu.memory_space<vmem>>, vector<1x16xi32>,
    %get3A_600 = vector.shape_cast %get3A_599 : vector<1x16xi32> to vector<16xi32>
    %shift_right_arithmetic3A_601 = arith.constant 7 : i32
    %shift_right_arithmetic3A_602 = vector.broadcast %shift_right_arithmetic3A_601 : i32 to vector<16xi32>
    %shift_right_arithmetic3A_603 = arith.shrsi %get3A_600, %shift_right_arithmetic3A_602 : vector<16xi32>
    %shift_left3A_604 = arith.constant 10 : i32
    %shift_left3A_605 = vector.broadcast %shift_left3A_604 : i32 to vector<16xi32>
    %shift_left3A_606 = arith.shli %shift_right_arithmetic3A_603, %shift_left3A_605 : vector<16xi32>
    %and3A_607 = arith.constant 127 : i32
    %and3A_608 = vector.broadcast %and3A_607 : i32 to vector<16xi32>
    %and3A_609 = arith.andi %get3A_600, %and3A_608 : vector<16xi32>
    %add3A_610 = arith.addi %shift_left3A_606, %and3A_609 : vector<16xi32>
    %swap3A_611 = arith.constant 80 : index
    %swap3A_612 = tpu.vector_load %arg7[%swap3A_611] {strides = array<i32>} : memref<128xi32, #tpu.memory_space<vmem>>, vector<16xi32>,
    %swap3A_613 = vector.shape_cast %swap3A_612 : vector<16xi32> to vector<16xi32>
    %swap3A_614 = vector.shape_cast %add3A_610 : vector<16xi32> to vector<16xi32>
    tpu.vector_store %arg7[%swap3A_611], %swap3A_614 {strides = array<i32>} : memref<128xi32, #tpu.memory_space<vmem>>, vector<16xi32>,
    %get3A_615 = arith.constant 3 : i32
    %get3A_616 = arith.index_cast %get3A_615 : i32 to index
    %get3A_617 = arith.constant 96 : index
    %get3A_618 = tpu.vector_load %arg5[%get3A_616, %get3A_617] {strides = array<i32>} : memref<10x128xi32, #tpu.memory_space<vmem>>, vector<1x16xi32>,
    %get3A_619 = vector.shape_cast %get3A_618 : vector<1x16xi32> to vector<16xi32>
    %shift_right_arithmetic3A_620 = arith.constant 7 : i32
    %shift_right_arithmetic3A_621 = vector.broadcast %shift_right_arithmetic3A_620 : i32 to vector<16xi32>
    %shift_right_arithmetic3A_622 = arith.shrsi %get3A_619, %shift_right_arithmetic3A_621 : vector<16xi32>
    %shift_left3A_623 = arith.constant 10 : i32
    %shift_left3A_624 = vector.broadcast %shift_left3A_623 : i32 to vector<16xi32>
    %shift_left3A_625 = arith.shli %shift_right_arithmetic3A_622, %shift_left3A_624 : vector<16xi32>
    %and3A_626 = arith.constant 127 : i32
    %and3A_627 = vector.broadcast %and3A_626 : i32 to vector<16xi32>
    %and3A_628 = arith.andi %get3A_619, %and3A_627 : vector<16xi32>
    %add3A_629 = arith.addi %shift_left3A_625, %and3A_628 : vector<16xi32>
    %swap3A_630 = arith.constant 96 : index
    %swap3A_631 = tpu.vector_load %arg7[%swap3A_630] {strides = array<i32>} : memref<128xi32, #tpu.memory_space<vmem>>, vector<16xi32>,
    %swap3A_632 = vector.shape_cast %swap3A_631 : vector<16xi32> to vector<16xi32>
    %swap3A_633 = vector.shape_cast %add3A_629 : vector<16xi32> to vector<16xi32>
    tpu.vector_store %arg7[%swap3A_630], %swap3A_633 {strides = array<i32>} : memref<128xi32, #tpu.memory_space<vmem>>, vector<16xi32>,
    %get3A_634 = arith.constant 3 : i32
    %get3A_635 = arith.index_cast %get3A_634 : i32 to index
    %get3A_636 = arith.constant 112 : index
    %get3A_637 = tpu.vector_load %arg5[%get3A_635, %get3A_636] {strides = array<i32>} : memref<10x128xi32, #tpu.memory_space<vmem>>, vector<1x16xi32>,
    %get3A_638 = vector.shape_cast %get3A_637 : vector<1x16xi32> to vector<16xi32>
    %shift_right_arithmetic3A_639 = arith.constant 7 : i32
    %shift_right_arithmetic3A_640 = vector.broadcast %shift_right_arithmetic3A_639 : i32 to vector<16xi32>
    %shift_right_arithmetic3A_641 = arith.shrsi %get3A_638, %shift_right_arithmetic3A_640 : vector<16xi32>
    %shift_left3A_642 = arith.constant 10 : i32
    %shift_left3A_643 = vector.broadcast %shift_left3A_642 : i32 to vector<16xi32>
    %shift_left3A_644 = arith.shli %shift_right_arithmetic3A_641, %shift_left3A_643 : vector<16xi32>
    %and3A_645 = arith.constant 127 : i32
    %and3A_646 = vector.broadcast %and3A_645 : i32 to vector<16xi32>
    %and3A_647 = arith.andi %get3A_638, %and3A_646 : vector<16xi32>
    %add3A_648 = arith.addi %shift_left3A_644, %and3A_647 : vector<16xi32>
    %swap3A_649 = arith.constant 112 : index
    %swap3A_650 = tpu.vector_load %arg7[%swap3A_649] {strides = array<i32>} : memref<128xi32, #tpu.memory_space<vmem>>, vector<16xi32>,
    %swap3A_651 = vector.shape_cast %swap3A_650 : vector<16xi32> to vector<16xi32>
    %swap3A_652 = vector.shape_cast %add3A_648 : vector<16xi32> to vector<16xi32>
    tpu.vector_store %arg7[%swap3A_649], %swap3A_652 {strides = array<i32>} : memref<128xi32, #tpu.memory_space<vmem>>, vector<16xi32>,
    %scan3A_653 = arith.constant 0 : i32
    %scan3A_654 = arith.constant 0 : i32
    %scan3A_655 = arith.constant 64 : i32
    %scan3A_656 = arith.addi %scan3A_654, %scan3A_655 : i32
    %scan3A_657 = arith.constant 1 : i32
    scf.for %scan3A_1735 = %scan3A_654 to %scan3A_656 step %scan3A_657  : i32 {
      %jit3A = arith.constant 8 : i32
      %div3A = arith.divsi %scan3A_1735, %jit3A : i32
      %sign3A = arith.constant 0 : i32
      %sign3A_1736 = arith.cmpi sgt, %scan3A_1735, %sign3A : i32
      %sign3A_1737 = arith.extui %sign3A_1736 : i1 to i32
      %sign3A_1738 = arith.constant 0 : i32
      %sign3A_1739 = arith.cmpi slt, %scan3A_1735, %sign3A_1738 : i32
      %sign3A_1740 = arith.extui %sign3A_1739 : i1 to i32
      %sign3A_1741 = arith.subi %sign3A_1737, %sign3A_1740 : i32
      %sign3A_1742 = arith.constant 0 : i32
      %sign3A_1743 = arith.cmpi sgt, %jit3A, %sign3A_1742 : i32
      %sign3A_1744 = arith.extui %sign3A_1743 : i1 to i32
      %sign3A_1745 = arith.constant 0 : i32
      %sign3A_1746 = arith.cmpi slt, %jit3A, %sign3A_1745 : i32
      %sign3A_1747 = arith.extui %sign3A_1746 : i1 to i32
      %sign3A_1748 = arith.subi %sign3A_1744, %sign3A_1747 : i32
      %ne3A = arith.cmpi ne, %sign3A_1741, %sign3A_1748 : i32
      %rem3A = arith.remsi %scan3A_1735, %jit3A : i32
      %ne3A_1749 = arith.constant 0 : i32
      %ne3A_1750 = arith.cmpi ne, %rem3A, %ne3A_1749 : i32
      %and3A_1751 = arith.andi %ne3A, %ne3A_1750 : i1
      %sub3A = arith.constant 1 : i32
      %sub3A_1752 = arith.subi %div3A, %sub3A : i32
      %select_n3A = arith.select %and3A_1751, %sub3A_1752, %div3A : i32
      %mul3A_1753 = arith.constant 8388608 : i32
      %mul3A_1754 = arith.muli %select_n3A, %mul3A_1753 : i32
      %jit3A_1755 = arith.constant 8 : i32
      %eq3A = arith.constant 0 : i32
      %eq3A_1756 = arith.cmpi eq, %jit3A_1755, %eq3A : i32
      %jit3A_1757 = arith.constant 1 : i32
      %select_n3A_1758 = arith.select %eq3A_1756, %jit3A_1757, %jit3A_1755 : i32
      %rem3A_1759 = arith.remsi %scan3A_1735, %select_n3A_1758 : i32
      %ne3A_1760 = arith.constant 0 : i32
      %ne3A_1761 = arith.cmpi ne, %rem3A_1759, %ne3A_1760 : i32
      %lt3A = arith.constant 0 : i32
      %lt3A_1762 = arith.cmpi slt, %rem3A_1759, %lt3A : i32
      %lt3A_1763 = arith.constant 0 : i32
      %lt3A_1764 = arith.cmpi slt, %select_n3A_1758, %lt3A_1763 : i32
      %ne3A_1765 = arith.xori %lt3A_1762, %lt3A_1764 : i1
      %and3A_1766 = arith.andi %ne3A_1765, %ne3A_1761 : i1
      %add3A_1767 = arith.addi %rem3A_1759, %select_n3A_1758 : i32
      %select_n3A_1768 = arith.select %and3A_1766, %add3A_1767, %rem3A_1759 : i32
      %mul3A_1769 = arith.constant 128 : i32
      %mul3A_1770 = arith.muli %select_n3A_1768, %mul3A_1769 : i32
      %add3A_1771 = arith.addi %mul3A_1754, %mul3A_1770 : i32
      %dma_start3A_1772 = arith.constant 0 : i32
      %dma_start3A_1773 = tpu.memref_slice %arg9[%scan3A_1735, %dma_start3A_1772] : memref<64x128xf32, #tpu.memory_space<vmem>> -> memref<1x128xf32, #tpu.memory_space<vmem>>
      %dma_start3A_1774 = tpu.memref_squeeze %dma_start3A_1773 : memref<1x128xf32, #tpu.memory_space<vmem>> -> memref<128xf32, #tpu.memory_space<vmem>>
      %dma_start3A_1775 = tpu.memref_slice %arg2[%add3A_1771] : memref<67108864xf32, #tpu.memory_space<hbm>> -> memref<8388608xf32, #tpu.memory_space<hbm>>
      %dma_start3A_1776 = arith.constant 0 : i32
      %dma_start3A_1777 = tpu.memref_slice %dma_start3A_1775[%dma_start3A_1776] : memref<8388608xf32, #tpu.memory_space<hbm>> -> memref<8388608xf32, #tpu.memory_space<hbm>>
      tpu.enqueue_indirect_dma source(%dma_start3A_1777 : memref<8388608xf32, #tpu.memory_space<hbm>>) target(%dma_start3A_1774 : memref<128xf32, #tpu.memory_space<vmem>>) offsets(%arg7 : memref<128xi32, #tpu.memory_space<vmem>>) semaphore(%arg11 : memref<!tpu.dma_semaphore, #tpu.memory_space<semaphore_mem>>)
    }
    %scan3A_658 = arith.constant 64 : i32
    %dma_wait3A_659 = arith.constant 0 : i32
    %dma_wait3A_660 = arith.constant 0 : i32
    %dma_wait3A_661 = tpu.memref_slice %arg4[%dma_wait3A_659, %dma_wait3A_660] : memref<64x40960xf32, #tpu.memory_space<hbm>> -> memref<64x128xf32, #tpu.memory_space<hbm>>
    %dma_wait3A_662 = arith.constant 0 : i32
    %dma_wait3A_663 = arith.constant 0 : i32
    %dma_wait3A_664 = tpu.memref_slice %arg4[%dma_wait3A_662, %dma_wait3A_663] : memref<64x40960xf32, #tpu.memory_space<hbm>> -> memref<64x128xf32, #tpu.memory_space<hbm>>
    tpu.wait_dma2 semaphore(%arg10 : memref<!tpu.dma_semaphore, #tpu.memory_space<semaphore_mem>>) src(%dma_wait3A_664 : memref<64x128xf32, #tpu.memory_space<hbm>>) dst(%arg8 : memref<64x128xf32, #tpu.memory_space<vmem>>)
    %add3A_665 = arith.constant 256 : i32
    %add3A_666 = arith.addi %mul3A_2, %add3A_665 : i32
    %dma_start3A_667 = arith.constant 0 : i32
    %dma_start3A_668 = tpu.memref_slice %arg4[%dma_start3A_667, %add3A_666] : memref<64x40960xf32, #tpu.memory_space<hbm>> -> memref<64x128xf32, #tpu.memory_space<hbm>>
    %dma_start3A_669 = arith.constant 0 : i32
    %dma_start3A_670 = tpu.memref_slice %arg4[%dma_start3A_669, %add3A_666] : memref<64x40960xf32, #tpu.memory_space<hbm>> -> memref<64x128xf32, #tpu.memory_space<hbm>>
    tpu.enqueue_dma source(%arg8 : memref<64x128xf32, #tpu.memory_space<vmem>>) target(%dma_start3A_670 : memref<64x128xf32, #tpu.memory_space<hbm>>) target_semaphore(%arg12 : memref<!tpu.dma_semaphore, #tpu.memory_space<semaphore_mem>>)
    %dma_wait3A_671 = arith.constant 0 : i32
    %dma_wait3A_672 = tpu.memref_slice %arg4[%dma_wait3A_671, %add3A_666] : memref<64x40960xf32, #tpu.memory_space<hbm>> -> memref<64x128xf32, #tpu.memory_space<hbm>>
    %dma_wait3A_673 = arith.constant 0 : i32
    %dma_wait3A_674 = tpu.memref_slice %arg4[%dma_wait3A_673, %add3A_666] : memref<64x40960xf32, #tpu.memory_space<hbm>> -> memref<64x128xf32, #tpu.memory_space<hbm>>
    tpu.wait_dma2 semaphore(%arg12 : memref<!tpu.dma_semaphore, #tpu.memory_space<semaphore_mem>>) src(%arg8 : memref<64x128xf32, #tpu.memory_space<vmem>>) dst(%dma_wait3A_674 : memref<64x128xf32, #tpu.memory_space<hbm>>)
    %get3A_675 = arith.constant 4 : i32
    %get3A_676 = arith.index_cast %get3A_675 : i32 to index
    %get3A_677 = arith.constant 0 : index
    %get3A_678 = tpu.vector_load %arg5[%get3A_676, %get3A_677] {strides = array<i32>} : memref<10x128xi32, #tpu.memory_space<vmem>>, vector<1x16xi32>,
    %get3A_679 = vector.shape_cast %get3A_678 : vector<1x16xi32> to vector<16xi32>
    %shift_right_arithmetic3A_680 = arith.constant 7 : i32
    %shift_right_arithmetic3A_681 = vector.broadcast %shift_right_arithmetic3A_680 : i32 to vector<16xi32>
    %shift_right_arithmetic3A_682 = arith.shrsi %get3A_679, %shift_right_arithmetic3A_681 : vector<16xi32>
    %shift_left3A_683 = arith.constant 10 : i32
    %shift_left3A_684 = vector.broadcast %shift_left3A_683 : i32 to vector<16xi32>
    %shift_left3A_685 = arith.shli %shift_right_arithmetic3A_682, %shift_left3A_684 : vector<16xi32>
    %and3A_686 = arith.constant 127 : i32
    %and3A_687 = vector.broadcast %and3A_686 : i32 to vector<16xi32>
    %and3A_688 = arith.andi %get3A_679, %and3A_687 : vector<16xi32>
    %add3A_689 = arith.addi %shift_left3A_685, %and3A_688 : vector<16xi32>
    %swap3A_690 = arith.constant 0 : index
    %swap3A_691 = tpu.vector_load %arg6[%swap3A_690] {strides = array<i32>} : memref<128xi32, #tpu.memory_space<vmem>>, vector<16xi32>,
    %swap3A_692 = vector.shape_cast %swap3A_691 : vector<16xi32> to vector<16xi32>
    %swap3A_693 = vector.shape_cast %add3A_689 : vector<16xi32> to vector<16xi32>
    tpu.vector_store %arg6[%swap3A_690], %swap3A_693 {strides = array<i32>} : memref<128xi32, #tpu.memory_space<vmem>>, vector<16xi32>,
    %get3A_694 = arith.constant 4 : i32
    %get3A_695 = arith.index_cast %get3A_694 : i32 to index
    %get3A_696 = arith.constant 16 : index
    %get3A_697 = tpu.vector_load %arg5[%get3A_695, %get3A_696] {strides = array<i32>} : memref<10x128xi32, #tpu.memory_space<vmem>>, vector<1x16xi32>,
    %get3A_698 = vector.shape_cast %get3A_697 : vector<1x16xi32> to vector<16xi32>
    %shift_right_arithmetic3A_699 = arith.constant 7 : i32
    %shift_right_arithmetic3A_700 = vector.broadcast %shift_right_arithmetic3A_699 : i32 to vector<16xi32>
    %shift_right_arithmetic3A_701 = arith.shrsi %get3A_698, %shift_right_arithmetic3A_700 : vector<16xi32>
    %shift_left3A_702 = arith.constant 10 : i32
    %shift_left3A_703 = vector.broadcast %shift_left3A_702 : i32 to vector<16xi32>
    %shift_left3A_704 = arith.shli %shift_right_arithmetic3A_701, %shift_left3A_703 : vector<16xi32>
    %and3A_705 = arith.constant 127 : i32
    %and3A_706 = vector.broadcast %and3A_705 : i32 to vector<16xi32>
    %and3A_707 = arith.andi %get3A_698, %and3A_706 : vector<16xi32>
    %add3A_708 = arith.addi %shift_left3A_704, %and3A_707 : vector<16xi32>
    %swap3A_709 = arith.constant 16 : index
    %swap3A_710 = tpu.vector_load %arg6[%swap3A_709] {strides = array<i32>} : memref<128xi32, #tpu.memory_space<vmem>>, vector<16xi32>,
    %swap3A_711 = vector.shape_cast %swap3A_710 : vector<16xi32> to vector<16xi32>
    %swap3A_712 = vector.shape_cast %add3A_708 : vector<16xi32> to vector<16xi32>
    tpu.vector_store %arg6[%swap3A_709], %swap3A_712 {strides = array<i32>} : memref<128xi32, #tpu.memory_space<vmem>>, vector<16xi32>,
    %get3A_713 = arith.constant 4 : i32
    %get3A_714 = arith.index_cast %get3A_713 : i32 to index
    %get3A_715 = arith.constant 32 : index
    %get3A_716 = tpu.vector_load %arg5[%get3A_714, %get3A_715] {strides = array<i32>} : memref<10x128xi32, #tpu.memory_space<vmem>>, vector<1x16xi32>,
    %get3A_717 = vector.shape_cast %get3A_716 : vector<1x16xi32> to vector<16xi32>
    %shift_right_arithmetic3A_718 = arith.constant 7 : i32
    %shift_right_arithmetic3A_719 = vector.broadcast %shift_right_arithmetic3A_718 : i32 to vector<16xi32>
    %shift_right_arithmetic3A_720 = arith.shrsi %get3A_717, %shift_right_arithmetic3A_719 : vector<16xi32>
    %shift_left3A_721 = arith.constant 10 : i32
    %shift_left3A_722 = vector.broadcast %shift_left3A_721 : i32 to vector<16xi32>
    %shift_left3A_723 = arith.shli %shift_right_arithmetic3A_720, %shift_left3A_722 : vector<16xi32>
    %and3A_724 = arith.constant 127 : i32
    %and3A_725 = vector.broadcast %and3A_724 : i32 to vector<16xi32>
    %and3A_726 = arith.andi %get3A_717, %and3A_725 : vector<16xi32>
    %add3A_727 = arith.addi %shift_left3A_723, %and3A_726 : vector<16xi32>
    %swap3A_728 = arith.constant 32 : index
    %swap3A_729 = tpu.vector_load %arg6[%swap3A_728] {strides = array<i32>} : memref<128xi32, #tpu.memory_space<vmem>>, vector<16xi32>,
    %swap3A_730 = vector.shape_cast %swap3A_729 : vector<16xi32> to vector<16xi32>
    %swap3A_731 = vector.shape_cast %add3A_727 : vector<16xi32> to vector<16xi32>
    tpu.vector_store %arg6[%swap3A_728], %swap3A_731 {strides = array<i32>} : memref<128xi32, #tpu.memory_space<vmem>>, vector<16xi32>,
    %get3A_732 = arith.constant 4 : i32
    %get3A_733 = arith.index_cast %get3A_732 : i32 to index
    %get3A_734 = arith.constant 48 : index
    %get3A_735 = tpu.vector_load %arg5[%get3A_733, %get3A_734] {strides = array<i32>} : memref<10x128xi32, #tpu.memory_space<vmem>>, vector<1x16xi32>,
    %get3A_736 = vector.shape_cast %get3A_735 : vector<1x16xi32> to vector<16xi32>
    %shift_right_arithmetic3A_737 = arith.constant 7 : i32
    %shift_right_arithmetic3A_738 = vector.broadcast %shift_right_arithmetic3A_737 : i32 to vector<16xi32>
    %shift_right_arithmetic3A_739 = arith.shrsi %get3A_736, %shift_right_arithmetic3A_738 : vector<16xi32>
    %shift_left3A_740 = arith.constant 10 : i32
    %shift_left3A_741 = vector.broadcast %shift_left3A_740 : i32 to vector<16xi32>
    %shift_left3A_742 = arith.shli %shift_right_arithmetic3A_739, %shift_left3A_741 : vector<16xi32>
    %and3A_743 = arith.constant 127 : i32
    %and3A_744 = vector.broadcast %and3A_743 : i32 to vector<16xi32>
    %and3A_745 = arith.andi %get3A_736, %and3A_744 : vector<16xi32>
    %add3A_746 = arith.addi %shift_left3A_742, %and3A_745 : vector<16xi32>
    %swap3A_747 = arith.constant 48 : index
    %swap3A_748 = tpu.vector_load %arg6[%swap3A_747] {strides = array<i32>} : memref<128xi32, #tpu.memory_space<vmem>>, vector<16xi32>,
    %swap3A_749 = vector.shape_cast %swap3A_748 : vector<16xi32> to vector<16xi32>
    %swap3A_750 = vector.shape_cast %add3A_746 : vector<16xi32> to vector<16xi32>
    tpu.vector_store %arg6[%swap3A_747], %swap3A_750 {strides = array<i32>} : memref<128xi32, #tpu.memory_space<vmem>>, vector<16xi32>,
    %get3A_751 = arith.constant 4 : i32
    %get3A_752 = arith.index_cast %get3A_751 : i32 to index
    %get3A_753 = arith.constant 64 : index
    %get3A_754 = tpu.vector_load %arg5[%get3A_752, %get3A_753] {strides = array<i32>} : memref<10x128xi32, #tpu.memory_space<vmem>>, vector<1x16xi32>,
    %get3A_755 = vector.shape_cast %get3A_754 : vector<1x16xi32> to vector<16xi32>
    %shift_right_arithmetic3A_756 = arith.constant 7 : i32
    %shift_right_arithmetic3A_757 = vector.broadcast %shift_right_arithmetic3A_756 : i32 to vector<16xi32>
    %shift_right_arithmetic3A_758 = arith.shrsi %get3A_755, %shift_right_arithmetic3A_757 : vector<16xi32>
    %shift_left3A_759 = arith.constant 10 : i32
    %shift_left3A_760 = vector.broadcast %shift_left3A_759 : i32 to vector<16xi32>
    %shift_left3A_761 = arith.shli %shift_right_arithmetic3A_758, %shift_left3A_760 : vector<16xi32>
    %and3A_762 = arith.constant 127 : i32
    %and3A_763 = vector.broadcast %and3A_762 : i32 to vector<16xi32>
    %and3A_764 = arith.andi %get3A_755, %and3A_763 : vector<16xi32>
    %add3A_765 = arith.addi %shift_left3A_761, %and3A_764 : vector<16xi32>
    %swap3A_766 = arith.constant 64 : index
    %swap3A_767 = tpu.vector_load %arg6[%swap3A_766] {strides = array<i32>} : memref<128xi32, #tpu.memory_space<vmem>>, vector<16xi32>,
    %swap3A_768 = vector.shape_cast %swap3A_767 : vector<16xi32> to vector<16xi32>
    %swap3A_769 = vector.shape_cast %add3A_765 : vector<16xi32> to vector<16xi32>
    tpu.vector_store %arg6[%swap3A_766], %swap3A_769 {strides = array<i32>} : memref<128xi32, #tpu.memory_space<vmem>>, vector<16xi32>,
    %get3A_770 = arith.constant 4 : i32
    %get3A_771 = arith.index_cast %get3A_770 : i32 to index
    %get3A_772 = arith.constant 80 : index
    %get3A_773 = tpu.vector_load %arg5[%get3A_771, %get3A_772] {strides = array<i32>} : memref<10x128xi32, #tpu.memory_space<vmem>>, vector<1x16xi32>,
    %get3A_774 = vector.shape_cast %get3A_773 : vector<1x16xi32> to vector<16xi32>
    %shift_right_arithmetic3A_775 = arith.constant 7 : i32
    %shift_right_arithmetic3A_776 = vector.broadcast %shift_right_arithmetic3A_775 : i32 to vector<16xi32>
    %shift_right_arithmetic3A_777 = arith.shrsi %get3A_774, %shift_right_arithmetic3A_776 : vector<16xi32>
    %shift_left3A_778 = arith.constant 10 : i32
    %shift_left3A_779 = vector.broadcast %shift_left3A_778 : i32 to vector<16xi32>
    %shift_left3A_780 = arith.shli %shift_right_arithmetic3A_777, %shift_left3A_779 : vector<16xi32>
    %and3A_781 = arith.constant 127 : i32
    %and3A_782 = vector.broadcast %and3A_781 : i32 to vector<16xi32>
    %and3A_783 = arith.andi %get3A_774, %and3A_782 : vector<16xi32>
    %add3A_784 = arith.addi %shift_left3A_780, %and3A_783 : vector<16xi32>
    %swap3A_785 = arith.constant 80 : index
    %swap3A_786 = tpu.vector_load %arg6[%swap3A_785] {strides = array<i32>} : memref<128xi32, #tpu.memory_space<vmem>>, vector<16xi32>,
    %swap3A_787 = vector.shape_cast %swap3A_786 : vector<16xi32> to vector<16xi32>
    %swap3A_788 = vector.shape_cast %add3A_784 : vector<16xi32> to vector<16xi32>
    tpu.vector_store %arg6[%swap3A_785], %swap3A_788 {strides = array<i32>} : memref<128xi32, #tpu.memory_space<vmem>>, vector<16xi32>,
    %get3A_789 = arith.constant 4 : i32
    %get3A_790 = arith.index_cast %get3A_789 : i32 to index
    %get3A_791 = arith.constant 96 : index
    %get3A_792 = tpu.vector_load %arg5[%get3A_790, %get3A_791] {strides = array<i32>} : memref<10x128xi32, #tpu.memory_space<vmem>>, vector<1x16xi32>,
    %get3A_793 = vector.shape_cast %get3A_792 : vector<1x16xi32> to vector<16xi32>
    %shift_right_arithmetic3A_794 = arith.constant 7 : i32
    %shift_right_arithmetic3A_795 = vector.broadcast %shift_right_arithmetic3A_794 : i32 to vector<16xi32>
    %shift_right_arithmetic3A_796 = arith.shrsi %get3A_793, %shift_right_arithmetic3A_795 : vector<16xi32>
    %shift_left3A_797 = arith.constant 10 : i32
    %shift_left3A_798 = vector.broadcast %shift_left3A_797 : i32 to vector<16xi32>
    %shift_left3A_799 = arith.shli %shift_right_arithmetic3A_796, %shift_left3A_798 : vector<16xi32>
    %and3A_800 = arith.constant 127 : i32
    %and3A_801 = vector.broadcast %and3A_800 : i32 to vector<16xi32>
    %and3A_802 = arith.andi %get3A_793, %and3A_801 : vector<16xi32>
    %add3A_803 = arith.addi %shift_left3A_799, %and3A_802 : vector<16xi32>
    %swap3A_804 = arith.constant 96 : index
    %swap3A_805 = tpu.vector_load %arg6[%swap3A_804] {strides = array<i32>} : memref<128xi32, #tpu.memory_space<vmem>>, vector<16xi32>,
    %swap3A_806 = vector.shape_cast %swap3A_805 : vector<16xi32> to vector<16xi32>
    %swap3A_807 = vector.shape_cast %add3A_803 : vector<16xi32> to vector<16xi32>
    tpu.vector_store %arg6[%swap3A_804], %swap3A_807 {strides = array<i32>} : memref<128xi32, #tpu.memory_space<vmem>>, vector<16xi32>,
    %get3A_808 = arith.constant 4 : i32
    %get3A_809 = arith.index_cast %get3A_808 : i32 to index
    %get3A_810 = arith.constant 112 : index
    %get3A_811 = tpu.vector_load %arg5[%get3A_809, %get3A_810] {strides = array<i32>} : memref<10x128xi32, #tpu.memory_space<vmem>>, vector<1x16xi32>,
    %get3A_812 = vector.shape_cast %get3A_811 : vector<1x16xi32> to vector<16xi32>
    %shift_right_arithmetic3A_813 = arith.constant 7 : i32
    %shift_right_arithmetic3A_814 = vector.broadcast %shift_right_arithmetic3A_813 : i32 to vector<16xi32>
    %shift_right_arithmetic3A_815 = arith.shrsi %get3A_812, %shift_right_arithmetic3A_814 : vector<16xi32>
    %shift_left3A_816 = arith.constant 10 : i32
    %shift_left3A_817 = vector.broadcast %shift_left3A_816 : i32 to vector<16xi32>
    %shift_left3A_818 = arith.shli %shift_right_arithmetic3A_815, %shift_left3A_817 : vector<16xi32>
    %and3A_819 = arith.constant 127 : i32
    %and3A_820 = vector.broadcast %and3A_819 : i32 to vector<16xi32>
    %and3A_821 = arith.andi %get3A_812, %and3A_820 : vector<16xi32>
    %add3A_822 = arith.addi %shift_left3A_818, %and3A_821 : vector<16xi32>
    %swap3A_823 = arith.constant 112 : index
    %swap3A_824 = tpu.vector_load %arg6[%swap3A_823] {strides = array<i32>} : memref<128xi32, #tpu.memory_space<vmem>>, vector<16xi32>,
    %swap3A_825 = vector.shape_cast %swap3A_824 : vector<16xi32> to vector<16xi32>
    %swap3A_826 = vector.shape_cast %add3A_822 : vector<16xi32> to vector<16xi32>
    tpu.vector_store %arg6[%swap3A_823], %swap3A_826 {strides = array<i32>} : memref<128xi32, #tpu.memory_space<vmem>>, vector<16xi32>,
    %scan3A_827 = arith.constant 0 : i32
    %scan3A_828 = arith.constant 0 : i32
    %scan3A_829 = arith.constant 64 : i32
    %scan3A_830 = arith.addi %scan3A_828, %scan3A_829 : i32
    %scan3A_831 = arith.constant 1 : i32
    scf.for %scan3A_1735 = %scan3A_828 to %scan3A_830 step %scan3A_831  : i32 {
      %jit3A = arith.constant 8 : i32
      %div3A = arith.divsi %scan3A_1735, %jit3A : i32
      %sign3A = arith.constant 0 : i32
      %sign3A_1736 = arith.cmpi sgt, %scan3A_1735, %sign3A : i32
      %sign3A_1737 = arith.extui %sign3A_1736 : i1 to i32
      %sign3A_1738 = arith.constant 0 : i32
      %sign3A_1739 = arith.cmpi slt, %scan3A_1735, %sign3A_1738 : i32
      %sign3A_1740 = arith.extui %sign3A_1739 : i1 to i32
      %sign3A_1741 = arith.subi %sign3A_1737, %sign3A_1740 : i32
      %sign3A_1742 = arith.constant 0 : i32
      %sign3A_1743 = arith.cmpi sgt, %jit3A, %sign3A_1742 : i32
      %sign3A_1744 = arith.extui %sign3A_1743 : i1 to i32
      %sign3A_1745 = arith.constant 0 : i32
      %sign3A_1746 = arith.cmpi slt, %jit3A, %sign3A_1745 : i32
      %sign3A_1747 = arith.extui %sign3A_1746 : i1 to i32
      %sign3A_1748 = arith.subi %sign3A_1744, %sign3A_1747 : i32
      %ne3A = arith.cmpi ne, %sign3A_1741, %sign3A_1748 : i32
      %rem3A = arith.remsi %scan3A_1735, %jit3A : i32
      %ne3A_1749 = arith.constant 0 : i32
      %ne3A_1750 = arith.cmpi ne, %rem3A, %ne3A_1749 : i32
      %and3A_1751 = arith.andi %ne3A, %ne3A_1750 : i1
      %sub3A = arith.constant 1 : i32
      %sub3A_1752 = arith.subi %div3A, %sub3A : i32
      %select_n3A = arith.select %and3A_1751, %sub3A_1752, %div3A : i32
      %mul3A_1753 = arith.constant 8388608 : i32
      %mul3A_1754 = arith.muli %select_n3A, %mul3A_1753 : i32
      %jit3A_1755 = arith.constant 8 : i32
      %eq3A = arith.constant 0 : i32
      %eq3A_1756 = arith.cmpi eq, %jit3A_1755, %eq3A : i32
      %jit3A_1757 = arith.constant 1 : i32
      %select_n3A_1758 = arith.select %eq3A_1756, %jit3A_1757, %jit3A_1755 : i32
      %rem3A_1759 = arith.remsi %scan3A_1735, %select_n3A_1758 : i32
      %ne3A_1760 = arith.constant 0 : i32
      %ne3A_1761 = arith.cmpi ne, %rem3A_1759, %ne3A_1760 : i32
      %lt3A = arith.constant 0 : i32
      %lt3A_1762 = arith.cmpi slt, %rem3A_1759, %lt3A : i32
      %lt3A_1763 = arith.constant 0 : i32
      %lt3A_1764 = arith.cmpi slt, %select_n3A_1758, %lt3A_1763 : i32
      %ne3A_1765 = arith.xori %lt3A_1762, %lt3A_1764 : i1
      %and3A_1766 = arith.andi %ne3A_1765, %ne3A_1761 : i1
      %add3A_1767 = arith.addi %rem3A_1759, %select_n3A_1758 : i32
      %select_n3A_1768 = arith.select %and3A_1766, %add3A_1767, %rem3A_1759 : i32
      %mul3A_1769 = arith.constant 128 : i32
      %mul3A_1770 = arith.muli %select_n3A_1768, %mul3A_1769 : i32
      %add3A_1771 = arith.addi %mul3A_1754, %mul3A_1770 : i32
      %dma_start3A_1772 = arith.constant 0 : i32
      %dma_start3A_1773 = tpu.memref_slice %arg8[%scan3A_1735, %dma_start3A_1772] : memref<64x128xf32, #tpu.memory_space<vmem>> -> memref<1x128xf32, #tpu.memory_space<vmem>>
      %dma_start3A_1774 = tpu.memref_squeeze %dma_start3A_1773 : memref<1x128xf32, #tpu.memory_space<vmem>> -> memref<128xf32, #tpu.memory_space<vmem>>
      %dma_start3A_1775 = tpu.memref_slice %arg2[%add3A_1771] : memref<67108864xf32, #tpu.memory_space<hbm>> -> memref<8388608xf32, #tpu.memory_space<hbm>>
      %dma_start3A_1776 = arith.constant 0 : i32
      %dma_start3A_1777 = tpu.memref_slice %dma_start3A_1775[%dma_start3A_1776] : memref<8388608xf32, #tpu.memory_space<hbm>> -> memref<8388608xf32, #tpu.memory_space<hbm>>
      tpu.enqueue_indirect_dma source(%dma_start3A_1777 : memref<8388608xf32, #tpu.memory_space<hbm>>) target(%dma_start3A_1774 : memref<128xf32, #tpu.memory_space<vmem>>) offsets(%arg6 : memref<128xi32, #tpu.memory_space<vmem>>) semaphore(%arg10 : memref<!tpu.dma_semaphore, #tpu.memory_space<semaphore_mem>>)
    }
    %scan3A_832 = arith.constant 64 : i32
    %dma_wait3A_833 = arith.constant 0 : i32
    %dma_wait3A_834 = arith.constant 0 : i32
    %dma_wait3A_835 = tpu.memref_slice %arg4[%dma_wait3A_833, %dma_wait3A_834] : memref<64x40960xf32, #tpu.memory_space<hbm>> -> memref<64x128xf32, #tpu.memory_space<hbm>>
    %dma_wait3A_836 = arith.constant 0 : i32
    %dma_wait3A_837 = arith.constant 0 : i32
    %dma_wait3A_838 = tpu.memref_slice %arg4[%dma_wait3A_836, %dma_wait3A_837] : memref<64x40960xf32, #tpu.memory_space<hbm>> -> memref<64x128xf32, #tpu.memory_space<hbm>>
    tpu.wait_dma2 semaphore(%arg11 : memref<!tpu.dma_semaphore, #tpu.memory_space<semaphore_mem>>) src(%dma_wait3A_838 : memref<64x128xf32, #tpu.memory_space<hbm>>) dst(%arg9 : memref<64x128xf32, #tpu.memory_space<vmem>>)
    %add3A_839 = arith.constant 384 : i32
    %add3A_840 = arith.addi %mul3A_2, %add3A_839 : i32
    %dma_start3A_841 = arith.constant 0 : i32
    %dma_start3A_842 = tpu.memref_slice %arg4[%dma_start3A_841, %add3A_840] : memref<64x40960xf32, #tpu.memory_space<hbm>> -> memref<64x128xf32, #tpu.memory_space<hbm>>
    %dma_start3A_843 = arith.constant 0 : i32
    %dma_start3A_844 = tpu.memref_slice %arg4[%dma_start3A_843, %add3A_840] : memref<64x40960xf32, #tpu.memory_space<hbm>> -> memref<64x128xf32, #tpu.memory_space<hbm>>
    tpu.enqueue_dma source(%arg9 : memref<64x128xf32, #tpu.memory_space<vmem>>) target(%dma_start3A_844 : memref<64x128xf32, #tpu.memory_space<hbm>>) target_semaphore(%arg13 : memref<!tpu.dma_semaphore, #tpu.memory_space<semaphore_mem>>)
    %dma_wait3A_845 = arith.constant 0 : i32
    %dma_wait3A_846 = tpu.memref_slice %arg4[%dma_wait3A_845, %add3A_840] : memref<64x40960xf32, #tpu.memory_space<hbm>> -> memref<64x128xf32, #tpu.memory_space<hbm>>
    %dma_wait3A_847 = arith.constant 0 : i32
    %dma_wait3A_848 = tpu.memref_slice %arg4[%dma_wait3A_847, %add3A_840] : memref<64x40960xf32, #tpu.memory_space<hbm>> -> memref<64x128xf32, #tpu.memory_space<hbm>>
    tpu.wait_dma2 semaphore(%arg13 : memref<!tpu.dma_semaphore, #tpu.memory_space<semaphore_mem>>) src(%arg9 : memref<64x128xf32, #tpu.memory_space<vmem>>) dst(%dma_wait3A_848 : memref<64x128xf32, #tpu.memory_space<hbm>>)
    %get3A_849 = arith.constant 5 : i32
    %get3A_850 = arith.index_cast %get3A_849 : i32 to index
    %get3A_851 = arith.constant 0 : index
    %get3A_852 = tpu.vector_load %arg5[%get3A_850, %get3A_851] {strides = array<i32>} : memref<10x128xi32, #tpu.memory_space<vmem>>, vector<1x16xi32>,
    %get3A_853 = vector.shape_cast %get3A_852 : vector<1x16xi32> to vector<16xi32>
    %shift_right_arithmetic3A_854 = arith.constant 7 : i32
    %shift_right_arithmetic3A_855 = vector.broadcast %shift_right_arithmetic3A_854 : i32 to vector<16xi32>
    %shift_right_arithmetic3A_856 = arith.shrsi %get3A_853, %shift_right_arithmetic3A_855 : vector<16xi32>
    %shift_left3A_857 = arith.constant 10 : i32
    %shift_left3A_858 = vector.broadcast %shift_left3A_857 : i32 to vector<16xi32>
    %shift_left3A_859 = arith.shli %shift_right_arithmetic3A_856, %shift_left3A_858 : vector<16xi32>
    %and3A_860 = arith.constant 127 : i32
    %and3A_861 = vector.broadcast %and3A_860 : i32 to vector<16xi32>
    %and3A_862 = arith.andi %get3A_853, %and3A_861 : vector<16xi32>
    %add3A_863 = arith.addi %shift_left3A_859, %and3A_862 : vector<16xi32>
    %swap3A_864 = arith.constant 0 : index
    %swap3A_865 = tpu.vector_load %arg7[%swap3A_864] {strides = array<i32>} : memref<128xi32, #tpu.memory_space<vmem>>, vector<16xi32>,
    %swap3A_866 = vector.shape_cast %swap3A_865 : vector<16xi32> to vector<16xi32>
    %swap3A_867 = vector.shape_cast %add3A_863 : vector<16xi32> to vector<16xi32>
    tpu.vector_store %arg7[%swap3A_864], %swap3A_867 {strides = array<i32>} : memref<128xi32, #tpu.memory_space<vmem>>, vector<16xi32>,
    %get3A_868 = arith.constant 5 : i32
    %get3A_869 = arith.index_cast %get3A_868 : i32 to index
    %get3A_870 = arith.constant 16 : index
    %get3A_871 = tpu.vector_load %arg5[%get3A_869, %get3A_870] {strides = array<i32>} : memref<10x128xi32, #tpu.memory_space<vmem>>, vector<1x16xi32>,
    %get3A_872 = vector.shape_cast %get3A_871 : vector<1x16xi32> to vector<16xi32>
    %shift_right_arithmetic3A_873 = arith.constant 7 : i32
    %shift_right_arithmetic3A_874 = vector.broadcast %shift_right_arithmetic3A_873 : i32 to vector<16xi32>
    %shift_right_arithmetic3A_875 = arith.shrsi %get3A_872, %shift_right_arithmetic3A_874 : vector<16xi32>
    %shift_left3A_876 = arith.constant 10 : i32
    %shift_left3A_877 = vector.broadcast %shift_left3A_876 : i32 to vector<16xi32>
    %shift_left3A_878 = arith.shli %shift_right_arithmetic3A_875, %shift_left3A_877 : vector<16xi32>
    %and3A_879 = arith.constant 127 : i32
    %and3A_880 = vector.broadcast %and3A_879 : i32 to vector<16xi32>
    %and3A_881 = arith.andi %get3A_872, %and3A_880 : vector<16xi32>
    %add3A_882 = arith.addi %shift_left3A_878, %and3A_881 : vector<16xi32>
    %swap3A_883 = arith.constant 16 : index
    %swap3A_884 = tpu.vector_load %arg7[%swap3A_883] {strides = array<i32>} : memref<128xi32, #tpu.memory_space<vmem>>, vector<16xi32>,
    %swap3A_885 = vector.shape_cast %swap3A_884 : vector<16xi32> to vector<16xi32>
    %swap3A_886 = vector.shape_cast %add3A_882 : vector<16xi32> to vector<16xi32>
    tpu.vector_store %arg7[%swap3A_883], %swap3A_886 {strides = array<i32>} : memref<128xi32, #tpu.memory_space<vmem>>, vector<16xi32>,
    %get3A_887 = arith.constant 5 : i32
    %get3A_888 = arith.index_cast %get3A_887 : i32 to index
    %get3A_889 = arith.constant 32 : index
    %get3A_890 = tpu.vector_load %arg5[%get3A_888, %get3A_889] {strides = array<i32>} : memref<10x128xi32, #tpu.memory_space<vmem>>, vector<1x16xi32>,
    %get3A_891 = vector.shape_cast %get3A_890 : vector<1x16xi32> to vector<16xi32>
    %shift_right_arithmetic3A_892 = arith.constant 7 : i32
    %shift_right_arithmetic3A_893 = vector.broadcast %shift_right_arithmetic3A_892 : i32 to vector<16xi32>
    %shift_right_arithmetic3A_894 = arith.shrsi %get3A_891, %shift_right_arithmetic3A_893 : vector<16xi32>
    %shift_left3A_895 = arith.constant 10 : i32
    %shift_left3A_896 = vector.broadcast %shift_left3A_895 : i32 to vector<16xi32>
    %shift_left3A_897 = arith.shli %shift_right_arithmetic3A_894, %shift_left3A_896 : vector<16xi32>
    %and3A_898 = arith.constant 127 : i32
    %and3A_899 = vector.broadcast %and3A_898 : i32 to vector<16xi32>
    %and3A_900 = arith.andi %get3A_891, %and3A_899 : vector<16xi32>
    %add3A_901 = arith.addi %shift_left3A_897, %and3A_900 : vector<16xi32>
    %swap3A_902 = arith.constant 32 : index
    %swap3A_903 = tpu.vector_load %arg7[%swap3A_902] {strides = array<i32>} : memref<128xi32, #tpu.memory_space<vmem>>, vector<16xi32>,
    %swap3A_904 = vector.shape_cast %swap3A_903 : vector<16xi32> to vector<16xi32>
    %swap3A_905 = vector.shape_cast %add3A_901 : vector<16xi32> to vector<16xi32>
    tpu.vector_store %arg7[%swap3A_902], %swap3A_905 {strides = array<i32>} : memref<128xi32, #tpu.memory_space<vmem>>, vector<16xi32>,
    %get3A_906 = arith.constant 5 : i32
    %get3A_907 = arith.index_cast %get3A_906 : i32 to index
    %get3A_908 = arith.constant 48 : index
    %get3A_909 = tpu.vector_load %arg5[%get3A_907, %get3A_908] {strides = array<i32>} : memref<10x128xi32, #tpu.memory_space<vmem>>, vector<1x16xi32>,
    %get3A_910 = vector.shape_cast %get3A_909 : vector<1x16xi32> to vector<16xi32>
    %shift_right_arithmetic3A_911 = arith.constant 7 : i32
    %shift_right_arithmetic3A_912 = vector.broadcast %shift_right_arithmetic3A_911 : i32 to vector<16xi32>
    %shift_right_arithmetic3A_913 = arith.shrsi %get3A_910, %shift_right_arithmetic3A_912 : vector<16xi32>
    %shift_left3A_914 = arith.constant 10 : i32
    %shift_left3A_915 = vector.broadcast %shift_left3A_914 : i32 to vector<16xi32>
    %shift_left3A_916 = arith.shli %shift_right_arithmetic3A_913, %shift_left3A_915 : vector<16xi32>
    %and3A_917 = arith.constant 127 : i32
    %and3A_918 = vector.broadcast %and3A_917 : i32 to vector<16xi32>
    %and3A_919 = arith.andi %get3A_910, %and3A_918 : vector<16xi32>
    %add3A_920 = arith.addi %shift_left3A_916, %and3A_919 : vector<16xi32>
    %swap3A_921 = arith.constant 48 : index
    %swap3A_922 = tpu.vector_load %arg7[%swap3A_921] {strides = array<i32>} : memref<128xi32, #tpu.memory_space<vmem>>, vector<16xi32>,
    %swap3A_923 = vector.shape_cast %swap3A_922 : vector<16xi32> to vector<16xi32>
    %swap3A_924 = vector.shape_cast %add3A_920 : vector<16xi32> to vector<16xi32>
    tpu.vector_store %arg7[%swap3A_921], %swap3A_924 {strides = array<i32>} : memref<128xi32, #tpu.memory_space<vmem>>, vector<16xi32>,
    %get3A_925 = arith.constant 5 : i32
    %get3A_926 = arith.index_cast %get3A_925 : i32 to index
    %get3A_927 = arith.constant 64 : index
    %get3A_928 = tpu.vector_load %arg5[%get3A_926, %get3A_927] {strides = array<i32>} : memref<10x128xi32, #tpu.memory_space<vmem>>, vector<1x16xi32>,
    %get3A_929 = vector.shape_cast %get3A_928 : vector<1x16xi32> to vector<16xi32>
    %shift_right_arithmetic3A_930 = arith.constant 7 : i32
    %shift_right_arithmetic3A_931 = vector.broadcast %shift_right_arithmetic3A_930 : i32 to vector<16xi32>
    %shift_right_arithmetic3A_932 = arith.shrsi %get3A_929, %shift_right_arithmetic3A_931 : vector<16xi32>
    %shift_left3A_933 = arith.constant 10 : i32
    %shift_left3A_934 = vector.broadcast %shift_left3A_933 : i32 to vector<16xi32>
    %shift_left3A_935 = arith.shli %shift_right_arithmetic3A_932, %shift_left3A_934 : vector<16xi32>
    %and3A_936 = arith.constant 127 : i32
    %and3A_937 = vector.broadcast %and3A_936 : i32 to vector<16xi32>
    %and3A_938 = arith.andi %get3A_929, %and3A_937 : vector<16xi32>
    %add3A_939 = arith.addi %shift_left3A_935, %and3A_938 : vector<16xi32>
    %swap3A_940 = arith.constant 64 : index
    %swap3A_941 = tpu.vector_load %arg7[%swap3A_940] {strides = array<i32>} : memref<128xi32, #tpu.memory_space<vmem>>, vector<16xi32>,
    %swap3A_942 = vector.shape_cast %swap3A_941 : vector<16xi32> to vector<16xi32>
    %swap3A_943 = vector.shape_cast %add3A_939 : vector<16xi32> to vector<16xi32>
    tpu.vector_store %arg7[%swap3A_940], %swap3A_943 {strides = array<i32>} : memref<128xi32, #tpu.memory_space<vmem>>, vector<16xi32>,
    %get3A_944 = arith.constant 5 : i32
    %get3A_945 = arith.index_cast %get3A_944 : i32 to index
    %get3A_946 = arith.constant 80 : index
    %get3A_947 = tpu.vector_load %arg5[%get3A_945, %get3A_946] {strides = array<i32>} : memref<10x128xi32, #tpu.memory_space<vmem>>, vector<1x16xi32>,
    %get3A_948 = vector.shape_cast %get3A_947 : vector<1x16xi32> to vector<16xi32>
    %shift_right_arithmetic3A_949 = arith.constant 7 : i32
    %shift_right_arithmetic3A_950 = vector.broadcast %shift_right_arithmetic3A_949 : i32 to vector<16xi32>
    %shift_right_arithmetic3A_951 = arith.shrsi %get3A_948, %shift_right_arithmetic3A_950 : vector<16xi32>
    %shift_left3A_952 = arith.constant 10 : i32
    %shift_left3A_953 = vector.broadcast %shift_left3A_952 : i32 to vector<16xi32>
    %shift_left3A_954 = arith.shli %shift_right_arithmetic3A_951, %shift_left3A_953 : vector<16xi32>
    %and3A_955 = arith.constant 127 : i32
    %and3A_956 = vector.broadcast %and3A_955 : i32 to vector<16xi32>
    %and3A_957 = arith.andi %get3A_948, %and3A_956 : vector<16xi32>
    %add3A_958 = arith.addi %shift_left3A_954, %and3A_957 : vector<16xi32>
    %swap3A_959 = arith.constant 80 : index
    %swap3A_960 = tpu.vector_load %arg7[%swap3A_959] {strides = array<i32>} : memref<128xi32, #tpu.memory_space<vmem>>, vector<16xi32>,
    %swap3A_961 = vector.shape_cast %swap3A_960 : vector<16xi32> to vector<16xi32>
    %swap3A_962 = vector.shape_cast %add3A_958 : vector<16xi32> to vector<16xi32>
    tpu.vector_store %arg7[%swap3A_959], %swap3A_962 {strides = array<i32>} : memref<128xi32, #tpu.memory_space<vmem>>, vector<16xi32>,
    %get3A_963 = arith.constant 5 : i32
    %get3A_964 = arith.index_cast %get3A_963 : i32 to index
    %get3A_965 = arith.constant 96 : index
    %get3A_966 = tpu.vector_load %arg5[%get3A_964, %get3A_965] {strides = array<i32>} : memref<10x128xi32, #tpu.memory_space<vmem>>, vector<1x16xi32>,
    %get3A_967 = vector.shape_cast %get3A_966 : vector<1x16xi32> to vector<16xi32>
    %shift_right_arithmetic3A_968 = arith.constant 7 : i32
    %shift_right_arithmetic3A_969 = vector.broadcast %shift_right_arithmetic3A_968 : i32 to vector<16xi32>
    %shift_right_arithmetic3A_970 = arith.shrsi %get3A_967, %shift_right_arithmetic3A_969 : vector<16xi32>
    %shift_left3A_971 = arith.constant 10 : i32
    %shift_left3A_972 = vector.broadcast %shift_left3A_971 : i32 to vector<16xi32>
    %shift_left3A_973 = arith.shli %shift_right_arithmetic3A_970, %shift_left3A_972 : vector<16xi32>
    %and3A_974 = arith.constant 127 : i32
    %and3A_975 = vector.broadcast %and3A_974 : i32 to vector<16xi32>
    %and3A_976 = arith.andi %get3A_967, %and3A_975 : vector<16xi32>
    %add3A_977 = arith.addi %shift_left3A_973, %and3A_976 : vector<16xi32>
    %swap3A_978 = arith.constant 96 : index
    %swap3A_979 = tpu.vector_load %arg7[%swap3A_978] {strides = array<i32>} : memref<128xi32, #tpu.memory_space<vmem>>, vector<16xi32>,
    %swap3A_980 = vector.shape_cast %swap3A_979 : vector<16xi32> to vector<16xi32>
    %swap3A_981 = vector.shape_cast %add3A_977 : vector<16xi32> to vector<16xi32>
    tpu.vector_store %arg7[%swap3A_978], %swap3A_981 {strides = array<i32>} : memref<128xi32, #tpu.memory_space<vmem>>, vector<16xi32>,
    %get3A_982 = arith.constant 5 : i32
    %get3A_983 = arith.index_cast %get3A_982 : i32 to index
    %get3A_984 = arith.constant 112 : index
    %get3A_985 = tpu.vector_load %arg5[%get3A_983, %get3A_984] {strides = array<i32>} : memref<10x128xi32, #tpu.memory_space<vmem>>, vector<1x16xi32>,
    %get3A_986 = vector.shape_cast %get3A_985 : vector<1x16xi32> to vector<16xi32>
    %shift_right_arithmetic3A_987 = arith.constant 7 : i32
    %shift_right_arithmetic3A_988 = vector.broadcast %shift_right_arithmetic3A_987 : i32 to vector<16xi32>
    %shift_right_arithmetic3A_989 = arith.shrsi %get3A_986, %shift_right_arithmetic3A_988 : vector<16xi32>
    %shift_left3A_990 = arith.constant 10 : i32
    %shift_left3A_991 = vector.broadcast %shift_left3A_990 : i32 to vector<16xi32>
    %shift_left3A_992 = arith.shli %shift_right_arithmetic3A_989, %shift_left3A_991 : vector<16xi32>
    %and3A_993 = arith.constant 127 : i32
    %and3A_994 = vector.broadcast %and3A_993 : i32 to vector<16xi32>
    %and3A_995 = arith.andi %get3A_986, %and3A_994 : vector<16xi32>
    %add3A_996 = arith.addi %shift_left3A_992, %and3A_995 : vector<16xi32>
    %swap3A_997 = arith.constant 112 : index
    %swap3A_998 = tpu.vector_load %arg7[%swap3A_997] {strides = array<i32>} : memref<128xi32, #tpu.memory_space<vmem>>, vector<16xi32>,
    %swap3A_999 = vector.shape_cast %swap3A_998 : vector<16xi32> to vector<16xi32>
    %swap3A_1000 = vector.shape_cast %add3A_996 : vector<16xi32> to vector<16xi32>
    tpu.vector_store %arg7[%swap3A_997], %swap3A_1000 {strides = array<i32>} : memref<128xi32, #tpu.memory_space<vmem>>, vector<16xi32>,
    %scan3A_1001 = arith.constant 0 : i32
    %scan3A_1002 = arith.constant 0 : i32
    %scan3A_1003 = arith.constant 64 : i32
    %scan3A_1004 = arith.addi %scan3A_1002, %scan3A_1003 : i32
    %scan3A_1005 = arith.constant 1 : i32
    scf.for %scan3A_1735 = %scan3A_1002 to %scan3A_1004 step %scan3A_1005  : i32 {
      %jit3A = arith.constant 8 : i32
      %div3A = arith.divsi %scan3A_1735, %jit3A : i32
      %sign3A = arith.constant 0 : i32
      %sign3A_1736 = arith.cmpi sgt, %scan3A_1735, %sign3A : i32
      %sign3A_1737 = arith.extui %sign3A_1736 : i1 to i32
      %sign3A_1738 = arith.constant 0 : i32
      %sign3A_1739 = arith.cmpi slt, %scan3A_1735, %sign3A_1738 : i32
      %sign3A_1740 = arith.extui %sign3A_1739 : i1 to i32
      %sign3A_1741 = arith.subi %sign3A_1737, %sign3A_1740 : i32
      %sign3A_1742 = arith.constant 0 : i32
      %sign3A_1743 = arith.cmpi sgt, %jit3A, %sign3A_1742 : i32
      %sign3A_1744 = arith.extui %sign3A_1743 : i1 to i32
      %sign3A_1745 = arith.constant 0 : i32
      %sign3A_1746 = arith.cmpi slt, %jit3A, %sign3A_1745 : i32
      %sign3A_1747 = arith.extui %sign3A_1746 : i1 to i32
      %sign3A_1748 = arith.subi %sign3A_1744, %sign3A_1747 : i32
      %ne3A = arith.cmpi ne, %sign3A_1741, %sign3A_1748 : i32
      %rem3A = arith.remsi %scan3A_1735, %jit3A : i32
      %ne3A_1749 = arith.constant 0 : i32
      %ne3A_1750 = arith.cmpi ne, %rem3A, %ne3A_1749 : i32
      %and3A_1751 = arith.andi %ne3A, %ne3A_1750 : i1
      %sub3A = arith.constant 1 : i32
      %sub3A_1752 = arith.subi %div3A, %sub3A : i32
      %select_n3A = arith.select %and3A_1751, %sub3A_1752, %div3A : i32
      %mul3A_1753 = arith.constant 8388608 : i32
      %mul3A_1754 = arith.muli %select_n3A, %mul3A_1753 : i32
      %jit3A_1755 = arith.constant 8 : i32
      %eq3A = arith.constant 0 : i32
      %eq3A_1756 = arith.cmpi eq, %jit3A_1755, %eq3A : i32
      %jit3A_1757 = arith.constant 1 : i32
      %select_n3A_1758 = arith.select %eq3A_1756, %jit3A_1757, %jit3A_1755 : i32
      %rem3A_1759 = arith.remsi %scan3A_1735, %select_n3A_1758 : i32
      %ne3A_1760 = arith.constant 0 : i32
      %ne3A_1761 = arith.cmpi ne, %rem3A_1759, %ne3A_1760 : i32
      %lt3A = arith.constant 0 : i32
      %lt3A_1762 = arith.cmpi slt, %rem3A_1759, %lt3A : i32
      %lt3A_1763 = arith.constant 0 : i32
      %lt3A_1764 = arith.cmpi slt, %select_n3A_1758, %lt3A_1763 : i32
      %ne3A_1765 = arith.xori %lt3A_1762, %lt3A_1764 : i1
      %and3A_1766 = arith.andi %ne3A_1765, %ne3A_1761 : i1
      %add3A_1767 = arith.addi %rem3A_1759, %select_n3A_1758 : i32
      %select_n3A_1768 = arith.select %and3A_1766, %add3A_1767, %rem3A_1759 : i32
      %mul3A_1769 = arith.constant 128 : i32
      %mul3A_1770 = arith.muli %select_n3A_1768, %mul3A_1769 : i32
      %add3A_1771 = arith.addi %mul3A_1754, %mul3A_1770 : i32
      %dma_start3A_1772 = arith.constant 0 : i32
      %dma_start3A_1773 = tpu.memref_slice %arg9[%scan3A_1735, %dma_start3A_1772] : memref<64x128xf32, #tpu.memory_space<vmem>> -> memref<1x128xf32, #tpu.memory_space<vmem>>
      %dma_start3A_1774 = tpu.memref_squeeze %dma_start3A_1773 : memref<1x128xf32, #tpu.memory_space<vmem>> -> memref<128xf32, #tpu.memory_space<vmem>>
      %dma_start3A_1775 = tpu.memref_slice %arg2[%add3A_1771] : memref<67108864xf32, #tpu.memory_space<hbm>> -> memref<8388608xf32, #tpu.memory_space<hbm>>
      %dma_start3A_1776 = arith.constant 0 : i32
      %dma_start3A_1777 = tpu.memref_slice %dma_start3A_1775[%dma_start3A_1776] : memref<8388608xf32, #tpu.memory_space<hbm>> -> memref<8388608xf32, #tpu.memory_space<hbm>>
      tpu.enqueue_indirect_dma source(%dma_start3A_1777 : memref<8388608xf32, #tpu.memory_space<hbm>>) target(%dma_start3A_1774 : memref<128xf32, #tpu.memory_space<vmem>>) offsets(%arg7 : memref<128xi32, #tpu.memory_space<vmem>>) semaphore(%arg11 : memref<!tpu.dma_semaphore, #tpu.memory_space<semaphore_mem>>)
    }
    %scan3A_1006 = arith.constant 64 : i32
    %dma_wait3A_1007 = arith.constant 0 : i32
    %dma_wait3A_1008 = arith.constant 0 : i32
    %dma_wait3A_1009 = tpu.memref_slice %arg4[%dma_wait3A_1007, %dma_wait3A_1008] : memref<64x40960xf32, #tpu.memory_space<hbm>> -> memref<64x128xf32, #tpu.memory_space<hbm>>
    %dma_wait3A_1010 = arith.constant 0 : i32
    %dma_wait3A_1011 = arith.constant 0 : i32
    %dma_wait3A_1012 = tpu.memref_slice %arg4[%dma_wait3A_1010, %dma_wait3A_1011] : memref<64x40960xf32, #tpu.memory_space<hbm>> -> memref<64x128xf32, #tpu.memory_space<hbm>>
    tpu.wait_dma2 semaphore(%arg10 : memref<!tpu.dma_semaphore, #tpu.memory_space<semaphore_mem>>) src(%dma_wait3A_1012 : memref<64x128xf32, #tpu.memory_space<hbm>>) dst(%arg8 : memref<64x128xf32, #tpu.memory_space<vmem>>)
    %add3A_1013 = arith.constant 512 : i32
    %add3A_1014 = arith.addi %mul3A_2, %add3A_1013 : i32
    %dma_start3A_1015 = arith.constant 0 : i32
    %dma_start3A_1016 = tpu.memref_slice %arg4[%dma_start3A_1015, %add3A_1014] : memref<64x40960xf32, #tpu.memory_space<hbm>> -> memref<64x128xf32, #tpu.memory_space<hbm>>
    %dma_start3A_1017 = arith.constant 0 : i32
    %dma_start3A_1018 = tpu.memref_slice %arg4[%dma_start3A_1017, %add3A_1014] : memref<64x40960xf32, #tpu.memory_space<hbm>> -> memref<64x128xf32, #tpu.memory_space<hbm>>
    tpu.enqueue_dma source(%arg8 : memref<64x128xf32, #tpu.memory_space<vmem>>) target(%dma_start3A_1018 : memref<64x128xf32, #tpu.memory_space<hbm>>) target_semaphore(%arg12 : memref<!tpu.dma_semaphore, #tpu.memory_space<semaphore_mem>>)
    %dma_wait3A_1019 = arith.constant 0 : i32
    %dma_wait3A_1020 = tpu.memref_slice %arg4[%dma_wait3A_1019, %add3A_1014] : memref<64x40960xf32, #tpu.memory_space<hbm>> -> memref<64x128xf32, #tpu.memory_space<hbm>>
    %dma_wait3A_1021 = arith.constant 0 : i32
    %dma_wait3A_1022 = tpu.memref_slice %arg4[%dma_wait3A_1021, %add3A_1014] : memref<64x40960xf32, #tpu.memory_space<hbm>> -> memref<64x128xf32, #tpu.memory_space<hbm>>
    tpu.wait_dma2 semaphore(%arg12 : memref<!tpu.dma_semaphore, #tpu.memory_space<semaphore_mem>>) src(%arg8 : memref<64x128xf32, #tpu.memory_space<vmem>>) dst(%dma_wait3A_1022 : memref<64x128xf32, #tpu.memory_space<hbm>>)
    %get3A_1023 = arith.constant 6 : i32
    %get3A_1024 = arith.index_cast %get3A_1023 : i32 to index
    %get3A_1025 = arith.constant 0 : index
    %get3A_1026 = tpu.vector_load %arg5[%get3A_1024, %get3A_1025] {strides = array<i32>} : memref<10x128xi32, #tpu.memory_space<vmem>>, vector<1x16xi32>,
    %get3A_1027 = vector.shape_cast %get3A_1026 : vector<1x16xi32> to vector<16xi32>
    %shift_right_arithmetic3A_1028 = arith.constant 7 : i32
    %shift_right_arithmetic3A_1029 = vector.broadcast %shift_right_arithmetic3A_1028 : i32 to vector<16xi32>
    %shift_right_arithmetic3A_1030 = arith.shrsi %get3A_1027, %shift_right_arithmetic3A_1029 : vector<16xi32>
    %shift_left3A_1031 = arith.constant 10 : i32
    %shift_left3A_1032 = vector.broadcast %shift_left3A_1031 : i32 to vector<16xi32>
    %shift_left3A_1033 = arith.shli %shift_right_arithmetic3A_1030, %shift_left3A_1032 : vector<16xi32>
    %and3A_1034 = arith.constant 127 : i32
    %and3A_1035 = vector.broadcast %and3A_1034 : i32 to vector<16xi32>
    %and3A_1036 = arith.andi %get3A_1027, %and3A_1035 : vector<16xi32>
    %add3A_1037 = arith.addi %shift_left3A_1033, %and3A_1036 : vector<16xi32>
    %swap3A_1038 = arith.constant 0 : index
    %swap3A_1039 = tpu.vector_load %arg6[%swap3A_1038] {strides = array<i32>} : memref<128xi32, #tpu.memory_space<vmem>>, vector<16xi32>,
    %swap3A_1040 = vector.shape_cast %swap3A_1039 : vector<16xi32> to vector<16xi32>
    %swap3A_1041 = vector.shape_cast %add3A_1037 : vector<16xi32> to vector<16xi32>
    tpu.vector_store %arg6[%swap3A_1038], %swap3A_1041 {strides = array<i32>} : memref<128xi32, #tpu.memory_space<vmem>>, vector<16xi32>,
    %get3A_1042 = arith.constant 6 : i32
    %get3A_1043 = arith.index_cast %get3A_1042 : i32 to index
    %get3A_1044 = arith.constant 16 : index
    %get3A_1045 = tpu.vector_load %arg5[%get3A_1043, %get3A_1044] {strides = array<i32>} : memref<10x128xi32, #tpu.memory_space<vmem>>, vector<1x16xi32>,
    %get3A_1046 = vector.shape_cast %get3A_1045 : vector<1x16xi32> to vector<16xi32>
    %shift_right_arithmetic3A_1047 = arith.constant 7 : i32
    %shift_right_arithmetic3A_1048 = vector.broadcast %shift_right_arithmetic3A_1047 : i32 to vector<16xi32>
    %shift_right_arithmetic3A_1049 = arith.shrsi %get3A_1046, %shift_right_arithmetic3A_1048 : vector<16xi32>
    %shift_left3A_1050 = arith.constant 10 : i32
    %shift_left3A_1051 = vector.broadcast %shift_left3A_1050 : i32 to vector<16xi32>
    %shift_left3A_1052 = arith.shli %shift_right_arithmetic3A_1049, %shift_left3A_1051 : vector<16xi32>
    %and3A_1053 = arith.constant 127 : i32
    %and3A_1054 = vector.broadcast %and3A_1053 : i32 to vector<16xi32>
    %and3A_1055 = arith.andi %get3A_1046, %and3A_1054 : vector<16xi32>
    %add3A_1056 = arith.addi %shift_left3A_1052, %and3A_1055 : vector<16xi32>
    %swap3A_1057 = arith.constant 16 : index
    %swap3A_1058 = tpu.vector_load %arg6[%swap3A_1057] {strides = array<i32>} : memref<128xi32, #tpu.memory_space<vmem>>, vector<16xi32>,
    %swap3A_1059 = vector.shape_cast %swap3A_1058 : vector<16xi32> to vector<16xi32>
    %swap3A_1060 = vector.shape_cast %add3A_1056 : vector<16xi32> to vector<16xi32>
    tpu.vector_store %arg6[%swap3A_1057], %swap3A_1060 {strides = array<i32>} : memref<128xi32, #tpu.memory_space<vmem>>, vector<16xi32>,
    %get3A_1061 = arith.constant 6 : i32
    %get3A_1062 = arith.index_cast %get3A_1061 : i32 to index
    %get3A_1063 = arith.constant 32 : index
    %get3A_1064 = tpu.vector_load %arg5[%get3A_1062, %get3A_1063] {strides = array<i32>} : memref<10x128xi32, #tpu.memory_space<vmem>>, vector<1x16xi32>,
    %get3A_1065 = vector.shape_cast %get3A_1064 : vector<1x16xi32> to vector<16xi32>
    %shift_right_arithmetic3A_1066 = arith.constant 7 : i32
    %shift_right_arithmetic3A_1067 = vector.broadcast %shift_right_arithmetic3A_1066 : i32 to vector<16xi32>
    %shift_right_arithmetic3A_1068 = arith.shrsi %get3A_1065, %shift_right_arithmetic3A_1067 : vector<16xi32>
    %shift_left3A_1069 = arith.constant 10 : i32
    %shift_left3A_1070 = vector.broadcast %shift_left3A_1069 : i32 to vector<16xi32>
    %shift_left3A_1071 = arith.shli %shift_right_arithmetic3A_1068, %shift_left3A_1070 : vector<16xi32>
    %and3A_1072 = arith.constant 127 : i32
    %and3A_1073 = vector.broadcast %and3A_1072 : i32 to vector<16xi32>
    %and3A_1074 = arith.andi %get3A_1065, %and3A_1073 : vector<16xi32>
    %add3A_1075 = arith.addi %shift_left3A_1071, %and3A_1074 : vector<16xi32>
    %swap3A_1076 = arith.constant 32 : index
    %swap3A_1077 = tpu.vector_load %arg6[%swap3A_1076] {strides = array<i32>} : memref<128xi32, #tpu.memory_space<vmem>>, vector<16xi32>,
    %swap3A_1078 = vector.shape_cast %swap3A_1077 : vector<16xi32> to vector<16xi32>
    %swap3A_1079 = vector.shape_cast %add3A_1075 : vector<16xi32> to vector<16xi32>
    tpu.vector_store %arg6[%swap3A_1076], %swap3A_1079 {strides = array<i32>} : memref<128xi32, #tpu.memory_space<vmem>>, vector<16xi32>,
    %get3A_1080 = arith.constant 6 : i32
    %get3A_1081 = arith.index_cast %get3A_1080 : i32 to index
    %get3A_1082 = arith.constant 48 : index
    %get3A_1083 = tpu.vector_load %arg5[%get3A_1081, %get3A_1082] {strides = array<i32>} : memref<10x128xi32, #tpu.memory_space<vmem>>, vector<1x16xi32>,
    %get3A_1084 = vector.shape_cast %get3A_1083 : vector<1x16xi32> to vector<16xi32>
    %shift_right_arithmetic3A_1085 = arith.constant 7 : i32
    %shift_right_arithmetic3A_1086 = vector.broadcast %shift_right_arithmetic3A_1085 : i32 to vector<16xi32>
    %shift_right_arithmetic3A_1087 = arith.shrsi %get3A_1084, %shift_right_arithmetic3A_1086 : vector<16xi32>
    %shift_left3A_1088 = arith.constant 10 : i32
    %shift_left3A_1089 = vector.broadcast %shift_left3A_1088 : i32 to vector<16xi32>
    %shift_left3A_1090 = arith.shli %shift_right_arithmetic3A_1087, %shift_left3A_1089 : vector<16xi32>
    %and3A_1091 = arith.constant 127 : i32
    %and3A_1092 = vector.broadcast %and3A_1091 : i32 to vector<16xi32>
    %and3A_1093 = arith.andi %get3A_1084, %and3A_1092 : vector<16xi32>
    %add3A_1094 = arith.addi %shift_left3A_1090, %and3A_1093 : vector<16xi32>
    %swap3A_1095 = arith.constant 48 : index
    %swap3A_1096 = tpu.vector_load %arg6[%swap3A_1095] {strides = array<i32>} : memref<128xi32, #tpu.memory_space<vmem>>, vector<16xi32>,
    %swap3A_1097 = vector.shape_cast %swap3A_1096 : vector<16xi32> to vector<16xi32>
    %swap3A_1098 = vector.shape_cast %add3A_1094 : vector<16xi32> to vector<16xi32>
    tpu.vector_store %arg6[%swap3A_1095], %swap3A_1098 {strides = array<i32>} : memref<128xi32, #tpu.memory_space<vmem>>, vector<16xi32>,
    %get3A_1099 = arith.constant 6 : i32
    %get3A_1100 = arith.index_cast %get3A_1099 : i32 to index
    %get3A_1101 = arith.constant 64 : index
    %get3A_1102 = tpu.vector_load %arg5[%get3A_1100, %get3A_1101] {strides = array<i32>} : memref<10x128xi32, #tpu.memory_space<vmem>>, vector<1x16xi32>,
    %get3A_1103 = vector.shape_cast %get3A_1102 : vector<1x16xi32> to vector<16xi32>
    %shift_right_arithmetic3A_1104 = arith.constant 7 : i32
    %shift_right_arithmetic3A_1105 = vector.broadcast %shift_right_arithmetic3A_1104 : i32 to vector<16xi32>
    %shift_right_arithmetic3A_1106 = arith.shrsi %get3A_1103, %shift_right_arithmetic3A_1105 : vector<16xi32>
    %shift_left3A_1107 = arith.constant 10 : i32
    %shift_left3A_1108 = vector.broadcast %shift_left3A_1107 : i32 to vector<16xi32>
    %shift_left3A_1109 = arith.shli %shift_right_arithmetic3A_1106, %shift_left3A_1108 : vector<16xi32>
    %and3A_1110 = arith.constant 127 : i32
    %and3A_1111 = vector.broadcast %and3A_1110 : i32 to vector<16xi32>
    %and3A_1112 = arith.andi %get3A_1103, %and3A_1111 : vector<16xi32>
    %add3A_1113 = arith.addi %shift_left3A_1109, %and3A_1112 : vector<16xi32>
    %swap3A_1114 = arith.constant 64 : index
    %swap3A_1115 = tpu.vector_load %arg6[%swap3A_1114] {strides = array<i32>} : memref<128xi32, #tpu.memory_space<vmem>>, vector<16xi32>,
    %swap3A_1116 = vector.shape_cast %swap3A_1115 : vector<16xi32> to vector<16xi32>
    %swap3A_1117 = vector.shape_cast %add3A_1113 : vector<16xi32> to vector<16xi32>
    tpu.vector_store %arg6[%swap3A_1114], %swap3A_1117 {strides = array<i32>} : memref<128xi32, #tpu.memory_space<vmem>>, vector<16xi32>,
    %get3A_1118 = arith.constant 6 : i32
    %get3A_1119 = arith.index_cast %get3A_1118 : i32 to index
    %get3A_1120 = arith.constant 80 : index
    %get3A_1121 = tpu.vector_load %arg5[%get3A_1119, %get3A_1120] {strides = array<i32>} : memref<10x128xi32, #tpu.memory_space<vmem>>, vector<1x16xi32>,
    %get3A_1122 = vector.shape_cast %get3A_1121 : vector<1x16xi32> to vector<16xi32>
    %shift_right_arithmetic3A_1123 = arith.constant 7 : i32
    %shift_right_arithmetic3A_1124 = vector.broadcast %shift_right_arithmetic3A_1123 : i32 to vector<16xi32>
    %shift_right_arithmetic3A_1125 = arith.shrsi %get3A_1122, %shift_right_arithmetic3A_1124 : vector<16xi32>
    %shift_left3A_1126 = arith.constant 10 : i32
    %shift_left3A_1127 = vector.broadcast %shift_left3A_1126 : i32 to vector<16xi32>
    %shift_left3A_1128 = arith.shli %shift_right_arithmetic3A_1125, %shift_left3A_1127 : vector<16xi32>
    %and3A_1129 = arith.constant 127 : i32
    %and3A_1130 = vector.broadcast %and3A_1129 : i32 to vector<16xi32>
    %and3A_1131 = arith.andi %get3A_1122, %and3A_1130 : vector<16xi32>
    %add3A_1132 = arith.addi %shift_left3A_1128, %and3A_1131 : vector<16xi32>
    %swap3A_1133 = arith.constant 80 : index
    %swap3A_1134 = tpu.vector_load %arg6[%swap3A_1133] {strides = array<i32>} : memref<128xi32, #tpu.memory_space<vmem>>, vector<16xi32>,
    %swap3A_1135 = vector.shape_cast %swap3A_1134 : vector<16xi32> to vector<16xi32>
    %swap3A_1136 = vector.shape_cast %add3A_1132 : vector<16xi32> to vector<16xi32>
    tpu.vector_store %arg6[%swap3A_1133], %swap3A_1136 {strides = array<i32>} : memref<128xi32, #tpu.memory_space<vmem>>, vector<16xi32>,
    %get3A_1137 = arith.constant 6 : i32
    %get3A_1138 = arith.index_cast %get3A_1137 : i32 to index
    %get3A_1139 = arith.constant 96 : index
    %get3A_1140 = tpu.vector_load %arg5[%get3A_1138, %get3A_1139] {strides = array<i32>} : memref<10x128xi32, #tpu.memory_space<vmem>>, vector<1x16xi32>,
    %get3A_1141 = vector.shape_cast %get3A_1140 : vector<1x16xi32> to vector<16xi32>
    %shift_right_arithmetic3A_1142 = arith.constant 7 : i32
    %shift_right_arithmetic3A_1143 = vector.broadcast %shift_right_arithmetic3A_1142 : i32 to vector<16xi32>
    %shift_right_arithmetic3A_1144 = arith.shrsi %get3A_1141, %shift_right_arithmetic3A_1143 : vector<16xi32>
    %shift_left3A_1145 = arith.constant 10 : i32
    %shift_left3A_1146 = vector.broadcast %shift_left3A_1145 : i32 to vector<16xi32>
    %shift_left3A_1147 = arith.shli %shift_right_arithmetic3A_1144, %shift_left3A_1146 : vector<16xi32>
    %and3A_1148 = arith.constant 127 : i32
    %and3A_1149 = vector.broadcast %and3A_1148 : i32 to vector<16xi32>
    %and3A_1150 = arith.andi %get3A_1141, %and3A_1149 : vector<16xi32>
    %add3A_1151 = arith.addi %shift_left3A_1147, %and3A_1150 : vector<16xi32>
    %swap3A_1152 = arith.constant 96 : index
    %swap3A_1153 = tpu.vector_load %arg6[%swap3A_1152] {strides = array<i32>} : memref<128xi32, #tpu.memory_space<vmem>>, vector<16xi32>,
    %swap3A_1154 = vector.shape_cast %swap3A_1153 : vector<16xi32> to vector<16xi32>
    %swap3A_1155 = vector.shape_cast %add3A_1151 : vector<16xi32> to vector<16xi32>
    tpu.vector_store %arg6[%swap3A_1152], %swap3A_1155 {strides = array<i32>} : memref<128xi32, #tpu.memory_space<vmem>>, vector<16xi32>,
    %get3A_1156 = arith.constant 6 : i32
    %get3A_1157 = arith.index_cast %get3A_1156 : i32 to index
    %get3A_1158 = arith.constant 112 : index
    %get3A_1159 = tpu.vector_load %arg5[%get3A_1157, %get3A_1158] {strides = array<i32>} : memref<10x128xi32, #tpu.memory_space<vmem>>, vector<1x16xi32>,
    %get3A_1160 = vector.shape_cast %get3A_1159 : vector<1x16xi32> to vector<16xi32>
    %shift_right_arithmetic3A_1161 = arith.constant 7 : i32
    %shift_right_arithmetic3A_1162 = vector.broadcast %shift_right_arithmetic3A_1161 : i32 to vector<16xi32>
    %shift_right_arithmetic3A_1163 = arith.shrsi %get3A_1160, %shift_right_arithmetic3A_1162 : vector<16xi32>
    %shift_left3A_1164 = arith.constant 10 : i32
    %shift_left3A_1165 = vector.broadcast %shift_left3A_1164 : i32 to vector<16xi32>
    %shift_left3A_1166 = arith.shli %shift_right_arithmetic3A_1163, %shift_left3A_1165 : vector<16xi32>
    %and3A_1167 = arith.constant 127 : i32
    %and3A_1168 = vector.broadcast %and3A_1167 : i32 to vector<16xi32>
    %and3A_1169 = arith.andi %get3A_1160, %and3A_1168 : vector<16xi32>
    %add3A_1170 = arith.addi %shift_left3A_1166, %and3A_1169 : vector<16xi32>
    %swap3A_1171 = arith.constant 112 : index
    %swap3A_1172 = tpu.vector_load %arg6[%swap3A_1171] {strides = array<i32>} : memref<128xi32, #tpu.memory_space<vmem>>, vector<16xi32>,
    %swap3A_1173 = vector.shape_cast %swap3A_1172 : vector<16xi32> to vector<16xi32>
    %swap3A_1174 = vector.shape_cast %add3A_1170 : vector<16xi32> to vector<16xi32>
    tpu.vector_store %arg6[%swap3A_1171], %swap3A_1174 {strides = array<i32>} : memref<128xi32, #tpu.memory_space<vmem>>, vector<16xi32>,
    %scan3A_1175 = arith.constant 0 : i32
    %scan3A_1176 = arith.constant 0 : i32
    %scan3A_1177 = arith.constant 64 : i32
    %scan3A_1178 = arith.addi %scan3A_1176, %scan3A_1177 : i32
    %scan3A_1179 = arith.constant 1 : i32
    scf.for %scan3A_1735 = %scan3A_1176 to %scan3A_1178 step %scan3A_1179  : i32 {
      %jit3A = arith.constant 8 : i32
      %div3A = arith.divsi %scan3A_1735, %jit3A : i32
      %sign3A = arith.constant 0 : i32
      %sign3A_1736 = arith.cmpi sgt, %scan3A_1735, %sign3A : i32
      %sign3A_1737 = arith.extui %sign3A_1736 : i1 to i32
      %sign3A_1738 = arith.constant 0 : i32
      %sign3A_1739 = arith.cmpi slt, %scan3A_1735, %sign3A_1738 : i32
      %sign3A_1740 = arith.extui %sign3A_1739 : i1 to i32
      %sign3A_1741 = arith.subi %sign3A_1737, %sign3A_1740 : i32
      %sign3A_1742 = arith.constant 0 : i32
      %sign3A_1743 = arith.cmpi sgt, %jit3A, %sign3A_1742 : i32
      %sign3A_1744 = arith.extui %sign3A_1743 : i1 to i32
      %sign3A_1745 = arith.constant 0 : i32
      %sign3A_1746 = arith.cmpi slt, %jit3A, %sign3A_1745 : i32
      %sign3A_1747 = arith.extui %sign3A_1746 : i1 to i32
      %sign3A_1748 = arith.subi %sign3A_1744, %sign3A_1747 : i32
      %ne3A = arith.cmpi ne, %sign3A_1741, %sign3A_1748 : i32
      %rem3A = arith.remsi %scan3A_1735, %jit3A : i32
      %ne3A_1749 = arith.constant 0 : i32
      %ne3A_1750 = arith.cmpi ne, %rem3A, %ne3A_1749 : i32
      %and3A_1751 = arith.andi %ne3A, %ne3A_1750 : i1
      %sub3A = arith.constant 1 : i32
      %sub3A_1752 = arith.subi %div3A, %sub3A : i32
      %select_n3A = arith.select %and3A_1751, %sub3A_1752, %div3A : i32
      %mul3A_1753 = arith.constant 8388608 : i32
      %mul3A_1754 = arith.muli %select_n3A, %mul3A_1753 : i32
      %jit3A_1755 = arith.constant 8 : i32
      %eq3A = arith.constant 0 : i32
      %eq3A_1756 = arith.cmpi eq, %jit3A_1755, %eq3A : i32
      %jit3A_1757 = arith.constant 1 : i32
      %select_n3A_1758 = arith.select %eq3A_1756, %jit3A_1757, %jit3A_1755 : i32
      %rem3A_1759 = arith.remsi %scan3A_1735, %select_n3A_1758 : i32
      %ne3A_1760 = arith.constant 0 : i32
      %ne3A_1761 = arith.cmpi ne, %rem3A_1759, %ne3A_1760 : i32
      %lt3A = arith.constant 0 : i32
      %lt3A_1762 = arith.cmpi slt, %rem3A_1759, %lt3A : i32
      %lt3A_1763 = arith.constant 0 : i32
      %lt3A_1764 = arith.cmpi slt, %select_n3A_1758, %lt3A_1763 : i32
      %ne3A_1765 = arith.xori %lt3A_1762, %lt3A_1764 : i1
      %and3A_1766 = arith.andi %ne3A_1765, %ne3A_1761 : i1
      %add3A_1767 = arith.addi %rem3A_1759, %select_n3A_1758 : i32
      %select_n3A_1768 = arith.select %and3A_1766, %add3A_1767, %rem3A_1759 : i32
      %mul3A_1769 = arith.constant 128 : i32
      %mul3A_1770 = arith.muli %select_n3A_1768, %mul3A_1769 : i32
      %add3A_1771 = arith.addi %mul3A_1754, %mul3A_1770 : i32
      %dma_start3A_1772 = arith.constant 0 : i32
      %dma_start3A_1773 = tpu.memref_slice %arg8[%scan3A_1735, %dma_start3A_1772] : memref<64x128xf32, #tpu.memory_space<vmem>> -> memref<1x128xf32, #tpu.memory_space<vmem>>
      %dma_start3A_1774 = tpu.memref_squeeze %dma_start3A_1773 : memref<1x128xf32, #tpu.memory_space<vmem>> -> memref<128xf32, #tpu.memory_space<vmem>>
      %dma_start3A_1775 = tpu.memref_slice %arg2[%add3A_1771] : memref<67108864xf32, #tpu.memory_space<hbm>> -> memref<8388608xf32, #tpu.memory_space<hbm>>
      %dma_start3A_1776 = arith.constant 0 : i32
      %dma_start3A_1777 = tpu.memref_slice %dma_start3A_1775[%dma_start3A_1776] : memref<8388608xf32, #tpu.memory_space<hbm>> -> memref<8388608xf32, #tpu.memory_space<hbm>>
      tpu.enqueue_indirect_dma source(%dma_start3A_1777 : memref<8388608xf32, #tpu.memory_space<hbm>>) target(%dma_start3A_1774 : memref<128xf32, #tpu.memory_space<vmem>>) offsets(%arg6 : memref<128xi32, #tpu.memory_space<vmem>>) semaphore(%arg10 : memref<!tpu.dma_semaphore, #tpu.memory_space<semaphore_mem>>)
    }
    %scan3A_1180 = arith.constant 64 : i32
    %dma_wait3A_1181 = arith.constant 0 : i32
    %dma_wait3A_1182 = arith.constant 0 : i32
    %dma_wait3A_1183 = tpu.memref_slice %arg4[%dma_wait3A_1181, %dma_wait3A_1182] : memref<64x40960xf32, #tpu.memory_space<hbm>> -> memref<64x128xf32, #tpu.memory_space<hbm>>
    %dma_wait3A_1184 = arith.constant 0 : i32
    %dma_wait3A_1185 = arith.constant 0 : i32
    %dma_wait3A_1186 = tpu.memref_slice %arg4[%dma_wait3A_1184, %dma_wait3A_1185] : memref<64x40960xf32, #tpu.memory_space<hbm>> -> memref<64x128xf32, #tpu.memory_space<hbm>>
    tpu.wait_dma2 semaphore(%arg11 : memref<!tpu.dma_semaphore, #tpu.memory_space<semaphore_mem>>) src(%dma_wait3A_1186 : memref<64x128xf32, #tpu.memory_space<hbm>>) dst(%arg9 : memref<64x128xf32, #tpu.memory_space<vmem>>)
    %add3A_1187 = arith.constant 640 : i32
    %add3A_1188 = arith.addi %mul3A_2, %add3A_1187 : i32
    %dma_start3A_1189 = arith.constant 0 : i32
    %dma_start3A_1190 = tpu.memref_slice %arg4[%dma_start3A_1189, %add3A_1188] : memref<64x40960xf32, #tpu.memory_space<hbm>> -> memref<64x128xf32, #tpu.memory_space<hbm>>
    %dma_start3A_1191 = arith.constant 0 : i32
    %dma_start3A_1192 = tpu.memref_slice %arg4[%dma_start3A_1191, %add3A_1188] : memref<64x40960xf32, #tpu.memory_space<hbm>> -> memref<64x128xf32, #tpu.memory_space<hbm>>
    tpu.enqueue_dma source(%arg9 : memref<64x128xf32, #tpu.memory_space<vmem>>) target(%dma_start3A_1192 : memref<64x128xf32, #tpu.memory_space<hbm>>) target_semaphore(%arg13 : memref<!tpu.dma_semaphore, #tpu.memory_space<semaphore_mem>>)
    %dma_wait3A_1193 = arith.constant 0 : i32
    %dma_wait3A_1194 = tpu.memref_slice %arg4[%dma_wait3A_1193, %add3A_1188] : memref<64x40960xf32, #tpu.memory_space<hbm>> -> memref<64x128xf32, #tpu.memory_space<hbm>>
    %dma_wait3A_1195 = arith.constant 0 : i32
    %dma_wait3A_1196 = tpu.memref_slice %arg4[%dma_wait3A_1195, %add3A_1188] : memref<64x40960xf32, #tpu.memory_space<hbm>> -> memref<64x128xf32, #tpu.memory_space<hbm>>
    tpu.wait_dma2 semaphore(%arg13 : memref<!tpu.dma_semaphore, #tpu.memory_space<semaphore_mem>>) src(%arg9 : memref<64x128xf32, #tpu.memory_space<vmem>>) dst(%dma_wait3A_1196 : memref<64x128xf32, #tpu.memory_space<hbm>>)
    %get3A_1197 = arith.constant 7 : i32
    %get3A_1198 = arith.index_cast %get3A_1197 : i32 to index
    %get3A_1199 = arith.constant 0 : index
    %get3A_1200 = tpu.vector_load %arg5[%get3A_1198, %get3A_1199] {strides = array<i32>} : memref<10x128xi32, #tpu.memory_space<vmem>>, vector<1x16xi32>,
    %get3A_1201 = vector.shape_cast %get3A_1200 : vector<1x16xi32> to vector<16xi32>
    %shift_right_arithmetic3A_1202 = arith.constant 7 : i32
    %shift_right_arithmetic3A_1203 = vector.broadcast %shift_right_arithmetic3A_1202 : i32 to vector<16xi32>
    %shift_right_arithmetic3A_1204 = arith.shrsi %get3A_1201, %shift_right_arithmetic3A_1203 : vector<16xi32>
    %shift_left3A_1205 = arith.constant 10 : i32
    %shift_left3A_1206 = vector.broadcast %shift_left3A_1205 : i32 to vector<16xi32>
    %shift_left3A_1207 = arith.shli %shift_right_arithmetic3A_1204, %shift_left3A_1206 : vector<16xi32>
    %and3A_1208 = arith.constant 127 : i32
    %and3A_1209 = vector.broadcast %and3A_1208 : i32 to vector<16xi32>
    %and3A_1210 = arith.andi %get3A_1201, %and3A_1209 : vector<16xi32>
    %add3A_1211 = arith.addi %shift_left3A_1207, %and3A_1210 : vector<16xi32>
    %swap3A_1212 = arith.constant 0 : index
    %swap3A_1213 = tpu.vector_load %arg7[%swap3A_1212] {strides = array<i32>} : memref<128xi32, #tpu.memory_space<vmem>>, vector<16xi32>,
    %swap3A_1214 = vector.shape_cast %swap3A_1213 : vector<16xi32> to vector<16xi32>
    %swap3A_1215 = vector.shape_cast %add3A_1211 : vector<16xi32> to vector<16xi32>
    tpu.vector_store %arg7[%swap3A_1212], %swap3A_1215 {strides = array<i32>} : memref<128xi32, #tpu.memory_space<vmem>>, vector<16xi32>,
    %get3A_1216 = arith.constant 7 : i32
    %get3A_1217 = arith.index_cast %get3A_1216 : i32 to index
    %get3A_1218 = arith.constant 16 : index
    %get3A_1219 = tpu.vector_load %arg5[%get3A_1217, %get3A_1218] {strides = array<i32>} : memref<10x128xi32, #tpu.memory_space<vmem>>, vector<1x16xi32>,
    %get3A_1220 = vector.shape_cast %get3A_1219 : vector<1x16xi32> to vector<16xi32>
    %shift_right_arithmetic3A_1221 = arith.constant 7 : i32
    %shift_right_arithmetic3A_1222 = vector.broadcast %shift_right_arithmetic3A_1221 : i32 to vector<16xi32>
    %shift_right_arithmetic3A_1223 = arith.shrsi %get3A_1220, %shift_right_arithmetic3A_1222 : vector<16xi32>
    %shift_left3A_1224 = arith.constant 10 : i32
    %shift_left3A_1225 = vector.broadcast %shift_left3A_1224 : i32 to vector<16xi32>
    %shift_left3A_1226 = arith.shli %shift_right_arithmetic3A_1223, %shift_left3A_1225 : vector<16xi32>
    %and3A_1227 = arith.constant 127 : i32
    %and3A_1228 = vector.broadcast %and3A_1227 : i32 to vector<16xi32>
    %and3A_1229 = arith.andi %get3A_1220, %and3A_1228 : vector<16xi32>
    %add3A_1230 = arith.addi %shift_left3A_1226, %and3A_1229 : vector<16xi32>
    %swap3A_1231 = arith.constant 16 : index
    %swap3A_1232 = tpu.vector_load %arg7[%swap3A_1231] {strides = array<i32>} : memref<128xi32, #tpu.memory_space<vmem>>, vector<16xi32>,
    %swap3A_1233 = vector.shape_cast %swap3A_1232 : vector<16xi32> to vector<16xi32>
    %swap3A_1234 = vector.shape_cast %add3A_1230 : vector<16xi32> to vector<16xi32>
    tpu.vector_store %arg7[%swap3A_1231], %swap3A_1234 {strides = array<i32>} : memref<128xi32, #tpu.memory_space<vmem>>, vector<16xi32>,
    %get3A_1235 = arith.constant 7 : i32
    %get3A_1236 = arith.index_cast %get3A_1235 : i32 to index
    %get3A_1237 = arith.constant 32 : index
    %get3A_1238 = tpu.vector_load %arg5[%get3A_1236, %get3A_1237] {strides = array<i32>} : memref<10x128xi32, #tpu.memory_space<vmem>>, vector<1x16xi32>,
    %get3A_1239 = vector.shape_cast %get3A_1238 : vector<1x16xi32> to vector<16xi32>
    %shift_right_arithmetic3A_1240 = arith.constant 7 : i32
    %shift_right_arithmetic3A_1241 = vector.broadcast %shift_right_arithmetic3A_1240 : i32 to vector<16xi32>
    %shift_right_arithmetic3A_1242 = arith.shrsi %get3A_1239, %shift_right_arithmetic3A_1241 : vector<16xi32>
    %shift_left3A_1243 = arith.constant 10 : i32
    %shift_left3A_1244 = vector.broadcast %shift_left3A_1243 : i32 to vector<16xi32>
    %shift_left3A_1245 = arith.shli %shift_right_arithmetic3A_1242, %shift_left3A_1244 : vector<16xi32>
    %and3A_1246 = arith.constant 127 : i32
    %and3A_1247 = vector.broadcast %and3A_1246 : i32 to vector<16xi32>
    %and3A_1248 = arith.andi %get3A_1239, %and3A_1247 : vector<16xi32>
    %add3A_1249 = arith.addi %shift_left3A_1245, %and3A_1248 : vector<16xi32>
    %swap3A_1250 = arith.constant 32 : index
    %swap3A_1251 = tpu.vector_load %arg7[%swap3A_1250] {strides = array<i32>} : memref<128xi32, #tpu.memory_space<vmem>>, vector<16xi32>,
    %swap3A_1252 = vector.shape_cast %swap3A_1251 : vector<16xi32> to vector<16xi32>
    %swap3A_1253 = vector.shape_cast %add3A_1249 : vector<16xi32> to vector<16xi32>
    tpu.vector_store %arg7[%swap3A_1250], %swap3A_1253 {strides = array<i32>} : memref<128xi32, #tpu.memory_space<vmem>>, vector<16xi32>,
    %get3A_1254 = arith.constant 7 : i32
    %get3A_1255 = arith.index_cast %get3A_1254 : i32 to index
    %get3A_1256 = arith.constant 48 : index
    %get3A_1257 = tpu.vector_load %arg5[%get3A_1255, %get3A_1256] {strides = array<i32>} : memref<10x128xi32, #tpu.memory_space<vmem>>, vector<1x16xi32>,
    %get3A_1258 = vector.shape_cast %get3A_1257 : vector<1x16xi32> to vector<16xi32>
    %shift_right_arithmetic3A_1259 = arith.constant 7 : i32
    %shift_right_arithmetic3A_1260 = vector.broadcast %shift_right_arithmetic3A_1259 : i32 to vector<16xi32>
    %shift_right_arithmetic3A_1261 = arith.shrsi %get3A_1258, %shift_right_arithmetic3A_1260 : vector<16xi32>
    %shift_left3A_1262 = arith.constant 10 : i32
    %shift_left3A_1263 = vector.broadcast %shift_left3A_1262 : i32 to vector<16xi32>
    %shift_left3A_1264 = arith.shli %shift_right_arithmetic3A_1261, %shift_left3A_1263 : vector<16xi32>
    %and3A_1265 = arith.constant 127 : i32
    %and3A_1266 = vector.broadcast %and3A_1265 : i32 to vector<16xi32>
    %and3A_1267 = arith.andi %get3A_1258, %and3A_1266 : vector<16xi32>
    %add3A_1268 = arith.addi %shift_left3A_1264, %and3A_1267 : vector<16xi32>
    %swap3A_1269 = arith.constant 48 : index
    %swap3A_1270 = tpu.vector_load %arg7[%swap3A_1269] {strides = array<i32>} : memref<128xi32, #tpu.memory_space<vmem>>, vector<16xi32>,
    %swap3A_1271 = vector.shape_cast %swap3A_1270 : vector<16xi32> to vector<16xi32>
    %swap3A_1272 = vector.shape_cast %add3A_1268 : vector<16xi32> to vector<16xi32>
    tpu.vector_store %arg7[%swap3A_1269], %swap3A_1272 {strides = array<i32>} : memref<128xi32, #tpu.memory_space<vmem>>, vector<16xi32>,
    %get3A_1273 = arith.constant 7 : i32
    %get3A_1274 = arith.index_cast %get3A_1273 : i32 to index
    %get3A_1275 = arith.constant 64 : index
    %get3A_1276 = tpu.vector_load %arg5[%get3A_1274, %get3A_1275] {strides = array<i32>} : memref<10x128xi32, #tpu.memory_space<vmem>>, vector<1x16xi32>,
    %get3A_1277 = vector.shape_cast %get3A_1276 : vector<1x16xi32> to vector<16xi32>
    %shift_right_arithmetic3A_1278 = arith.constant 7 : i32
    %shift_right_arithmetic3A_1279 = vector.broadcast %shift_right_arithmetic3A_1278 : i32 to vector<16xi32>
    %shift_right_arithmetic3A_1280 = arith.shrsi %get3A_1277, %shift_right_arithmetic3A_1279 : vector<16xi32>
    %shift_left3A_1281 = arith.constant 10 : i32
    %shift_left3A_1282 = vector.broadcast %shift_left3A_1281 : i32 to vector<16xi32>
    %shift_left3A_1283 = arith.shli %shift_right_arithmetic3A_1280, %shift_left3A_1282 : vector<16xi32>
    %and3A_1284 = arith.constant 127 : i32
    %and3A_1285 = vector.broadcast %and3A_1284 : i32 to vector<16xi32>
    %and3A_1286 = arith.andi %get3A_1277, %and3A_1285 : vector<16xi32>
    %add3A_1287 = arith.addi %shift_left3A_1283, %and3A_1286 : vector<16xi32>
    %swap3A_1288 = arith.constant 64 : index
    %swap3A_1289 = tpu.vector_load %arg7[%swap3A_1288] {strides = array<i32>} : memref<128xi32, #tpu.memory_space<vmem>>, vector<16xi32>,
    %swap3A_1290 = vector.shape_cast %swap3A_1289 : vector<16xi32> to vector<16xi32>
    %swap3A_1291 = vector.shape_cast %add3A_1287 : vector<16xi32> to vector<16xi32>
    tpu.vector_store %arg7[%swap3A_1288], %swap3A_1291 {strides = array<i32>} : memref<128xi32, #tpu.memory_space<vmem>>, vector<16xi32>,
    %get3A_1292 = arith.constant 7 : i32
    %get3A_1293 = arith.index_cast %get3A_1292 : i32 to index
    %get3A_1294 = arith.constant 80 : index
    %get3A_1295 = tpu.vector_load %arg5[%get3A_1293, %get3A_1294] {strides = array<i32>} : memref<10x128xi32, #tpu.memory_space<vmem>>, vector<1x16xi32>,
    %get3A_1296 = vector.shape_cast %get3A_1295 : vector<1x16xi32> to vector<16xi32>
    %shift_right_arithmetic3A_1297 = arith.constant 7 : i32
    %shift_right_arithmetic3A_1298 = vector.broadcast %shift_right_arithmetic3A_1297 : i32 to vector<16xi32>
    %shift_right_arithmetic3A_1299 = arith.shrsi %get3A_1296, %shift_right_arithmetic3A_1298 : vector<16xi32>
    %shift_left3A_1300 = arith.constant 10 : i32
    %shift_left3A_1301 = vector.broadcast %shift_left3A_1300 : i32 to vector<16xi32>
    %shift_left3A_1302 = arith.shli %shift_right_arithmetic3A_1299, %shift_left3A_1301 : vector<16xi32>
    %and3A_1303 = arith.constant 127 : i32
    %and3A_1304 = vector.broadcast %and3A_1303 : i32 to vector<16xi32>
    %and3A_1305 = arith.andi %get3A_1296, %and3A_1304 : vector<16xi32>
    %add3A_1306 = arith.addi %shift_left3A_1302, %and3A_1305 : vector<16xi32>
    %swap3A_1307 = arith.constant 80 : index
    %swap3A_1308 = tpu.vector_load %arg7[%swap3A_1307] {strides = array<i32>} : memref<128xi32, #tpu.memory_space<vmem>>, vector<16xi32>,
    %swap3A_1309 = vector.shape_cast %swap3A_1308 : vector<16xi32> to vector<16xi32>
    %swap3A_1310 = vector.shape_cast %add3A_1306 : vector<16xi32> to vector<16xi32>
    tpu.vector_store %arg7[%swap3A_1307], %swap3A_1310 {strides = array<i32>} : memref<128xi32, #tpu.memory_space<vmem>>, vector<16xi32>,
    %get3A_1311 = arith.constant 7 : i32
    %get3A_1312 = arith.index_cast %get3A_1311 : i32 to index
    %get3A_1313 = arith.constant 96 : index
    %get3A_1314 = tpu.vector_load %arg5[%get3A_1312, %get3A_1313] {strides = array<i32>} : memref<10x128xi32, #tpu.memory_space<vmem>>, vector<1x16xi32>,
    %get3A_1315 = vector.shape_cast %get3A_1314 : vector<1x16xi32> to vector<16xi32>
    %shift_right_arithmetic3A_1316 = arith.constant 7 : i32
    %shift_right_arithmetic3A_1317 = vector.broadcast %shift_right_arithmetic3A_1316 : i32 to vector<16xi32>
    %shift_right_arithmetic3A_1318 = arith.shrsi %get3A_1315, %shift_right_arithmetic3A_1317 : vector<16xi32>
    %shift_left3A_1319 = arith.constant 10 : i32
    %shift_left3A_1320 = vector.broadcast %shift_left3A_1319 : i32 to vector<16xi32>
    %shift_left3A_1321 = arith.shli %shift_right_arithmetic3A_1318, %shift_left3A_1320 : vector<16xi32>
    %and3A_1322 = arith.constant 127 : i32
    %and3A_1323 = vector.broadcast %and3A_1322 : i32 to vector<16xi32>
    %and3A_1324 = arith.andi %get3A_1315, %and3A_1323 : vector<16xi32>
    %add3A_1325 = arith.addi %shift_left3A_1321, %and3A_1324 : vector<16xi32>
    %swap3A_1326 = arith.constant 96 : index
    %swap3A_1327 = tpu.vector_load %arg7[%swap3A_1326] {strides = array<i32>} : memref<128xi32, #tpu.memory_space<vmem>>, vector<16xi32>,
    %swap3A_1328 = vector.shape_cast %swap3A_1327 : vector<16xi32> to vector<16xi32>
    %swap3A_1329 = vector.shape_cast %add3A_1325 : vector<16xi32> to vector<16xi32>
    tpu.vector_store %arg7[%swap3A_1326], %swap3A_1329 {strides = array<i32>} : memref<128xi32, #tpu.memory_space<vmem>>, vector<16xi32>,
    %get3A_1330 = arith.constant 7 : i32
    %get3A_1331 = arith.index_cast %get3A_1330 : i32 to index
    %get3A_1332 = arith.constant 112 : index
    %get3A_1333 = tpu.vector_load %arg5[%get3A_1331, %get3A_1332] {strides = array<i32>} : memref<10x128xi32, #tpu.memory_space<vmem>>, vector<1x16xi32>,
    %get3A_1334 = vector.shape_cast %get3A_1333 : vector<1x16xi32> to vector<16xi32>
    %shift_right_arithmetic3A_1335 = arith.constant 7 : i32
    %shift_right_arithmetic3A_1336 = vector.broadcast %shift_right_arithmetic3A_1335 : i32 to vector<16xi32>
    %shift_right_arithmetic3A_1337 = arith.shrsi %get3A_1334, %shift_right_arithmetic3A_1336 : vector<16xi32>
    %shift_left3A_1338 = arith.constant 10 : i32
    %shift_left3A_1339 = vector.broadcast %shift_left3A_1338 : i32 to vector<16xi32>
    %shift_left3A_1340 = arith.shli %shift_right_arithmetic3A_1337, %shift_left3A_1339 : vector<16xi32>
    %and3A_1341 = arith.constant 127 : i32
    %and3A_1342 = vector.broadcast %and3A_1341 : i32 to vector<16xi32>
    %and3A_1343 = arith.andi %get3A_1334, %and3A_1342 : vector<16xi32>
    %add3A_1344 = arith.addi %shift_left3A_1340, %and3A_1343 : vector<16xi32>
    %swap3A_1345 = arith.constant 112 : index
    %swap3A_1346 = tpu.vector_load %arg7[%swap3A_1345] {strides = array<i32>} : memref<128xi32, #tpu.memory_space<vmem>>, vector<16xi32>,
    %swap3A_1347 = vector.shape_cast %swap3A_1346 : vector<16xi32> to vector<16xi32>
    %swap3A_1348 = vector.shape_cast %add3A_1344 : vector<16xi32> to vector<16xi32>
    tpu.vector_store %arg7[%swap3A_1345], %swap3A_1348 {strides = array<i32>} : memref<128xi32, #tpu.memory_space<vmem>>, vector<16xi32>,
    %scan3A_1349 = arith.constant 0 : i32
    %scan3A_1350 = arith.constant 0 : i32
    %scan3A_1351 = arith.constant 64 : i32
    %scan3A_1352 = arith.addi %scan3A_1350, %scan3A_1351 : i32
    %scan3A_1353 = arith.constant 1 : i32
    scf.for %scan3A_1735 = %scan3A_1350 to %scan3A_1352 step %scan3A_1353  : i32 {
      %jit3A = arith.constant 8 : i32
      %div3A = arith.divsi %scan3A_1735, %jit3A : i32
      %sign3A = arith.constant 0 : i32
      %sign3A_1736 = arith.cmpi sgt, %scan3A_1735, %sign3A : i32
      %sign3A_1737 = arith.extui %sign3A_1736 : i1 to i32
      %sign3A_1738 = arith.constant 0 : i32
      %sign3A_1739 = arith.cmpi slt, %scan3A_1735, %sign3A_1738 : i32
      %sign3A_1740 = arith.extui %sign3A_1739 : i1 to i32
      %sign3A_1741 = arith.subi %sign3A_1737, %sign3A_1740 : i32
      %sign3A_1742 = arith.constant 0 : i32
      %sign3A_1743 = arith.cmpi sgt, %jit3A, %sign3A_1742 : i32
      %sign3A_1744 = arith.extui %sign3A_1743 : i1 to i32
      %sign3A_1745 = arith.constant 0 : i32
      %sign3A_1746 = arith.cmpi slt, %jit3A, %sign3A_1745 : i32
      %sign3A_1747 = arith.extui %sign3A_1746 : i1 to i32
      %sign3A_1748 = arith.subi %sign3A_1744, %sign3A_1747 : i32
      %ne3A = arith.cmpi ne, %sign3A_1741, %sign3A_1748 : i32
      %rem3A = arith.remsi %scan3A_1735, %jit3A : i32
      %ne3A_1749 = arith.constant 0 : i32
      %ne3A_1750 = arith.cmpi ne, %rem3A, %ne3A_1749 : i32
      %and3A_1751 = arith.andi %ne3A, %ne3A_1750 : i1
      %sub3A = arith.constant 1 : i32
      %sub3A_1752 = arith.subi %div3A, %sub3A : i32
      %select_n3A = arith.select %and3A_1751, %sub3A_1752, %div3A : i32
      %mul3A_1753 = arith.constant 8388608 : i32
      %mul3A_1754 = arith.muli %select_n3A, %mul3A_1753 : i32
      %jit3A_1755 = arith.constant 8 : i32
      %eq3A = arith.constant 0 : i32
      %eq3A_1756 = arith.cmpi eq, %jit3A_1755, %eq3A : i32
      %jit3A_1757 = arith.constant 1 : i32
      %select_n3A_1758 = arith.select %eq3A_1756, %jit3A_1757, %jit3A_1755 : i32
      %rem3A_1759 = arith.remsi %scan3A_1735, %select_n3A_1758 : i32
      %ne3A_1760 = arith.constant 0 : i32
      %ne3A_1761 = arith.cmpi ne, %rem3A_1759, %ne3A_1760 : i32
      %lt3A = arith.constant 0 : i32
      %lt3A_1762 = arith.cmpi slt, %rem3A_1759, %lt3A : i32
      %lt3A_1763 = arith.constant 0 : i32
      %lt3A_1764 = arith.cmpi slt, %select_n3A_1758, %lt3A_1763 : i32
      %ne3A_1765 = arith.xori %lt3A_1762, %lt3A_1764 : i1
      %and3A_1766 = arith.andi %ne3A_1765, %ne3A_1761 : i1
      %add3A_1767 = arith.addi %rem3A_1759, %select_n3A_1758 : i32
      %select_n3A_1768 = arith.select %and3A_1766, %add3A_1767, %rem3A_1759 : i32
      %mul3A_1769 = arith.constant 128 : i32
      %mul3A_1770 = arith.muli %select_n3A_1768, %mul3A_1769 : i32
      %add3A_1771 = arith.addi %mul3A_1754, %mul3A_1770 : i32
      %dma_start3A_1772 = arith.constant 0 : i32
      %dma_start3A_1773 = tpu.memref_slice %arg9[%scan3A_1735, %dma_start3A_1772] : memref<64x128xf32, #tpu.memory_space<vmem>> -> memref<1x128xf32, #tpu.memory_space<vmem>>
      %dma_start3A_1774 = tpu.memref_squeeze %dma_start3A_1773 : memref<1x128xf32, #tpu.memory_space<vmem>> -> memref<128xf32, #tpu.memory_space<vmem>>
      %dma_start3A_1775 = tpu.memref_slice %arg2[%add3A_1771] : memref<67108864xf32, #tpu.memory_space<hbm>> -> memref<8388608xf32, #tpu.memory_space<hbm>>
      %dma_start3A_1776 = arith.constant 0 : i32
      %dma_start3A_1777 = tpu.memref_slice %dma_start3A_1775[%dma_start3A_1776] : memref<8388608xf32, #tpu.memory_space<hbm>> -> memref<8388608xf32, #tpu.memory_space<hbm>>
      tpu.enqueue_indirect_dma source(%dma_start3A_1777 : memref<8388608xf32, #tpu.memory_space<hbm>>) target(%dma_start3A_1774 : memref<128xf32, #tpu.memory_space<vmem>>) offsets(%arg7 : memref<128xi32, #tpu.memory_space<vmem>>) semaphore(%arg11 : memref<!tpu.dma_semaphore, #tpu.memory_space<semaphore_mem>>)
    }
    %scan3A_1354 = arith.constant 64 : i32
    %dma_wait3A_1355 = arith.constant 0 : i32
    %dma_wait3A_1356 = arith.constant 0 : i32
    %dma_wait3A_1357 = tpu.memref_slice %arg4[%dma_wait3A_1355, %dma_wait3A_1356] : memref<64x40960xf32, #tpu.memory_space<hbm>> -> memref<64x128xf32, #tpu.memory_space<hbm>>
    %dma_wait3A_1358 = arith.constant 0 : i32
    %dma_wait3A_1359 = arith.constant 0 : i32
    %dma_wait3A_1360 = tpu.memref_slice %arg4[%dma_wait3A_1358, %dma_wait3A_1359] : memref<64x40960xf32, #tpu.memory_space<hbm>> -> memref<64x128xf32, #tpu.memory_space<hbm>>
    tpu.wait_dma2 semaphore(%arg10 : memref<!tpu.dma_semaphore, #tpu.memory_space<semaphore_mem>>) src(%dma_wait3A_1360 : memref<64x128xf32, #tpu.memory_space<hbm>>) dst(%arg8 : memref<64x128xf32, #tpu.memory_space<vmem>>)
    %add3A_1361 = arith.constant 768 : i32
    %add3A_1362 = arith.addi %mul3A_2, %add3A_1361 : i32
    %dma_start3A_1363 = arith.constant 0 : i32
    %dma_start3A_1364 = tpu.memref_slice %arg4[%dma_start3A_1363, %add3A_1362] : memref<64x40960xf32, #tpu.memory_space<hbm>> -> memref<64x128xf32, #tpu.memory_space<hbm>>
    %dma_start3A_1365 = arith.constant 0 : i32
    %dma_start3A_1366 = tpu.memref_slice %arg4[%dma_start3A_1365, %add3A_1362] : memref<64x40960xf32, #tpu.memory_space<hbm>> -> memref<64x128xf32, #tpu.memory_space<hbm>>
    tpu.enqueue_dma source(%arg8 : memref<64x128xf32, #tpu.memory_space<vmem>>) target(%dma_start3A_1366 : memref<64x128xf32, #tpu.memory_space<hbm>>) target_semaphore(%arg12 : memref<!tpu.dma_semaphore, #tpu.memory_space<semaphore_mem>>)
    %dma_wait3A_1367 = arith.constant 0 : i32
    %dma_wait3A_1368 = tpu.memref_slice %arg4[%dma_wait3A_1367, %add3A_1362] : memref<64x40960xf32, #tpu.memory_space<hbm>> -> memref<64x128xf32, #tpu.memory_space<hbm>>
    %dma_wait3A_1369 = arith.constant 0 : i32
    %dma_wait3A_1370 = tpu.memref_slice %arg4[%dma_wait3A_1369, %add3A_1362] : memref<64x40960xf32, #tpu.memory_space<hbm>> -> memref<64x128xf32, #tpu.memory_space<hbm>>
    tpu.wait_dma2 semaphore(%arg12 : memref<!tpu.dma_semaphore, #tpu.memory_space<semaphore_mem>>) src(%arg8 : memref<64x128xf32, #tpu.memory_space<vmem>>) dst(%dma_wait3A_1370 : memref<64x128xf32, #tpu.memory_space<hbm>>)
    %get3A_1371 = arith.constant 8 : i32
    %get3A_1372 = arith.index_cast %get3A_1371 : i32 to index
    %get3A_1373 = arith.constant 0 : index
    %get3A_1374 = tpu.vector_load %arg5[%get3A_1372, %get3A_1373] {strides = array<i32>} : memref<10x128xi32, #tpu.memory_space<vmem>>, vector<1x16xi32>,
    %get3A_1375 = vector.shape_cast %get3A_1374 : vector<1x16xi32> to vector<16xi32>
    %shift_right_arithmetic3A_1376 = arith.constant 7 : i32
    %shift_right_arithmetic3A_1377 = vector.broadcast %shift_right_arithmetic3A_1376 : i32 to vector<16xi32>
    %shift_right_arithmetic3A_1378 = arith.shrsi %get3A_1375, %shift_right_arithmetic3A_1377 : vector<16xi32>
    %shift_left3A_1379 = arith.constant 10 : i32
    %shift_left3A_1380 = vector.broadcast %shift_left3A_1379 : i32 to vector<16xi32>
    %shift_left3A_1381 = arith.shli %shift_right_arithmetic3A_1378, %shift_left3A_1380 : vector<16xi32>
    %and3A_1382 = arith.constant 127 : i32
    %and3A_1383 = vector.broadcast %and3A_1382 : i32 to vector<16xi32>
    %and3A_1384 = arith.andi %get3A_1375, %and3A_1383 : vector<16xi32>
    %add3A_1385 = arith.addi %shift_left3A_1381, %and3A_1384 : vector<16xi32>
    %swap3A_1386 = arith.constant 0 : index
    %swap3A_1387 = tpu.vector_load %arg6[%swap3A_1386] {strides = array<i32>} : memref<128xi32, #tpu.memory_space<vmem>>, vector<16xi32>,
    %swap3A_1388 = vector.shape_cast %swap3A_1387 : vector<16xi32> to vector<16xi32>
    %swap3A_1389 = vector.shape_cast %add3A_1385 : vector<16xi32> to vector<16xi32>
    tpu.vector_store %arg6[%swap3A_1386], %swap3A_1389 {strides = array<i32>} : memref<128xi32, #tpu.memory_space<vmem>>, vector<16xi32>,
    %get3A_1390 = arith.constant 8 : i32
    %get3A_1391 = arith.index_cast %get3A_1390 : i32 to index
    %get3A_1392 = arith.constant 16 : index
    %get3A_1393 = tpu.vector_load %arg5[%get3A_1391, %get3A_1392] {strides = array<i32>} : memref<10x128xi32, #tpu.memory_space<vmem>>, vector<1x16xi32>,
    %get3A_1394 = vector.shape_cast %get3A_1393 : vector<1x16xi32> to vector<16xi32>
    %shift_right_arithmetic3A_1395 = arith.constant 7 : i32
    %shift_right_arithmetic3A_1396 = vector.broadcast %shift_right_arithmetic3A_1395 : i32 to vector<16xi32>
    %shift_right_arithmetic3A_1397 = arith.shrsi %get3A_1394, %shift_right_arithmetic3A_1396 : vector<16xi32>
    %shift_left3A_1398 = arith.constant 10 : i32
    %shift_left3A_1399 = vector.broadcast %shift_left3A_1398 : i32 to vector<16xi32>
    %shift_left3A_1400 = arith.shli %shift_right_arithmetic3A_1397, %shift_left3A_1399 : vector<16xi32>
    %and3A_1401 = arith.constant 127 : i32
    %and3A_1402 = vector.broadcast %and3A_1401 : i32 to vector<16xi32>
    %and3A_1403 = arith.andi %get3A_1394, %and3A_1402 : vector<16xi32>
    %add3A_1404 = arith.addi %shift_left3A_1400, %and3A_1403 : vector<16xi32>
    %swap3A_1405 = arith.constant 16 : index
    %swap3A_1406 = tpu.vector_load %arg6[%swap3A_1405] {strides = array<i32>} : memref<128xi32, #tpu.memory_space<vmem>>, vector<16xi32>,
    %swap3A_1407 = vector.shape_cast %swap3A_1406 : vector<16xi32> to vector<16xi32>
    %swap3A_1408 = vector.shape_cast %add3A_1404 : vector<16xi32> to vector<16xi32>
    tpu.vector_store %arg6[%swap3A_1405], %swap3A_1408 {strides = array<i32>} : memref<128xi32, #tpu.memory_space<vmem>>, vector<16xi32>,
    %get3A_1409 = arith.constant 8 : i32
    %get3A_1410 = arith.index_cast %get3A_1409 : i32 to index
    %get3A_1411 = arith.constant 32 : index
    %get3A_1412 = tpu.vector_load %arg5[%get3A_1410, %get3A_1411] {strides = array<i32>} : memref<10x128xi32, #tpu.memory_space<vmem>>, vector<1x16xi32>,
    %get3A_1413 = vector.shape_cast %get3A_1412 : vector<1x16xi32> to vector<16xi32>
    %shift_right_arithmetic3A_1414 = arith.constant 7 : i32
    %shift_right_arithmetic3A_1415 = vector.broadcast %shift_right_arithmetic3A_1414 : i32 to vector<16xi32>
    %shift_right_arithmetic3A_1416 = arith.shrsi %get3A_1413, %shift_right_arithmetic3A_1415 : vector<16xi32>
    %shift_left3A_1417 = arith.constant 10 : i32
    %shift_left3A_1418 = vector.broadcast %shift_left3A_1417 : i32 to vector<16xi32>
    %shift_left3A_1419 = arith.shli %shift_right_arithmetic3A_1416, %shift_left3A_1418 : vector<16xi32>
    %and3A_1420 = arith.constant 127 : i32
    %and3A_1421 = vector.broadcast %and3A_1420 : i32 to vector<16xi32>
    %and3A_1422 = arith.andi %get3A_1413, %and3A_1421 : vector<16xi32>
    %add3A_1423 = arith.addi %shift_left3A_1419, %and3A_1422 : vector<16xi32>
    %swap3A_1424 = arith.constant 32 : index
    %swap3A_1425 = tpu.vector_load %arg6[%swap3A_1424] {strides = array<i32>} : memref<128xi32, #tpu.memory_space<vmem>>, vector<16xi32>,
    %swap3A_1426 = vector.shape_cast %swap3A_1425 : vector<16xi32> to vector<16xi32>
    %swap3A_1427 = vector.shape_cast %add3A_1423 : vector<16xi32> to vector<16xi32>
    tpu.vector_store %arg6[%swap3A_1424], %swap3A_1427 {strides = array<i32>} : memref<128xi32, #tpu.memory_space<vmem>>, vector<16xi32>,
    %get3A_1428 = arith.constant 8 : i32
    %get3A_1429 = arith.index_cast %get3A_1428 : i32 to index
    %get3A_1430 = arith.constant 48 : index
    %get3A_1431 = tpu.vector_load %arg5[%get3A_1429, %get3A_1430] {strides = array<i32>} : memref<10x128xi32, #tpu.memory_space<vmem>>, vector<1x16xi32>,
    %get3A_1432 = vector.shape_cast %get3A_1431 : vector<1x16xi32> to vector<16xi32>
    %shift_right_arithmetic3A_1433 = arith.constant 7 : i32
    %shift_right_arithmetic3A_1434 = vector.broadcast %shift_right_arithmetic3A_1433 : i32 to vector<16xi32>
    %shift_right_arithmetic3A_1435 = arith.shrsi %get3A_1432, %shift_right_arithmetic3A_1434 : vector<16xi32>
    %shift_left3A_1436 = arith.constant 10 : i32
    %shift_left3A_1437 = vector.broadcast %shift_left3A_1436 : i32 to vector<16xi32>
    %shift_left3A_1438 = arith.shli %shift_right_arithmetic3A_1435, %shift_left3A_1437 : vector<16xi32>
    %and3A_1439 = arith.constant 127 : i32
    %and3A_1440 = vector.broadcast %and3A_1439 : i32 to vector<16xi32>
    %and3A_1441 = arith.andi %get3A_1432, %and3A_1440 : vector<16xi32>
    %add3A_1442 = arith.addi %shift_left3A_1438, %and3A_1441 : vector<16xi32>
    %swap3A_1443 = arith.constant 48 : index
    %swap3A_1444 = tpu.vector_load %arg6[%swap3A_1443] {strides = array<i32>} : memref<128xi32, #tpu.memory_space<vmem>>, vector<16xi32>,
    %swap3A_1445 = vector.shape_cast %swap3A_1444 : vector<16xi32> to vector<16xi32>
    %swap3A_1446 = vector.shape_cast %add3A_1442 : vector<16xi32> to vector<16xi32>
    tpu.vector_store %arg6[%swap3A_1443], %swap3A_1446 {strides = array<i32>} : memref<128xi32, #tpu.memory_space<vmem>>, vector<16xi32>,
    %get3A_1447 = arith.constant 8 : i32
    %get3A_1448 = arith.index_cast %get3A_1447 : i32 to index
    %get3A_1449 = arith.constant 64 : index
    %get3A_1450 = tpu.vector_load %arg5[%get3A_1448, %get3A_1449] {strides = array<i32>} : memref<10x128xi32, #tpu.memory_space<vmem>>, vector<1x16xi32>,
    %get3A_1451 = vector.shape_cast %get3A_1450 : vector<1x16xi32> to vector<16xi32>
    %shift_right_arithmetic3A_1452 = arith.constant 7 : i32
    %shift_right_arithmetic3A_1453 = vector.broadcast %shift_right_arithmetic3A_1452 : i32 to vector<16xi32>
    %shift_right_arithmetic3A_1454 = arith.shrsi %get3A_1451, %shift_right_arithmetic3A_1453 : vector<16xi32>
    %shift_left3A_1455 = arith.constant 10 : i32
    %shift_left3A_1456 = vector.broadcast %shift_left3A_1455 : i32 to vector<16xi32>
    %shift_left3A_1457 = arith.shli %shift_right_arithmetic3A_1454, %shift_left3A_1456 : vector<16xi32>
    %and3A_1458 = arith.constant 127 : i32
    %and3A_1459 = vector.broadcast %and3A_1458 : i32 to vector<16xi32>
    %and3A_1460 = arith.andi %get3A_1451, %and3A_1459 : vector<16xi32>
    %add3A_1461 = arith.addi %shift_left3A_1457, %and3A_1460 : vector<16xi32>
    %swap3A_1462 = arith.constant 64 : index
    %swap3A_1463 = tpu.vector_load %arg6[%swap3A_1462] {strides = array<i32>} : memref<128xi32, #tpu.memory_space<vmem>>, vector<16xi32>,
    %swap3A_1464 = vector.shape_cast %swap3A_1463 : vector<16xi32> to vector<16xi32>
    %swap3A_1465 = vector.shape_cast %add3A_1461 : vector<16xi32> to vector<16xi32>
    tpu.vector_store %arg6[%swap3A_1462], %swap3A_1465 {strides = array<i32>} : memref<128xi32, #tpu.memory_space<vmem>>, vector<16xi32>,
    %get3A_1466 = arith.constant 8 : i32
    %get3A_1467 = arith.index_cast %get3A_1466 : i32 to index
    %get3A_1468 = arith.constant 80 : index
    %get3A_1469 = tpu.vector_load %arg5[%get3A_1467, %get3A_1468] {strides = array<i32>} : memref<10x128xi32, #tpu.memory_space<vmem>>, vector<1x16xi32>,
    %get3A_1470 = vector.shape_cast %get3A_1469 : vector<1x16xi32> to vector<16xi32>
    %shift_right_arithmetic3A_1471 = arith.constant 7 : i32
    %shift_right_arithmetic3A_1472 = vector.broadcast %shift_right_arithmetic3A_1471 : i32 to vector<16xi32>
    %shift_right_arithmetic3A_1473 = arith.shrsi %get3A_1470, %shift_right_arithmetic3A_1472 : vector<16xi32>
    %shift_left3A_1474 = arith.constant 10 : i32
    %shift_left3A_1475 = vector.broadcast %shift_left3A_1474 : i32 to vector<16xi32>
    %shift_left3A_1476 = arith.shli %shift_right_arithmetic3A_1473, %shift_left3A_1475 : vector<16xi32>
    %and3A_1477 = arith.constant 127 : i32
    %and3A_1478 = vector.broadcast %and3A_1477 : i32 to vector<16xi32>
    %and3A_1479 = arith.andi %get3A_1470, %and3A_1478 : vector<16xi32>
    %add3A_1480 = arith.addi %shift_left3A_1476, %and3A_1479 : vector<16xi32>
    %swap3A_1481 = arith.constant 80 : index
    %swap3A_1482 = tpu.vector_load %arg6[%swap3A_1481] {strides = array<i32>} : memref<128xi32, #tpu.memory_space<vmem>>, vector<16xi32>,
    %swap3A_1483 = vector.shape_cast %swap3A_1482 : vector<16xi32> to vector<16xi32>
    %swap3A_1484 = vector.shape_cast %add3A_1480 : vector<16xi32> to vector<16xi32>
    tpu.vector_store %arg6[%swap3A_1481], %swap3A_1484 {strides = array<i32>} : memref<128xi32, #tpu.memory_space<vmem>>, vector<16xi32>,
    %get3A_1485 = arith.constant 8 : i32
    %get3A_1486 = arith.index_cast %get3A_1485 : i32 to index
    %get3A_1487 = arith.constant 96 : index
    %get3A_1488 = tpu.vector_load %arg5[%get3A_1486, %get3A_1487] {strides = array<i32>} : memref<10x128xi32, #tpu.memory_space<vmem>>, vector<1x16xi32>,
    %get3A_1489 = vector.shape_cast %get3A_1488 : vector<1x16xi32> to vector<16xi32>
    %shift_right_arithmetic3A_1490 = arith.constant 7 : i32
    %shift_right_arithmetic3A_1491 = vector.broadcast %shift_right_arithmetic3A_1490 : i32 to vector<16xi32>
    %shift_right_arithmetic3A_1492 = arith.shrsi %get3A_1489, %shift_right_arithmetic3A_1491 : vector<16xi32>
    %shift_left3A_1493 = arith.constant 10 : i32
    %shift_left3A_1494 = vector.broadcast %shift_left3A_1493 : i32 to vector<16xi32>
    %shift_left3A_1495 = arith.shli %shift_right_arithmetic3A_1492, %shift_left3A_1494 : vector<16xi32>
    %and3A_1496 = arith.constant 127 : i32
    %and3A_1497 = vector.broadcast %and3A_1496 : i32 to vector<16xi32>
    %and3A_1498 = arith.andi %get3A_1489, %and3A_1497 : vector<16xi32>
    %add3A_1499 = arith.addi %shift_left3A_1495, %and3A_1498 : vector<16xi32>
    %swap3A_1500 = arith.constant 96 : index
    %swap3A_1501 = tpu.vector_load %arg6[%swap3A_1500] {strides = array<i32>} : memref<128xi32, #tpu.memory_space<vmem>>, vector<16xi32>,
    %swap3A_1502 = vector.shape_cast %swap3A_1501 : vector<16xi32> to vector<16xi32>
    %swap3A_1503 = vector.shape_cast %add3A_1499 : vector<16xi32> to vector<16xi32>
    tpu.vector_store %arg6[%swap3A_1500], %swap3A_1503 {strides = array<i32>} : memref<128xi32, #tpu.memory_space<vmem>>, vector<16xi32>,
    %get3A_1504 = arith.constant 8 : i32
    %get3A_1505 = arith.index_cast %get3A_1504 : i32 to index
    %get3A_1506 = arith.constant 112 : index
    %get3A_1507 = tpu.vector_load %arg5[%get3A_1505, %get3A_1506] {strides = array<i32>} : memref<10x128xi32, #tpu.memory_space<vmem>>, vector<1x16xi32>,
    %get3A_1508 = vector.shape_cast %get3A_1507 : vector<1x16xi32> to vector<16xi32>
    %shift_right_arithmetic3A_1509 = arith.constant 7 : i32
    %shift_right_arithmetic3A_1510 = vector.broadcast %shift_right_arithmetic3A_1509 : i32 to vector<16xi32>
    %shift_right_arithmetic3A_1511 = arith.shrsi %get3A_1508, %shift_right_arithmetic3A_1510 : vector<16xi32>
    %shift_left3A_1512 = arith.constant 10 : i32
    %shift_left3A_1513 = vector.broadcast %shift_left3A_1512 : i32 to vector<16xi32>
    %shift_left3A_1514 = arith.shli %shift_right_arithmetic3A_1511, %shift_left3A_1513 : vector<16xi32>
    %and3A_1515 = arith.constant 127 : i32
    %and3A_1516 = vector.broadcast %and3A_1515 : i32 to vector<16xi32>
    %and3A_1517 = arith.andi %get3A_1508, %and3A_1516 : vector<16xi32>
    %add3A_1518 = arith.addi %shift_left3A_1514, %and3A_1517 : vector<16xi32>
    %swap3A_1519 = arith.constant 112 : index
    %swap3A_1520 = tpu.vector_load %arg6[%swap3A_1519] {strides = array<i32>} : memref<128xi32, #tpu.memory_space<vmem>>, vector<16xi32>,
    %swap3A_1521 = vector.shape_cast %swap3A_1520 : vector<16xi32> to vector<16xi32>
    %swap3A_1522 = vector.shape_cast %add3A_1518 : vector<16xi32> to vector<16xi32>
    tpu.vector_store %arg6[%swap3A_1519], %swap3A_1522 {strides = array<i32>} : memref<128xi32, #tpu.memory_space<vmem>>, vector<16xi32>,
    %scan3A_1523 = arith.constant 0 : i32
    %scan3A_1524 = arith.constant 0 : i32
    %scan3A_1525 = arith.constant 64 : i32
    %scan3A_1526 = arith.addi %scan3A_1524, %scan3A_1525 : i32
    %scan3A_1527 = arith.constant 1 : i32
    scf.for %scan3A_1735 = %scan3A_1524 to %scan3A_1526 step %scan3A_1527  : i32 {
      %jit3A = arith.constant 8 : i32
      %div3A = arith.divsi %scan3A_1735, %jit3A : i32
      %sign3A = arith.constant 0 : i32
      %sign3A_1736 = arith.cmpi sgt, %scan3A_1735, %sign3A : i32
      %sign3A_1737 = arith.extui %sign3A_1736 : i1 to i32
      %sign3A_1738 = arith.constant 0 : i32
      %sign3A_1739 = arith.cmpi slt, %scan3A_1735, %sign3A_1738 : i32
      %sign3A_1740 = arith.extui %sign3A_1739 : i1 to i32
      %sign3A_1741 = arith.subi %sign3A_1737, %sign3A_1740 : i32
      %sign3A_1742 = arith.constant 0 : i32
      %sign3A_1743 = arith.cmpi sgt, %jit3A, %sign3A_1742 : i32
      %sign3A_1744 = arith.extui %sign3A_1743 : i1 to i32
      %sign3A_1745 = arith.constant 0 : i32
      %sign3A_1746 = arith.cmpi slt, %jit3A, %sign3A_1745 : i32
      %sign3A_1747 = arith.extui %sign3A_1746 : i1 to i32
      %sign3A_1748 = arith.subi %sign3A_1744, %sign3A_1747 : i32
      %ne3A = arith.cmpi ne, %sign3A_1741, %sign3A_1748 : i32
      %rem3A = arith.remsi %scan3A_1735, %jit3A : i32
      %ne3A_1749 = arith.constant 0 : i32
      %ne3A_1750 = arith.cmpi ne, %rem3A, %ne3A_1749 : i32
      %and3A_1751 = arith.andi %ne3A, %ne3A_1750 : i1
      %sub3A = arith.constant 1 : i32
      %sub3A_1752 = arith.subi %div3A, %sub3A : i32
      %select_n3A = arith.select %and3A_1751, %sub3A_1752, %div3A : i32
      %mul3A_1753 = arith.constant 8388608 : i32
      %mul3A_1754 = arith.muli %select_n3A, %mul3A_1753 : i32
      %jit3A_1755 = arith.constant 8 : i32
      %eq3A = arith.constant 0 : i32
      %eq3A_1756 = arith.cmpi eq, %jit3A_1755, %eq3A : i32
      %jit3A_1757 = arith.constant 1 : i32
      %select_n3A_1758 = arith.select %eq3A_1756, %jit3A_1757, %jit3A_1755 : i32
      %rem3A_1759 = arith.remsi %scan3A_1735, %select_n3A_1758 : i32
      %ne3A_1760 = arith.constant 0 : i32
      %ne3A_1761 = arith.cmpi ne, %rem3A_1759, %ne3A_1760 : i32
      %lt3A = arith.constant 0 : i32
      %lt3A_1762 = arith.cmpi slt, %rem3A_1759, %lt3A : i32
      %lt3A_1763 = arith.constant 0 : i32
      %lt3A_1764 = arith.cmpi slt, %select_n3A_1758, %lt3A_1763 : i32
      %ne3A_1765 = arith.xori %lt3A_1762, %lt3A_1764 : i1
      %and3A_1766 = arith.andi %ne3A_1765, %ne3A_1761 : i1
      %add3A_1767 = arith.addi %rem3A_1759, %select_n3A_1758 : i32
      %select_n3A_1768 = arith.select %and3A_1766, %add3A_1767, %rem3A_1759 : i32
      %mul3A_1769 = arith.constant 128 : i32
      %mul3A_1770 = arith.muli %select_n3A_1768, %mul3A_1769 : i32
      %add3A_1771 = arith.addi %mul3A_1754, %mul3A_1770 : i32
      %dma_start3A_1772 = arith.constant 0 : i32
      %dma_start3A_1773 = tpu.memref_slice %arg8[%scan3A_1735, %dma_start3A_1772] : memref<64x128xf32, #tpu.memory_space<vmem>> -> memref<1x128xf32, #tpu.memory_space<vmem>>
      %dma_start3A_1774 = tpu.memref_squeeze %dma_start3A_1773 : memref<1x128xf32, #tpu.memory_space<vmem>> -> memref<128xf32, #tpu.memory_space<vmem>>
      %dma_start3A_1775 = tpu.memref_slice %arg2[%add3A_1771] : memref<67108864xf32, #tpu.memory_space<hbm>> -> memref<8388608xf32, #tpu.memory_space<hbm>>
      %dma_start3A_1776 = arith.constant 0 : i32
      %dma_start3A_1777 = tpu.memref_slice %dma_start3A_1775[%dma_start3A_1776] : memref<8388608xf32, #tpu.memory_space<hbm>> -> memref<8388608xf32, #tpu.memory_space<hbm>>
      tpu.enqueue_indirect_dma source(%dma_start3A_1777 : memref<8388608xf32, #tpu.memory_space<hbm>>) target(%dma_start3A_1774 : memref<128xf32, #tpu.memory_space<vmem>>) offsets(%arg6 : memref<128xi32, #tpu.memory_space<vmem>>) semaphore(%arg10 : memref<!tpu.dma_semaphore, #tpu.memory_space<semaphore_mem>>)
    }
    %scan3A_1528 = arith.constant 64 : i32
    %dma_wait3A_1529 = arith.constant 0 : i32
    %dma_wait3A_1530 = arith.constant 0 : i32
    %dma_wait3A_1531 = tpu.memref_slice %arg4[%dma_wait3A_1529, %dma_wait3A_1530] : memref<64x40960xf32, #tpu.memory_space<hbm>> -> memref<64x128xf32, #tpu.memory_space<hbm>>
    %dma_wait3A_1532 = arith.constant 0 : i32
    %dma_wait3A_1533 = arith.constant 0 : i32
    %dma_wait3A_1534 = tpu.memref_slice %arg4[%dma_wait3A_1532, %dma_wait3A_1533] : memref<64x40960xf32, #tpu.memory_space<hbm>> -> memref<64x128xf32, #tpu.memory_space<hbm>>
    tpu.wait_dma2 semaphore(%arg11 : memref<!tpu.dma_semaphore, #tpu.memory_space<semaphore_mem>>) src(%dma_wait3A_1534 : memref<64x128xf32, #tpu.memory_space<hbm>>) dst(%arg9 : memref<64x128xf32, #tpu.memory_space<vmem>>)
    %add3A_1535 = arith.constant 896 : i32
    %add3A_1536 = arith.addi %mul3A_2, %add3A_1535 : i32
    %dma_start3A_1537 = arith.constant 0 : i32
    %dma_start3A_1538 = tpu.memref_slice %arg4[%dma_start3A_1537, %add3A_1536] : memref<64x40960xf32, #tpu.memory_space<hbm>> -> memref<64x128xf32, #tpu.memory_space<hbm>>
    %dma_start3A_1539 = arith.constant 0 : i32
    %dma_start3A_1540 = tpu.memref_slice %arg4[%dma_start3A_1539, %add3A_1536] : memref<64x40960xf32, #tpu.memory_space<hbm>> -> memref<64x128xf32, #tpu.memory_space<hbm>>
    tpu.enqueue_dma source(%arg9 : memref<64x128xf32, #tpu.memory_space<vmem>>) target(%dma_start3A_1540 : memref<64x128xf32, #tpu.memory_space<hbm>>) target_semaphore(%arg13 : memref<!tpu.dma_semaphore, #tpu.memory_space<semaphore_mem>>)
    %dma_wait3A_1541 = arith.constant 0 : i32
    %dma_wait3A_1542 = tpu.memref_slice %arg4[%dma_wait3A_1541, %add3A_1536] : memref<64x40960xf32, #tpu.memory_space<hbm>> -> memref<64x128xf32, #tpu.memory_space<hbm>>
    %dma_wait3A_1543 = arith.constant 0 : i32
    %dma_wait3A_1544 = tpu.memref_slice %arg4[%dma_wait3A_1543, %add3A_1536] : memref<64x40960xf32, #tpu.memory_space<hbm>> -> memref<64x128xf32, #tpu.memory_space<hbm>>
    tpu.wait_dma2 semaphore(%arg13 : memref<!tpu.dma_semaphore, #tpu.memory_space<semaphore_mem>>) src(%arg9 : memref<64x128xf32, #tpu.memory_space<vmem>>) dst(%dma_wait3A_1544 : memref<64x128xf32, #tpu.memory_space<hbm>>)
    %get3A_1545 = arith.constant 9 : i32
    %get3A_1546 = arith.index_cast %get3A_1545 : i32 to index
    %get3A_1547 = arith.constant 0 : index
    %get3A_1548 = tpu.vector_load %arg5[%get3A_1546, %get3A_1547] {strides = array<i32>} : memref<10x128xi32, #tpu.memory_space<vmem>>, vector<1x16xi32>,
    %get3A_1549 = vector.shape_cast %get3A_1548 : vector<1x16xi32> to vector<16xi32>
    %shift_right_arithmetic3A_1550 = arith.constant 7 : i32
    %shift_right_arithmetic3A_1551 = vector.broadcast %shift_right_arithmetic3A_1550 : i32 to vector<16xi32>
    %shift_right_arithmetic3A_1552 = arith.shrsi %get3A_1549, %shift_right_arithmetic3A_1551 : vector<16xi32>
    %shift_left3A_1553 = arith.constant 10 : i32
    %shift_left3A_1554 = vector.broadcast %shift_left3A_1553 : i32 to vector<16xi32>
    %shift_left3A_1555 = arith.shli %shift_right_arithmetic3A_1552, %shift_left3A_1554 : vector<16xi32>
    %and3A_1556 = arith.constant 127 : i32
    %and3A_1557 = vector.broadcast %and3A_1556 : i32 to vector<16xi32>
    %and3A_1558 = arith.andi %get3A_1549, %and3A_1557 : vector<16xi32>
    %add3A_1559 = arith.addi %shift_left3A_1555, %and3A_1558 : vector<16xi32>
    %swap3A_1560 = arith.constant 0 : index
    %swap3A_1561 = tpu.vector_load %arg7[%swap3A_1560] {strides = array<i32>} : memref<128xi32, #tpu.memory_space<vmem>>, vector<16xi32>,
    %swap3A_1562 = vector.shape_cast %swap3A_1561 : vector<16xi32> to vector<16xi32>
    %swap3A_1563 = vector.shape_cast %add3A_1559 : vector<16xi32> to vector<16xi32>
    tpu.vector_store %arg7[%swap3A_1560], %swap3A_1563 {strides = array<i32>} : memref<128xi32, #tpu.memory_space<vmem>>, vector<16xi32>,
    %get3A_1564 = arith.constant 9 : i32
    %get3A_1565 = arith.index_cast %get3A_1564 : i32 to index
    %get3A_1566 = arith.constant 16 : index
    %get3A_1567 = tpu.vector_load %arg5[%get3A_1565, %get3A_1566] {strides = array<i32>} : memref<10x128xi32, #tpu.memory_space<vmem>>, vector<1x16xi32>,
    %get3A_1568 = vector.shape_cast %get3A_1567 : vector<1x16xi32> to vector<16xi32>
    %shift_right_arithmetic3A_1569 = arith.constant 7 : i32
    %shift_right_arithmetic3A_1570 = vector.broadcast %shift_right_arithmetic3A_1569 : i32 to vector<16xi32>
    %shift_right_arithmetic3A_1571 = arith.shrsi %get3A_1568, %shift_right_arithmetic3A_1570 : vector<16xi32>
    %shift_left3A_1572 = arith.constant 10 : i32
    %shift_left3A_1573 = vector.broadcast %shift_left3A_1572 : i32 to vector<16xi32>
    %shift_left3A_1574 = arith.shli %shift_right_arithmetic3A_1571, %shift_left3A_1573 : vector<16xi32>
    %and3A_1575 = arith.constant 127 : i32
    %and3A_1576 = vector.broadcast %and3A_1575 : i32 to vector<16xi32>
    %and3A_1577 = arith.andi %get3A_1568, %and3A_1576 : vector<16xi32>
    %add3A_1578 = arith.addi %shift_left3A_1574, %and3A_1577 : vector<16xi32>
    %swap3A_1579 = arith.constant 16 : index
    %swap3A_1580 = tpu.vector_load %arg7[%swap3A_1579] {strides = array<i32>} : memref<128xi32, #tpu.memory_space<vmem>>, vector<16xi32>,
    %swap3A_1581 = vector.shape_cast %swap3A_1580 : vector<16xi32> to vector<16xi32>
    %swap3A_1582 = vector.shape_cast %add3A_1578 : vector<16xi32> to vector<16xi32>
    tpu.vector_store %arg7[%swap3A_1579], %swap3A_1582 {strides = array<i32>} : memref<128xi32, #tpu.memory_space<vmem>>, vector<16xi32>,
    %get3A_1583 = arith.constant 9 : i32
    %get3A_1584 = arith.index_cast %get3A_1583 : i32 to index
    %get3A_1585 = arith.constant 32 : index
    %get3A_1586 = tpu.vector_load %arg5[%get3A_1584, %get3A_1585] {strides = array<i32>} : memref<10x128xi32, #tpu.memory_space<vmem>>, vector<1x16xi32>,
    %get3A_1587 = vector.shape_cast %get3A_1586 : vector<1x16xi32> to vector<16xi32>
    %shift_right_arithmetic3A_1588 = arith.constant 7 : i32
    %shift_right_arithmetic3A_1589 = vector.broadcast %shift_right_arithmetic3A_1588 : i32 to vector<16xi32>
    %shift_right_arithmetic3A_1590 = arith.shrsi %get3A_1587, %shift_right_arithmetic3A_1589 : vector<16xi32>
    %shift_left3A_1591 = arith.constant 10 : i32
    %shift_left3A_1592 = vector.broadcast %shift_left3A_1591 : i32 to vector<16xi32>
    %shift_left3A_1593 = arith.shli %shift_right_arithmetic3A_1590, %shift_left3A_1592 : vector<16xi32>
    %and3A_1594 = arith.constant 127 : i32
    %and3A_1595 = vector.broadcast %and3A_1594 : i32 to vector<16xi32>
    %and3A_1596 = arith.andi %get3A_1587, %and3A_1595 : vector<16xi32>
    %add3A_1597 = arith.addi %shift_left3A_1593, %and3A_1596 : vector<16xi32>
    %swap3A_1598 = arith.constant 32 : index
    %swap3A_1599 = tpu.vector_load %arg7[%swap3A_1598] {strides = array<i32>} : memref<128xi32, #tpu.memory_space<vmem>>, vector<16xi32>,
    %swap3A_1600 = vector.shape_cast %swap3A_1599 : vector<16xi32> to vector<16xi32>
    %swap3A_1601 = vector.shape_cast %add3A_1597 : vector<16xi32> to vector<16xi32>
    tpu.vector_store %arg7[%swap3A_1598], %swap3A_1601 {strides = array<i32>} : memref<128xi32, #tpu.memory_space<vmem>>, vector<16xi32>,
    %get3A_1602 = arith.constant 9 : i32
    %get3A_1603 = arith.index_cast %get3A_1602 : i32 to index
    %get3A_1604 = arith.constant 48 : index
    %get3A_1605 = tpu.vector_load %arg5[%get3A_1603, %get3A_1604] {strides = array<i32>} : memref<10x128xi32, #tpu.memory_space<vmem>>, vector<1x16xi32>,
    %get3A_1606 = vector.shape_cast %get3A_1605 : vector<1x16xi32> to vector<16xi32>
    %shift_right_arithmetic3A_1607 = arith.constant 7 : i32
    %shift_right_arithmetic3A_1608 = vector.broadcast %shift_right_arithmetic3A_1607 : i32 to vector<16xi32>
    %shift_right_arithmetic3A_1609 = arith.shrsi %get3A_1606, %shift_right_arithmetic3A_1608 : vector<16xi32>
    %shift_left3A_1610 = arith.constant 10 : i32
    %shift_left3A_1611 = vector.broadcast %shift_left3A_1610 : i32 to vector<16xi32>
    %shift_left3A_1612 = arith.shli %shift_right_arithmetic3A_1609, %shift_left3A_1611 : vector<16xi32>
    %and3A_1613 = arith.constant 127 : i32
    %and3A_1614 = vector.broadcast %and3A_1613 : i32 to vector<16xi32>
    %and3A_1615 = arith.andi %get3A_1606, %and3A_1614 : vector<16xi32>
    %add3A_1616 = arith.addi %shift_left3A_1612, %and3A_1615 : vector<16xi32>
    %swap3A_1617 = arith.constant 48 : index
    %swap3A_1618 = tpu.vector_load %arg7[%swap3A_1617] {strides = array<i32>} : memref<128xi32, #tpu.memory_space<vmem>>, vector<16xi32>,
    %swap3A_1619 = vector.shape_cast %swap3A_1618 : vector<16xi32> to vector<16xi32>
    %swap3A_1620 = vector.shape_cast %add3A_1616 : vector<16xi32> to vector<16xi32>
    tpu.vector_store %arg7[%swap3A_1617], %swap3A_1620 {strides = array<i32>} : memref<128xi32, #tpu.memory_space<vmem>>, vector<16xi32>,
    %get3A_1621 = arith.constant 9 : i32
    %get3A_1622 = arith.index_cast %get3A_1621 : i32 to index
    %get3A_1623 = arith.constant 64 : index
    %get3A_1624 = tpu.vector_load %arg5[%get3A_1622, %get3A_1623] {strides = array<i32>} : memref<10x128xi32, #tpu.memory_space<vmem>>, vector<1x16xi32>,
    %get3A_1625 = vector.shape_cast %get3A_1624 : vector<1x16xi32> to vector<16xi32>
    %shift_right_arithmetic3A_1626 = arith.constant 7 : i32
    %shift_right_arithmetic3A_1627 = vector.broadcast %shift_right_arithmetic3A_1626 : i32 to vector<16xi32>
    %shift_right_arithmetic3A_1628 = arith.shrsi %get3A_1625, %shift_right_arithmetic3A_1627 : vector<16xi32>
    %shift_left3A_1629 = arith.constant 10 : i32
    %shift_left3A_1630 = vector.broadcast %shift_left3A_1629 : i32 to vector<16xi32>
    %shift_left3A_1631 = arith.shli %shift_right_arithmetic3A_1628, %shift_left3A_1630 : vector<16xi32>
    %and3A_1632 = arith.constant 127 : i32
    %and3A_1633 = vector.broadcast %and3A_1632 : i32 to vector<16xi32>
    %and3A_1634 = arith.andi %get3A_1625, %and3A_1633 : vector<16xi32>
    %add3A_1635 = arith.addi %shift_left3A_1631, %and3A_1634 : vector<16xi32>
    %swap3A_1636 = arith.constant 64 : index
    %swap3A_1637 = tpu.vector_load %arg7[%swap3A_1636] {strides = array<i32>} : memref<128xi32, #tpu.memory_space<vmem>>, vector<16xi32>,
    %swap3A_1638 = vector.shape_cast %swap3A_1637 : vector<16xi32> to vector<16xi32>
    %swap3A_1639 = vector.shape_cast %add3A_1635 : vector<16xi32> to vector<16xi32>
    tpu.vector_store %arg7[%swap3A_1636], %swap3A_1639 {strides = array<i32>} : memref<128xi32, #tpu.memory_space<vmem>>, vector<16xi32>,
    %get3A_1640 = arith.constant 9 : i32
    %get3A_1641 = arith.index_cast %get3A_1640 : i32 to index
    %get3A_1642 = arith.constant 80 : index
    %get3A_1643 = tpu.vector_load %arg5[%get3A_1641, %get3A_1642] {strides = array<i32>} : memref<10x128xi32, #tpu.memory_space<vmem>>, vector<1x16xi32>,
    %get3A_1644 = vector.shape_cast %get3A_1643 : vector<1x16xi32> to vector<16xi32>
    %shift_right_arithmetic3A_1645 = arith.constant 7 : i32
    %shift_right_arithmetic3A_1646 = vector.broadcast %shift_right_arithmetic3A_1645 : i32 to vector<16xi32>
    %shift_right_arithmetic3A_1647 = arith.shrsi %get3A_1644, %shift_right_arithmetic3A_1646 : vector<16xi32>
    %shift_left3A_1648 = arith.constant 10 : i32
    %shift_left3A_1649 = vector.broadcast %shift_left3A_1648 : i32 to vector<16xi32>
    %shift_left3A_1650 = arith.shli %shift_right_arithmetic3A_1647, %shift_left3A_1649 : vector<16xi32>
    %and3A_1651 = arith.constant 127 : i32
    %and3A_1652 = vector.broadcast %and3A_1651 : i32 to vector<16xi32>
    %and3A_1653 = arith.andi %get3A_1644, %and3A_1652 : vector<16xi32>
    %add3A_1654 = arith.addi %shift_left3A_1650, %and3A_1653 : vector<16xi32>
    %swap3A_1655 = arith.constant 80 : index
    %swap3A_1656 = tpu.vector_load %arg7[%swap3A_1655] {strides = array<i32>} : memref<128xi32, #tpu.memory_space<vmem>>, vector<16xi32>,
    %swap3A_1657 = vector.shape_cast %swap3A_1656 : vector<16xi32> to vector<16xi32>
    %swap3A_1658 = vector.shape_cast %add3A_1654 : vector<16xi32> to vector<16xi32>
    tpu.vector_store %arg7[%swap3A_1655], %swap3A_1658 {strides = array<i32>} : memref<128xi32, #tpu.memory_space<vmem>>, vector<16xi32>,
    %get3A_1659 = arith.constant 9 : i32
    %get3A_1660 = arith.index_cast %get3A_1659 : i32 to index
    %get3A_1661 = arith.constant 96 : index
    %get3A_1662 = tpu.vector_load %arg5[%get3A_1660, %get3A_1661] {strides = array<i32>} : memref<10x128xi32, #tpu.memory_space<vmem>>, vector<1x16xi32>,
    %get3A_1663 = vector.shape_cast %get3A_1662 : vector<1x16xi32> to vector<16xi32>
    %shift_right_arithmetic3A_1664 = arith.constant 7 : i32
    %shift_right_arithmetic3A_1665 = vector.broadcast %shift_right_arithmetic3A_1664 : i32 to vector<16xi32>
    %shift_right_arithmetic3A_1666 = arith.shrsi %get3A_1663, %shift_right_arithmetic3A_1665 : vector<16xi32>
    %shift_left3A_1667 = arith.constant 10 : i32
    %shift_left3A_1668 = vector.broadcast %shift_left3A_1667 : i32 to vector<16xi32>
    %shift_left3A_1669 = arith.shli %shift_right_arithmetic3A_1666, %shift_left3A_1668 : vector<16xi32>
    %and3A_1670 = arith.constant 127 : i32
    %and3A_1671 = vector.broadcast %and3A_1670 : i32 to vector<16xi32>
    %and3A_1672 = arith.andi %get3A_1663, %and3A_1671 : vector<16xi32>
    %add3A_1673 = arith.addi %shift_left3A_1669, %and3A_1672 : vector<16xi32>
    %swap3A_1674 = arith.constant 96 : index
    %swap3A_1675 = tpu.vector_load %arg7[%swap3A_1674] {strides = array<i32>} : memref<128xi32, #tpu.memory_space<vmem>>, vector<16xi32>,
    %swap3A_1676 = vector.shape_cast %swap3A_1675 : vector<16xi32> to vector<16xi32>
    %swap3A_1677 = vector.shape_cast %add3A_1673 : vector<16xi32> to vector<16xi32>
    tpu.vector_store %arg7[%swap3A_1674], %swap3A_1677 {strides = array<i32>} : memref<128xi32, #tpu.memory_space<vmem>>, vector<16xi32>,
    %get3A_1678 = arith.constant 9 : i32
    %get3A_1679 = arith.index_cast %get3A_1678 : i32 to index
    %get3A_1680 = arith.constant 112 : index
    %get3A_1681 = tpu.vector_load %arg5[%get3A_1679, %get3A_1680] {strides = array<i32>} : memref<10x128xi32, #tpu.memory_space<vmem>>, vector<1x16xi32>,
    %get3A_1682 = vector.shape_cast %get3A_1681 : vector<1x16xi32> to vector<16xi32>
    %shift_right_arithmetic3A_1683 = arith.constant 7 : i32
    %shift_right_arithmetic3A_1684 = vector.broadcast %shift_right_arithmetic3A_1683 : i32 to vector<16xi32>
    %shift_right_arithmetic3A_1685 = arith.shrsi %get3A_1682, %shift_right_arithmetic3A_1684 : vector<16xi32>
    %shift_left3A_1686 = arith.constant 10 : i32
    %shift_left3A_1687 = vector.broadcast %shift_left3A_1686 : i32 to vector<16xi32>
    %shift_left3A_1688 = arith.shli %shift_right_arithmetic3A_1685, %shift_left3A_1687 : vector<16xi32>
    %and3A_1689 = arith.constant 127 : i32
    %and3A_1690 = vector.broadcast %and3A_1689 : i32 to vector<16xi32>
    %and3A_1691 = arith.andi %get3A_1682, %and3A_1690 : vector<16xi32>
    %add3A_1692 = arith.addi %shift_left3A_1688, %and3A_1691 : vector<16xi32>
    %swap3A_1693 = arith.constant 112 : index
    %swap3A_1694 = tpu.vector_load %arg7[%swap3A_1693] {strides = array<i32>} : memref<128xi32, #tpu.memory_space<vmem>>, vector<16xi32>,
    %swap3A_1695 = vector.shape_cast %swap3A_1694 : vector<16xi32> to vector<16xi32>
    %swap3A_1696 = vector.shape_cast %add3A_1692 : vector<16xi32> to vector<16xi32>
    tpu.vector_store %arg7[%swap3A_1693], %swap3A_1696 {strides = array<i32>} : memref<128xi32, #tpu.memory_space<vmem>>, vector<16xi32>,
    %scan3A_1697 = arith.constant 0 : i32
    %scan3A_1698 = arith.constant 0 : i32
    %scan3A_1699 = arith.constant 64 : i32
    %scan3A_1700 = arith.addi %scan3A_1698, %scan3A_1699 : i32
    %scan3A_1701 = arith.constant 1 : i32
    scf.for %scan3A_1735 = %scan3A_1698 to %scan3A_1700 step %scan3A_1701  : i32 {
      %jit3A = arith.constant 8 : i32
      %div3A = arith.divsi %scan3A_1735, %jit3A : i32
      %sign3A = arith.constant 0 : i32
      %sign3A_1736 = arith.cmpi sgt, %scan3A_1735, %sign3A : i32
      %sign3A_1737 = arith.extui %sign3A_1736 : i1 to i32
      %sign3A_1738 = arith.constant 0 : i32
      %sign3A_1739 = arith.cmpi slt, %scan3A_1735, %sign3A_1738 : i32
      %sign3A_1740 = arith.extui %sign3A_1739 : i1 to i32
      %sign3A_1741 = arith.subi %sign3A_1737, %sign3A_1740 : i32
      %sign3A_1742 = arith.constant 0 : i32
      %sign3A_1743 = arith.cmpi sgt, %jit3A, %sign3A_1742 : i32
      %sign3A_1744 = arith.extui %sign3A_1743 : i1 to i32
      %sign3A_1745 = arith.constant 0 : i32
      %sign3A_1746 = arith.cmpi slt, %jit3A, %sign3A_1745 : i32
      %sign3A_1747 = arith.extui %sign3A_1746 : i1 to i32
      %sign3A_1748 = arith.subi %sign3A_1744, %sign3A_1747 : i32
      %ne3A = arith.cmpi ne, %sign3A_1741, %sign3A_1748 : i32
      %rem3A = arith.remsi %scan3A_1735, %jit3A : i32
      %ne3A_1749 = arith.constant 0 : i32
      %ne3A_1750 = arith.cmpi ne, %rem3A, %ne3A_1749 : i32
      %and3A_1751 = arith.andi %ne3A, %ne3A_1750 : i1
      %sub3A = arith.constant 1 : i32
      %sub3A_1752 = arith.subi %div3A, %sub3A : i32
      %select_n3A = arith.select %and3A_1751, %sub3A_1752, %div3A : i32
      %mul3A_1753 = arith.constant 8388608 : i32
      %mul3A_1754 = arith.muli %select_n3A, %mul3A_1753 : i32
      %jit3A_1755 = arith.constant 8 : i32
      %eq3A = arith.constant 0 : i32
      %eq3A_1756 = arith.cmpi eq, %jit3A_1755, %eq3A : i32
      %jit3A_1757 = arith.constant 1 : i32
      %select_n3A_1758 = arith.select %eq3A_1756, %jit3A_1757, %jit3A_1755 : i32
      %rem3A_1759 = arith.remsi %scan3A_1735, %select_n3A_1758 : i32
      %ne3A_1760 = arith.constant 0 : i32
      %ne3A_1761 = arith.cmpi ne, %rem3A_1759, %ne3A_1760 : i32
      %lt3A = arith.constant 0 : i32
      %lt3A_1762 = arith.cmpi slt, %rem3A_1759, %lt3A : i32
      %lt3A_1763 = arith.constant 0 : i32
      %lt3A_1764 = arith.cmpi slt, %select_n3A_1758, %lt3A_1763 : i32
      %ne3A_1765 = arith.xori %lt3A_1762, %lt3A_1764 : i1
      %and3A_1766 = arith.andi %ne3A_1765, %ne3A_1761 : i1
      %add3A_1767 = arith.addi %rem3A_1759, %select_n3A_1758 : i32
      %select_n3A_1768 = arith.select %and3A_1766, %add3A_1767, %rem3A_1759 : i32
      %mul3A_1769 = arith.constant 128 : i32
      %mul3A_1770 = arith.muli %select_n3A_1768, %mul3A_1769 : i32
      %add3A_1771 = arith.addi %mul3A_1754, %mul3A_1770 : i32
      %dma_start3A_1772 = arith.constant 0 : i32
      %dma_start3A_1773 = tpu.memref_slice %arg9[%scan3A_1735, %dma_start3A_1772] : memref<64x128xf32, #tpu.memory_space<vmem>> -> memref<1x128xf32, #tpu.memory_space<vmem>>
      %dma_start3A_1774 = tpu.memref_squeeze %dma_start3A_1773 : memref<1x128xf32, #tpu.memory_space<vmem>> -> memref<128xf32, #tpu.memory_space<vmem>>
      %dma_start3A_1775 = tpu.memref_slice %arg2[%add3A_1771] : memref<67108864xf32, #tpu.memory_space<hbm>> -> memref<8388608xf32, #tpu.memory_space<hbm>>
      %dma_start3A_1776 = arith.constant 0 : i32
      %dma_start3A_1777 = tpu.memref_slice %dma_start3A_1775[%dma_start3A_1776] : memref<8388608xf32, #tpu.memory_space<hbm>> -> memref<8388608xf32, #tpu.memory_space<hbm>>
      tpu.enqueue_indirect_dma source(%dma_start3A_1777 : memref<8388608xf32, #tpu.memory_space<hbm>>) target(%dma_start3A_1774 : memref<128xf32, #tpu.memory_space<vmem>>) offsets(%arg7 : memref<128xi32, #tpu.memory_space<vmem>>) semaphore(%arg11 : memref<!tpu.dma_semaphore, #tpu.memory_space<semaphore_mem>>)
    }
    %scan3A_1702 = arith.constant 64 : i32
    %dma_wait3A_1703 = arith.constant 0 : i32
    %dma_wait3A_1704 = arith.constant 0 : i32
    %dma_wait3A_1705 = tpu.memref_slice %arg4[%dma_wait3A_1703, %dma_wait3A_1704] : memref<64x40960xf32, #tpu.memory_space<hbm>> -> memref<64x128xf32, #tpu.memory_space<hbm>>
    %dma_wait3A_1706 = arith.constant 0 : i32
    %dma_wait3A_1707 = arith.constant 0 : i32
    %dma_wait3A_1708 = tpu.memref_slice %arg4[%dma_wait3A_1706, %dma_wait3A_1707] : memref<64x40960xf32, #tpu.memory_space<hbm>> -> memref<64x128xf32, #tpu.memory_space<hbm>>
    tpu.wait_dma2 semaphore(%arg10 : memref<!tpu.dma_semaphore, #tpu.memory_space<semaphore_mem>>) src(%dma_wait3A_1708 : memref<64x128xf32, #tpu.memory_space<hbm>>) dst(%arg8 : memref<64x128xf32, #tpu.memory_space<vmem>>)
    %add3A_1709 = arith.constant 1024 : i32
    %add3A_1710 = arith.addi %mul3A_2, %add3A_1709 : i32
    %dma_start3A_1711 = arith.constant 0 : i32
    %dma_start3A_1712 = tpu.memref_slice %arg4[%dma_start3A_1711, %add3A_1710] : memref<64x40960xf32, #tpu.memory_space<hbm>> -> memref<64x128xf32, #tpu.memory_space<hbm>>
    %dma_start3A_1713 = arith.constant 0 : i32
    %dma_start3A_1714 = tpu.memref_slice %arg4[%dma_start3A_1713, %add3A_1710] : memref<64x40960xf32, #tpu.memory_space<hbm>> -> memref<64x128xf32, #tpu.memory_space<hbm>>
    tpu.enqueue_dma source(%arg8 : memref<64x128xf32, #tpu.memory_space<vmem>>) target(%dma_start3A_1714 : memref<64x128xf32, #tpu.memory_space<hbm>>) target_semaphore(%arg12 : memref<!tpu.dma_semaphore, #tpu.memory_space<semaphore_mem>>)
    %dma_wait3A_1715 = arith.constant 0 : i32
    %dma_wait3A_1716 = arith.constant 0 : i32
    %dma_wait3A_1717 = tpu.memref_slice %arg4[%dma_wait3A_1715, %dma_wait3A_1716] : memref<64x40960xf32, #tpu.memory_space<hbm>> -> memref<64x128xf32, #tpu.memory_space<hbm>>
    %dma_wait3A_1718 = arith.constant 0 : i32
    %dma_wait3A_1719 = arith.constant 0 : i32
    %dma_wait3A_1720 = tpu.memref_slice %arg4[%dma_wait3A_1718, %dma_wait3A_1719] : memref<64x40960xf32, #tpu.memory_space<hbm>> -> memref<64x128xf32, #tpu.memory_space<hbm>>
    tpu.wait_dma2 semaphore(%arg11 : memref<!tpu.dma_semaphore, #tpu.memory_space<semaphore_mem>>) src(%dma_wait3A_1720 : memref<64x128xf32, #tpu.memory_space<hbm>>) dst(%arg9 : memref<64x128xf32, #tpu.memory_space<vmem>>)
    %add3A_1721 = arith.constant 1152 : i32
    %add3A_1722 = arith.addi %mul3A_2, %add3A_1721 : i32
    %dma_start3A_1723 = arith.constant 0 : i32
    %dma_start3A_1724 = tpu.memref_slice %arg4[%dma_start3A_1723, %add3A_1722] : memref<64x40960xf32, #tpu.memory_space<hbm>> -> memref<64x128xf32, #tpu.memory_space<hbm>>
    %dma_start3A_1725 = arith.constant 0 : i32
    %dma_start3A_1726 = tpu.memref_slice %arg4[%dma_start3A_1725, %add3A_1722] : memref<64x40960xf32, #tpu.memory_space<hbm>> -> memref<64x128xf32, #tpu.memory_space<hbm>>
    tpu.enqueue_dma source(%arg9 : memref<64x128xf32, #tpu.memory_space<vmem>>) target(%dma_start3A_1726 : memref<64x128xf32, #tpu.memory_space<hbm>>) target_semaphore(%arg13 : memref<!tpu.dma_semaphore, #tpu.memory_space<semaphore_mem>>)
    %dma_wait3A_1727 = arith.constant 0 : i32
    %dma_wait3A_1728 = tpu.memref_slice %arg4[%dma_wait3A_1727, %add3A_1710] : memref<64x40960xf32, #tpu.memory_space<hbm>> -> memref<64x128xf32, #tpu.memory_space<hbm>>
    %dma_wait3A_1729 = arith.constant 0 : i32
    %dma_wait3A_1730 = tpu.memref_slice %arg4[%dma_wait3A_1729, %add3A_1710] : memref<64x40960xf32, #tpu.memory_space<hbm>> -> memref<64x128xf32, #tpu.memory_space<hbm>>
    tpu.wait_dma2 semaphore(%arg12 : memref<!tpu.dma_semaphore, #tpu.memory_space<semaphore_mem>>) src(%arg8 : memref<64x128xf32, #tpu.memory_space<vmem>>) dst(%dma_wait3A_1730 : memref<64x128xf32, #tpu.memory_space<hbm>>)
    %dma_wait3A_1731 = arith.constant 0 : i32
    %dma_wait3A_1732 = tpu.memref_slice %arg4[%dma_wait3A_1731, %add3A_1722] : memref<64x40960xf32, #tpu.memory_space<hbm>> -> memref<64x128xf32, #tpu.memory_space<hbm>>
    %dma_wait3A_1733 = arith.constant 0 : i32
    %dma_wait3A_1734 = tpu.memref_slice %arg4[%dma_wait3A_1733, %add3A_1722] : memref<64x40960xf32, #tpu.memory_space<hbm>> -> memref<64x128xf32, #tpu.memory_space<hbm>>
    tpu.wait_dma2 semaphore(%arg13 : memref<!tpu.dma_semaphore, #tpu.memory_space<semaphore_mem>>) src(%arg9 : memref<64x128xf32, #tpu.memory_space<vmem>>) dst(%dma_wait3A_1734 : memref<64x128xf32, #tpu.memory_space<hbm>>)
    return
  }
}

#map = affine_map<(d0, d1) -> (0)>
#map1 = affine_map<(d0, d1) -> (0, 0, 0)>
#map2 = affine_map<(d0, d1) -> (0, 0)>
module attributes {stable_mosaic.version = 14 : i64} {
  func.func @_gather_body(%arg0: i32, %arg1: i32, %arg2: memref<67108864xf32, #tpu.memory_space<hbm>>, %arg3: memref<32x4x128xi32, #tpu.memory_space<hbm>>, %arg4: memref<64x16384xf32, #tpu.memory_space<hbm>>, %arg5: memref<4x128xi32, #tpu.memory_space<vmem>>, %arg6: memref<128xi32, #tpu.memory_space<vmem>>, %arg7: memref<128xi32, #tpu.memory_space<vmem>>, %arg8: memref<64x128xf32, #tpu.memory_space<vmem>>, %arg9: memref<64x128xf32, #tpu.memory_space<vmem>>, %arg10: memref<!tpu.dma_semaphore, #tpu.memory_space<semaphore_mem>>, %arg11: memref<!tpu.dma_semaphore, #tpu.memory_space<semaphore_mem>>, %arg12: memref<!tpu.dma_semaphore, #tpu.memory_space<semaphore_mem>>, %arg13: memref<!tpu.dma_semaphore, #tpu.memory_space<semaphore_mem>>) attributes {dimension_semantics = [#tpu.dimension_semantics<core_parallel>, #tpu.dimension_semantics<subcore_parallel>], iteration_bounds = array<i64: 2, 16>, scalar_prefetch = 0 : i64, scratch_operands = 9 : i64, tpu.core_type = #tpu.core_type<sc_vector_subcore>, window_params = [{transform_indices = #map}, {transform_indices = #map1}, {transform_indices = #map2}]} {
    %mul3A = arith.constant 2 : i32
    %mul3A_0 = arith.muli %arg1, %mul3A : i32
    %add3A = arith.addi %mul3A_0, %arg0 : i32
    "tpu.region"() ({
      %run_scoped3A = tpu.sem_alloc : memref<!tpu.dma_semaphore, #tpu.memory_space<semaphore_mem>>
      %dma_start3A_691 = arith.constant 0 : i32
      %dma_start3A_692 = arith.constant 0 : i32
      %dma_start3A_693 = tpu.memref_slice %arg3[%add3A, %dma_start3A_691, %dma_start3A_692] : memref<32x4x128xi32, #tpu.memory_space<hbm>> -> memref<1x4x128xi32, #tpu.memory_space<hbm>>
      %dma_start3A_694 = tpu.memref_squeeze %dma_start3A_693 : memref<1x4x128xi32, #tpu.memory_space<hbm>> -> memref<4x128xi32, #tpu.memory_space<hbm>>
      %dma_start3A_695 = arith.constant 0 : i32
      %dma_start3A_696 = arith.constant 0 : i32
      %dma_start3A_697 = tpu.memref_slice %arg3[%add3A, %dma_start3A_695, %dma_start3A_696] : memref<32x4x128xi32, #tpu.memory_space<hbm>> -> memref<1x4x128xi32, #tpu.memory_space<hbm>>
      %dma_start3A_698 = tpu.memref_squeeze %dma_start3A_697 : memref<1x4x128xi32, #tpu.memory_space<hbm>> -> memref<4x128xi32, #tpu.memory_space<hbm>>
      tpu.enqueue_dma source(%dma_start3A_698 : memref<4x128xi32, #tpu.memory_space<hbm>>) target(%arg5 : memref<4x128xi32, #tpu.memory_space<vmem>>) target_semaphore(%run_scoped3A : memref<!tpu.dma_semaphore, #tpu.memory_space<semaphore_mem>>)
      %dma_wait3A_699 = arith.constant 0 : i32
      %dma_wait3A_700 = arith.constant 0 : i32
      %dma_wait3A_701 = tpu.memref_slice %arg3[%add3A, %dma_wait3A_699, %dma_wait3A_700] : memref<32x4x128xi32, #tpu.memory_space<hbm>> -> memref<1x4x128xi32, #tpu.memory_space<hbm>>
      %dma_wait3A_702 = tpu.memref_squeeze %dma_wait3A_701 : memref<1x4x128xi32, #tpu.memory_space<hbm>> -> memref<4x128xi32, #tpu.memory_space<hbm>>
      %dma_wait3A_703 = arith.constant 0 : i32
      %dma_wait3A_704 = arith.constant 0 : i32
      %dma_wait3A_705 = tpu.memref_slice %arg3[%add3A, %dma_wait3A_703, %dma_wait3A_704] : memref<32x4x128xi32, #tpu.memory_space<hbm>> -> memref<1x4x128xi32, #tpu.memory_space<hbm>>
      %dma_wait3A_706 = tpu.memref_squeeze %dma_wait3A_705 : memref<1x4x128xi32, #tpu.memory_space<hbm>> -> memref<4x128xi32, #tpu.memory_space<hbm>>
      tpu.wait_dma2 semaphore(%run_scoped3A : memref<!tpu.dma_semaphore, #tpu.memory_space<semaphore_mem>>) src(%dma_wait3A_706 : memref<4x128xi32, #tpu.memory_space<hbm>>) dst(%arg5 : memref<4x128xi32, #tpu.memory_space<vmem>>)
      tpu.yield
    }) : () -> ()
    %mul3A_1 = arith.constant 512 : i32
    %mul3A_2 = arith.muli %add3A, %mul3A_1 : i32
    %get3A = arith.constant 0 : i32
    %get3A_3 = arith.index_cast %get3A : i32 to index
    %get3A_4 = arith.constant 0 : index
    %get3A_5 = tpu.vector_load %arg5[%get3A_3, %get3A_4] {strides = array<i32>} : memref<4x128xi32, #tpu.memory_space<vmem>>, vector<1x16xi32>,
    %get3A_6 = vector.shape_cast %get3A_5 : vector<1x16xi32> to vector<16xi32>
    %shift_right_arithmetic3A = arith.constant 7 : i32
    %shift_right_arithmetic3A_7 = vector.broadcast %shift_right_arithmetic3A : i32 to vector<16xi32>
    %shift_right_arithmetic3A_8 = arith.shrsi %get3A_6, %shift_right_arithmetic3A_7 : vector<16xi32>
    %shift_left3A = arith.constant 10 : i32
    %shift_left3A_9 = vector.broadcast %shift_left3A : i32 to vector<16xi32>
    %shift_left3A_10 = arith.shli %shift_right_arithmetic3A_8, %shift_left3A_9 : vector<16xi32>
    %and3A = arith.constant 127 : i32
    %and3A_11 = vector.broadcast %and3A : i32 to vector<16xi32>
    %and3A_12 = arith.andi %get3A_6, %and3A_11 : vector<16xi32>
    %add3A_13 = arith.addi %shift_left3A_10, %and3A_12 : vector<16xi32>
    %swap3A = arith.constant 0 : index
    %swap3A_14 = tpu.vector_load %arg6[%swap3A] {strides = array<i32>} : memref<128xi32, #tpu.memory_space<vmem>>, vector<16xi32>,
    %swap3A_15 = vector.shape_cast %swap3A_14 : vector<16xi32> to vector<16xi32>
    %swap3A_16 = vector.shape_cast %add3A_13 : vector<16xi32> to vector<16xi32>
    tpu.vector_store %arg6[%swap3A], %swap3A_16 {strides = array<i32>} : memref<128xi32, #tpu.memory_space<vmem>>, vector<16xi32>,
    %get3A_17 = arith.constant 0 : i32
    %get3A_18 = arith.index_cast %get3A_17 : i32 to index
    %get3A_19 = arith.constant 16 : index
    %get3A_20 = tpu.vector_load %arg5[%get3A_18, %get3A_19] {strides = array<i32>} : memref<4x128xi32, #tpu.memory_space<vmem>>, vector<1x16xi32>,
    %get3A_21 = vector.shape_cast %get3A_20 : vector<1x16xi32> to vector<16xi32>
    %shift_right_arithmetic3A_22 = arith.constant 7 : i32
    %shift_right_arithmetic3A_23 = vector.broadcast %shift_right_arithmetic3A_22 : i32 to vector<16xi32>
    %shift_right_arithmetic3A_24 = arith.shrsi %get3A_21, %shift_right_arithmetic3A_23 : vector<16xi32>
    %shift_left3A_25 = arith.constant 10 : i32
    %shift_left3A_26 = vector.broadcast %shift_left3A_25 : i32 to vector<16xi32>
    %shift_left3A_27 = arith.shli %shift_right_arithmetic3A_24, %shift_left3A_26 : vector<16xi32>
    %and3A_28 = arith.constant 127 : i32
    %and3A_29 = vector.broadcast %and3A_28 : i32 to vector<16xi32>
    %and3A_30 = arith.andi %get3A_21, %and3A_29 : vector<16xi32>
    %add3A_31 = arith.addi %shift_left3A_27, %and3A_30 : vector<16xi32>
    %swap3A_32 = arith.constant 16 : index
    %swap3A_33 = tpu.vector_load %arg6[%swap3A_32] {strides = array<i32>} : memref<128xi32, #tpu.memory_space<vmem>>, vector<16xi32>,
    %swap3A_34 = vector.shape_cast %swap3A_33 : vector<16xi32> to vector<16xi32>
    %swap3A_35 = vector.shape_cast %add3A_31 : vector<16xi32> to vector<16xi32>
    tpu.vector_store %arg6[%swap3A_32], %swap3A_35 {strides = array<i32>} : memref<128xi32, #tpu.memory_space<vmem>>, vector<16xi32>,
    %get3A_36 = arith.constant 0 : i32
    %get3A_37 = arith.index_cast %get3A_36 : i32 to index
    %get3A_38 = arith.constant 32 : index
    %get3A_39 = tpu.vector_load %arg5[%get3A_37, %get3A_38] {strides = array<i32>} : memref<4x128xi32, #tpu.memory_space<vmem>>, vector<1x16xi32>,
    %get3A_40 = vector.shape_cast %get3A_39 : vector<1x16xi32> to vector<16xi32>
    %shift_right_arithmetic3A_41 = arith.constant 7 : i32
    %shift_right_arithmetic3A_42 = vector.broadcast %shift_right_arithmetic3A_41 : i32 to vector<16xi32>
    %shift_right_arithmetic3A_43 = arith.shrsi %get3A_40, %shift_right_arithmetic3A_42 : vector<16xi32>
    %shift_left3A_44 = arith.constant 10 : i32
    %shift_left3A_45 = vector.broadcast %shift_left3A_44 : i32 to vector<16xi32>
    %shift_left3A_46 = arith.shli %shift_right_arithmetic3A_43, %shift_left3A_45 : vector<16xi32>
    %and3A_47 = arith.constant 127 : i32
    %and3A_48 = vector.broadcast %and3A_47 : i32 to vector<16xi32>
    %and3A_49 = arith.andi %get3A_40, %and3A_48 : vector<16xi32>
    %add3A_50 = arith.addi %shift_left3A_46, %and3A_49 : vector<16xi32>
    %swap3A_51 = arith.constant 32 : index
    %swap3A_52 = tpu.vector_load %arg6[%swap3A_51] {strides = array<i32>} : memref<128xi32, #tpu.memory_space<vmem>>, vector<16xi32>,
    %swap3A_53 = vector.shape_cast %swap3A_52 : vector<16xi32> to vector<16xi32>
    %swap3A_54 = vector.shape_cast %add3A_50 : vector<16xi32> to vector<16xi32>
    tpu.vector_store %arg6[%swap3A_51], %swap3A_54 {strides = array<i32>} : memref<128xi32, #tpu.memory_space<vmem>>, vector<16xi32>,
    %get3A_55 = arith.constant 0 : i32
    %get3A_56 = arith.index_cast %get3A_55 : i32 to index
    %get3A_57 = arith.constant 48 : index
    %get3A_58 = tpu.vector_load %arg5[%get3A_56, %get3A_57] {strides = array<i32>} : memref<4x128xi32, #tpu.memory_space<vmem>>, vector<1x16xi32>,
    %get3A_59 = vector.shape_cast %get3A_58 : vector<1x16xi32> to vector<16xi32>
    %shift_right_arithmetic3A_60 = arith.constant 7 : i32
    %shift_right_arithmetic3A_61 = vector.broadcast %shift_right_arithmetic3A_60 : i32 to vector<16xi32>
    %shift_right_arithmetic3A_62 = arith.shrsi %get3A_59, %shift_right_arithmetic3A_61 : vector<16xi32>
    %shift_left3A_63 = arith.constant 10 : i32
    %shift_left3A_64 = vector.broadcast %shift_left3A_63 : i32 to vector<16xi32>
    %shift_left3A_65 = arith.shli %shift_right_arithmetic3A_62, %shift_left3A_64 : vector<16xi32>
    %and3A_66 = arith.constant 127 : i32
    %and3A_67 = vector.broadcast %and3A_66 : i32 to vector<16xi32>
    %and3A_68 = arith.andi %get3A_59, %and3A_67 : vector<16xi32>
    %add3A_69 = arith.addi %shift_left3A_65, %and3A_68 : vector<16xi32>
    %swap3A_70 = arith.constant 48 : index
    %swap3A_71 = tpu.vector_load %arg6[%swap3A_70] {strides = array<i32>} : memref<128xi32, #tpu.memory_space<vmem>>, vector<16xi32>,
    %swap3A_72 = vector.shape_cast %swap3A_71 : vector<16xi32> to vector<16xi32>
    %swap3A_73 = vector.shape_cast %add3A_69 : vector<16xi32> to vector<16xi32>
    tpu.vector_store %arg6[%swap3A_70], %swap3A_73 {strides = array<i32>} : memref<128xi32, #tpu.memory_space<vmem>>, vector<16xi32>,
    %get3A_74 = arith.constant 0 : i32
    %get3A_75 = arith.index_cast %get3A_74 : i32 to index
    %get3A_76 = arith.constant 64 : index
    %get3A_77 = tpu.vector_load %arg5[%get3A_75, %get3A_76] {strides = array<i32>} : memref<4x128xi32, #tpu.memory_space<vmem>>, vector<1x16xi32>,
    %get3A_78 = vector.shape_cast %get3A_77 : vector<1x16xi32> to vector<16xi32>
    %shift_right_arithmetic3A_79 = arith.constant 7 : i32
    %shift_right_arithmetic3A_80 = vector.broadcast %shift_right_arithmetic3A_79 : i32 to vector<16xi32>
    %shift_right_arithmetic3A_81 = arith.shrsi %get3A_78, %shift_right_arithmetic3A_80 : vector<16xi32>
    %shift_left3A_82 = arith.constant 10 : i32
    %shift_left3A_83 = vector.broadcast %shift_left3A_82 : i32 to vector<16xi32>
    %shift_left3A_84 = arith.shli %shift_right_arithmetic3A_81, %shift_left3A_83 : vector<16xi32>
    %and3A_85 = arith.constant 127 : i32
    %and3A_86 = vector.broadcast %and3A_85 : i32 to vector<16xi32>
    %and3A_87 = arith.andi %get3A_78, %and3A_86 : vector<16xi32>
    %add3A_88 = arith.addi %shift_left3A_84, %and3A_87 : vector<16xi32>
    %swap3A_89 = arith.constant 64 : index
    %swap3A_90 = tpu.vector_load %arg6[%swap3A_89] {strides = array<i32>} : memref<128xi32, #tpu.memory_space<vmem>>, vector<16xi32>,
    %swap3A_91 = vector.shape_cast %swap3A_90 : vector<16xi32> to vector<16xi32>
    %swap3A_92 = vector.shape_cast %add3A_88 : vector<16xi32> to vector<16xi32>
    tpu.vector_store %arg6[%swap3A_89], %swap3A_92 {strides = array<i32>} : memref<128xi32, #tpu.memory_space<vmem>>, vector<16xi32>,
    %get3A_93 = arith.constant 0 : i32
    %get3A_94 = arith.index_cast %get3A_93 : i32 to index
    %get3A_95 = arith.constant 80 : index
    %get3A_96 = tpu.vector_load %arg5[%get3A_94, %get3A_95] {strides = array<i32>} : memref<4x128xi32, #tpu.memory_space<vmem>>, vector<1x16xi32>,
    %get3A_97 = vector.shape_cast %get3A_96 : vector<1x16xi32> to vector<16xi32>
    %shift_right_arithmetic3A_98 = arith.constant 7 : i32
    %shift_right_arithmetic3A_99 = vector.broadcast %shift_right_arithmetic3A_98 : i32 to vector<16xi32>
    %shift_right_arithmetic3A_100 = arith.shrsi %get3A_97, %shift_right_arithmetic3A_99 : vector<16xi32>
    %shift_left3A_101 = arith.constant 10 : i32
    %shift_left3A_102 = vector.broadcast %shift_left3A_101 : i32 to vector<16xi32>
    %shift_left3A_103 = arith.shli %shift_right_arithmetic3A_100, %shift_left3A_102 : vector<16xi32>
    %and3A_104 = arith.constant 127 : i32
    %and3A_105 = vector.broadcast %and3A_104 : i32 to vector<16xi32>
    %and3A_106 = arith.andi %get3A_97, %and3A_105 : vector<16xi32>
    %add3A_107 = arith.addi %shift_left3A_103, %and3A_106 : vector<16xi32>
    %swap3A_108 = arith.constant 80 : index
    %swap3A_109 = tpu.vector_load %arg6[%swap3A_108] {strides = array<i32>} : memref<128xi32, #tpu.memory_space<vmem>>, vector<16xi32>,
    %swap3A_110 = vector.shape_cast %swap3A_109 : vector<16xi32> to vector<16xi32>
    %swap3A_111 = vector.shape_cast %add3A_107 : vector<16xi32> to vector<16xi32>
    tpu.vector_store %arg6[%swap3A_108], %swap3A_111 {strides = array<i32>} : memref<128xi32, #tpu.memory_space<vmem>>, vector<16xi32>,
    %get3A_112 = arith.constant 0 : i32
    %get3A_113 = arith.index_cast %get3A_112 : i32 to index
    %get3A_114 = arith.constant 96 : index
    %get3A_115 = tpu.vector_load %arg5[%get3A_113, %get3A_114] {strides = array<i32>} : memref<4x128xi32, #tpu.memory_space<vmem>>, vector<1x16xi32>,
    %get3A_116 = vector.shape_cast %get3A_115 : vector<1x16xi32> to vector<16xi32>
    %shift_right_arithmetic3A_117 = arith.constant 7 : i32
    %shift_right_arithmetic3A_118 = vector.broadcast %shift_right_arithmetic3A_117 : i32 to vector<16xi32>
    %shift_right_arithmetic3A_119 = arith.shrsi %get3A_116, %shift_right_arithmetic3A_118 : vector<16xi32>
    %shift_left3A_120 = arith.constant 10 : i32
    %shift_left3A_121 = vector.broadcast %shift_left3A_120 : i32 to vector<16xi32>
    %shift_left3A_122 = arith.shli %shift_right_arithmetic3A_119, %shift_left3A_121 : vector<16xi32>
    %and3A_123 = arith.constant 127 : i32
    %and3A_124 = vector.broadcast %and3A_123 : i32 to vector<16xi32>
    %and3A_125 = arith.andi %get3A_116, %and3A_124 : vector<16xi32>
    %add3A_126 = arith.addi %shift_left3A_122, %and3A_125 : vector<16xi32>
    %swap3A_127 = arith.constant 96 : index
    %swap3A_128 = tpu.vector_load %arg6[%swap3A_127] {strides = array<i32>} : memref<128xi32, #tpu.memory_space<vmem>>, vector<16xi32>,
    %swap3A_129 = vector.shape_cast %swap3A_128 : vector<16xi32> to vector<16xi32>
    %swap3A_130 = vector.shape_cast %add3A_126 : vector<16xi32> to vector<16xi32>
    tpu.vector_store %arg6[%swap3A_127], %swap3A_130 {strides = array<i32>} : memref<128xi32, #tpu.memory_space<vmem>>, vector<16xi32>,
    %get3A_131 = arith.constant 0 : i32
    %get3A_132 = arith.index_cast %get3A_131 : i32 to index
    %get3A_133 = arith.constant 112 : index
    %get3A_134 = tpu.vector_load %arg5[%get3A_132, %get3A_133] {strides = array<i32>} : memref<4x128xi32, #tpu.memory_space<vmem>>, vector<1x16xi32>,
    %get3A_135 = vector.shape_cast %get3A_134 : vector<1x16xi32> to vector<16xi32>
    %shift_right_arithmetic3A_136 = arith.constant 7 : i32
    %shift_right_arithmetic3A_137 = vector.broadcast %shift_right_arithmetic3A_136 : i32 to vector<16xi32>
    %shift_right_arithmetic3A_138 = arith.shrsi %get3A_135, %shift_right_arithmetic3A_137 : vector<16xi32>
    %shift_left3A_139 = arith.constant 10 : i32
    %shift_left3A_140 = vector.broadcast %shift_left3A_139 : i32 to vector<16xi32>
    %shift_left3A_141 = arith.shli %shift_right_arithmetic3A_138, %shift_left3A_140 : vector<16xi32>
    %and3A_142 = arith.constant 127 : i32
    %and3A_143 = vector.broadcast %and3A_142 : i32 to vector<16xi32>
    %and3A_144 = arith.andi %get3A_135, %and3A_143 : vector<16xi32>
    %add3A_145 = arith.addi %shift_left3A_141, %and3A_144 : vector<16xi32>
    %swap3A_146 = arith.constant 112 : index
    %swap3A_147 = tpu.vector_load %arg6[%swap3A_146] {strides = array<i32>} : memref<128xi32, #tpu.memory_space<vmem>>, vector<16xi32>,
    %swap3A_148 = vector.shape_cast %swap3A_147 : vector<16xi32> to vector<16xi32>
    %swap3A_149 = vector.shape_cast %add3A_145 : vector<16xi32> to vector<16xi32>
    tpu.vector_store %arg6[%swap3A_146], %swap3A_149 {strides = array<i32>} : memref<128xi32, #tpu.memory_space<vmem>>, vector<16xi32>,
    %scan3A = arith.constant 0 : i32
    %scan3A_150 = arith.constant 0 : i32
    %scan3A_151 = arith.constant 64 : i32
    %scan3A_152 = arith.addi %scan3A_150, %scan3A_151 : i32
    %scan3A_153 = arith.constant 1 : i32
    scf.for %scan3A_691 = %scan3A_150 to %scan3A_152 step %scan3A_153  : i32 {
      %jit3A = arith.constant 8 : i32
      %div3A = arith.divsi %scan3A_691, %jit3A : i32
      %sign3A = arith.constant 0 : i32
      %sign3A_692 = arith.cmpi sgt, %scan3A_691, %sign3A : i32
      %sign3A_693 = arith.extui %sign3A_692 : i1 to i32
      %sign3A_694 = arith.constant 0 : i32
      %sign3A_695 = arith.cmpi slt, %scan3A_691, %sign3A_694 : i32
      %sign3A_696 = arith.extui %sign3A_695 : i1 to i32
      %sign3A_697 = arith.subi %sign3A_693, %sign3A_696 : i32
      %sign3A_698 = arith.constant 0 : i32
      %sign3A_699 = arith.cmpi sgt, %jit3A, %sign3A_698 : i32
      %sign3A_700 = arith.extui %sign3A_699 : i1 to i32
      %sign3A_701 = arith.constant 0 : i32
      %sign3A_702 = arith.cmpi slt, %jit3A, %sign3A_701 : i32
      %sign3A_703 = arith.extui %sign3A_702 : i1 to i32
      %sign3A_704 = arith.subi %sign3A_700, %sign3A_703 : i32
      %ne3A = arith.cmpi ne, %sign3A_697, %sign3A_704 : i32
      %rem3A = arith.remsi %scan3A_691, %jit3A : i32
      %ne3A_705 = arith.constant 0 : i32
      %ne3A_706 = arith.cmpi ne, %rem3A, %ne3A_705 : i32
      %and3A_707 = arith.andi %ne3A, %ne3A_706 : i1
      %sub3A = arith.constant 1 : i32
      %sub3A_708 = arith.subi %div3A, %sub3A : i32
      %select_n3A = arith.select %and3A_707, %sub3A_708, %div3A : i32
      %mul3A_709 = arith.constant 8388608 : i32
      %mul3A_710 = arith.muli %select_n3A, %mul3A_709 : i32
      %jit3A_711 = arith.constant 8 : i32
      %eq3A = arith.constant 0 : i32
      %eq3A_712 = arith.cmpi eq, %jit3A_711, %eq3A : i32
      %jit3A_713 = arith.constant 1 : i32
      %select_n3A_714 = arith.select %eq3A_712, %jit3A_713, %jit3A_711 : i32
      %rem3A_715 = arith.remsi %scan3A_691, %select_n3A_714 : i32
      %ne3A_716 = arith.constant 0 : i32
      %ne3A_717 = arith.cmpi ne, %rem3A_715, %ne3A_716 : i32
      %lt3A = arith.constant 0 : i32
      %lt3A_718 = arith.cmpi slt, %rem3A_715, %lt3A : i32
      %lt3A_719 = arith.constant 0 : i32
      %lt3A_720 = arith.cmpi slt, %select_n3A_714, %lt3A_719 : i32
      %ne3A_721 = arith.xori %lt3A_718, %lt3A_720 : i1
      %and3A_722 = arith.andi %ne3A_721, %ne3A_717 : i1
      %add3A_723 = arith.addi %rem3A_715, %select_n3A_714 : i32
      %select_n3A_724 = arith.select %and3A_722, %add3A_723, %rem3A_715 : i32
      %mul3A_725 = arith.constant 128 : i32
      %mul3A_726 = arith.muli %select_n3A_724, %mul3A_725 : i32
      %add3A_727 = arith.addi %mul3A_710, %mul3A_726 : i32
      %dma_start3A_728 = arith.constant 0 : i32
      %dma_start3A_729 = tpu.memref_slice %arg8[%scan3A_691, %dma_start3A_728] : memref<64x128xf32, #tpu.memory_space<vmem>> -> memref<1x128xf32, #tpu.memory_space<vmem>>
      %dma_start3A_730 = tpu.memref_squeeze %dma_start3A_729 : memref<1x128xf32, #tpu.memory_space<vmem>> -> memref<128xf32, #tpu.memory_space<vmem>>
      %dma_start3A_731 = tpu.memref_slice %arg2[%add3A_727] : memref<67108864xf32, #tpu.memory_space<hbm>> -> memref<8388608xf32, #tpu.memory_space<hbm>>
      %dma_start3A_732 = arith.constant 0 : i32
      %dma_start3A_733 = tpu.memref_slice %dma_start3A_731[%dma_start3A_732] : memref<8388608xf32, #tpu.memory_space<hbm>> -> memref<8388608xf32, #tpu.memory_space<hbm>>
      tpu.enqueue_indirect_dma source(%dma_start3A_733 : memref<8388608xf32, #tpu.memory_space<hbm>>) target(%dma_start3A_730 : memref<128xf32, #tpu.memory_space<vmem>>) offsets(%arg6 : memref<128xi32, #tpu.memory_space<vmem>>) semaphore(%arg10 : memref<!tpu.dma_semaphore, #tpu.memory_space<semaphore_mem>>)
    }
    %scan3A_154 = arith.constant 64 : i32
    %get3A_155 = arith.constant 1 : i32
    %get3A_156 = arith.index_cast %get3A_155 : i32 to index
    %get3A_157 = arith.constant 0 : index
    %get3A_158 = tpu.vector_load %arg5[%get3A_156, %get3A_157] {strides = array<i32>} : memref<4x128xi32, #tpu.memory_space<vmem>>, vector<1x16xi32>,
    %get3A_159 = vector.shape_cast %get3A_158 : vector<1x16xi32> to vector<16xi32>
    %shift_right_arithmetic3A_160 = arith.constant 7 : i32
    %shift_right_arithmetic3A_161 = vector.broadcast %shift_right_arithmetic3A_160 : i32 to vector<16xi32>
    %shift_right_arithmetic3A_162 = arith.shrsi %get3A_159, %shift_right_arithmetic3A_161 : vector<16xi32>
    %shift_left3A_163 = arith.constant 10 : i32
    %shift_left3A_164 = vector.broadcast %shift_left3A_163 : i32 to vector<16xi32>
    %shift_left3A_165 = arith.shli %shift_right_arithmetic3A_162, %shift_left3A_164 : vector<16xi32>
    %and3A_166 = arith.constant 127 : i32
    %and3A_167 = vector.broadcast %and3A_166 : i32 to vector<16xi32>
    %and3A_168 = arith.andi %get3A_159, %and3A_167 : vector<16xi32>
    %add3A_169 = arith.addi %shift_left3A_165, %and3A_168 : vector<16xi32>
    %swap3A_170 = arith.constant 0 : index
    %swap3A_171 = tpu.vector_load %arg7[%swap3A_170] {strides = array<i32>} : memref<128xi32, #tpu.memory_space<vmem>>, vector<16xi32>,
    %swap3A_172 = vector.shape_cast %swap3A_171 : vector<16xi32> to vector<16xi32>
    %swap3A_173 = vector.shape_cast %add3A_169 : vector<16xi32> to vector<16xi32>
    tpu.vector_store %arg7[%swap3A_170], %swap3A_173 {strides = array<i32>} : memref<128xi32, #tpu.memory_space<vmem>>, vector<16xi32>,
    %get3A_174 = arith.constant 1 : i32
    %get3A_175 = arith.index_cast %get3A_174 : i32 to index
    %get3A_176 = arith.constant 16 : index
    %get3A_177 = tpu.vector_load %arg5[%get3A_175, %get3A_176] {strides = array<i32>} : memref<4x128xi32, #tpu.memory_space<vmem>>, vector<1x16xi32>,
    %get3A_178 = vector.shape_cast %get3A_177 : vector<1x16xi32> to vector<16xi32>
    %shift_right_arithmetic3A_179 = arith.constant 7 : i32
    %shift_right_arithmetic3A_180 = vector.broadcast %shift_right_arithmetic3A_179 : i32 to vector<16xi32>
    %shift_right_arithmetic3A_181 = arith.shrsi %get3A_178, %shift_right_arithmetic3A_180 : vector<16xi32>
    %shift_left3A_182 = arith.constant 10 : i32
    %shift_left3A_183 = vector.broadcast %shift_left3A_182 : i32 to vector<16xi32>
    %shift_left3A_184 = arith.shli %shift_right_arithmetic3A_181, %shift_left3A_183 : vector<16xi32>
    %and3A_185 = arith.constant 127 : i32
    %and3A_186 = vector.broadcast %and3A_185 : i32 to vector<16xi32>
    %and3A_187 = arith.andi %get3A_178, %and3A_186 : vector<16xi32>
    %add3A_188 = arith.addi %shift_left3A_184, %and3A_187 : vector<16xi32>
    %swap3A_189 = arith.constant 16 : index
    %swap3A_190 = tpu.vector_load %arg7[%swap3A_189] {strides = array<i32>} : memref<128xi32, #tpu.memory_space<vmem>>, vector<16xi32>,
    %swap3A_191 = vector.shape_cast %swap3A_190 : vector<16xi32> to vector<16xi32>
    %swap3A_192 = vector.shape_cast %add3A_188 : vector<16xi32> to vector<16xi32>
    tpu.vector_store %arg7[%swap3A_189], %swap3A_192 {strides = array<i32>} : memref<128xi32, #tpu.memory_space<vmem>>, vector<16xi32>,
    %get3A_193 = arith.constant 1 : i32
    %get3A_194 = arith.index_cast %get3A_193 : i32 to index
    %get3A_195 = arith.constant 32 : index
    %get3A_196 = tpu.vector_load %arg5[%get3A_194, %get3A_195] {strides = array<i32>} : memref<4x128xi32, #tpu.memory_space<vmem>>, vector<1x16xi32>,
    %get3A_197 = vector.shape_cast %get3A_196 : vector<1x16xi32> to vector<16xi32>
    %shift_right_arithmetic3A_198 = arith.constant 7 : i32
    %shift_right_arithmetic3A_199 = vector.broadcast %shift_right_arithmetic3A_198 : i32 to vector<16xi32>
    %shift_right_arithmetic3A_200 = arith.shrsi %get3A_197, %shift_right_arithmetic3A_199 : vector<16xi32>
    %shift_left3A_201 = arith.constant 10 : i32
    %shift_left3A_202 = vector.broadcast %shift_left3A_201 : i32 to vector<16xi32>
    %shift_left3A_203 = arith.shli %shift_right_arithmetic3A_200, %shift_left3A_202 : vector<16xi32>
    %and3A_204 = arith.constant 127 : i32
    %and3A_205 = vector.broadcast %and3A_204 : i32 to vector<16xi32>
    %and3A_206 = arith.andi %get3A_197, %and3A_205 : vector<16xi32>
    %add3A_207 = arith.addi %shift_left3A_203, %and3A_206 : vector<16xi32>
    %swap3A_208 = arith.constant 32 : index
    %swap3A_209 = tpu.vector_load %arg7[%swap3A_208] {strides = array<i32>} : memref<128xi32, #tpu.memory_space<vmem>>, vector<16xi32>,
    %swap3A_210 = vector.shape_cast %swap3A_209 : vector<16xi32> to vector<16xi32>
    %swap3A_211 = vector.shape_cast %add3A_207 : vector<16xi32> to vector<16xi32>
    tpu.vector_store %arg7[%swap3A_208], %swap3A_211 {strides = array<i32>} : memref<128xi32, #tpu.memory_space<vmem>>, vector<16xi32>,
    %get3A_212 = arith.constant 1 : i32
    %get3A_213 = arith.index_cast %get3A_212 : i32 to index
    %get3A_214 = arith.constant 48 : index
    %get3A_215 = tpu.vector_load %arg5[%get3A_213, %get3A_214] {strides = array<i32>} : memref<4x128xi32, #tpu.memory_space<vmem>>, vector<1x16xi32>,
    %get3A_216 = vector.shape_cast %get3A_215 : vector<1x16xi32> to vector<16xi32>
    %shift_right_arithmetic3A_217 = arith.constant 7 : i32
    %shift_right_arithmetic3A_218 = vector.broadcast %shift_right_arithmetic3A_217 : i32 to vector<16xi32>
    %shift_right_arithmetic3A_219 = arith.shrsi %get3A_216, %shift_right_arithmetic3A_218 : vector<16xi32>
    %shift_left3A_220 = arith.constant 10 : i32
    %shift_left3A_221 = vector.broadcast %shift_left3A_220 : i32 to vector<16xi32>
    %shift_left3A_222 = arith.shli %shift_right_arithmetic3A_219, %shift_left3A_221 : vector<16xi32>
    %and3A_223 = arith.constant 127 : i32
    %and3A_224 = vector.broadcast %and3A_223 : i32 to vector<16xi32>
    %and3A_225 = arith.andi %get3A_216, %and3A_224 : vector<16xi32>
    %add3A_226 = arith.addi %shift_left3A_222, %and3A_225 : vector<16xi32>
    %swap3A_227 = arith.constant 48 : index
    %swap3A_228 = tpu.vector_load %arg7[%swap3A_227] {strides = array<i32>} : memref<128xi32, #tpu.memory_space<vmem>>, vector<16xi32>,
    %swap3A_229 = vector.shape_cast %swap3A_228 : vector<16xi32> to vector<16xi32>
    %swap3A_230 = vector.shape_cast %add3A_226 : vector<16xi32> to vector<16xi32>
    tpu.vector_store %arg7[%swap3A_227], %swap3A_230 {strides = array<i32>} : memref<128xi32, #tpu.memory_space<vmem>>, vector<16xi32>,
    %get3A_231 = arith.constant 1 : i32
    %get3A_232 = arith.index_cast %get3A_231 : i32 to index
    %get3A_233 = arith.constant 64 : index
    %get3A_234 = tpu.vector_load %arg5[%get3A_232, %get3A_233] {strides = array<i32>} : memref<4x128xi32, #tpu.memory_space<vmem>>, vector<1x16xi32>,
    %get3A_235 = vector.shape_cast %get3A_234 : vector<1x16xi32> to vector<16xi32>
    %shift_right_arithmetic3A_236 = arith.constant 7 : i32
    %shift_right_arithmetic3A_237 = vector.broadcast %shift_right_arithmetic3A_236 : i32 to vector<16xi32>
    %shift_right_arithmetic3A_238 = arith.shrsi %get3A_235, %shift_right_arithmetic3A_237 : vector<16xi32>
    %shift_left3A_239 = arith.constant 10 : i32
    %shift_left3A_240 = vector.broadcast %shift_left3A_239 : i32 to vector<16xi32>
    %shift_left3A_241 = arith.shli %shift_right_arithmetic3A_238, %shift_left3A_240 : vector<16xi32>
    %and3A_242 = arith.constant 127 : i32
    %and3A_243 = vector.broadcast %and3A_242 : i32 to vector<16xi32>
    %and3A_244 = arith.andi %get3A_235, %and3A_243 : vector<16xi32>
    %add3A_245 = arith.addi %shift_left3A_241, %and3A_244 : vector<16xi32>
    %swap3A_246 = arith.constant 64 : index
    %swap3A_247 = tpu.vector_load %arg7[%swap3A_246] {strides = array<i32>} : memref<128xi32, #tpu.memory_space<vmem>>, vector<16xi32>,
    %swap3A_248 = vector.shape_cast %swap3A_247 : vector<16xi32> to vector<16xi32>
    %swap3A_249 = vector.shape_cast %add3A_245 : vector<16xi32> to vector<16xi32>
    tpu.vector_store %arg7[%swap3A_246], %swap3A_249 {strides = array<i32>} : memref<128xi32, #tpu.memory_space<vmem>>, vector<16xi32>,
    %get3A_250 = arith.constant 1 : i32
    %get3A_251 = arith.index_cast %get3A_250 : i32 to index
    %get3A_252 = arith.constant 80 : index
    %get3A_253 = tpu.vector_load %arg5[%get3A_251, %get3A_252] {strides = array<i32>} : memref<4x128xi32, #tpu.memory_space<vmem>>, vector<1x16xi32>,
    %get3A_254 = vector.shape_cast %get3A_253 : vector<1x16xi32> to vector<16xi32>
    %shift_right_arithmetic3A_255 = arith.constant 7 : i32
    %shift_right_arithmetic3A_256 = vector.broadcast %shift_right_arithmetic3A_255 : i32 to vector<16xi32>
    %shift_right_arithmetic3A_257 = arith.shrsi %get3A_254, %shift_right_arithmetic3A_256 : vector<16xi32>
    %shift_left3A_258 = arith.constant 10 : i32
    %shift_left3A_259 = vector.broadcast %shift_left3A_258 : i32 to vector<16xi32>
    %shift_left3A_260 = arith.shli %shift_right_arithmetic3A_257, %shift_left3A_259 : vector<16xi32>
    %and3A_261 = arith.constant 127 : i32
    %and3A_262 = vector.broadcast %and3A_261 : i32 to vector<16xi32>
    %and3A_263 = arith.andi %get3A_254, %and3A_262 : vector<16xi32>
    %add3A_264 = arith.addi %shift_left3A_260, %and3A_263 : vector<16xi32>
    %swap3A_265 = arith.constant 80 : index
    %swap3A_266 = tpu.vector_load %arg7[%swap3A_265] {strides = array<i32>} : memref<128xi32, #tpu.memory_space<vmem>>, vector<16xi32>,
    %swap3A_267 = vector.shape_cast %swap3A_266 : vector<16xi32> to vector<16xi32>
    %swap3A_268 = vector.shape_cast %add3A_264 : vector<16xi32> to vector<16xi32>
    tpu.vector_store %arg7[%swap3A_265], %swap3A_268 {strides = array<i32>} : memref<128xi32, #tpu.memory_space<vmem>>, vector<16xi32>,
    %get3A_269 = arith.constant 1 : i32
    %get3A_270 = arith.index_cast %get3A_269 : i32 to index
    %get3A_271 = arith.constant 96 : index
    %get3A_272 = tpu.vector_load %arg5[%get3A_270, %get3A_271] {strides = array<i32>} : memref<4x128xi32, #tpu.memory_space<vmem>>, vector<1x16xi32>,
    %get3A_273 = vector.shape_cast %get3A_272 : vector<1x16xi32> to vector<16xi32>
    %shift_right_arithmetic3A_274 = arith.constant 7 : i32
    %shift_right_arithmetic3A_275 = vector.broadcast %shift_right_arithmetic3A_274 : i32 to vector<16xi32>
    %shift_right_arithmetic3A_276 = arith.shrsi %get3A_273, %shift_right_arithmetic3A_275 : vector<16xi32>
    %shift_left3A_277 = arith.constant 10 : i32
    %shift_left3A_278 = vector.broadcast %shift_left3A_277 : i32 to vector<16xi32>
    %shift_left3A_279 = arith.shli %shift_right_arithmetic3A_276, %shift_left3A_278 : vector<16xi32>
    %and3A_280 = arith.constant 127 : i32
    %and3A_281 = vector.broadcast %and3A_280 : i32 to vector<16xi32>
    %and3A_282 = arith.andi %get3A_273, %and3A_281 : vector<16xi32>
    %add3A_283 = arith.addi %shift_left3A_279, %and3A_282 : vector<16xi32>
    %swap3A_284 = arith.constant 96 : index
    %swap3A_285 = tpu.vector_load %arg7[%swap3A_284] {strides = array<i32>} : memref<128xi32, #tpu.memory_space<vmem>>, vector<16xi32>,
    %swap3A_286 = vector.shape_cast %swap3A_285 : vector<16xi32> to vector<16xi32>
    %swap3A_287 = vector.shape_cast %add3A_283 : vector<16xi32> to vector<16xi32>
    tpu.vector_store %arg7[%swap3A_284], %swap3A_287 {strides = array<i32>} : memref<128xi32, #tpu.memory_space<vmem>>, vector<16xi32>,
    %get3A_288 = arith.constant 1 : i32
    %get3A_289 = arith.index_cast %get3A_288 : i32 to index
    %get3A_290 = arith.constant 112 : index
    %get3A_291 = tpu.vector_load %arg5[%get3A_289, %get3A_290] {strides = array<i32>} : memref<4x128xi32, #tpu.memory_space<vmem>>, vector<1x16xi32>,
    %get3A_292 = vector.shape_cast %get3A_291 : vector<1x16xi32> to vector<16xi32>
    %shift_right_arithmetic3A_293 = arith.constant 7 : i32
    %shift_right_arithmetic3A_294 = vector.broadcast %shift_right_arithmetic3A_293 : i32 to vector<16xi32>
    %shift_right_arithmetic3A_295 = arith.shrsi %get3A_292, %shift_right_arithmetic3A_294 : vector<16xi32>
    %shift_left3A_296 = arith.constant 10 : i32
    %shift_left3A_297 = vector.broadcast %shift_left3A_296 : i32 to vector<16xi32>
    %shift_left3A_298 = arith.shli %shift_right_arithmetic3A_295, %shift_left3A_297 : vector<16xi32>
    %and3A_299 = arith.constant 127 : i32
    %and3A_300 = vector.broadcast %and3A_299 : i32 to vector<16xi32>
    %and3A_301 = arith.andi %get3A_292, %and3A_300 : vector<16xi32>
    %add3A_302 = arith.addi %shift_left3A_298, %and3A_301 : vector<16xi32>
    %swap3A_303 = arith.constant 112 : index
    %swap3A_304 = tpu.vector_load %arg7[%swap3A_303] {strides = array<i32>} : memref<128xi32, #tpu.memory_space<vmem>>, vector<16xi32>,
    %swap3A_305 = vector.shape_cast %swap3A_304 : vector<16xi32> to vector<16xi32>
    %swap3A_306 = vector.shape_cast %add3A_302 : vector<16xi32> to vector<16xi32>
    tpu.vector_store %arg7[%swap3A_303], %swap3A_306 {strides = array<i32>} : memref<128xi32, #tpu.memory_space<vmem>>, vector<16xi32>,
    %scan3A_307 = arith.constant 0 : i32
    %scan3A_308 = arith.constant 0 : i32
    %scan3A_309 = arith.constant 64 : i32
    %scan3A_310 = arith.addi %scan3A_308, %scan3A_309 : i32
    %scan3A_311 = arith.constant 1 : i32
    scf.for %scan3A_691 = %scan3A_308 to %scan3A_310 step %scan3A_311  : i32 {
      %jit3A = arith.constant 8 : i32
      %div3A = arith.divsi %scan3A_691, %jit3A : i32
      %sign3A = arith.constant 0 : i32
      %sign3A_692 = arith.cmpi sgt, %scan3A_691, %sign3A : i32
      %sign3A_693 = arith.extui %sign3A_692 : i1 to i32
      %sign3A_694 = arith.constant 0 : i32
      %sign3A_695 = arith.cmpi slt, %scan3A_691, %sign3A_694 : i32
      %sign3A_696 = arith.extui %sign3A_695 : i1 to i32
      %sign3A_697 = arith.subi %sign3A_693, %sign3A_696 : i32
      %sign3A_698 = arith.constant 0 : i32
      %sign3A_699 = arith.cmpi sgt, %jit3A, %sign3A_698 : i32
      %sign3A_700 = arith.extui %sign3A_699 : i1 to i32
      %sign3A_701 = arith.constant 0 : i32
      %sign3A_702 = arith.cmpi slt, %jit3A, %sign3A_701 : i32
      %sign3A_703 = arith.extui %sign3A_702 : i1 to i32
      %sign3A_704 = arith.subi %sign3A_700, %sign3A_703 : i32
      %ne3A = arith.cmpi ne, %sign3A_697, %sign3A_704 : i32
      %rem3A = arith.remsi %scan3A_691, %jit3A : i32
      %ne3A_705 = arith.constant 0 : i32
      %ne3A_706 = arith.cmpi ne, %rem3A, %ne3A_705 : i32
      %and3A_707 = arith.andi %ne3A, %ne3A_706 : i1
      %sub3A = arith.constant 1 : i32
      %sub3A_708 = arith.subi %div3A, %sub3A : i32
      %select_n3A = arith.select %and3A_707, %sub3A_708, %div3A : i32
      %mul3A_709 = arith.constant 8388608 : i32
      %mul3A_710 = arith.muli %select_n3A, %mul3A_709 : i32
      %jit3A_711 = arith.constant 8 : i32
      %eq3A = arith.constant 0 : i32
      %eq3A_712 = arith.cmpi eq, %jit3A_711, %eq3A : i32
      %jit3A_713 = arith.constant 1 : i32
      %select_n3A_714 = arith.select %eq3A_712, %jit3A_713, %jit3A_711 : i32
      %rem3A_715 = arith.remsi %scan3A_691, %select_n3A_714 : i32
      %ne3A_716 = arith.constant 0 : i32
      %ne3A_717 = arith.cmpi ne, %rem3A_715, %ne3A_716 : i32
      %lt3A = arith.constant 0 : i32
      %lt3A_718 = arith.cmpi slt, %rem3A_715, %lt3A : i32
      %lt3A_719 = arith.constant 0 : i32
      %lt3A_720 = arith.cmpi slt, %select_n3A_714, %lt3A_719 : i32
      %ne3A_721 = arith.xori %lt3A_718, %lt3A_720 : i1
      %and3A_722 = arith.andi %ne3A_721, %ne3A_717 : i1
      %add3A_723 = arith.addi %rem3A_715, %select_n3A_714 : i32
      %select_n3A_724 = arith.select %and3A_722, %add3A_723, %rem3A_715 : i32
      %mul3A_725 = arith.constant 128 : i32
      %mul3A_726 = arith.muli %select_n3A_724, %mul3A_725 : i32
      %add3A_727 = arith.addi %mul3A_710, %mul3A_726 : i32
      %dma_start3A_728 = arith.constant 0 : i32
      %dma_start3A_729 = tpu.memref_slice %arg9[%scan3A_691, %dma_start3A_728] : memref<64x128xf32, #tpu.memory_space<vmem>> -> memref<1x128xf32, #tpu.memory_space<vmem>>
      %dma_start3A_730 = tpu.memref_squeeze %dma_start3A_729 : memref<1x128xf32, #tpu.memory_space<vmem>> -> memref<128xf32, #tpu.memory_space<vmem>>
      %dma_start3A_731 = tpu.memref_slice %arg2[%add3A_727] : memref<67108864xf32, #tpu.memory_space<hbm>> -> memref<8388608xf32, #tpu.memory_space<hbm>>
      %dma_start3A_732 = arith.constant 0 : i32
      %dma_start3A_733 = tpu.memref_slice %dma_start3A_731[%dma_start3A_732] : memref<8388608xf32, #tpu.memory_space<hbm>> -> memref<8388608xf32, #tpu.memory_space<hbm>>
      tpu.enqueue_indirect_dma source(%dma_start3A_733 : memref<8388608xf32, #tpu.memory_space<hbm>>) target(%dma_start3A_730 : memref<128xf32, #tpu.memory_space<vmem>>) offsets(%arg7 : memref<128xi32, #tpu.memory_space<vmem>>) semaphore(%arg11 : memref<!tpu.dma_semaphore, #tpu.memory_space<semaphore_mem>>)
    }
    %scan3A_312 = arith.constant 64 : i32
    %dma_wait3A = arith.constant 0 : i32
    %dma_wait3A_313 = arith.constant 0 : i32
    %dma_wait3A_314 = tpu.memref_slice %arg4[%dma_wait3A, %dma_wait3A_313] : memref<64x16384xf32, #tpu.memory_space<hbm>> -> memref<64x128xf32, #tpu.memory_space<hbm>>
    %dma_wait3A_315 = arith.constant 0 : i32
    %dma_wait3A_316 = arith.constant 0 : i32
    %dma_wait3A_317 = tpu.memref_slice %arg4[%dma_wait3A_315, %dma_wait3A_316] : memref<64x16384xf32, #tpu.memory_space<hbm>> -> memref<64x128xf32, #tpu.memory_space<hbm>>
    tpu.wait_dma2 semaphore(%arg10 : memref<!tpu.dma_semaphore, #tpu.memory_space<semaphore_mem>>) src(%dma_wait3A_317 : memref<64x128xf32, #tpu.memory_space<hbm>>) dst(%arg8 : memref<64x128xf32, #tpu.memory_space<vmem>>)
    %add3A_318 = arith.constant 0 : i32
    %add3A_319 = arith.addi %mul3A_2, %add3A_318 : i32
    %dma_start3A = arith.constant 0 : i32
    %dma_start3A_320 = tpu.memref_slice %arg4[%dma_start3A, %add3A_319] : memref<64x16384xf32, #tpu.memory_space<hbm>> -> memref<64x128xf32, #tpu.memory_space<hbm>>
    %dma_start3A_321 = arith.constant 0 : i32
    %dma_start3A_322 = tpu.memref_slice %arg4[%dma_start3A_321, %add3A_319] : memref<64x16384xf32, #tpu.memory_space<hbm>> -> memref<64x128xf32, #tpu.memory_space<hbm>>
    tpu.enqueue_dma source(%arg8 : memref<64x128xf32, #tpu.memory_space<vmem>>) target(%dma_start3A_322 : memref<64x128xf32, #tpu.memory_space<hbm>>) target_semaphore(%arg12 : memref<!tpu.dma_semaphore, #tpu.memory_space<semaphore_mem>>)
    %dma_wait3A_323 = arith.constant 0 : i32
    %dma_wait3A_324 = tpu.memref_slice %arg4[%dma_wait3A_323, %add3A_319] : memref<64x16384xf32, #tpu.memory_space<hbm>> -> memref<64x128xf32, #tpu.memory_space<hbm>>
    %dma_wait3A_325 = arith.constant 0 : i32
    %dma_wait3A_326 = tpu.memref_slice %arg4[%dma_wait3A_325, %add3A_319] : memref<64x16384xf32, #tpu.memory_space<hbm>> -> memref<64x128xf32, #tpu.memory_space<hbm>>
    tpu.wait_dma2 semaphore(%arg12 : memref<!tpu.dma_semaphore, #tpu.memory_space<semaphore_mem>>) src(%arg8 : memref<64x128xf32, #tpu.memory_space<vmem>>) dst(%dma_wait3A_326 : memref<64x128xf32, #tpu.memory_space<hbm>>)
    %get3A_327 = arith.constant 2 : i32
    %get3A_328 = arith.index_cast %get3A_327 : i32 to index
    %get3A_329 = arith.constant 0 : index
    %get3A_330 = tpu.vector_load %arg5[%get3A_328, %get3A_329] {strides = array<i32>} : memref<4x128xi32, #tpu.memory_space<vmem>>, vector<1x16xi32>,
    %get3A_331 = vector.shape_cast %get3A_330 : vector<1x16xi32> to vector<16xi32>
    %shift_right_arithmetic3A_332 = arith.constant 7 : i32
    %shift_right_arithmetic3A_333 = vector.broadcast %shift_right_arithmetic3A_332 : i32 to vector<16xi32>
    %shift_right_arithmetic3A_334 = arith.shrsi %get3A_331, %shift_right_arithmetic3A_333 : vector<16xi32>
    %shift_left3A_335 = arith.constant 10 : i32
    %shift_left3A_336 = vector.broadcast %shift_left3A_335 : i32 to vector<16xi32>
    %shift_left3A_337 = arith.shli %shift_right_arithmetic3A_334, %shift_left3A_336 : vector<16xi32>
    %and3A_338 = arith.constant 127 : i32
    %and3A_339 = vector.broadcast %and3A_338 : i32 to vector<16xi32>
    %and3A_340 = arith.andi %get3A_331, %and3A_339 : vector<16xi32>
    %add3A_341 = arith.addi %shift_left3A_337, %and3A_340 : vector<16xi32>
    %swap3A_342 = arith.constant 0 : index
    %swap3A_343 = tpu.vector_load %arg6[%swap3A_342] {strides = array<i32>} : memref<128xi32, #tpu.memory_space<vmem>>, vector<16xi32>,
    %swap3A_344 = vector.shape_cast %swap3A_343 : vector<16xi32> to vector<16xi32>
    %swap3A_345 = vector.shape_cast %add3A_341 : vector<16xi32> to vector<16xi32>
    tpu.vector_store %arg6[%swap3A_342], %swap3A_345 {strides = array<i32>} : memref<128xi32, #tpu.memory_space<vmem>>, vector<16xi32>,
    %get3A_346 = arith.constant 2 : i32
    %get3A_347 = arith.index_cast %get3A_346 : i32 to index
    %get3A_348 = arith.constant 16 : index
    %get3A_349 = tpu.vector_load %arg5[%get3A_347, %get3A_348] {strides = array<i32>} : memref<4x128xi32, #tpu.memory_space<vmem>>, vector<1x16xi32>,
    %get3A_350 = vector.shape_cast %get3A_349 : vector<1x16xi32> to vector<16xi32>
    %shift_right_arithmetic3A_351 = arith.constant 7 : i32
    %shift_right_arithmetic3A_352 = vector.broadcast %shift_right_arithmetic3A_351 : i32 to vector<16xi32>
    %shift_right_arithmetic3A_353 = arith.shrsi %get3A_350, %shift_right_arithmetic3A_352 : vector<16xi32>
    %shift_left3A_354 = arith.constant 10 : i32
    %shift_left3A_355 = vector.broadcast %shift_left3A_354 : i32 to vector<16xi32>
    %shift_left3A_356 = arith.shli %shift_right_arithmetic3A_353, %shift_left3A_355 : vector<16xi32>
    %and3A_357 = arith.constant 127 : i32
    %and3A_358 = vector.broadcast %and3A_357 : i32 to vector<16xi32>
    %and3A_359 = arith.andi %get3A_350, %and3A_358 : vector<16xi32>
    %add3A_360 = arith.addi %shift_left3A_356, %and3A_359 : vector<16xi32>
    %swap3A_361 = arith.constant 16 : index
    %swap3A_362 = tpu.vector_load %arg6[%swap3A_361] {strides = array<i32>} : memref<128xi32, #tpu.memory_space<vmem>>, vector<16xi32>,
    %swap3A_363 = vector.shape_cast %swap3A_362 : vector<16xi32> to vector<16xi32>
    %swap3A_364 = vector.shape_cast %add3A_360 : vector<16xi32> to vector<16xi32>
    tpu.vector_store %arg6[%swap3A_361], %swap3A_364 {strides = array<i32>} : memref<128xi32, #tpu.memory_space<vmem>>, vector<16xi32>,
    %get3A_365 = arith.constant 2 : i32
    %get3A_366 = arith.index_cast %get3A_365 : i32 to index
    %get3A_367 = arith.constant 32 : index
    %get3A_368 = tpu.vector_load %arg5[%get3A_366, %get3A_367] {strides = array<i32>} : memref<4x128xi32, #tpu.memory_space<vmem>>, vector<1x16xi32>,
    %get3A_369 = vector.shape_cast %get3A_368 : vector<1x16xi32> to vector<16xi32>
    %shift_right_arithmetic3A_370 = arith.constant 7 : i32
    %shift_right_arithmetic3A_371 = vector.broadcast %shift_right_arithmetic3A_370 : i32 to vector<16xi32>
    %shift_right_arithmetic3A_372 = arith.shrsi %get3A_369, %shift_right_arithmetic3A_371 : vector<16xi32>
    %shift_left3A_373 = arith.constant 10 : i32
    %shift_left3A_374 = vector.broadcast %shift_left3A_373 : i32 to vector<16xi32>
    %shift_left3A_375 = arith.shli %shift_right_arithmetic3A_372, %shift_left3A_374 : vector<16xi32>
    %and3A_376 = arith.constant 127 : i32
    %and3A_377 = vector.broadcast %and3A_376 : i32 to vector<16xi32>
    %and3A_378 = arith.andi %get3A_369, %and3A_377 : vector<16xi32>
    %add3A_379 = arith.addi %shift_left3A_375, %and3A_378 : vector<16xi32>
    %swap3A_380 = arith.constant 32 : index
    %swap3A_381 = tpu.vector_load %arg6[%swap3A_380] {strides = array<i32>} : memref<128xi32, #tpu.memory_space<vmem>>, vector<16xi32>,
    %swap3A_382 = vector.shape_cast %swap3A_381 : vector<16xi32> to vector<16xi32>
    %swap3A_383 = vector.shape_cast %add3A_379 : vector<16xi32> to vector<16xi32>
    tpu.vector_store %arg6[%swap3A_380], %swap3A_383 {strides = array<i32>} : memref<128xi32, #tpu.memory_space<vmem>>, vector<16xi32>,
    %get3A_384 = arith.constant 2 : i32
    %get3A_385 = arith.index_cast %get3A_384 : i32 to index
    %get3A_386 = arith.constant 48 : index
    %get3A_387 = tpu.vector_load %arg5[%get3A_385, %get3A_386] {strides = array<i32>} : memref<4x128xi32, #tpu.memory_space<vmem>>, vector<1x16xi32>,
    %get3A_388 = vector.shape_cast %get3A_387 : vector<1x16xi32> to vector<16xi32>
    %shift_right_arithmetic3A_389 = arith.constant 7 : i32
    %shift_right_arithmetic3A_390 = vector.broadcast %shift_right_arithmetic3A_389 : i32 to vector<16xi32>
    %shift_right_arithmetic3A_391 = arith.shrsi %get3A_388, %shift_right_arithmetic3A_390 : vector<16xi32>
    %shift_left3A_392 = arith.constant 10 : i32
    %shift_left3A_393 = vector.broadcast %shift_left3A_392 : i32 to vector<16xi32>
    %shift_left3A_394 = arith.shli %shift_right_arithmetic3A_391, %shift_left3A_393 : vector<16xi32>
    %and3A_395 = arith.constant 127 : i32
    %and3A_396 = vector.broadcast %and3A_395 : i32 to vector<16xi32>
    %and3A_397 = arith.andi %get3A_388, %and3A_396 : vector<16xi32>
    %add3A_398 = arith.addi %shift_left3A_394, %and3A_397 : vector<16xi32>
    %swap3A_399 = arith.constant 48 : index
    %swap3A_400 = tpu.vector_load %arg6[%swap3A_399] {strides = array<i32>} : memref<128xi32, #tpu.memory_space<vmem>>, vector<16xi32>,
    %swap3A_401 = vector.shape_cast %swap3A_400 : vector<16xi32> to vector<16xi32>
    %swap3A_402 = vector.shape_cast %add3A_398 : vector<16xi32> to vector<16xi32>
    tpu.vector_store %arg6[%swap3A_399], %swap3A_402 {strides = array<i32>} : memref<128xi32, #tpu.memory_space<vmem>>, vector<16xi32>,
    %get3A_403 = arith.constant 2 : i32
    %get3A_404 = arith.index_cast %get3A_403 : i32 to index
    %get3A_405 = arith.constant 64 : index
    %get3A_406 = tpu.vector_load %arg5[%get3A_404, %get3A_405] {strides = array<i32>} : memref<4x128xi32, #tpu.memory_space<vmem>>, vector<1x16xi32>,
    %get3A_407 = vector.shape_cast %get3A_406 : vector<1x16xi32> to vector<16xi32>
    %shift_right_arithmetic3A_408 = arith.constant 7 : i32
    %shift_right_arithmetic3A_409 = vector.broadcast %shift_right_arithmetic3A_408 : i32 to vector<16xi32>
    %shift_right_arithmetic3A_410 = arith.shrsi %get3A_407, %shift_right_arithmetic3A_409 : vector<16xi32>
    %shift_left3A_411 = arith.constant 10 : i32
    %shift_left3A_412 = vector.broadcast %shift_left3A_411 : i32 to vector<16xi32>
    %shift_left3A_413 = arith.shli %shift_right_arithmetic3A_410, %shift_left3A_412 : vector<16xi32>
    %and3A_414 = arith.constant 127 : i32
    %and3A_415 = vector.broadcast %and3A_414 : i32 to vector<16xi32>
    %and3A_416 = arith.andi %get3A_407, %and3A_415 : vector<16xi32>
    %add3A_417 = arith.addi %shift_left3A_413, %and3A_416 : vector<16xi32>
    %swap3A_418 = arith.constant 64 : index
    %swap3A_419 = tpu.vector_load %arg6[%swap3A_418] {strides = array<i32>} : memref<128xi32, #tpu.memory_space<vmem>>, vector<16xi32>,
    %swap3A_420 = vector.shape_cast %swap3A_419 : vector<16xi32> to vector<16xi32>
    %swap3A_421 = vector.shape_cast %add3A_417 : vector<16xi32> to vector<16xi32>
    tpu.vector_store %arg6[%swap3A_418], %swap3A_421 {strides = array<i32>} : memref<128xi32, #tpu.memory_space<vmem>>, vector<16xi32>,
    %get3A_422 = arith.constant 2 : i32
    %get3A_423 = arith.index_cast %get3A_422 : i32 to index
    %get3A_424 = arith.constant 80 : index
    %get3A_425 = tpu.vector_load %arg5[%get3A_423, %get3A_424] {strides = array<i32>} : memref<4x128xi32, #tpu.memory_space<vmem>>, vector<1x16xi32>,
    %get3A_426 = vector.shape_cast %get3A_425 : vector<1x16xi32> to vector<16xi32>
    %shift_right_arithmetic3A_427 = arith.constant 7 : i32
    %shift_right_arithmetic3A_428 = vector.broadcast %shift_right_arithmetic3A_427 : i32 to vector<16xi32>
    %shift_right_arithmetic3A_429 = arith.shrsi %get3A_426, %shift_right_arithmetic3A_428 : vector<16xi32>
    %shift_left3A_430 = arith.constant 10 : i32
    %shift_left3A_431 = vector.broadcast %shift_left3A_430 : i32 to vector<16xi32>
    %shift_left3A_432 = arith.shli %shift_right_arithmetic3A_429, %shift_left3A_431 : vector<16xi32>
    %and3A_433 = arith.constant 127 : i32
    %and3A_434 = vector.broadcast %and3A_433 : i32 to vector<16xi32>
    %and3A_435 = arith.andi %get3A_426, %and3A_434 : vector<16xi32>
    %add3A_436 = arith.addi %shift_left3A_432, %and3A_435 : vector<16xi32>
    %swap3A_437 = arith.constant 80 : index
    %swap3A_438 = tpu.vector_load %arg6[%swap3A_437] {strides = array<i32>} : memref<128xi32, #tpu.memory_space<vmem>>, vector<16xi32>,
    %swap3A_439 = vector.shape_cast %swap3A_438 : vector<16xi32> to vector<16xi32>
    %swap3A_440 = vector.shape_cast %add3A_436 : vector<16xi32> to vector<16xi32>
    tpu.vector_store %arg6[%swap3A_437], %swap3A_440 {strides = array<i32>} : memref<128xi32, #tpu.memory_space<vmem>>, vector<16xi32>,
    %get3A_441 = arith.constant 2 : i32
    %get3A_442 = arith.index_cast %get3A_441 : i32 to index
    %get3A_443 = arith.constant 96 : index
    %get3A_444 = tpu.vector_load %arg5[%get3A_442, %get3A_443] {strides = array<i32>} : memref<4x128xi32, #tpu.memory_space<vmem>>, vector<1x16xi32>,
    %get3A_445 = vector.shape_cast %get3A_444 : vector<1x16xi32> to vector<16xi32>
    %shift_right_arithmetic3A_446 = arith.constant 7 : i32
    %shift_right_arithmetic3A_447 = vector.broadcast %shift_right_arithmetic3A_446 : i32 to vector<16xi32>
    %shift_right_arithmetic3A_448 = arith.shrsi %get3A_445, %shift_right_arithmetic3A_447 : vector<16xi32>
    %shift_left3A_449 = arith.constant 10 : i32
    %shift_left3A_450 = vector.broadcast %shift_left3A_449 : i32 to vector<16xi32>
    %shift_left3A_451 = arith.shli %shift_right_arithmetic3A_448, %shift_left3A_450 : vector<16xi32>
    %and3A_452 = arith.constant 127 : i32
    %and3A_453 = vector.broadcast %and3A_452 : i32 to vector<16xi32>
    %and3A_454 = arith.andi %get3A_445, %and3A_453 : vector<16xi32>
    %add3A_455 = arith.addi %shift_left3A_451, %and3A_454 : vector<16xi32>
    %swap3A_456 = arith.constant 96 : index
    %swap3A_457 = tpu.vector_load %arg6[%swap3A_456] {strides = array<i32>} : memref<128xi32, #tpu.memory_space<vmem>>, vector<16xi32>,
    %swap3A_458 = vector.shape_cast %swap3A_457 : vector<16xi32> to vector<16xi32>
    %swap3A_459 = vector.shape_cast %add3A_455 : vector<16xi32> to vector<16xi32>
    tpu.vector_store %arg6[%swap3A_456], %swap3A_459 {strides = array<i32>} : memref<128xi32, #tpu.memory_space<vmem>>, vector<16xi32>,
    %get3A_460 = arith.constant 2 : i32
    %get3A_461 = arith.index_cast %get3A_460 : i32 to index
    %get3A_462 = arith.constant 112 : index
    %get3A_463 = tpu.vector_load %arg5[%get3A_461, %get3A_462] {strides = array<i32>} : memref<4x128xi32, #tpu.memory_space<vmem>>, vector<1x16xi32>,
    %get3A_464 = vector.shape_cast %get3A_463 : vector<1x16xi32> to vector<16xi32>
    %shift_right_arithmetic3A_465 = arith.constant 7 : i32
    %shift_right_arithmetic3A_466 = vector.broadcast %shift_right_arithmetic3A_465 : i32 to vector<16xi32>
    %shift_right_arithmetic3A_467 = arith.shrsi %get3A_464, %shift_right_arithmetic3A_466 : vector<16xi32>
    %shift_left3A_468 = arith.constant 10 : i32
    %shift_left3A_469 = vector.broadcast %shift_left3A_468 : i32 to vector<16xi32>
    %shift_left3A_470 = arith.shli %shift_right_arithmetic3A_467, %shift_left3A_469 : vector<16xi32>
    %and3A_471 = arith.constant 127 : i32
    %and3A_472 = vector.broadcast %and3A_471 : i32 to vector<16xi32>
    %and3A_473 = arith.andi %get3A_464, %and3A_472 : vector<16xi32>
    %add3A_474 = arith.addi %shift_left3A_470, %and3A_473 : vector<16xi32>
    %swap3A_475 = arith.constant 112 : index
    %swap3A_476 = tpu.vector_load %arg6[%swap3A_475] {strides = array<i32>} : memref<128xi32, #tpu.memory_space<vmem>>, vector<16xi32>,
    %swap3A_477 = vector.shape_cast %swap3A_476 : vector<16xi32> to vector<16xi32>
    %swap3A_478 = vector.shape_cast %add3A_474 : vector<16xi32> to vector<16xi32>
    tpu.vector_store %arg6[%swap3A_475], %swap3A_478 {strides = array<i32>} : memref<128xi32, #tpu.memory_space<vmem>>, vector<16xi32>,
    %scan3A_479 = arith.constant 0 : i32
    %scan3A_480 = arith.constant 0 : i32
    %scan3A_481 = arith.constant 64 : i32
    %scan3A_482 = arith.addi %scan3A_480, %scan3A_481 : i32
    %scan3A_483 = arith.constant 1 : i32
    scf.for %scan3A_691 = %scan3A_480 to %scan3A_482 step %scan3A_483  : i32 {
      %jit3A = arith.constant 8 : i32
      %div3A = arith.divsi %scan3A_691, %jit3A : i32
      %sign3A = arith.constant 0 : i32
      %sign3A_692 = arith.cmpi sgt, %scan3A_691, %sign3A : i32
      %sign3A_693 = arith.extui %sign3A_692 : i1 to i32
      %sign3A_694 = arith.constant 0 : i32
      %sign3A_695 = arith.cmpi slt, %scan3A_691, %sign3A_694 : i32
      %sign3A_696 = arith.extui %sign3A_695 : i1 to i32
      %sign3A_697 = arith.subi %sign3A_693, %sign3A_696 : i32
      %sign3A_698 = arith.constant 0 : i32
      %sign3A_699 = arith.cmpi sgt, %jit3A, %sign3A_698 : i32
      %sign3A_700 = arith.extui %sign3A_699 : i1 to i32
      %sign3A_701 = arith.constant 0 : i32
      %sign3A_702 = arith.cmpi slt, %jit3A, %sign3A_701 : i32
      %sign3A_703 = arith.extui %sign3A_702 : i1 to i32
      %sign3A_704 = arith.subi %sign3A_700, %sign3A_703 : i32
      %ne3A = arith.cmpi ne, %sign3A_697, %sign3A_704 : i32
      %rem3A = arith.remsi %scan3A_691, %jit3A : i32
      %ne3A_705 = arith.constant 0 : i32
      %ne3A_706 = arith.cmpi ne, %rem3A, %ne3A_705 : i32
      %and3A_707 = arith.andi %ne3A, %ne3A_706 : i1
      %sub3A = arith.constant 1 : i32
      %sub3A_708 = arith.subi %div3A, %sub3A : i32
      %select_n3A = arith.select %and3A_707, %sub3A_708, %div3A : i32
      %mul3A_709 = arith.constant 8388608 : i32
      %mul3A_710 = arith.muli %select_n3A, %mul3A_709 : i32
      %jit3A_711 = arith.constant 8 : i32
      %eq3A = arith.constant 0 : i32
      %eq3A_712 = arith.cmpi eq, %jit3A_711, %eq3A : i32
      %jit3A_713 = arith.constant 1 : i32
      %select_n3A_714 = arith.select %eq3A_712, %jit3A_713, %jit3A_711 : i32
      %rem3A_715 = arith.remsi %scan3A_691, %select_n3A_714 : i32
      %ne3A_716 = arith.constant 0 : i32
      %ne3A_717 = arith.cmpi ne, %rem3A_715, %ne3A_716 : i32
      %lt3A = arith.constant 0 : i32
      %lt3A_718 = arith.cmpi slt, %rem3A_715, %lt3A : i32
      %lt3A_719 = arith.constant 0 : i32
      %lt3A_720 = arith.cmpi slt, %select_n3A_714, %lt3A_719 : i32
      %ne3A_721 = arith.xori %lt3A_718, %lt3A_720 : i1
      %and3A_722 = arith.andi %ne3A_721, %ne3A_717 : i1
      %add3A_723 = arith.addi %rem3A_715, %select_n3A_714 : i32
      %select_n3A_724 = arith.select %and3A_722, %add3A_723, %rem3A_715 : i32
      %mul3A_725 = arith.constant 128 : i32
      %mul3A_726 = arith.muli %select_n3A_724, %mul3A_725 : i32
      %add3A_727 = arith.addi %mul3A_710, %mul3A_726 : i32
      %dma_start3A_728 = arith.constant 0 : i32
      %dma_start3A_729 = tpu.memref_slice %arg8[%scan3A_691, %dma_start3A_728] : memref<64x128xf32, #tpu.memory_space<vmem>> -> memref<1x128xf32, #tpu.memory_space<vmem>>
      %dma_start3A_730 = tpu.memref_squeeze %dma_start3A_729 : memref<1x128xf32, #tpu.memory_space<vmem>> -> memref<128xf32, #tpu.memory_space<vmem>>
      %dma_start3A_731 = tpu.memref_slice %arg2[%add3A_727] : memref<67108864xf32, #tpu.memory_space<hbm>> -> memref<8388608xf32, #tpu.memory_space<hbm>>
      %dma_start3A_732 = arith.constant 0 : i32
      %dma_start3A_733 = tpu.memref_slice %dma_start3A_731[%dma_start3A_732] : memref<8388608xf32, #tpu.memory_space<hbm>> -> memref<8388608xf32, #tpu.memory_space<hbm>>
      tpu.enqueue_indirect_dma source(%dma_start3A_733 : memref<8388608xf32, #tpu.memory_space<hbm>>) target(%dma_start3A_730 : memref<128xf32, #tpu.memory_space<vmem>>) offsets(%arg6 : memref<128xi32, #tpu.memory_space<vmem>>) semaphore(%arg10 : memref<!tpu.dma_semaphore, #tpu.memory_space<semaphore_mem>>)
    }
    %scan3A_484 = arith.constant 64 : i32
    %dma_wait3A_485 = arith.constant 0 : i32
    %dma_wait3A_486 = arith.constant 0 : i32
    %dma_wait3A_487 = tpu.memref_slice %arg4[%dma_wait3A_485, %dma_wait3A_486] : memref<64x16384xf32, #tpu.memory_space<hbm>> -> memref<64x128xf32, #tpu.memory_space<hbm>>
    %dma_wait3A_488 = arith.constant 0 : i32
    %dma_wait3A_489 = arith.constant 0 : i32
    %dma_wait3A_490 = tpu.memref_slice %arg4[%dma_wait3A_488, %dma_wait3A_489] : memref<64x16384xf32, #tpu.memory_space<hbm>> -> memref<64x128xf32, #tpu.memory_space<hbm>>
    tpu.wait_dma2 semaphore(%arg11 : memref<!tpu.dma_semaphore, #tpu.memory_space<semaphore_mem>>) src(%dma_wait3A_490 : memref<64x128xf32, #tpu.memory_space<hbm>>) dst(%arg9 : memref<64x128xf32, #tpu.memory_space<vmem>>)
    %add3A_491 = arith.constant 128 : i32
    %add3A_492 = arith.addi %mul3A_2, %add3A_491 : i32
    %dma_start3A_493 = arith.constant 0 : i32
    %dma_start3A_494 = tpu.memref_slice %arg4[%dma_start3A_493, %add3A_492] : memref<64x16384xf32, #tpu.memory_space<hbm>> -> memref<64x128xf32, #tpu.memory_space<hbm>>
    %dma_start3A_495 = arith.constant 0 : i32
    %dma_start3A_496 = tpu.memref_slice %arg4[%dma_start3A_495, %add3A_492] : memref<64x16384xf32, #tpu.memory_space<hbm>> -> memref<64x128xf32, #tpu.memory_space<hbm>>
    tpu.enqueue_dma source(%arg9 : memref<64x128xf32, #tpu.memory_space<vmem>>) target(%dma_start3A_496 : memref<64x128xf32, #tpu.memory_space<hbm>>) target_semaphore(%arg13 : memref<!tpu.dma_semaphore, #tpu.memory_space<semaphore_mem>>)
    %dma_wait3A_497 = arith.constant 0 : i32
    %dma_wait3A_498 = tpu.memref_slice %arg4[%dma_wait3A_497, %add3A_492] : memref<64x16384xf32, #tpu.memory_space<hbm>> -> memref<64x128xf32, #tpu.memory_space<hbm>>
    %dma_wait3A_499 = arith.constant 0 : i32
    %dma_wait3A_500 = tpu.memref_slice %arg4[%dma_wait3A_499, %add3A_492] : memref<64x16384xf32, #tpu.memory_space<hbm>> -> memref<64x128xf32, #tpu.memory_space<hbm>>
    tpu.wait_dma2 semaphore(%arg13 : memref<!tpu.dma_semaphore, #tpu.memory_space<semaphore_mem>>) src(%arg9 : memref<64x128xf32, #tpu.memory_space<vmem>>) dst(%dma_wait3A_500 : memref<64x128xf32, #tpu.memory_space<hbm>>)
    %get3A_501 = arith.constant 3 : i32
    %get3A_502 = arith.index_cast %get3A_501 : i32 to index
    %get3A_503 = arith.constant 0 : index
    %get3A_504 = tpu.vector_load %arg5[%get3A_502, %get3A_503] {strides = array<i32>} : memref<4x128xi32, #tpu.memory_space<vmem>>, vector<1x16xi32>,
    %get3A_505 = vector.shape_cast %get3A_504 : vector<1x16xi32> to vector<16xi32>
    %shift_right_arithmetic3A_506 = arith.constant 7 : i32
    %shift_right_arithmetic3A_507 = vector.broadcast %shift_right_arithmetic3A_506 : i32 to vector<16xi32>
    %shift_right_arithmetic3A_508 = arith.shrsi %get3A_505, %shift_right_arithmetic3A_507 : vector<16xi32>
    %shift_left3A_509 = arith.constant 10 : i32
    %shift_left3A_510 = vector.broadcast %shift_left3A_509 : i32 to vector<16xi32>
    %shift_left3A_511 = arith.shli %shift_right_arithmetic3A_508, %shift_left3A_510 : vector<16xi32>
    %and3A_512 = arith.constant 127 : i32
    %and3A_513 = vector.broadcast %and3A_512 : i32 to vector<16xi32>
    %and3A_514 = arith.andi %get3A_505, %and3A_513 : vector<16xi32>
    %add3A_515 = arith.addi %shift_left3A_511, %and3A_514 : vector<16xi32>
    %swap3A_516 = arith.constant 0 : index
    %swap3A_517 = tpu.vector_load %arg7[%swap3A_516] {strides = array<i32>} : memref<128xi32, #tpu.memory_space<vmem>>, vector<16xi32>,
    %swap3A_518 = vector.shape_cast %swap3A_517 : vector<16xi32> to vector<16xi32>
    %swap3A_519 = vector.shape_cast %add3A_515 : vector<16xi32> to vector<16xi32>
    tpu.vector_store %arg7[%swap3A_516], %swap3A_519 {strides = array<i32>} : memref<128xi32, #tpu.memory_space<vmem>>, vector<16xi32>,
    %get3A_520 = arith.constant 3 : i32
    %get3A_521 = arith.index_cast %get3A_520 : i32 to index
    %get3A_522 = arith.constant 16 : index
    %get3A_523 = tpu.vector_load %arg5[%get3A_521, %get3A_522] {strides = array<i32>} : memref<4x128xi32, #tpu.memory_space<vmem>>, vector<1x16xi32>,
    %get3A_524 = vector.shape_cast %get3A_523 : vector<1x16xi32> to vector<16xi32>
    %shift_right_arithmetic3A_525 = arith.constant 7 : i32
    %shift_right_arithmetic3A_526 = vector.broadcast %shift_right_arithmetic3A_525 : i32 to vector<16xi32>
    %shift_right_arithmetic3A_527 = arith.shrsi %get3A_524, %shift_right_arithmetic3A_526 : vector<16xi32>
    %shift_left3A_528 = arith.constant 10 : i32
    %shift_left3A_529 = vector.broadcast %shift_left3A_528 : i32 to vector<16xi32>
    %shift_left3A_530 = arith.shli %shift_right_arithmetic3A_527, %shift_left3A_529 : vector<16xi32>
    %and3A_531 = arith.constant 127 : i32
    %and3A_532 = vector.broadcast %and3A_531 : i32 to vector<16xi32>
    %and3A_533 = arith.andi %get3A_524, %and3A_532 : vector<16xi32>
    %add3A_534 = arith.addi %shift_left3A_530, %and3A_533 : vector<16xi32>
    %swap3A_535 = arith.constant 16 : index
    %swap3A_536 = tpu.vector_load %arg7[%swap3A_535] {strides = array<i32>} : memref<128xi32, #tpu.memory_space<vmem>>, vector<16xi32>,
    %swap3A_537 = vector.shape_cast %swap3A_536 : vector<16xi32> to vector<16xi32>
    %swap3A_538 = vector.shape_cast %add3A_534 : vector<16xi32> to vector<16xi32>
    tpu.vector_store %arg7[%swap3A_535], %swap3A_538 {strides = array<i32>} : memref<128xi32, #tpu.memory_space<vmem>>, vector<16xi32>,
    %get3A_539 = arith.constant 3 : i32
    %get3A_540 = arith.index_cast %get3A_539 : i32 to index
    %get3A_541 = arith.constant 32 : index
    %get3A_542 = tpu.vector_load %arg5[%get3A_540, %get3A_541] {strides = array<i32>} : memref<4x128xi32, #tpu.memory_space<vmem>>, vector<1x16xi32>,
    %get3A_543 = vector.shape_cast %get3A_542 : vector<1x16xi32> to vector<16xi32>
    %shift_right_arithmetic3A_544 = arith.constant 7 : i32
    %shift_right_arithmetic3A_545 = vector.broadcast %shift_right_arithmetic3A_544 : i32 to vector<16xi32>
    %shift_right_arithmetic3A_546 = arith.shrsi %get3A_543, %shift_right_arithmetic3A_545 : vector<16xi32>
    %shift_left3A_547 = arith.constant 10 : i32
    %shift_left3A_548 = vector.broadcast %shift_left3A_547 : i32 to vector<16xi32>
    %shift_left3A_549 = arith.shli %shift_right_arithmetic3A_546, %shift_left3A_548 : vector<16xi32>
    %and3A_550 = arith.constant 127 : i32
    %and3A_551 = vector.broadcast %and3A_550 : i32 to vector<16xi32>
    %and3A_552 = arith.andi %get3A_543, %and3A_551 : vector<16xi32>
    %add3A_553 = arith.addi %shift_left3A_549, %and3A_552 : vector<16xi32>
    %swap3A_554 = arith.constant 32 : index
    %swap3A_555 = tpu.vector_load %arg7[%swap3A_554] {strides = array<i32>} : memref<128xi32, #tpu.memory_space<vmem>>, vector<16xi32>,
    %swap3A_556 = vector.shape_cast %swap3A_555 : vector<16xi32> to vector<16xi32>
    %swap3A_557 = vector.shape_cast %add3A_553 : vector<16xi32> to vector<16xi32>
    tpu.vector_store %arg7[%swap3A_554], %swap3A_557 {strides = array<i32>} : memref<128xi32, #tpu.memory_space<vmem>>, vector<16xi32>,
    %get3A_558 = arith.constant 3 : i32
    %get3A_559 = arith.index_cast %get3A_558 : i32 to index
    %get3A_560 = arith.constant 48 : index
    %get3A_561 = tpu.vector_load %arg5[%get3A_559, %get3A_560] {strides = array<i32>} : memref<4x128xi32, #tpu.memory_space<vmem>>, vector<1x16xi32>,
    %get3A_562 = vector.shape_cast %get3A_561 : vector<1x16xi32> to vector<16xi32>
    %shift_right_arithmetic3A_563 = arith.constant 7 : i32
    %shift_right_arithmetic3A_564 = vector.broadcast %shift_right_arithmetic3A_563 : i32 to vector<16xi32>
    %shift_right_arithmetic3A_565 = arith.shrsi %get3A_562, %shift_right_arithmetic3A_564 : vector<16xi32>
    %shift_left3A_566 = arith.constant 10 : i32
    %shift_left3A_567 = vector.broadcast %shift_left3A_566 : i32 to vector<16xi32>
    %shift_left3A_568 = arith.shli %shift_right_arithmetic3A_565, %shift_left3A_567 : vector<16xi32>
    %and3A_569 = arith.constant 127 : i32
    %and3A_570 = vector.broadcast %and3A_569 : i32 to vector<16xi32>
    %and3A_571 = arith.andi %get3A_562, %and3A_570 : vector<16xi32>
    %add3A_572 = arith.addi %shift_left3A_568, %and3A_571 : vector<16xi32>
    %swap3A_573 = arith.constant 48 : index
    %swap3A_574 = tpu.vector_load %arg7[%swap3A_573] {strides = array<i32>} : memref<128xi32, #tpu.memory_space<vmem>>, vector<16xi32>,
    %swap3A_575 = vector.shape_cast %swap3A_574 : vector<16xi32> to vector<16xi32>
    %swap3A_576 = vector.shape_cast %add3A_572 : vector<16xi32> to vector<16xi32>
    tpu.vector_store %arg7[%swap3A_573], %swap3A_576 {strides = array<i32>} : memref<128xi32, #tpu.memory_space<vmem>>, vector<16xi32>,
    %get3A_577 = arith.constant 3 : i32
    %get3A_578 = arith.index_cast %get3A_577 : i32 to index
    %get3A_579 = arith.constant 64 : index
    %get3A_580 = tpu.vector_load %arg5[%get3A_578, %get3A_579] {strides = array<i32>} : memref<4x128xi32, #tpu.memory_space<vmem>>, vector<1x16xi32>,
    %get3A_581 = vector.shape_cast %get3A_580 : vector<1x16xi32> to vector<16xi32>
    %shift_right_arithmetic3A_582 = arith.constant 7 : i32
    %shift_right_arithmetic3A_583 = vector.broadcast %shift_right_arithmetic3A_582 : i32 to vector<16xi32>
    %shift_right_arithmetic3A_584 = arith.shrsi %get3A_581, %shift_right_arithmetic3A_583 : vector<16xi32>
    %shift_left3A_585 = arith.constant 10 : i32
    %shift_left3A_586 = vector.broadcast %shift_left3A_585 : i32 to vector<16xi32>
    %shift_left3A_587 = arith.shli %shift_right_arithmetic3A_584, %shift_left3A_586 : vector<16xi32>
    %and3A_588 = arith.constant 127 : i32
    %and3A_589 = vector.broadcast %and3A_588 : i32 to vector<16xi32>
    %and3A_590 = arith.andi %get3A_581, %and3A_589 : vector<16xi32>
    %add3A_591 = arith.addi %shift_left3A_587, %and3A_590 : vector<16xi32>
    %swap3A_592 = arith.constant 64 : index
    %swap3A_593 = tpu.vector_load %arg7[%swap3A_592] {strides = array<i32>} : memref<128xi32, #tpu.memory_space<vmem>>, vector<16xi32>,
    %swap3A_594 = vector.shape_cast %swap3A_593 : vector<16xi32> to vector<16xi32>
    %swap3A_595 = vector.shape_cast %add3A_591 : vector<16xi32> to vector<16xi32>
    tpu.vector_store %arg7[%swap3A_592], %swap3A_595 {strides = array<i32>} : memref<128xi32, #tpu.memory_space<vmem>>, vector<16xi32>,
    %get3A_596 = arith.constant 3 : i32
    %get3A_597 = arith.index_cast %get3A_596 : i32 to index
    %get3A_598 = arith.constant 80 : index
    %get3A_599 = tpu.vector_load %arg5[%get3A_597, %get3A_598] {strides = array<i32>} : memref<4x128xi32, #tpu.memory_space<vmem>>, vector<1x16xi32>,
    %get3A_600 = vector.shape_cast %get3A_599 : vector<1x16xi32> to vector<16xi32>
    %shift_right_arithmetic3A_601 = arith.constant 7 : i32
    %shift_right_arithmetic3A_602 = vector.broadcast %shift_right_arithmetic3A_601 : i32 to vector<16xi32>
    %shift_right_arithmetic3A_603 = arith.shrsi %get3A_600, %shift_right_arithmetic3A_602 : vector<16xi32>
    %shift_left3A_604 = arith.constant 10 : i32
    %shift_left3A_605 = vector.broadcast %shift_left3A_604 : i32 to vector<16xi32>
    %shift_left3A_606 = arith.shli %shift_right_arithmetic3A_603, %shift_left3A_605 : vector<16xi32>
    %and3A_607 = arith.constant 127 : i32
    %and3A_608 = vector.broadcast %and3A_607 : i32 to vector<16xi32>
    %and3A_609 = arith.andi %get3A_600, %and3A_608 : vector<16xi32>
    %add3A_610 = arith.addi %shift_left3A_606, %and3A_609 : vector<16xi32>
    %swap3A_611 = arith.constant 80 : index
    %swap3A_612 = tpu.vector_load %arg7[%swap3A_611] {strides = array<i32>} : memref<128xi32, #tpu.memory_space<vmem>>, vector<16xi32>,
    %swap3A_613 = vector.shape_cast %swap3A_612 : vector<16xi32> to vector<16xi32>
    %swap3A_614 = vector.shape_cast %add3A_610 : vector<16xi32> to vector<16xi32>
    tpu.vector_store %arg7[%swap3A_611], %swap3A_614 {strides = array<i32>} : memref<128xi32, #tpu.memory_space<vmem>>, vector<16xi32>,
    %get3A_615 = arith.constant 3 : i32
    %get3A_616 = arith.index_cast %get3A_615 : i32 to index
    %get3A_617 = arith.constant 96 : index
    %get3A_618 = tpu.vector_load %arg5[%get3A_616, %get3A_617] {strides = array<i32>} : memref<4x128xi32, #tpu.memory_space<vmem>>, vector<1x16xi32>,
    %get3A_619 = vector.shape_cast %get3A_618 : vector<1x16xi32> to vector<16xi32>
    %shift_right_arithmetic3A_620 = arith.constant 7 : i32
    %shift_right_arithmetic3A_621 = vector.broadcast %shift_right_arithmetic3A_620 : i32 to vector<16xi32>
    %shift_right_arithmetic3A_622 = arith.shrsi %get3A_619, %shift_right_arithmetic3A_621 : vector<16xi32>
    %shift_left3A_623 = arith.constant 10 : i32
    %shift_left3A_624 = vector.broadcast %shift_left3A_623 : i32 to vector<16xi32>
    %shift_left3A_625 = arith.shli %shift_right_arithmetic3A_622, %shift_left3A_624 : vector<16xi32>
    %and3A_626 = arith.constant 127 : i32
    %and3A_627 = vector.broadcast %and3A_626 : i32 to vector<16xi32>
    %and3A_628 = arith.andi %get3A_619, %and3A_627 : vector<16xi32>
    %add3A_629 = arith.addi %shift_left3A_625, %and3A_628 : vector<16xi32>
    %swap3A_630 = arith.constant 96 : index
    %swap3A_631 = tpu.vector_load %arg7[%swap3A_630] {strides = array<i32>} : memref<128xi32, #tpu.memory_space<vmem>>, vector<16xi32>,
    %swap3A_632 = vector.shape_cast %swap3A_631 : vector<16xi32> to vector<16xi32>
    %swap3A_633 = vector.shape_cast %add3A_629 : vector<16xi32> to vector<16xi32>
    tpu.vector_store %arg7[%swap3A_630], %swap3A_633 {strides = array<i32>} : memref<128xi32, #tpu.memory_space<vmem>>, vector<16xi32>,
    %get3A_634 = arith.constant 3 : i32
    %get3A_635 = arith.index_cast %get3A_634 : i32 to index
    %get3A_636 = arith.constant 112 : index
    %get3A_637 = tpu.vector_load %arg5[%get3A_635, %get3A_636] {strides = array<i32>} : memref<4x128xi32, #tpu.memory_space<vmem>>, vector<1x16xi32>,
    %get3A_638 = vector.shape_cast %get3A_637 : vector<1x16xi32> to vector<16xi32>
    %shift_right_arithmetic3A_639 = arith.constant 7 : i32
    %shift_right_arithmetic3A_640 = vector.broadcast %shift_right_arithmetic3A_639 : i32 to vector<16xi32>
    %shift_right_arithmetic3A_641 = arith.shrsi %get3A_638, %shift_right_arithmetic3A_640 : vector<16xi32>
    %shift_left3A_642 = arith.constant 10 : i32
    %shift_left3A_643 = vector.broadcast %shift_left3A_642 : i32 to vector<16xi32>
    %shift_left3A_644 = arith.shli %shift_right_arithmetic3A_641, %shift_left3A_643 : vector<16xi32>
    %and3A_645 = arith.constant 127 : i32
    %and3A_646 = vector.broadcast %and3A_645 : i32 to vector<16xi32>
    %and3A_647 = arith.andi %get3A_638, %and3A_646 : vector<16xi32>
    %add3A_648 = arith.addi %shift_left3A_644, %and3A_647 : vector<16xi32>
    %swap3A_649 = arith.constant 112 : index
    %swap3A_650 = tpu.vector_load %arg7[%swap3A_649] {strides = array<i32>} : memref<128xi32, #tpu.memory_space<vmem>>, vector<16xi32>,
    %swap3A_651 = vector.shape_cast %swap3A_650 : vector<16xi32> to vector<16xi32>
    %swap3A_652 = vector.shape_cast %add3A_648 : vector<16xi32> to vector<16xi32>
    tpu.vector_store %arg7[%swap3A_649], %swap3A_652 {strides = array<i32>} : memref<128xi32, #tpu.memory_space<vmem>>, vector<16xi32>,
    %scan3A_653 = arith.constant 0 : i32
    %scan3A_654 = arith.constant 0 : i32
    %scan3A_655 = arith.constant 64 : i32
    %scan3A_656 = arith.addi %scan3A_654, %scan3A_655 : i32
    %scan3A_657 = arith.constant 1 : i32
    scf.for %scan3A_691 = %scan3A_654 to %scan3A_656 step %scan3A_657  : i32 {
      %jit3A = arith.constant 8 : i32
      %div3A = arith.divsi %scan3A_691, %jit3A : i32
      %sign3A = arith.constant 0 : i32
      %sign3A_692 = arith.cmpi sgt, %scan3A_691, %sign3A : i32
      %sign3A_693 = arith.extui %sign3A_692 : i1 to i32
      %sign3A_694 = arith.constant 0 : i32
      %sign3A_695 = arith.cmpi slt, %scan3A_691, %sign3A_694 : i32
      %sign3A_696 = arith.extui %sign3A_695 : i1 to i32
      %sign3A_697 = arith.subi %sign3A_693, %sign3A_696 : i32
      %sign3A_698 = arith.constant 0 : i32
      %sign3A_699 = arith.cmpi sgt, %jit3A, %sign3A_698 : i32
      %sign3A_700 = arith.extui %sign3A_699 : i1 to i32
      %sign3A_701 = arith.constant 0 : i32
      %sign3A_702 = arith.cmpi slt, %jit3A, %sign3A_701 : i32
      %sign3A_703 = arith.extui %sign3A_702 : i1 to i32
      %sign3A_704 = arith.subi %sign3A_700, %sign3A_703 : i32
      %ne3A = arith.cmpi ne, %sign3A_697, %sign3A_704 : i32
      %rem3A = arith.remsi %scan3A_691, %jit3A : i32
      %ne3A_705 = arith.constant 0 : i32
      %ne3A_706 = arith.cmpi ne, %rem3A, %ne3A_705 : i32
      %and3A_707 = arith.andi %ne3A, %ne3A_706 : i1
      %sub3A = arith.constant 1 : i32
      %sub3A_708 = arith.subi %div3A, %sub3A : i32
      %select_n3A = arith.select %and3A_707, %sub3A_708, %div3A : i32
      %mul3A_709 = arith.constant 8388608 : i32
      %mul3A_710 = arith.muli %select_n3A, %mul3A_709 : i32
      %jit3A_711 = arith.constant 8 : i32
      %eq3A = arith.constant 0 : i32
      %eq3A_712 = arith.cmpi eq, %jit3A_711, %eq3A : i32
      %jit3A_713 = arith.constant 1 : i32
      %select_n3A_714 = arith.select %eq3A_712, %jit3A_713, %jit3A_711 : i32
      %rem3A_715 = arith.remsi %scan3A_691, %select_n3A_714 : i32
      %ne3A_716 = arith.constant 0 : i32
      %ne3A_717 = arith.cmpi ne, %rem3A_715, %ne3A_716 : i32
      %lt3A = arith.constant 0 : i32
      %lt3A_718 = arith.cmpi slt, %rem3A_715, %lt3A : i32
      %lt3A_719 = arith.constant 0 : i32
      %lt3A_720 = arith.cmpi slt, %select_n3A_714, %lt3A_719 : i32
      %ne3A_721 = arith.xori %lt3A_718, %lt3A_720 : i1
      %and3A_722 = arith.andi %ne3A_721, %ne3A_717 : i1
      %add3A_723 = arith.addi %rem3A_715, %select_n3A_714 : i32
      %select_n3A_724 = arith.select %and3A_722, %add3A_723, %rem3A_715 : i32
      %mul3A_725 = arith.constant 128 : i32
      %mul3A_726 = arith.muli %select_n3A_724, %mul3A_725 : i32
      %add3A_727 = arith.addi %mul3A_710, %mul3A_726 : i32
      %dma_start3A_728 = arith.constant 0 : i32
      %dma_start3A_729 = tpu.memref_slice %arg9[%scan3A_691, %dma_start3A_728] : memref<64x128xf32, #tpu.memory_space<vmem>> -> memref<1x128xf32, #tpu.memory_space<vmem>>
      %dma_start3A_730 = tpu.memref_squeeze %dma_start3A_729 : memref<1x128xf32, #tpu.memory_space<vmem>> -> memref<128xf32, #tpu.memory_space<vmem>>
      %dma_start3A_731 = tpu.memref_slice %arg2[%add3A_727] : memref<67108864xf32, #tpu.memory_space<hbm>> -> memref<8388608xf32, #tpu.memory_space<hbm>>
      %dma_start3A_732 = arith.constant 0 : i32
      %dma_start3A_733 = tpu.memref_slice %dma_start3A_731[%dma_start3A_732] : memref<8388608xf32, #tpu.memory_space<hbm>> -> memref<8388608xf32, #tpu.memory_space<hbm>>
      tpu.enqueue_indirect_dma source(%dma_start3A_733 : memref<8388608xf32, #tpu.memory_space<hbm>>) target(%dma_start3A_730 : memref<128xf32, #tpu.memory_space<vmem>>) offsets(%arg7 : memref<128xi32, #tpu.memory_space<vmem>>) semaphore(%arg11 : memref<!tpu.dma_semaphore, #tpu.memory_space<semaphore_mem>>)
    }
    %scan3A_658 = arith.constant 64 : i32
    %dma_wait3A_659 = arith.constant 0 : i32
    %dma_wait3A_660 = arith.constant 0 : i32
    %dma_wait3A_661 = tpu.memref_slice %arg4[%dma_wait3A_659, %dma_wait3A_660] : memref<64x16384xf32, #tpu.memory_space<hbm>> -> memref<64x128xf32, #tpu.memory_space<hbm>>
    %dma_wait3A_662 = arith.constant 0 : i32
    %dma_wait3A_663 = arith.constant 0 : i32
    %dma_wait3A_664 = tpu.memref_slice %arg4[%dma_wait3A_662, %dma_wait3A_663] : memref<64x16384xf32, #tpu.memory_space<hbm>> -> memref<64x128xf32, #tpu.memory_space<hbm>>
    tpu.wait_dma2 semaphore(%arg10 : memref<!tpu.dma_semaphore, #tpu.memory_space<semaphore_mem>>) src(%dma_wait3A_664 : memref<64x128xf32, #tpu.memory_space<hbm>>) dst(%arg8 : memref<64x128xf32, #tpu.memory_space<vmem>>)
    %add3A_665 = arith.constant 256 : i32
    %add3A_666 = arith.addi %mul3A_2, %add3A_665 : i32
    %dma_start3A_667 = arith.constant 0 : i32
    %dma_start3A_668 = tpu.memref_slice %arg4[%dma_start3A_667, %add3A_666] : memref<64x16384xf32, #tpu.memory_space<hbm>> -> memref<64x128xf32, #tpu.memory_space<hbm>>
    %dma_start3A_669 = arith.constant 0 : i32
    %dma_start3A_670 = tpu.memref_slice %arg4[%dma_start3A_669, %add3A_666] : memref<64x16384xf32, #tpu.memory_space<hbm>> -> memref<64x128xf32, #tpu.memory_space<hbm>>
    tpu.enqueue_dma source(%arg8 : memref<64x128xf32, #tpu.memory_space<vmem>>) target(%dma_start3A_670 : memref<64x128xf32, #tpu.memory_space<hbm>>) target_semaphore(%arg12 : memref<!tpu.dma_semaphore, #tpu.memory_space<semaphore_mem>>)
    %dma_wait3A_671 = arith.constant 0 : i32
    %dma_wait3A_672 = arith.constant 0 : i32
    %dma_wait3A_673 = tpu.memref_slice %arg4[%dma_wait3A_671, %dma_wait3A_672] : memref<64x16384xf32, #tpu.memory_space<hbm>> -> memref<64x128xf32, #tpu.memory_space<hbm>>
    %dma_wait3A_674 = arith.constant 0 : i32
    %dma_wait3A_675 = arith.constant 0 : i32
    %dma_wait3A_676 = tpu.memref_slice %arg4[%dma_wait3A_674, %dma_wait3A_675] : memref<64x16384xf32, #tpu.memory_space<hbm>> -> memref<64x128xf32, #tpu.memory_space<hbm>>
    tpu.wait_dma2 semaphore(%arg11 : memref<!tpu.dma_semaphore, #tpu.memory_space<semaphore_mem>>) src(%dma_wait3A_676 : memref<64x128xf32, #tpu.memory_space<hbm>>) dst(%arg9 : memref<64x128xf32, #tpu.memory_space<vmem>>)
    %add3A_677 = arith.constant 384 : i32
    %add3A_678 = arith.addi %mul3A_2, %add3A_677 : i32
    %dma_start3A_679 = arith.constant 0 : i32
    %dma_start3A_680 = tpu.memref_slice %arg4[%dma_start3A_679, %add3A_678] : memref<64x16384xf32, #tpu.memory_space<hbm>> -> memref<64x128xf32, #tpu.memory_space<hbm>>
    %dma_start3A_681 = arith.constant 0 : i32
    %dma_start3A_682 = tpu.memref_slice %arg4[%dma_start3A_681, %add3A_678] : memref<64x16384xf32, #tpu.memory_space<hbm>> -> memref<64x128xf32, #tpu.memory_space<hbm>>
    tpu.enqueue_dma source(%arg9 : memref<64x128xf32, #tpu.memory_space<vmem>>) target(%dma_start3A_682 : memref<64x128xf32, #tpu.memory_space<hbm>>) target_semaphore(%arg13 : memref<!tpu.dma_semaphore, #tpu.memory_space<semaphore_mem>>)
    %dma_wait3A_683 = arith.constant 0 : i32
    %dma_wait3A_684 = tpu.memref_slice %arg4[%dma_wait3A_683, %add3A_666] : memref<64x16384xf32, #tpu.memory_space<hbm>> -> memref<64x128xf32, #tpu.memory_space<hbm>>
    %dma_wait3A_685 = arith.constant 0 : i32
    %dma_wait3A_686 = tpu.memref_slice %arg4[%dma_wait3A_685, %add3A_666] : memref<64x16384xf32, #tpu.memory_space<hbm>> -> memref<64x128xf32, #tpu.memory_space<hbm>>
    tpu.wait_dma2 semaphore(%arg12 : memref<!tpu.dma_semaphore, #tpu.memory_space<semaphore_mem>>) src(%arg8 : memref<64x128xf32, #tpu.memory_space<vmem>>) dst(%dma_wait3A_686 : memref<64x128xf32, #tpu.memory_space<hbm>>)
    %dma_wait3A_687 = arith.constant 0 : i32
    %dma_wait3A_688 = tpu.memref_slice %arg4[%dma_wait3A_687, %add3A_678] : memref<64x16384xf32, #tpu.memory_space<hbm>> -> memref<64x128xf32, #tpu.memory_space<hbm>>
    %dma_wait3A_689 = arith.constant 0 : i32
    %dma_wait3A_690 = tpu.memref_slice %arg4[%dma_wait3A_689, %add3A_678] : memref<64x16384xf32, #tpu.memory_space<hbm>> -> memref<64x128xf32, #tpu.memory_space<hbm>>
    tpu.wait_dma2 semaphore(%arg13 : memref<!tpu.dma_semaphore, #tpu.memory_space<semaphore_mem>>) src(%arg9 : memref<64x128xf32, #tpu.memory_space<vmem>>) dst(%dma_wait3A_690 : memref<64x128xf32, #tpu.memory_space<hbm>>)
    return
  }
}

#map = affine_map<(d0, d1) -> (0)>
#map1 = affine_map<(d0, d1) -> (0, 0, 0)>
#map2 = affine_map<(d0, d1) -> (0, 0)>
module attributes {stable_mosaic.version = 14 : i64} {
  func.func @_gather_body(%arg0: i32, %arg1: i32, %arg2: memref<67108864xf32, #tpu.memory_space<hbm>>, %arg3: memref<32x4x128xi32, #tpu.memory_space<hbm>>, %arg4: memref<64x16384xf32, #tpu.memory_space<hbm>>, %arg5: memref<4x128xi32, #tpu.memory_space<vmem>>, %arg6: memref<128xi32, #tpu.memory_space<vmem>>, %arg7: memref<128xi32, #tpu.memory_space<vmem>>, %arg8: memref<64x128xf32, #tpu.memory_space<vmem>>, %arg9: memref<64x128xf32, #tpu.memory_space<vmem>>, %arg10: memref<!tpu.dma_semaphore, #tpu.memory_space<semaphore_mem>>, %arg11: memref<!tpu.dma_semaphore, #tpu.memory_space<semaphore_mem>>, %arg12: memref<!tpu.dma_semaphore, #tpu.memory_space<semaphore_mem>>, %arg13: memref<!tpu.dma_semaphore, #tpu.memory_space<semaphore_mem>>) attributes {dimension_semantics = [#tpu.dimension_semantics<core_parallel>, #tpu.dimension_semantics<subcore_parallel>], iteration_bounds = array<i64: 2, 16>, scalar_prefetch = 0 : i64, scratch_operands = 9 : i64, tpu.core_type = #tpu.core_type<sc_vector_subcore>, window_params = [{transform_indices = #map}, {transform_indices = #map1}, {transform_indices = #map2}]} {
    %mul3A = arith.constant 2 : i32
    %mul3A_0 = arith.muli %arg1, %mul3A : i32
    %add3A = arith.addi %mul3A_0, %arg0 : i32
    "tpu.region"() ({
      %run_scoped3A = tpu.sem_alloc : memref<!tpu.dma_semaphore, #tpu.memory_space<semaphore_mem>>
      %dma_start3A_691 = arith.constant 0 : i32
      %dma_start3A_692 = arith.constant 0 : i32
      %dma_start3A_693 = tpu.memref_slice %arg3[%add3A, %dma_start3A_691, %dma_start3A_692] : memref<32x4x128xi32, #tpu.memory_space<hbm>> -> memref<1x4x128xi32, #tpu.memory_space<hbm>>
      %dma_start3A_694 = tpu.memref_squeeze %dma_start3A_693 : memref<1x4x128xi32, #tpu.memory_space<hbm>> -> memref<4x128xi32, #tpu.memory_space<hbm>>
      %dma_start3A_695 = arith.constant 0 : i32
      %dma_start3A_696 = arith.constant 0 : i32
      %dma_start3A_697 = tpu.memref_slice %arg3[%add3A, %dma_start3A_695, %dma_start3A_696] : memref<32x4x128xi32, #tpu.memory_space<hbm>> -> memref<1x4x128xi32, #tpu.memory_space<hbm>>
      %dma_start3A_698 = tpu.memref_squeeze %dma_start3A_697 : memref<1x4x128xi32, #tpu.memory_space<hbm>> -> memref<4x128xi32, #tpu.memory_space<hbm>>
      tpu.enqueue_dma source(%dma_start3A_698 : memref<4x128xi32, #tpu.memory_space<hbm>>) target(%arg5 : memref<4x128xi32, #tpu.memory_space<vmem>>) target_semaphore(%run_scoped3A : memref<!tpu.dma_semaphore, #tpu.memory_space<semaphore_mem>>)
      %dma_wait3A_699 = arith.constant 0 : i32
      %dma_wait3A_700 = arith.constant 0 : i32
      %dma_wait3A_701 = tpu.memref_slice %arg3[%add3A, %dma_wait3A_699, %dma_wait3A_700] : memref<32x4x128xi32, #tpu.memory_space<hbm>> -> memref<1x4x128xi32, #tpu.memory_space<hbm>>
      %dma_wait3A_702 = tpu.memref_squeeze %dma_wait3A_701 : memref<1x4x128xi32, #tpu.memory_space<hbm>> -> memref<4x128xi32, #tpu.memory_space<hbm>>
      %dma_wait3A_703 = arith.constant 0 : i32
      %dma_wait3A_704 = arith.constant 0 : i32
      %dma_wait3A_705 = tpu.memref_slice %arg3[%add3A, %dma_wait3A_703, %dma_wait3A_704] : memref<32x4x128xi32, #tpu.memory_space<hbm>> -> memref<1x4x128xi32, #tpu.memory_space<hbm>>
      %dma_wait3A_706 = tpu.memref_squeeze %dma_wait3A_705 : memref<1x4x128xi32, #tpu.memory_space<hbm>> -> memref<4x128xi32, #tpu.memory_space<hbm>>
      tpu.wait_dma2 semaphore(%run_scoped3A : memref<!tpu.dma_semaphore, #tpu.memory_space<semaphore_mem>>) src(%dma_wait3A_706 : memref<4x128xi32, #tpu.memory_space<hbm>>) dst(%arg5 : memref<4x128xi32, #tpu.memory_space<vmem>>)
      tpu.yield
    }) : () -> ()
    %mul3A_1 = arith.constant 512 : i32
    %mul3A_2 = arith.muli %add3A, %mul3A_1 : i32
    %get3A = arith.constant 0 : i32
    %get3A_3 = arith.index_cast %get3A : i32 to index
    %get3A_4 = arith.constant 0 : index
    %get3A_5 = tpu.vector_load %arg5[%get3A_3, %get3A_4] {strides = array<i32>} : memref<4x128xi32, #tpu.memory_space<vmem>>, vector<1x16xi32>,
    %get3A_6 = vector.shape_cast %get3A_5 : vector<1x16xi32> to vector<16xi32>
    %shift_right_arithmetic3A = arith.constant 7 : i32
    %shift_right_arithmetic3A_7 = vector.broadcast %shift_right_arithmetic3A : i32 to vector<16xi32>
    %shift_right_arithmetic3A_8 = arith.shrsi %get3A_6, %shift_right_arithmetic3A_7 : vector<16xi32>
    %shift_left3A = arith.constant 10 : i32
    %shift_left3A_9 = vector.broadcast %shift_left3A : i32 to vector<16xi32>
    %shift_left3A_10 = arith.shli %shift_right_arithmetic3A_8, %shift_left3A_9 : vector<16xi32>
    %and3A = arith.constant 127 : i32
    %and3A_11 = vector.broadcast %and3A : i32 to vector<16xi32>
    %and3A_12 = arith.andi %get3A_6, %and3A_11 : vector<16xi32>
    %add3A_13 = arith.addi %shift_left3A_10, %and3A_12 : vector<16xi32>
    %swap3A = arith.constant 0 : index
    %swap3A_14 = tpu.vector_load %arg6[%swap3A] {strides = array<i32>} : memref<128xi32, #tpu.memory_space<vmem>>, vector<16xi32>,
    %swap3A_15 = vector.shape_cast %swap3A_14 : vector<16xi32> to vector<16xi32>
    %swap3A_16 = vector.shape_cast %add3A_13 : vector<16xi32> to vector<16xi32>
    tpu.vector_store %arg6[%swap3A], %swap3A_16 {strides = array<i32>} : memref<128xi32, #tpu.memory_space<vmem>>, vector<16xi32>,
    %get3A_17 = arith.constant 0 : i32
    %get3A_18 = arith.index_cast %get3A_17 : i32 to index
    %get3A_19 = arith.constant 16 : index
    %get3A_20 = tpu.vector_load %arg5[%get3A_18, %get3A_19] {strides = array<i32>} : memref<4x128xi32, #tpu.memory_space<vmem>>, vector<1x16xi32>,
    %get3A_21 = vector.shape_cast %get3A_20 : vector<1x16xi32> to vector<16xi32>
    %shift_right_arithmetic3A_22 = arith.constant 7 : i32
    %shift_right_arithmetic3A_23 = vector.broadcast %shift_right_arithmetic3A_22 : i32 to vector<16xi32>
    %shift_right_arithmetic3A_24 = arith.shrsi %get3A_21, %shift_right_arithmetic3A_23 : vector<16xi32>
    %shift_left3A_25 = arith.constant 10 : i32
    %shift_left3A_26 = vector.broadcast %shift_left3A_25 : i32 to vector<16xi32>
    %shift_left3A_27 = arith.shli %shift_right_arithmetic3A_24, %shift_left3A_26 : vector<16xi32>
    %and3A_28 = arith.constant 127 : i32
    %and3A_29 = vector.broadcast %and3A_28 : i32 to vector<16xi32>
    %and3A_30 = arith.andi %get3A_21, %and3A_29 : vector<16xi32>
    %add3A_31 = arith.addi %shift_left3A_27, %and3A_30 : vector<16xi32>
    %swap3A_32 = arith.constant 16 : index
    %swap3A_33 = tpu.vector_load %arg6[%swap3A_32] {strides = array<i32>} : memref<128xi32, #tpu.memory_space<vmem>>, vector<16xi32>,
    %swap3A_34 = vector.shape_cast %swap3A_33 : vector<16xi32> to vector<16xi32>
    %swap3A_35 = vector.shape_cast %add3A_31 : vector<16xi32> to vector<16xi32>
    tpu.vector_store %arg6[%swap3A_32], %swap3A_35 {strides = array<i32>} : memref<128xi32, #tpu.memory_space<vmem>>, vector<16xi32>,
    %get3A_36 = arith.constant 0 : i32
    %get3A_37 = arith.index_cast %get3A_36 : i32 to index
    %get3A_38 = arith.constant 32 : index
    %get3A_39 = tpu.vector_load %arg5[%get3A_37, %get3A_38] {strides = array<i32>} : memref<4x128xi32, #tpu.memory_space<vmem>>, vector<1x16xi32>,
    %get3A_40 = vector.shape_cast %get3A_39 : vector<1x16xi32> to vector<16xi32>
    %shift_right_arithmetic3A_41 = arith.constant 7 : i32
    %shift_right_arithmetic3A_42 = vector.broadcast %shift_right_arithmetic3A_41 : i32 to vector<16xi32>
    %shift_right_arithmetic3A_43 = arith.shrsi %get3A_40, %shift_right_arithmetic3A_42 : vector<16xi32>
    %shift_left3A_44 = arith.constant 10 : i32
    %shift_left3A_45 = vector.broadcast %shift_left3A_44 : i32 to vector<16xi32>
    %shift_left3A_46 = arith.shli %shift_right_arithmetic3A_43, %shift_left3A_45 : vector<16xi32>
    %and3A_47 = arith.constant 127 : i32
    %and3A_48 = vector.broadcast %and3A_47 : i32 to vector<16xi32>
    %and3A_49 = arith.andi %get3A_40, %and3A_48 : vector<16xi32>
    %add3A_50 = arith.addi %shift_left3A_46, %and3A_49 : vector<16xi32>
    %swap3A_51 = arith.constant 32 : index
    %swap3A_52 = tpu.vector_load %arg6[%swap3A_51] {strides = array<i32>} : memref<128xi32, #tpu.memory_space<vmem>>, vector<16xi32>,
    %swap3A_53 = vector.shape_cast %swap3A_52 : vector<16xi32> to vector<16xi32>
    %swap3A_54 = vector.shape_cast %add3A_50 : vector<16xi32> to vector<16xi32>
    tpu.vector_store %arg6[%swap3A_51], %swap3A_54 {strides = array<i32>} : memref<128xi32, #tpu.memory_space<vmem>>, vector<16xi32>,
    %get3A_55 = arith.constant 0 : i32
    %get3A_56 = arith.index_cast %get3A_55 : i32 to index
    %get3A_57 = arith.constant 48 : index
    %get3A_58 = tpu.vector_load %arg5[%get3A_56, %get3A_57] {strides = array<i32>} : memref<4x128xi32, #tpu.memory_space<vmem>>, vector<1x16xi32>,
    %get3A_59 = vector.shape_cast %get3A_58 : vector<1x16xi32> to vector<16xi32>
    %shift_right_arithmetic3A_60 = arith.constant 7 : i32
    %shift_right_arithmetic3A_61 = vector.broadcast %shift_right_arithmetic3A_60 : i32 to vector<16xi32>
    %shift_right_arithmetic3A_62 = arith.shrsi %get3A_59, %shift_right_arithmetic3A_61 : vector<16xi32>
    %shift_left3A_63 = arith.constant 10 : i32
    %shift_left3A_64 = vector.broadcast %shift_left3A_63 : i32 to vector<16xi32>
    %shift_left3A_65 = arith.shli %shift_right_arithmetic3A_62, %shift_left3A_64 : vector<16xi32>
    %and3A_66 = arith.constant 127 : i32
    %and3A_67 = vector.broadcast %and3A_66 : i32 to vector<16xi32>
    %and3A_68 = arith.andi %get3A_59, %and3A_67 : vector<16xi32>
    %add3A_69 = arith.addi %shift_left3A_65, %and3A_68 : vector<16xi32>
    %swap3A_70 = arith.constant 48 : index
    %swap3A_71 = tpu.vector_load %arg6[%swap3A_70] {strides = array<i32>} : memref<128xi32, #tpu.memory_space<vmem>>, vector<16xi32>,
    %swap3A_72 = vector.shape_cast %swap3A_71 : vector<16xi32> to vector<16xi32>
    %swap3A_73 = vector.shape_cast %add3A_69 : vector<16xi32> to vector<16xi32>
    tpu.vector_store %arg6[%swap3A_70], %swap3A_73 {strides = array<i32>} : memref<128xi32, #tpu.memory_space<vmem>>, vector<16xi32>,
    %get3A_74 = arith.constant 0 : i32
    %get3A_75 = arith.index_cast %get3A_74 : i32 to index
    %get3A_76 = arith.constant 64 : index
    %get3A_77 = tpu.vector_load %arg5[%get3A_75, %get3A_76] {strides = array<i32>} : memref<4x128xi32, #tpu.memory_space<vmem>>, vector<1x16xi32>,
    %get3A_78 = vector.shape_cast %get3A_77 : vector<1x16xi32> to vector<16xi32>
    %shift_right_arithmetic3A_79 = arith.constant 7 : i32
    %shift_right_arithmetic3A_80 = vector.broadcast %shift_right_arithmetic3A_79 : i32 to vector<16xi32>
    %shift_right_arithmetic3A_81 = arith.shrsi %get3A_78, %shift_right_arithmetic3A_80 : vector<16xi32>
    %shift_left3A_82 = arith.constant 10 : i32
    %shift_left3A_83 = vector.broadcast %shift_left3A_82 : i32 to vector<16xi32>
    %shift_left3A_84 = arith.shli %shift_right_arithmetic3A_81, %shift_left3A_83 : vector<16xi32>
    %and3A_85 = arith.constant 127 : i32
    %and3A_86 = vector.broadcast %and3A_85 : i32 to vector<16xi32>
    %and3A_87 = arith.andi %get3A_78, %and3A_86 : vector<16xi32>
    %add3A_88 = arith.addi %shift_left3A_84, %and3A_87 : vector<16xi32>
    %swap3A_89 = arith.constant 64 : index
    %swap3A_90 = tpu.vector_load %arg6[%swap3A_89] {strides = array<i32>} : memref<128xi32, #tpu.memory_space<vmem>>, vector<16xi32>,
    %swap3A_91 = vector.shape_cast %swap3A_90 : vector<16xi32> to vector<16xi32>
    %swap3A_92 = vector.shape_cast %add3A_88 : vector<16xi32> to vector<16xi32>
    tpu.vector_store %arg6[%swap3A_89], %swap3A_92 {strides = array<i32>} : memref<128xi32, #tpu.memory_space<vmem>>, vector<16xi32>,
    %get3A_93 = arith.constant 0 : i32
    %get3A_94 = arith.index_cast %get3A_93 : i32 to index
    %get3A_95 = arith.constant 80 : index
    %get3A_96 = tpu.vector_load %arg5[%get3A_94, %get3A_95] {strides = array<i32>} : memref<4x128xi32, #tpu.memory_space<vmem>>, vector<1x16xi32>,
    %get3A_97 = vector.shape_cast %get3A_96 : vector<1x16xi32> to vector<16xi32>
    %shift_right_arithmetic3A_98 = arith.constant 7 : i32
    %shift_right_arithmetic3A_99 = vector.broadcast %shift_right_arithmetic3A_98 : i32 to vector<16xi32>
    %shift_right_arithmetic3A_100 = arith.shrsi %get3A_97, %shift_right_arithmetic3A_99 : vector<16xi32>
    %shift_left3A_101 = arith.constant 10 : i32
    %shift_left3A_102 = vector.broadcast %shift_left3A_101 : i32 to vector<16xi32>
    %shift_left3A_103 = arith.shli %shift_right_arithmetic3A_100, %shift_left3A_102 : vector<16xi32>
    %and3A_104 = arith.constant 127 : i32
    %and3A_105 = vector.broadcast %and3A_104 : i32 to vector<16xi32>
    %and3A_106 = arith.andi %get3A_97, %and3A_105 : vector<16xi32>
    %add3A_107 = arith.addi %shift_left3A_103, %and3A_106 : vector<16xi32>
    %swap3A_108 = arith.constant 80 : index
    %swap3A_109 = tpu.vector_load %arg6[%swap3A_108] {strides = array<i32>} : memref<128xi32, #tpu.memory_space<vmem>>, vector<16xi32>,
    %swap3A_110 = vector.shape_cast %swap3A_109 : vector<16xi32> to vector<16xi32>
    %swap3A_111 = vector.shape_cast %add3A_107 : vector<16xi32> to vector<16xi32>
    tpu.vector_store %arg6[%swap3A_108], %swap3A_111 {strides = array<i32>} : memref<128xi32, #tpu.memory_space<vmem>>, vector<16xi32>,
    %get3A_112 = arith.constant 0 : i32
    %get3A_113 = arith.index_cast %get3A_112 : i32 to index
    %get3A_114 = arith.constant 96 : index
    %get3A_115 = tpu.vector_load %arg5[%get3A_113, %get3A_114] {strides = array<i32>} : memref<4x128xi32, #tpu.memory_space<vmem>>, vector<1x16xi32>,
    %get3A_116 = vector.shape_cast %get3A_115 : vector<1x16xi32> to vector<16xi32>
    %shift_right_arithmetic3A_117 = arith.constant 7 : i32
    %shift_right_arithmetic3A_118 = vector.broadcast %shift_right_arithmetic3A_117 : i32 to vector<16xi32>
    %shift_right_arithmetic3A_119 = arith.shrsi %get3A_116, %shift_right_arithmetic3A_118 : vector<16xi32>
    %shift_left3A_120 = arith.constant 10 : i32
    %shift_left3A_121 = vector.broadcast %shift_left3A_120 : i32 to vector<16xi32>
    %shift_left3A_122 = arith.shli %shift_right_arithmetic3A_119, %shift_left3A_121 : vector<16xi32>
    %and3A_123 = arith.constant 127 : i32
    %and3A_124 = vector.broadcast %and3A_123 : i32 to vector<16xi32>
    %and3A_125 = arith.andi %get3A_116, %and3A_124 : vector<16xi32>
    %add3A_126 = arith.addi %shift_left3A_122, %and3A_125 : vector<16xi32>
    %swap3A_127 = arith.constant 96 : index
    %swap3A_128 = tpu.vector_load %arg6[%swap3A_127] {strides = array<i32>} : memref<128xi32, #tpu.memory_space<vmem>>, vector<16xi32>,
    %swap3A_129 = vector.shape_cast %swap3A_128 : vector<16xi32> to vector<16xi32>
    %swap3A_130 = vector.shape_cast %add3A_126 : vector<16xi32> to vector<16xi32>
    tpu.vector_store %arg6[%swap3A_127], %swap3A_130 {strides = array<i32>} : memref<128xi32, #tpu.memory_space<vmem>>, vector<16xi32>,
    %get3A_131 = arith.constant 0 : i32
    %get3A_132 = arith.index_cast %get3A_131 : i32 to index
    %get3A_133 = arith.constant 112 : index
    %get3A_134 = tpu.vector_load %arg5[%get3A_132, %get3A_133] {strides = array<i32>} : memref<4x128xi32, #tpu.memory_space<vmem>>, vector<1x16xi32>,
    %get3A_135 = vector.shape_cast %get3A_134 : vector<1x16xi32> to vector<16xi32>
    %shift_right_arithmetic3A_136 = arith.constant 7 : i32
    %shift_right_arithmetic3A_137 = vector.broadcast %shift_right_arithmetic3A_136 : i32 to vector<16xi32>
    %shift_right_arithmetic3A_138 = arith.shrsi %get3A_135, %shift_right_arithmetic3A_137 : vector<16xi32>
    %shift_left3A_139 = arith.constant 10 : i32
    %shift_left3A_140 = vector.broadcast %shift_left3A_139 : i32 to vector<16xi32>
    %shift_left3A_141 = arith.shli %shift_right_arithmetic3A_138, %shift_left3A_140 : vector<16xi32>
    %and3A_142 = arith.constant 127 : i32
    %and3A_143 = vector.broadcast %and3A_142 : i32 to vector<16xi32>
    %and3A_144 = arith.andi %get3A_135, %and3A_143 : vector<16xi32>
    %add3A_145 = arith.addi %shift_left3A_141, %and3A_144 : vector<16xi32>
    %swap3A_146 = arith.constant 112 : index
    %swap3A_147 = tpu.vector_load %arg6[%swap3A_146] {strides = array<i32>} : memref<128xi32, #tpu.memory_space<vmem>>, vector<16xi32>,
    %swap3A_148 = vector.shape_cast %swap3A_147 : vector<16xi32> to vector<16xi32>
    %swap3A_149 = vector.shape_cast %add3A_145 : vector<16xi32> to vector<16xi32>
    tpu.vector_store %arg6[%swap3A_146], %swap3A_149 {strides = array<i32>} : memref<128xi32, #tpu.memory_space<vmem>>, vector<16xi32>,
    %scan3A = arith.constant 0 : i32
    %scan3A_150 = arith.constant 0 : i32
    %scan3A_151 = arith.constant 64 : i32
    %scan3A_152 = arith.addi %scan3A_150, %scan3A_151 : i32
    %scan3A_153 = arith.constant 1 : i32
    scf.for %scan3A_691 = %scan3A_150 to %scan3A_152 step %scan3A_153  : i32 {
      %jit3A = arith.constant 8 : i32
      %div3A = arith.divsi %scan3A_691, %jit3A : i32
      %sign3A = arith.constant 0 : i32
      %sign3A_692 = arith.cmpi sgt, %scan3A_691, %sign3A : i32
      %sign3A_693 = arith.extui %sign3A_692 : i1 to i32
      %sign3A_694 = arith.constant 0 : i32
      %sign3A_695 = arith.cmpi slt, %scan3A_691, %sign3A_694 : i32
      %sign3A_696 = arith.extui %sign3A_695 : i1 to i32
      %sign3A_697 = arith.subi %sign3A_693, %sign3A_696 : i32
      %sign3A_698 = arith.constant 0 : i32
      %sign3A_699 = arith.cmpi sgt, %jit3A, %sign3A_698 : i32
      %sign3A_700 = arith.extui %sign3A_699 : i1 to i32
      %sign3A_701 = arith.constant 0 : i32
      %sign3A_702 = arith.cmpi slt, %jit3A, %sign3A_701 : i32
      %sign3A_703 = arith.extui %sign3A_702 : i1 to i32
      %sign3A_704 = arith.subi %sign3A_700, %sign3A_703 : i32
      %ne3A = arith.cmpi ne, %sign3A_697, %sign3A_704 : i32
      %rem3A = arith.remsi %scan3A_691, %jit3A : i32
      %ne3A_705 = arith.constant 0 : i32
      %ne3A_706 = arith.cmpi ne, %rem3A, %ne3A_705 : i32
      %and3A_707 = arith.andi %ne3A, %ne3A_706 : i1
      %sub3A = arith.constant 1 : i32
      %sub3A_708 = arith.subi %div3A, %sub3A : i32
      %select_n3A = arith.select %and3A_707, %sub3A_708, %div3A : i32
      %mul3A_709 = arith.constant 8388608 : i32
      %mul3A_710 = arith.muli %select_n3A, %mul3A_709 : i32
      %jit3A_711 = arith.constant 8 : i32
      %eq3A = arith.constant 0 : i32
      %eq3A_712 = arith.cmpi eq, %jit3A_711, %eq3A : i32
      %jit3A_713 = arith.constant 1 : i32
      %select_n3A_714 = arith.select %eq3A_712, %jit3A_713, %jit3A_711 : i32
      %rem3A_715 = arith.remsi %scan3A_691, %select_n3A_714 : i32
      %ne3A_716 = arith.constant 0 : i32
      %ne3A_717 = arith.cmpi ne, %rem3A_715, %ne3A_716 : i32
      %lt3A = arith.constant 0 : i32
      %lt3A_718 = arith.cmpi slt, %rem3A_715, %lt3A : i32
      %lt3A_719 = arith.constant 0 : i32
      %lt3A_720 = arith.cmpi slt, %select_n3A_714, %lt3A_719 : i32
      %ne3A_721 = arith.xori %lt3A_718, %lt3A_720 : i1
      %and3A_722 = arith.andi %ne3A_721, %ne3A_717 : i1
      %add3A_723 = arith.addi %rem3A_715, %select_n3A_714 : i32
      %select_n3A_724 = arith.select %and3A_722, %add3A_723, %rem3A_715 : i32
      %mul3A_725 = arith.constant 128 : i32
      %mul3A_726 = arith.muli %select_n3A_724, %mul3A_725 : i32
      %add3A_727 = arith.addi %mul3A_710, %mul3A_726 : i32
      %dma_start3A_728 = arith.constant 0 : i32
      %dma_start3A_729 = tpu.memref_slice %arg8[%scan3A_691, %dma_start3A_728] : memref<64x128xf32, #tpu.memory_space<vmem>> -> memref<1x128xf32, #tpu.memory_space<vmem>>
      %dma_start3A_730 = tpu.memref_squeeze %dma_start3A_729 : memref<1x128xf32, #tpu.memory_space<vmem>> -> memref<128xf32, #tpu.memory_space<vmem>>
      %dma_start3A_731 = tpu.memref_slice %arg2[%add3A_727] : memref<67108864xf32, #tpu.memory_space<hbm>> -> memref<8388608xf32, #tpu.memory_space<hbm>>
      %dma_start3A_732 = arith.constant 0 : i32
      %dma_start3A_733 = tpu.memref_slice %dma_start3A_731[%dma_start3A_732] : memref<8388608xf32, #tpu.memory_space<hbm>> -> memref<8388608xf32, #tpu.memory_space<hbm>>
      tpu.enqueue_indirect_dma source(%dma_start3A_733 : memref<8388608xf32, #tpu.memory_space<hbm>>) target(%dma_start3A_730 : memref<128xf32, #tpu.memory_space<vmem>>) offsets(%arg6 : memref<128xi32, #tpu.memory_space<vmem>>) semaphore(%arg10 : memref<!tpu.dma_semaphore, #tpu.memory_space<semaphore_mem>>)
    }
    %scan3A_154 = arith.constant 64 : i32
    %get3A_155 = arith.constant 1 : i32
    %get3A_156 = arith.index_cast %get3A_155 : i32 to index
    %get3A_157 = arith.constant 0 : index
    %get3A_158 = tpu.vector_load %arg5[%get3A_156, %get3A_157] {strides = array<i32>} : memref<4x128xi32, #tpu.memory_space<vmem>>, vector<1x16xi32>,
    %get3A_159 = vector.shape_cast %get3A_158 : vector<1x16xi32> to vector<16xi32>
    %shift_right_arithmetic3A_160 = arith.constant 7 : i32
    %shift_right_arithmetic3A_161 = vector.broadcast %shift_right_arithmetic3A_160 : i32 to vector<16xi32>
    %shift_right_arithmetic3A_162 = arith.shrsi %get3A_159, %shift_right_arithmetic3A_161 : vector<16xi32>
    %shift_left3A_163 = arith.constant 10 : i32
    %shift_left3A_164 = vector.broadcast %shift_left3A_163 : i32 to vector<16xi32>
    %shift_left3A_165 = arith.shli %shift_right_arithmetic3A_162, %shift_left3A_164 : vector<16xi32>
    %and3A_166 = arith.constant 127 : i32
    %and3A_167 = vector.broadcast %and3A_166 : i32 to vector<16xi32>
    %and3A_168 = arith.andi %get3A_159, %and3A_167 : vector<16xi32>
    %add3A_169 = arith.addi %shift_left3A_165, %and3A_168 : vector<16xi32>
    %swap3A_170 = arith.constant 0 : index
    %swap3A_171 = tpu.vector_load %arg7[%swap3A_170] {strides = array<i32>} : memref<128xi32, #tpu.memory_space<vmem>>, vector<16xi32>,
    %swap3A_172 = vector.shape_cast %swap3A_171 : vector<16xi32> to vector<16xi32>
    %swap3A_173 = vector.shape_cast %add3A_169 : vector<16xi32> to vector<16xi32>
    tpu.vector_store %arg7[%swap3A_170], %swap3A_173 {strides = array<i32>} : memref<128xi32, #tpu.memory_space<vmem>>, vector<16xi32>,
    %get3A_174 = arith.constant 1 : i32
    %get3A_175 = arith.index_cast %get3A_174 : i32 to index
    %get3A_176 = arith.constant 16 : index
    %get3A_177 = tpu.vector_load %arg5[%get3A_175, %get3A_176] {strides = array<i32>} : memref<4x128xi32, #tpu.memory_space<vmem>>, vector<1x16xi32>,
    %get3A_178 = vector.shape_cast %get3A_177 : vector<1x16xi32> to vector<16xi32>
    %shift_right_arithmetic3A_179 = arith.constant 7 : i32
    %shift_right_arithmetic3A_180 = vector.broadcast %shift_right_arithmetic3A_179 : i32 to vector<16xi32>
    %shift_right_arithmetic3A_181 = arith.shrsi %get3A_178, %shift_right_arithmetic3A_180 : vector<16xi32>
    %shift_left3A_182 = arith.constant 10 : i32
    %shift_left3A_183 = vector.broadcast %shift_left3A_182 : i32 to vector<16xi32>
    %shift_left3A_184 = arith.shli %shift_right_arithmetic3A_181, %shift_left3A_183 : vector<16xi32>
    %and3A_185 = arith.constant 127 : i32
    %and3A_186 = vector.broadcast %and3A_185 : i32 to vector<16xi32>
    %and3A_187 = arith.andi %get3A_178, %and3A_186 : vector<16xi32>
    %add3A_188 = arith.addi %shift_left3A_184, %and3A_187 : vector<16xi32>
    %swap3A_189 = arith.constant 16 : index
    %swap3A_190 = tpu.vector_load %arg7[%swap3A_189] {strides = array<i32>} : memref<128xi32, #tpu.memory_space<vmem>>, vector<16xi32>,
    %swap3A_191 = vector.shape_cast %swap3A_190 : vector<16xi32> to vector<16xi32>
    %swap3A_192 = vector.shape_cast %add3A_188 : vector<16xi32> to vector<16xi32>
    tpu.vector_store %arg7[%swap3A_189], %swap3A_192 {strides = array<i32>} : memref<128xi32, #tpu.memory_space<vmem>>, vector<16xi32>,
    %get3A_193 = arith.constant 1 : i32
    %get3A_194 = arith.index_cast %get3A_193 : i32 to index
    %get3A_195 = arith.constant 32 : index
    %get3A_196 = tpu.vector_load %arg5[%get3A_194, %get3A_195] {strides = array<i32>} : memref<4x128xi32, #tpu.memory_space<vmem>>, vector<1x16xi32>,
    %get3A_197 = vector.shape_cast %get3A_196 : vector<1x16xi32> to vector<16xi32>
    %shift_right_arithmetic3A_198 = arith.constant 7 : i32
    %shift_right_arithmetic3A_199 = vector.broadcast %shift_right_arithmetic3A_198 : i32 to vector<16xi32>
    %shift_right_arithmetic3A_200 = arith.shrsi %get3A_197, %shift_right_arithmetic3A_199 : vector<16xi32>
    %shift_left3A_201 = arith.constant 10 : i32
    %shift_left3A_202 = vector.broadcast %shift_left3A_201 : i32 to vector<16xi32>
    %shift_left3A_203 = arith.shli %shift_right_arithmetic3A_200, %shift_left3A_202 : vector<16xi32>
    %and3A_204 = arith.constant 127 : i32
    %and3A_205 = vector.broadcast %and3A_204 : i32 to vector<16xi32>
    %and3A_206 = arith.andi %get3A_197, %and3A_205 : vector<16xi32>
    %add3A_207 = arith.addi %shift_left3A_203, %and3A_206 : vector<16xi32>
    %swap3A_208 = arith.constant 32 : index
    %swap3A_209 = tpu.vector_load %arg7[%swap3A_208] {strides = array<i32>} : memref<128xi32, #tpu.memory_space<vmem>>, vector<16xi32>,
    %swap3A_210 = vector.shape_cast %swap3A_209 : vector<16xi32> to vector<16xi32>
    %swap3A_211 = vector.shape_cast %add3A_207 : vector<16xi32> to vector<16xi32>
    tpu.vector_store %arg7[%swap3A_208], %swap3A_211 {strides = array<i32>} : memref<128xi32, #tpu.memory_space<vmem>>, vector<16xi32>,
    %get3A_212 = arith.constant 1 : i32
    %get3A_213 = arith.index_cast %get3A_212 : i32 to index
    %get3A_214 = arith.constant 48 : index
    %get3A_215 = tpu.vector_load %arg5[%get3A_213, %get3A_214] {strides = array<i32>} : memref<4x128xi32, #tpu.memory_space<vmem>>, vector<1x16xi32>,
    %get3A_216 = vector.shape_cast %get3A_215 : vector<1x16xi32> to vector<16xi32>
    %shift_right_arithmetic3A_217 = arith.constant 7 : i32
    %shift_right_arithmetic3A_218 = vector.broadcast %shift_right_arithmetic3A_217 : i32 to vector<16xi32>
    %shift_right_arithmetic3A_219 = arith.shrsi %get3A_216, %shift_right_arithmetic3A_218 : vector<16xi32>
    %shift_left3A_220 = arith.constant 10 : i32
    %shift_left3A_221 = vector.broadcast %shift_left3A_220 : i32 to vector<16xi32>
    %shift_left3A_222 = arith.shli %shift_right_arithmetic3A_219, %shift_left3A_221 : vector<16xi32>
    %and3A_223 = arith.constant 127 : i32
    %and3A_224 = vector.broadcast %and3A_223 : i32 to vector<16xi32>
    %and3A_225 = arith.andi %get3A_216, %and3A_224 : vector<16xi32>
    %add3A_226 = arith.addi %shift_left3A_222, %and3A_225 : vector<16xi32>
    %swap3A_227 = arith.constant 48 : index
    %swap3A_228 = tpu.vector_load %arg7[%swap3A_227] {strides = array<i32>} : memref<128xi32, #tpu.memory_space<vmem>>, vector<16xi32>,
    %swap3A_229 = vector.shape_cast %swap3A_228 : vector<16xi32> to vector<16xi32>
    %swap3A_230 = vector.shape_cast %add3A_226 : vector<16xi32> to vector<16xi32>
    tpu.vector_store %arg7[%swap3A_227], %swap3A_230 {strides = array<i32>} : memref<128xi32, #tpu.memory_space<vmem>>, vector<16xi32>,
    %get3A_231 = arith.constant 1 : i32
    %get3A_232 = arith.index_cast %get3A_231 : i32 to index
    %get3A_233 = arith.constant 64 : index
    %get3A_234 = tpu.vector_load %arg5[%get3A_232, %get3A_233] {strides = array<i32>} : memref<4x128xi32, #tpu.memory_space<vmem>>, vector<1x16xi32>,
    %get3A_235 = vector.shape_cast %get3A_234 : vector<1x16xi32> to vector<16xi32>
    %shift_right_arithmetic3A_236 = arith.constant 7 : i32
    %shift_right_arithmetic3A_237 = vector.broadcast %shift_right_arithmetic3A_236 : i32 to vector<16xi32>
    %shift_right_arithmetic3A_238 = arith.shrsi %get3A_235, %shift_right_arithmetic3A_237 : vector<16xi32>
    %shift_left3A_239 = arith.constant 10 : i32
    %shift_left3A_240 = vector.broadcast %shift_left3A_239 : i32 to vector<16xi32>
    %shift_left3A_241 = arith.shli %shift_right_arithmetic3A_238, %shift_left3A_240 : vector<16xi32>
    %and3A_242 = arith.constant 127 : i32
    %and3A_243 = vector.broadcast %and3A_242 : i32 to vector<16xi32>
    %and3A_244 = arith.andi %get3A_235, %and3A_243 : vector<16xi32>
    %add3A_245 = arith.addi %shift_left3A_241, %and3A_244 : vector<16xi32>
    %swap3A_246 = arith.constant 64 : index
    %swap3A_247 = tpu.vector_load %arg7[%swap3A_246] {strides = array<i32>} : memref<128xi32, #tpu.memory_space<vmem>>, vector<16xi32>,
    %swap3A_248 = vector.shape_cast %swap3A_247 : vector<16xi32> to vector<16xi32>
    %swap3A_249 = vector.shape_cast %add3A_245 : vector<16xi32> to vector<16xi32>
    tpu.vector_store %arg7[%swap3A_246], %swap3A_249 {strides = array<i32>} : memref<128xi32, #tpu.memory_space<vmem>>, vector<16xi32>,
    %get3A_250 = arith.constant 1 : i32
    %get3A_251 = arith.index_cast %get3A_250 : i32 to index
    %get3A_252 = arith.constant 80 : index
    %get3A_253 = tpu.vector_load %arg5[%get3A_251, %get3A_252] {strides = array<i32>} : memref<4x128xi32, #tpu.memory_space<vmem>>, vector<1x16xi32>,
    %get3A_254 = vector.shape_cast %get3A_253 : vector<1x16xi32> to vector<16xi32>
    %shift_right_arithmetic3A_255 = arith.constant 7 : i32
    %shift_right_arithmetic3A_256 = vector.broadcast %shift_right_arithmetic3A_255 : i32 to vector<16xi32>
    %shift_right_arithmetic3A_257 = arith.shrsi %get3A_254, %shift_right_arithmetic3A_256 : vector<16xi32>
    %shift_left3A_258 = arith.constant 10 : i32
    %shift_left3A_259 = vector.broadcast %shift_left3A_258 : i32 to vector<16xi32>
    %shift_left3A_260 = arith.shli %shift_right_arithmetic3A_257, %shift_left3A_259 : vector<16xi32>
    %and3A_261 = arith.constant 127 : i32
    %and3A_262 = vector.broadcast %and3A_261 : i32 to vector<16xi32>
    %and3A_263 = arith.andi %get3A_254, %and3A_262 : vector<16xi32>
    %add3A_264 = arith.addi %shift_left3A_260, %and3A_263 : vector<16xi32>
    %swap3A_265 = arith.constant 80 : index
    %swap3A_266 = tpu.vector_load %arg7[%swap3A_265] {strides = array<i32>} : memref<128xi32, #tpu.memory_space<vmem>>, vector<16xi32>,
    %swap3A_267 = vector.shape_cast %swap3A_266 : vector<16xi32> to vector<16xi32>
    %swap3A_268 = vector.shape_cast %add3A_264 : vector<16xi32> to vector<16xi32>
    tpu.vector_store %arg7[%swap3A_265], %swap3A_268 {strides = array<i32>} : memref<128xi32, #tpu.memory_space<vmem>>, vector<16xi32>,
    %get3A_269 = arith.constant 1 : i32
    %get3A_270 = arith.index_cast %get3A_269 : i32 to index
    %get3A_271 = arith.constant 96 : index
    %get3A_272 = tpu.vector_load %arg5[%get3A_270, %get3A_271] {strides = array<i32>} : memref<4x128xi32, #tpu.memory_space<vmem>>, vector<1x16xi32>,
    %get3A_273 = vector.shape_cast %get3A_272 : vector<1x16xi32> to vector<16xi32>
    %shift_right_arithmetic3A_274 = arith.constant 7 : i32
    %shift_right_arithmetic3A_275 = vector.broadcast %shift_right_arithmetic3A_274 : i32 to vector<16xi32>
    %shift_right_arithmetic3A_276 = arith.shrsi %get3A_273, %shift_right_arithmetic3A_275 : vector<16xi32>
    %shift_left3A_277 = arith.constant 10 : i32
    %shift_left3A_278 = vector.broadcast %shift_left3A_277 : i32 to vector<16xi32>
    %shift_left3A_279 = arith.shli %shift_right_arithmetic3A_276, %shift_left3A_278 : vector<16xi32>
    %and3A_280 = arith.constant 127 : i32
    %and3A_281 = vector.broadcast %and3A_280 : i32 to vector<16xi32>
    %and3A_282 = arith.andi %get3A_273, %and3A_281 : vector<16xi32>
    %add3A_283 = arith.addi %shift_left3A_279, %and3A_282 : vector<16xi32>
    %swap3A_284 = arith.constant 96 : index
    %swap3A_285 = tpu.vector_load %arg7[%swap3A_284] {strides = array<i32>} : memref<128xi32, #tpu.memory_space<vmem>>, vector<16xi32>,
    %swap3A_286 = vector.shape_cast %swap3A_285 : vector<16xi32> to vector<16xi32>
    %swap3A_287 = vector.shape_cast %add3A_283 : vector<16xi32> to vector<16xi32>
    tpu.vector_store %arg7[%swap3A_284], %swap3A_287 {strides = array<i32>} : memref<128xi32, #tpu.memory_space<vmem>>, vector<16xi32>,
    %get3A_288 = arith.constant 1 : i32
    %get3A_289 = arith.index_cast %get3A_288 : i32 to index
    %get3A_290 = arith.constant 112 : index
    %get3A_291 = tpu.vector_load %arg5[%get3A_289, %get3A_290] {strides = array<i32>} : memref<4x128xi32, #tpu.memory_space<vmem>>, vector<1x16xi32>,
    %get3A_292 = vector.shape_cast %get3A_291 : vector<1x16xi32> to vector<16xi32>
    %shift_right_arithmetic3A_293 = arith.constant 7 : i32
    %shift_right_arithmetic3A_294 = vector.broadcast %shift_right_arithmetic3A_293 : i32 to vector<16xi32>
    %shift_right_arithmetic3A_295 = arith.shrsi %get3A_292, %shift_right_arithmetic3A_294 : vector<16xi32>
    %shift_left3A_296 = arith.constant 10 : i32
    %shift_left3A_297 = vector.broadcast %shift_left3A_296 : i32 to vector<16xi32>
    %shift_left3A_298 = arith.shli %shift_right_arithmetic3A_295, %shift_left3A_297 : vector<16xi32>
    %and3A_299 = arith.constant 127 : i32
    %and3A_300 = vector.broadcast %and3A_299 : i32 to vector<16xi32>
    %and3A_301 = arith.andi %get3A_292, %and3A_300 : vector<16xi32>
    %add3A_302 = arith.addi %shift_left3A_298, %and3A_301 : vector<16xi32>
    %swap3A_303 = arith.constant 112 : index
    %swap3A_304 = tpu.vector_load %arg7[%swap3A_303] {strides = array<i32>} : memref<128xi32, #tpu.memory_space<vmem>>, vector<16xi32>,
    %swap3A_305 = vector.shape_cast %swap3A_304 : vector<16xi32> to vector<16xi32>
    %swap3A_306 = vector.shape_cast %add3A_302 : vector<16xi32> to vector<16xi32>
    tpu.vector_store %arg7[%swap3A_303], %swap3A_306 {strides = array<i32>} : memref<128xi32, #tpu.memory_space<vmem>>, vector<16xi32>,
    %scan3A_307 = arith.constant 0 : i32
    %scan3A_308 = arith.constant 0 : i32
    %scan3A_309 = arith.constant 64 : i32
    %scan3A_310 = arith.addi %scan3A_308, %scan3A_309 : i32
    %scan3A_311 = arith.constant 1 : i32
    scf.for %scan3A_691 = %scan3A_308 to %scan3A_310 step %scan3A_311  : i32 {
      %jit3A = arith.constant 8 : i32
      %div3A = arith.divsi %scan3A_691, %jit3A : i32
      %sign3A = arith.constant 0 : i32
      %sign3A_692 = arith.cmpi sgt, %scan3A_691, %sign3A : i32
      %sign3A_693 = arith.extui %sign3A_692 : i1 to i32
      %sign3A_694 = arith.constant 0 : i32
      %sign3A_695 = arith.cmpi slt, %scan3A_691, %sign3A_694 : i32
      %sign3A_696 = arith.extui %sign3A_695 : i1 to i32
      %sign3A_697 = arith.subi %sign3A_693, %sign3A_696 : i32
      %sign3A_698 = arith.constant 0 : i32
      %sign3A_699 = arith.cmpi sgt, %jit3A, %sign3A_698 : i32
      %sign3A_700 = arith.extui %sign3A_699 : i1 to i32
      %sign3A_701 = arith.constant 0 : i32
      %sign3A_702 = arith.cmpi slt, %jit3A, %sign3A_701 : i32
      %sign3A_703 = arith.extui %sign3A_702 : i1 to i32
      %sign3A_704 = arith.subi %sign3A_700, %sign3A_703 : i32
      %ne3A = arith.cmpi ne, %sign3A_697, %sign3A_704 : i32
      %rem3A = arith.remsi %scan3A_691, %jit3A : i32
      %ne3A_705 = arith.constant 0 : i32
      %ne3A_706 = arith.cmpi ne, %rem3A, %ne3A_705 : i32
      %and3A_707 = arith.andi %ne3A, %ne3A_706 : i1
      %sub3A = arith.constant 1 : i32
      %sub3A_708 = arith.subi %div3A, %sub3A : i32
      %select_n3A = arith.select %and3A_707, %sub3A_708, %div3A : i32
      %mul3A_709 = arith.constant 8388608 : i32
      %mul3A_710 = arith.muli %select_n3A, %mul3A_709 : i32
      %jit3A_711 = arith.constant 8 : i32
      %eq3A = arith.constant 0 : i32
      %eq3A_712 = arith.cmpi eq, %jit3A_711, %eq3A : i32
      %jit3A_713 = arith.constant 1 : i32
      %select_n3A_714 = arith.select %eq3A_712, %jit3A_713, %jit3A_711 : i32
      %rem3A_715 = arith.remsi %scan3A_691, %select_n3A_714 : i32
      %ne3A_716 = arith.constant 0 : i32
      %ne3A_717 = arith.cmpi ne, %rem3A_715, %ne3A_716 : i32
      %lt3A = arith.constant 0 : i32
      %lt3A_718 = arith.cmpi slt, %rem3A_715, %lt3A : i32
      %lt3A_719 = arith.constant 0 : i32
      %lt3A_720 = arith.cmpi slt, %select_n3A_714, %lt3A_719 : i32
      %ne3A_721 = arith.xori %lt3A_718, %lt3A_720 : i1
      %and3A_722 = arith.andi %ne3A_721, %ne3A_717 : i1
      %add3A_723 = arith.addi %rem3A_715, %select_n3A_714 : i32
      %select_n3A_724 = arith.select %and3A_722, %add3A_723, %rem3A_715 : i32
      %mul3A_725 = arith.constant 128 : i32
      %mul3A_726 = arith.muli %select_n3A_724, %mul3A_725 : i32
      %add3A_727 = arith.addi %mul3A_710, %mul3A_726 : i32
      %dma_start3A_728 = arith.constant 0 : i32
      %dma_start3A_729 = tpu.memref_slice %arg9[%scan3A_691, %dma_start3A_728] : memref<64x128xf32, #tpu.memory_space<vmem>> -> memref<1x128xf32, #tpu.memory_space<vmem>>
      %dma_start3A_730 = tpu.memref_squeeze %dma_start3A_729 : memref<1x128xf32, #tpu.memory_space<vmem>> -> memref<128xf32, #tpu.memory_space<vmem>>
      %dma_start3A_731 = tpu.memref_slice %arg2[%add3A_727] : memref<67108864xf32, #tpu.memory_space<hbm>> -> memref<8388608xf32, #tpu.memory_space<hbm>>
      %dma_start3A_732 = arith.constant 0 : i32
      %dma_start3A_733 = tpu.memref_slice %dma_start3A_731[%dma_start3A_732] : memref<8388608xf32, #tpu.memory_space<hbm>> -> memref<8388608xf32, #tpu.memory_space<hbm>>
      tpu.enqueue_indirect_dma source(%dma_start3A_733 : memref<8388608xf32, #tpu.memory_space<hbm>>) target(%dma_start3A_730 : memref<128xf32, #tpu.memory_space<vmem>>) offsets(%arg7 : memref<128xi32, #tpu.memory_space<vmem>>) semaphore(%arg11 : memref<!tpu.dma_semaphore, #tpu.memory_space<semaphore_mem>>)
    }
    %scan3A_312 = arith.constant 64 : i32
    %dma_wait3A = arith.constant 0 : i32
    %dma_wait3A_313 = arith.constant 0 : i32
    %dma_wait3A_314 = tpu.memref_slice %arg4[%dma_wait3A, %dma_wait3A_313] : memref<64x16384xf32, #tpu.memory_space<hbm>> -> memref<64x128xf32, #tpu.memory_space<hbm>>
    %dma_wait3A_315 = arith.constant 0 : i32
    %dma_wait3A_316 = arith.constant 0 : i32
    %dma_wait3A_317 = tpu.memref_slice %arg4[%dma_wait3A_315, %dma_wait3A_316] : memref<64x16384xf32, #tpu.memory_space<hbm>> -> memref<64x128xf32, #tpu.memory_space<hbm>>
    tpu.wait_dma2 semaphore(%arg10 : memref<!tpu.dma_semaphore, #tpu.memory_space<semaphore_mem>>) src(%dma_wait3A_317 : memref<64x128xf32, #tpu.memory_space<hbm>>) dst(%arg8 : memref<64x128xf32, #tpu.memory_space<vmem>>)
    %add3A_318 = arith.constant 0 : i32
    %add3A_319 = arith.addi %mul3A_2, %add3A_318 : i32
    %dma_start3A = arith.constant 0 : i32
    %dma_start3A_320 = tpu.memref_slice %arg4[%dma_start3A, %add3A_319] : memref<64x16384xf32, #tpu.memory_space<hbm>> -> memref<64x128xf32, #tpu.memory_space<hbm>>
    %dma_start3A_321 = arith.constant 0 : i32
    %dma_start3A_322 = tpu.memref_slice %arg4[%dma_start3A_321, %add3A_319] : memref<64x16384xf32, #tpu.memory_space<hbm>> -> memref<64x128xf32, #tpu.memory_space<hbm>>
    tpu.enqueue_dma source(%arg8 : memref<64x128xf32, #tpu.memory_space<vmem>>) target(%dma_start3A_322 : memref<64x128xf32, #tpu.memory_space<hbm>>) target_semaphore(%arg12 : memref<!tpu.dma_semaphore, #tpu.memory_space<semaphore_mem>>)
    %dma_wait3A_323 = arith.constant 0 : i32
    %dma_wait3A_324 = tpu.memref_slice %arg4[%dma_wait3A_323, %add3A_319] : memref<64x16384xf32, #tpu.memory_space<hbm>> -> memref<64x128xf32, #tpu.memory_space<hbm>>
    %dma_wait3A_325 = arith.constant 0 : i32
    %dma_wait3A_326 = tpu.memref_slice %arg4[%dma_wait3A_325, %add3A_319] : memref<64x16384xf32, #tpu.memory_space<hbm>> -> memref<64x128xf32, #tpu.memory_space<hbm>>
    tpu.wait_dma2 semaphore(%arg12 : memref<!tpu.dma_semaphore, #tpu.memory_space<semaphore_mem>>) src(%arg8 : memref<64x128xf32, #tpu.memory_space<vmem>>) dst(%dma_wait3A_326 : memref<64x128xf32, #tpu.memory_space<hbm>>)
    %get3A_327 = arith.constant 2 : i32
    %get3A_328 = arith.index_cast %get3A_327 : i32 to index
    %get3A_329 = arith.constant 0 : index
    %get3A_330 = tpu.vector_load %arg5[%get3A_328, %get3A_329] {strides = array<i32>} : memref<4x128xi32, #tpu.memory_space<vmem>>, vector<1x16xi32>,
    %get3A_331 = vector.shape_cast %get3A_330 : vector<1x16xi32> to vector<16xi32>
    %shift_right_arithmetic3A_332 = arith.constant 7 : i32
    %shift_right_arithmetic3A_333 = vector.broadcast %shift_right_arithmetic3A_332 : i32 to vector<16xi32>
    %shift_right_arithmetic3A_334 = arith.shrsi %get3A_331, %shift_right_arithmetic3A_333 : vector<16xi32>
    %shift_left3A_335 = arith.constant 10 : i32
    %shift_left3A_336 = vector.broadcast %shift_left3A_335 : i32 to vector<16xi32>
    %shift_left3A_337 = arith.shli %shift_right_arithmetic3A_334, %shift_left3A_336 : vector<16xi32>
    %and3A_338 = arith.constant 127 : i32
    %and3A_339 = vector.broadcast %and3A_338 : i32 to vector<16xi32>
    %and3A_340 = arith.andi %get3A_331, %and3A_339 : vector<16xi32>
    %add3A_341 = arith.addi %shift_left3A_337, %and3A_340 : vector<16xi32>
    %swap3A_342 = arith.constant 0 : index
    %swap3A_343 = tpu.vector_load %arg6[%swap3A_342] {strides = array<i32>} : memref<128xi32, #tpu.memory_space<vmem>>, vector<16xi32>,
    %swap3A_344 = vector.shape_cast %swap3A_343 : vector<16xi32> to vector<16xi32>
    %swap3A_345 = vector.shape_cast %add3A_341 : vector<16xi32> to vector<16xi32>
    tpu.vector_store %arg6[%swap3A_342], %swap3A_345 {strides = array<i32>} : memref<128xi32, #tpu.memory_space<vmem>>, vector<16xi32>,
    %get3A_346 = arith.constant 2 : i32
    %get3A_347 = arith.index_cast %get3A_346 : i32 to index
    %get3A_348 = arith.constant 16 : index
    %get3A_349 = tpu.vector_load %arg5[%get3A_347, %get3A_348] {strides = array<i32>} : memref<4x128xi32, #tpu.memory_space<vmem>>, vector<1x16xi32>,
    %get3A_350 = vector.shape_cast %get3A_349 : vector<1x16xi32> to vector<16xi32>
    %shift_right_arithmetic3A_351 = arith.constant 7 : i32
    %shift_right_arithmetic3A_352 = vector.broadcast %shift_right_arithmetic3A_351 : i32 to vector<16xi32>
    %shift_right_arithmetic3A_353 = arith.shrsi %get3A_350, %shift_right_arithmetic3A_352 : vector<16xi32>
    %shift_left3A_354 = arith.constant 10 : i32
    %shift_left3A_355 = vector.broadcast %shift_left3A_354 : i32 to vector<16xi32>
    %shift_left3A_356 = arith.shli %shift_right_arithmetic3A_353, %shift_left3A_355 : vector<16xi32>
    %and3A_357 = arith.constant 127 : i32
    %and3A_358 = vector.broadcast %and3A_357 : i32 to vector<16xi32>
    %and3A_359 = arith.andi %get3A_350, %and3A_358 : vector<16xi32>
    %add3A_360 = arith.addi %shift_left3A_356, %and3A_359 : vector<16xi32>
    %swap3A_361 = arith.constant 16 : index
    %swap3A_362 = tpu.vector_load %arg6[%swap3A_361] {strides = array<i32>} : memref<128xi32, #tpu.memory_space<vmem>>, vector<16xi32>,
    %swap3A_363 = vector.shape_cast %swap3A_362 : vector<16xi32> to vector<16xi32>
    %swap3A_364 = vector.shape_cast %add3A_360 : vector<16xi32> to vector<16xi32>
    tpu.vector_store %arg6[%swap3A_361], %swap3A_364 {strides = array<i32>} : memref<128xi32, #tpu.memory_space<vmem>>, vector<16xi32>,
    %get3A_365 = arith.constant 2 : i32
    %get3A_366 = arith.index_cast %get3A_365 : i32 to index
    %get3A_367 = arith.constant 32 : index
    %get3A_368 = tpu.vector_load %arg5[%get3A_366, %get3A_367] {strides = array<i32>} : memref<4x128xi32, #tpu.memory_space<vmem>>, vector<1x16xi32>,
    %get3A_369 = vector.shape_cast %get3A_368 : vector<1x16xi32> to vector<16xi32>
    %shift_right_arithmetic3A_370 = arith.constant 7 : i32
    %shift_right_arithmetic3A_371 = vector.broadcast %shift_right_arithmetic3A_370 : i32 to vector<16xi32>
    %shift_right_arithmetic3A_372 = arith.shrsi %get3A_369, %shift_right_arithmetic3A_371 : vector<16xi32>
    %shift_left3A_373 = arith.constant 10 : i32
    %shift_left3A_374 = vector.broadcast %shift_left3A_373 : i32 to vector<16xi32>
    %shift_left3A_375 = arith.shli %shift_right_arithmetic3A_372, %shift_left3A_374 : vector<16xi32>
    %and3A_376 = arith.constant 127 : i32
    %and3A_377 = vector.broadcast %and3A_376 : i32 to vector<16xi32>
    %and3A_378 = arith.andi %get3A_369, %and3A_377 : vector<16xi32>
    %add3A_379 = arith.addi %shift_left3A_375, %and3A_378 : vector<16xi32>
    %swap3A_380 = arith.constant 32 : index
    %swap3A_381 = tpu.vector_load %arg6[%swap3A_380] {strides = array<i32>} : memref<128xi32, #tpu.memory_space<vmem>>, vector<16xi32>,
    %swap3A_382 = vector.shape_cast %swap3A_381 : vector<16xi32> to vector<16xi32>
    %swap3A_383 = vector.shape_cast %add3A_379 : vector<16xi32> to vector<16xi32>
    tpu.vector_store %arg6[%swap3A_380], %swap3A_383 {strides = array<i32>} : memref<128xi32, #tpu.memory_space<vmem>>, vector<16xi32>,
    %get3A_384 = arith.constant 2 : i32
    %get3A_385 = arith.index_cast %get3A_384 : i32 to index
    %get3A_386 = arith.constant 48 : index
    %get3A_387 = tpu.vector_load %arg5[%get3A_385, %get3A_386] {strides = array<i32>} : memref<4x128xi32, #tpu.memory_space<vmem>>, vector<1x16xi32>,
    %get3A_388 = vector.shape_cast %get3A_387 : vector<1x16xi32> to vector<16xi32>
    %shift_right_arithmetic3A_389 = arith.constant 7 : i32
    %shift_right_arithmetic3A_390 = vector.broadcast %shift_right_arithmetic3A_389 : i32 to vector<16xi32>
    %shift_right_arithmetic3A_391 = arith.shrsi %get3A_388, %shift_right_arithmetic3A_390 : vector<16xi32>
    %shift_left3A_392 = arith.constant 10 : i32
    %shift_left3A_393 = vector.broadcast %shift_left3A_392 : i32 to vector<16xi32>
    %shift_left3A_394 = arith.shli %shift_right_arithmetic3A_391, %shift_left3A_393 : vector<16xi32>
    %and3A_395 = arith.constant 127 : i32
    %and3A_396 = vector.broadcast %and3A_395 : i32 to vector<16xi32>
    %and3A_397 = arith.andi %get3A_388, %and3A_396 : vector<16xi32>
    %add3A_398 = arith.addi %shift_left3A_394, %and3A_397 : vector<16xi32>
    %swap3A_399 = arith.constant 48 : index
    %swap3A_400 = tpu.vector_load %arg6[%swap3A_399] {strides = array<i32>} : memref<128xi32, #tpu.memory_space<vmem>>, vector<16xi32>,
    %swap3A_401 = vector.shape_cast %swap3A_400 : vector<16xi32> to vector<16xi32>
    %swap3A_402 = vector.shape_cast %add3A_398 : vector<16xi32> to vector<16xi32>
    tpu.vector_store %arg6[%swap3A_399], %swap3A_402 {strides = array<i32>} : memref<128xi32, #tpu.memory_space<vmem>>, vector<16xi32>,
    %get3A_403 = arith.constant 2 : i32
    %get3A_404 = arith.index_cast %get3A_403 : i32 to index
    %get3A_405 = arith.constant 64 : index
    %get3A_406 = tpu.vector_load %arg5[%get3A_404, %get3A_405] {strides = array<i32>} : memref<4x128xi32, #tpu.memory_space<vmem>>, vector<1x16xi32>,
    %get3A_407 = vector.shape_cast %get3A_406 : vector<1x16xi32> to vector<16xi32>
    %shift_right_arithmetic3A_408 = arith.constant 7 : i32
    %shift_right_arithmetic3A_409 = vector.broadcast %shift_right_arithmetic3A_408 : i32 to vector<16xi32>
    %shift_right_arithmetic3A_410 = arith.shrsi %get3A_407, %shift_right_arithmetic3A_409 : vector<16xi32>
    %shift_left3A_411 = arith.constant 10 : i32
    %shift_left3A_412 = vector.broadcast %shift_left3A_411 : i32 to vector<16xi32>
    %shift_left3A_413 = arith.shli %shift_right_arithmetic3A_410, %shift_left3A_412 : vector<16xi32>
    %and3A_414 = arith.constant 127 : i32
    %and3A_415 = vector.broadcast %and3A_414 : i32 to vector<16xi32>
    %and3A_416 = arith.andi %get3A_407, %and3A_415 : vector<16xi32>
    %add3A_417 = arith.addi %shift_left3A_413, %and3A_416 : vector<16xi32>
    %swap3A_418 = arith.constant 64 : index
    %swap3A_419 = tpu.vector_load %arg6[%swap3A_418] {strides = array<i32>} : memref<128xi32, #tpu.memory_space<vmem>>, vector<16xi32>,
    %swap3A_420 = vector.shape_cast %swap3A_419 : vector<16xi32> to vector<16xi32>
    %swap3A_421 = vector.shape_cast %add3A_417 : vector<16xi32> to vector<16xi32>
    tpu.vector_store %arg6[%swap3A_418], %swap3A_421 {strides = array<i32>} : memref<128xi32, #tpu.memory_space<vmem>>, vector<16xi32>,
    %get3A_422 = arith.constant 2 : i32
    %get3A_423 = arith.index_cast %get3A_422 : i32 to index
    %get3A_424 = arith.constant 80 : index
    %get3A_425 = tpu.vector_load %arg5[%get3A_423, %get3A_424] {strides = array<i32>} : memref<4x128xi32, #tpu.memory_space<vmem>>, vector<1x16xi32>,
    %get3A_426 = vector.shape_cast %get3A_425 : vector<1x16xi32> to vector<16xi32>
    %shift_right_arithmetic3A_427 = arith.constant 7 : i32
    %shift_right_arithmetic3A_428 = vector.broadcast %shift_right_arithmetic3A_427 : i32 to vector<16xi32>
    %shift_right_arithmetic3A_429 = arith.shrsi %get3A_426, %shift_right_arithmetic3A_428 : vector<16xi32>
    %shift_left3A_430 = arith.constant 10 : i32
    %shift_left3A_431 = vector.broadcast %shift_left3A_430 : i32 to vector<16xi32>
    %shift_left3A_432 = arith.shli %shift_right_arithmetic3A_429, %shift_left3A_431 : vector<16xi32>
    %and3A_433 = arith.constant 127 : i32
    %and3A_434 = vector.broadcast %and3A_433 : i32 to vector<16xi32>
    %and3A_435 = arith.andi %get3A_426, %and3A_434 : vector<16xi32>
    %add3A_436 = arith.addi %shift_left3A_432, %and3A_435 : vector<16xi32>
    %swap3A_437 = arith.constant 80 : index
    %swap3A_438 = tpu.vector_load %arg6[%swap3A_437] {strides = array<i32>} : memref<128xi32, #tpu.memory_space<vmem>>, vector<16xi32>,
    %swap3A_439 = vector.shape_cast %swap3A_438 : vector<16xi32> to vector<16xi32>
    %swap3A_440 = vector.shape_cast %add3A_436 : vector<16xi32> to vector<16xi32>
    tpu.vector_store %arg6[%swap3A_437], %swap3A_440 {strides = array<i32>} : memref<128xi32, #tpu.memory_space<vmem>>, vector<16xi32>,
    %get3A_441 = arith.constant 2 : i32
    %get3A_442 = arith.index_cast %get3A_441 : i32 to index
    %get3A_443 = arith.constant 96 : index
    %get3A_444 = tpu.vector_load %arg5[%get3A_442, %get3A_443] {strides = array<i32>} : memref<4x128xi32, #tpu.memory_space<vmem>>, vector<1x16xi32>,
    %get3A_445 = vector.shape_cast %get3A_444 : vector<1x16xi32> to vector<16xi32>
    %shift_right_arithmetic3A_446 = arith.constant 7 : i32
    %shift_right_arithmetic3A_447 = vector.broadcast %shift_right_arithmetic3A_446 : i32 to vector<16xi32>
    %shift_right_arithmetic3A_448 = arith.shrsi %get3A_445, %shift_right_arithmetic3A_447 : vector<16xi32>
    %shift_left3A_449 = arith.constant 10 : i32
    %shift_left3A_450 = vector.broadcast %shift_left3A_449 : i32 to vector<16xi32>
    %shift_left3A_451 = arith.shli %shift_right_arithmetic3A_448, %shift_left3A_450 : vector<16xi32>
    %and3A_452 = arith.constant 127 : i32
    %and3A_453 = vector.broadcast %and3A_452 : i32 to vector<16xi32>
    %and3A_454 = arith.andi %get3A_445, %and3A_453 : vector<16xi32>
    %add3A_455 = arith.addi %shift_left3A_451, %and3A_454 : vector<16xi32>
    %swap3A_456 = arith.constant 96 : index
    %swap3A_457 = tpu.vector_load %arg6[%swap3A_456] {strides = array<i32>} : memref<128xi32, #tpu.memory_space<vmem>>, vector<16xi32>,
    %swap3A_458 = vector.shape_cast %swap3A_457 : vector<16xi32> to vector<16xi32>
    %swap3A_459 = vector.shape_cast %add3A_455 : vector<16xi32> to vector<16xi32>
    tpu.vector_store %arg6[%swap3A_456], %swap3A_459 {strides = array<i32>} : memref<128xi32, #tpu.memory_space<vmem>>, vector<16xi32>,
    %get3A_460 = arith.constant 2 : i32
    %get3A_461 = arith.index_cast %get3A_460 : i32 to index
    %get3A_462 = arith.constant 112 : index
    %get3A_463 = tpu.vector_load %arg5[%get3A_461, %get3A_462] {strides = array<i32>} : memref<4x128xi32, #tpu.memory_space<vmem>>, vector<1x16xi32>,
    %get3A_464 = vector.shape_cast %get3A_463 : vector<1x16xi32> to vector<16xi32>
    %shift_right_arithmetic3A_465 = arith.constant 7 : i32
    %shift_right_arithmetic3A_466 = vector.broadcast %shift_right_arithmetic3A_465 : i32 to vector<16xi32>
    %shift_right_arithmetic3A_467 = arith.shrsi %get3A_464, %shift_right_arithmetic3A_466 : vector<16xi32>
    %shift_left3A_468 = arith.constant 10 : i32
    %shift_left3A_469 = vector.broadcast %shift_left3A_468 : i32 to vector<16xi32>
    %shift_left3A_470 = arith.shli %shift_right_arithmetic3A_467, %shift_left3A_469 : vector<16xi32>
    %and3A_471 = arith.constant 127 : i32
    %and3A_472 = vector.broadcast %and3A_471 : i32 to vector<16xi32>
    %and3A_473 = arith.andi %get3A_464, %and3A_472 : vector<16xi32>
    %add3A_474 = arith.addi %shift_left3A_470, %and3A_473 : vector<16xi32>
    %swap3A_475 = arith.constant 112 : index
    %swap3A_476 = tpu.vector_load %arg6[%swap3A_475] {strides = array<i32>} : memref<128xi32, #tpu.memory_space<vmem>>, vector<16xi32>,
    %swap3A_477 = vector.shape_cast %swap3A_476 : vector<16xi32> to vector<16xi32>
    %swap3A_478 = vector.shape_cast %add3A_474 : vector<16xi32> to vector<16xi32>
    tpu.vector_store %arg6[%swap3A_475], %swap3A_478 {strides = array<i32>} : memref<128xi32, #tpu.memory_space<vmem>>, vector<16xi32>,
    %scan3A_479 = arith.constant 0 : i32
    %scan3A_480 = arith.constant 0 : i32
    %scan3A_481 = arith.constant 64 : i32
    %scan3A_482 = arith.addi %scan3A_480, %scan3A_481 : i32
    %scan3A_483 = arith.constant 1 : i32
    scf.for %scan3A_691 = %scan3A_480 to %scan3A_482 step %scan3A_483  : i32 {
      %jit3A = arith.constant 8 : i32
      %div3A = arith.divsi %scan3A_691, %jit3A : i32
      %sign3A = arith.constant 0 : i32
      %sign3A_692 = arith.cmpi sgt, %scan3A_691, %sign3A : i32
      %sign3A_693 = arith.extui %sign3A_692 : i1 to i32
      %sign3A_694 = arith.constant 0 : i32
      %sign3A_695 = arith.cmpi slt, %scan3A_691, %sign3A_694 : i32
      %sign3A_696 = arith.extui %sign3A_695 : i1 to i32
      %sign3A_697 = arith.subi %sign3A_693, %sign3A_696 : i32
      %sign3A_698 = arith.constant 0 : i32
      %sign3A_699 = arith.cmpi sgt, %jit3A, %sign3A_698 : i32
      %sign3A_700 = arith.extui %sign3A_699 : i1 to i32
      %sign3A_701 = arith.constant 0 : i32
      %sign3A_702 = arith.cmpi slt, %jit3A, %sign3A_701 : i32
      %sign3A_703 = arith.extui %sign3A_702 : i1 to i32
      %sign3A_704 = arith.subi %sign3A_700, %sign3A_703 : i32
      %ne3A = arith.cmpi ne, %sign3A_697, %sign3A_704 : i32
      %rem3A = arith.remsi %scan3A_691, %jit3A : i32
      %ne3A_705 = arith.constant 0 : i32
      %ne3A_706 = arith.cmpi ne, %rem3A, %ne3A_705 : i32
      %and3A_707 = arith.andi %ne3A, %ne3A_706 : i1
      %sub3A = arith.constant 1 : i32
      %sub3A_708 = arith.subi %div3A, %sub3A : i32
      %select_n3A = arith.select %and3A_707, %sub3A_708, %div3A : i32
      %mul3A_709 = arith.constant 8388608 : i32
      %mul3A_710 = arith.muli %select_n3A, %mul3A_709 : i32
      %jit3A_711 = arith.constant 8 : i32
      %eq3A = arith.constant 0 : i32
      %eq3A_712 = arith.cmpi eq, %jit3A_711, %eq3A : i32
      %jit3A_713 = arith.constant 1 : i32
      %select_n3A_714 = arith.select %eq3A_712, %jit3A_713, %jit3A_711 : i32
      %rem3A_715 = arith.remsi %scan3A_691, %select_n3A_714 : i32
      %ne3A_716 = arith.constant 0 : i32
      %ne3A_717 = arith.cmpi ne, %rem3A_715, %ne3A_716 : i32
      %lt3A = arith.constant 0 : i32
      %lt3A_718 = arith.cmpi slt, %rem3A_715, %lt3A : i32
      %lt3A_719 = arith.constant 0 : i32
      %lt3A_720 = arith.cmpi slt, %select_n3A_714, %lt3A_719 : i32
      %ne3A_721 = arith.xori %lt3A_718, %lt3A_720 : i1
      %and3A_722 = arith.andi %ne3A_721, %ne3A_717 : i1
      %add3A_723 = arith.addi %rem3A_715, %select_n3A_714 : i32
      %select_n3A_724 = arith.select %and3A_722, %add3A_723, %rem3A_715 : i32
      %mul3A_725 = arith.constant 128 : i32
      %mul3A_726 = arith.muli %select_n3A_724, %mul3A_725 : i32
      %add3A_727 = arith.addi %mul3A_710, %mul3A_726 : i32
      %dma_start3A_728 = arith.constant 0 : i32
      %dma_start3A_729 = tpu.memref_slice %arg8[%scan3A_691, %dma_start3A_728] : memref<64x128xf32, #tpu.memory_space<vmem>> -> memref<1x128xf32, #tpu.memory_space<vmem>>
      %dma_start3A_730 = tpu.memref_squeeze %dma_start3A_729 : memref<1x128xf32, #tpu.memory_space<vmem>> -> memref<128xf32, #tpu.memory_space<vmem>>
      %dma_start3A_731 = tpu.memref_slice %arg2[%add3A_727] : memref<67108864xf32, #tpu.memory_space<hbm>> -> memref<8388608xf32, #tpu.memory_space<hbm>>
      %dma_start3A_732 = arith.constant 0 : i32
      %dma_start3A_733 = tpu.memref_slice %dma_start3A_731[%dma_start3A_732] : memref<8388608xf32, #tpu.memory_space<hbm>> -> memref<8388608xf32, #tpu.memory_space<hbm>>
      tpu.enqueue_indirect_dma source(%dma_start3A_733 : memref<8388608xf32, #tpu.memory_space<hbm>>) target(%dma_start3A_730 : memref<128xf32, #tpu.memory_space<vmem>>) offsets(%arg6 : memref<128xi32, #tpu.memory_space<vmem>>) semaphore(%arg10 : memref<!tpu.dma_semaphore, #tpu.memory_space<semaphore_mem>>)
    }
    %scan3A_484 = arith.constant 64 : i32
    %dma_wait3A_485 = arith.constant 0 : i32
    %dma_wait3A_486 = arith.constant 0 : i32
    %dma_wait3A_487 = tpu.memref_slice %arg4[%dma_wait3A_485, %dma_wait3A_486] : memref<64x16384xf32, #tpu.memory_space<hbm>> -> memref<64x128xf32, #tpu.memory_space<hbm>>
    %dma_wait3A_488 = arith.constant 0 : i32
    %dma_wait3A_489 = arith.constant 0 : i32
    %dma_wait3A_490 = tpu.memref_slice %arg4[%dma_wait3A_488, %dma_wait3A_489] : memref<64x16384xf32, #tpu.memory_space<hbm>> -> memref<64x128xf32, #tpu.memory_space<hbm>>
    tpu.wait_dma2 semaphore(%arg11 : memref<!tpu.dma_semaphore, #tpu.memory_space<semaphore_mem>>) src(%dma_wait3A_490 : memref<64x128xf32, #tpu.memory_space<hbm>>) dst(%arg9 : memref<64x128xf32, #tpu.memory_space<vmem>>)
    %add3A_491 = arith.constant 128 : i32
    %add3A_492 = arith.addi %mul3A_2, %add3A_491 : i32
    %dma_start3A_493 = arith.constant 0 : i32
    %dma_start3A_494 = tpu.memref_slice %arg4[%dma_start3A_493, %add3A_492] : memref<64x16384xf32, #tpu.memory_space<hbm>> -> memref<64x128xf32, #tpu.memory_space<hbm>>
    %dma_start3A_495 = arith.constant 0 : i32
    %dma_start3A_496 = tpu.memref_slice %arg4[%dma_start3A_495, %add3A_492] : memref<64x16384xf32, #tpu.memory_space<hbm>> -> memref<64x128xf32, #tpu.memory_space<hbm>>
    tpu.enqueue_dma source(%arg9 : memref<64x128xf32, #tpu.memory_space<vmem>>) target(%dma_start3A_496 : memref<64x128xf32, #tpu.memory_space<hbm>>) target_semaphore(%arg13 : memref<!tpu.dma_semaphore, #tpu.memory_space<semaphore_mem>>)
    %dma_wait3A_497 = arith.constant 0 : i32
    %dma_wait3A_498 = tpu.memref_slice %arg4[%dma_wait3A_497, %add3A_492] : memref<64x16384xf32, #tpu.memory_space<hbm>> -> memref<64x128xf32, #tpu.memory_space<hbm>>
    %dma_wait3A_499 = arith.constant 0 : i32
    %dma_wait3A_500 = tpu.memref_slice %arg4[%dma_wait3A_499, %add3A_492] : memref<64x16384xf32, #tpu.memory_space<hbm>> -> memref<64x128xf32, #tpu.memory_space<hbm>>
    tpu.wait_dma2 semaphore(%arg13 : memref<!tpu.dma_semaphore, #tpu.memory_space<semaphore_mem>>) src(%arg9 : memref<64x128xf32, #tpu.memory_space<vmem>>) dst(%dma_wait3A_500 : memref<64x128xf32, #tpu.memory_space<hbm>>)
    %get3A_501 = arith.constant 3 : i32
    %get3A_502 = arith.index_cast %get3A_501 : i32 to index
    %get3A_503 = arith.constant 0 : index
    %get3A_504 = tpu.vector_load %arg5[%get3A_502, %get3A_503] {strides = array<i32>} : memref<4x128xi32, #tpu.memory_space<vmem>>, vector<1x16xi32>,
    %get3A_505 = vector.shape_cast %get3A_504 : vector<1x16xi32> to vector<16xi32>
    %shift_right_arithmetic3A_506 = arith.constant 7 : i32
    %shift_right_arithmetic3A_507 = vector.broadcast %shift_right_arithmetic3A_506 : i32 to vector<16xi32>
    %shift_right_arithmetic3A_508 = arith.shrsi %get3A_505, %shift_right_arithmetic3A_507 : vector<16xi32>
    %shift_left3A_509 = arith.constant 10 : i32
    %shift_left3A_510 = vector.broadcast %shift_left3A_509 : i32 to vector<16xi32>
    %shift_left3A_511 = arith.shli %shift_right_arithmetic3A_508, %shift_left3A_510 : vector<16xi32>
    %and3A_512 = arith.constant 127 : i32
    %and3A_513 = vector.broadcast %and3A_512 : i32 to vector<16xi32>
    %and3A_514 = arith.andi %get3A_505, %and3A_513 : vector<16xi32>
    %add3A_515 = arith.addi %shift_left3A_511, %and3A_514 : vector<16xi32>
    %swap3A_516 = arith.constant 0 : index
    %swap3A_517 = tpu.vector_load %arg7[%swap3A_516] {strides = array<i32>} : memref<128xi32, #tpu.memory_space<vmem>>, vector<16xi32>,
    %swap3A_518 = vector.shape_cast %swap3A_517 : vector<16xi32> to vector<16xi32>
    %swap3A_519 = vector.shape_cast %add3A_515 : vector<16xi32> to vector<16xi32>
    tpu.vector_store %arg7[%swap3A_516], %swap3A_519 {strides = array<i32>} : memref<128xi32, #tpu.memory_space<vmem>>, vector<16xi32>,
    %get3A_520 = arith.constant 3 : i32
    %get3A_521 = arith.index_cast %get3A_520 : i32 to index
    %get3A_522 = arith.constant 16 : index
    %get3A_523 = tpu.vector_load %arg5[%get3A_521, %get3A_522] {strides = array<i32>} : memref<4x128xi32, #tpu.memory_space<vmem>>, vector<1x16xi32>,
    %get3A_524 = vector.shape_cast %get3A_523 : vector<1x16xi32> to vector<16xi32>
    %shift_right_arithmetic3A_525 = arith.constant 7 : i32
    %shift_right_arithmetic3A_526 = vector.broadcast %shift_right_arithmetic3A_525 : i32 to vector<16xi32>
    %shift_right_arithmetic3A_527 = arith.shrsi %get3A_524, %shift_right_arithmetic3A_526 : vector<16xi32>
    %shift_left3A_528 = arith.constant 10 : i32
    %shift_left3A_529 = vector.broadcast %shift_left3A_528 : i32 to vector<16xi32>
    %shift_left3A_530 = arith.shli %shift_right_arithmetic3A_527, %shift_left3A_529 : vector<16xi32>
    %and3A_531 = arith.constant 127 : i32
    %and3A_532 = vector.broadcast %and3A_531 : i32 to vector<16xi32>
    %and3A_533 = arith.andi %get3A_524, %and3A_532 : vector<16xi32>
    %add3A_534 = arith.addi %shift_left3A_530, %and3A_533 : vector<16xi32>
    %swap3A_535 = arith.constant 16 : index
    %swap3A_536 = tpu.vector_load %arg7[%swap3A_535] {strides = array<i32>} : memref<128xi32, #tpu.memory_space<vmem>>, vector<16xi32>,
    %swap3A_537 = vector.shape_cast %swap3A_536 : vector<16xi32> to vector<16xi32>
    %swap3A_538 = vector.shape_cast %add3A_534 : vector<16xi32> to vector<16xi32>
    tpu.vector_store %arg7[%swap3A_535], %swap3A_538 {strides = array<i32>} : memref<128xi32, #tpu.memory_space<vmem>>, vector<16xi32>,
    %get3A_539 = arith.constant 3 : i32
    %get3A_540 = arith.index_cast %get3A_539 : i32 to index
    %get3A_541 = arith.constant 32 : index
    %get3A_542 = tpu.vector_load %arg5[%get3A_540, %get3A_541] {strides = array<i32>} : memref<4x128xi32, #tpu.memory_space<vmem>>, vector<1x16xi32>,
    %get3A_543 = vector.shape_cast %get3A_542 : vector<1x16xi32> to vector<16xi32>
    %shift_right_arithmetic3A_544 = arith.constant 7 : i32
    %shift_right_arithmetic3A_545 = vector.broadcast %shift_right_arithmetic3A_544 : i32 to vector<16xi32>
    %shift_right_arithmetic3A_546 = arith.shrsi %get3A_543, %shift_right_arithmetic3A_545 : vector<16xi32>
    %shift_left3A_547 = arith.constant 10 : i32
    %shift_left3A_548 = vector.broadcast %shift_left3A_547 : i32 to vector<16xi32>
    %shift_left3A_549 = arith.shli %shift_right_arithmetic3A_546, %shift_left3A_548 : vector<16xi32>
    %and3A_550 = arith.constant 127 : i32
    %and3A_551 = vector.broadcast %and3A_550 : i32 to vector<16xi32>
    %and3A_552 = arith.andi %get3A_543, %and3A_551 : vector<16xi32>
    %add3A_553 = arith.addi %shift_left3A_549, %and3A_552 : vector<16xi32>
    %swap3A_554 = arith.constant 32 : index
    %swap3A_555 = tpu.vector_load %arg7[%swap3A_554] {strides = array<i32>} : memref<128xi32, #tpu.memory_space<vmem>>, vector<16xi32>,
    %swap3A_556 = vector.shape_cast %swap3A_555 : vector<16xi32> to vector<16xi32>
    %swap3A_557 = vector.shape_cast %add3A_553 : vector<16xi32> to vector<16xi32>
    tpu.vector_store %arg7[%swap3A_554], %swap3A_557 {strides = array<i32>} : memref<128xi32, #tpu.memory_space<vmem>>, vector<16xi32>,
    %get3A_558 = arith.constant 3 : i32
    %get3A_559 = arith.index_cast %get3A_558 : i32 to index
    %get3A_560 = arith.constant 48 : index
    %get3A_561 = tpu.vector_load %arg5[%get3A_559, %get3A_560] {strides = array<i32>} : memref<4x128xi32, #tpu.memory_space<vmem>>, vector<1x16xi32>,
    %get3A_562 = vector.shape_cast %get3A_561 : vector<1x16xi32> to vector<16xi32>
    %shift_right_arithmetic3A_563 = arith.constant 7 : i32
    %shift_right_arithmetic3A_564 = vector.broadcast %shift_right_arithmetic3A_563 : i32 to vector<16xi32>
    %shift_right_arithmetic3A_565 = arith.shrsi %get3A_562, %shift_right_arithmetic3A_564 : vector<16xi32>
    %shift_left3A_566 = arith.constant 10 : i32
    %shift_left3A_567 = vector.broadcast %shift_left3A_566 : i32 to vector<16xi32>
    %shift_left3A_568 = arith.shli %shift_right_arithmetic3A_565, %shift_left3A_567 : vector<16xi32>
    %and3A_569 = arith.constant 127 : i32
    %and3A_570 = vector.broadcast %and3A_569 : i32 to vector<16xi32>
    %and3A_571 = arith.andi %get3A_562, %and3A_570 : vector<16xi32>
    %add3A_572 = arith.addi %shift_left3A_568, %and3A_571 : vector<16xi32>
    %swap3A_573 = arith.constant 48 : index
    %swap3A_574 = tpu.vector_load %arg7[%swap3A_573] {strides = array<i32>} : memref<128xi32, #tpu.memory_space<vmem>>, vector<16xi32>,
    %swap3A_575 = vector.shape_cast %swap3A_574 : vector<16xi32> to vector<16xi32>
    %swap3A_576 = vector.shape_cast %add3A_572 : vector<16xi32> to vector<16xi32>
    tpu.vector_store %arg7[%swap3A_573], %swap3A_576 {strides = array<i32>} : memref<128xi32, #tpu.memory_space<vmem>>, vector<16xi32>,
    %get3A_577 = arith.constant 3 : i32
    %get3A_578 = arith.index_cast %get3A_577 : i32 to index
    %get3A_579 = arith.constant 64 : index
    %get3A_580 = tpu.vector_load %arg5[%get3A_578, %get3A_579] {strides = array<i32>} : memref<4x128xi32, #tpu.memory_space<vmem>>, vector<1x16xi32>,
    %get3A_581 = vector.shape_cast %get3A_580 : vector<1x16xi32> to vector<16xi32>
    %shift_right_arithmetic3A_582 = arith.constant 7 : i32
    %shift_right_arithmetic3A_583 = vector.broadcast %shift_right_arithmetic3A_582 : i32 to vector<16xi32>
    %shift_right_arithmetic3A_584 = arith.shrsi %get3A_581, %shift_right_arithmetic3A_583 : vector<16xi32>
    %shift_left3A_585 = arith.constant 10 : i32
    %shift_left3A_586 = vector.broadcast %shift_left3A_585 : i32 to vector<16xi32>
    %shift_left3A_587 = arith.shli %shift_right_arithmetic3A_584, %shift_left3A_586 : vector<16xi32>
    %and3A_588 = arith.constant 127 : i32
    %and3A_589 = vector.broadcast %and3A_588 : i32 to vector<16xi32>
    %and3A_590 = arith.andi %get3A_581, %and3A_589 : vector<16xi32>
    %add3A_591 = arith.addi %shift_left3A_587, %and3A_590 : vector<16xi32>
    %swap3A_592 = arith.constant 64 : index
    %swap3A_593 = tpu.vector_load %arg7[%swap3A_592] {strides = array<i32>} : memref<128xi32, #tpu.memory_space<vmem>>, vector<16xi32>,
    %swap3A_594 = vector.shape_cast %swap3A_593 : vector<16xi32> to vector<16xi32>
    %swap3A_595 = vector.shape_cast %add3A_591 : vector<16xi32> to vector<16xi32>
    tpu.vector_store %arg7[%swap3A_592], %swap3A_595 {strides = array<i32>} : memref<128xi32, #tpu.memory_space<vmem>>, vector<16xi32>,
    %get3A_596 = arith.constant 3 : i32
    %get3A_597 = arith.index_cast %get3A_596 : i32 to index
    %get3A_598 = arith.constant 80 : index
    %get3A_599 = tpu.vector_load %arg5[%get3A_597, %get3A_598] {strides = array<i32>} : memref<4x128xi32, #tpu.memory_space<vmem>>, vector<1x16xi32>,
    %get3A_600 = vector.shape_cast %get3A_599 : vector<1x16xi32> to vector<16xi32>
    %shift_right_arithmetic3A_601 = arith.constant 7 : i32
    %shift_right_arithmetic3A_602 = vector.broadcast %shift_right_arithmetic3A_601 : i32 to vector<16xi32>
    %shift_right_arithmetic3A_603 = arith.shrsi %get3A_600, %shift_right_arithmetic3A_602 : vector<16xi32>
    %shift_left3A_604 = arith.constant 10 : i32
    %shift_left3A_605 = vector.broadcast %shift_left3A_604 : i32 to vector<16xi32>
    %shift_left3A_606 = arith.shli %shift_right_arithmetic3A_603, %shift_left3A_605 : vector<16xi32>
    %and3A_607 = arith.constant 127 : i32
    %and3A_608 = vector.broadcast %and3A_607 : i32 to vector<16xi32>
    %and3A_609 = arith.andi %get3A_600, %and3A_608 : vector<16xi32>
    %add3A_610 = arith.addi %shift_left3A_606, %and3A_609 : vector<16xi32>
    %swap3A_611 = arith.constant 80 : index
    %swap3A_612 = tpu.vector_load %arg7[%swap3A_611] {strides = array<i32>} : memref<128xi32, #tpu.memory_space<vmem>>, vector<16xi32>,
    %swap3A_613 = vector.shape_cast %swap3A_612 : vector<16xi32> to vector<16xi32>
    %swap3A_614 = vector.shape_cast %add3A_610 : vector<16xi32> to vector<16xi32>
    tpu.vector_store %arg7[%swap3A_611], %swap3A_614 {strides = array<i32>} : memref<128xi32, #tpu.memory_space<vmem>>, vector<16xi32>,
    %get3A_615 = arith.constant 3 : i32
    %get3A_616 = arith.index_cast %get3A_615 : i32 to index
    %get3A_617 = arith.constant 96 : index
    %get3A_618 = tpu.vector_load %arg5[%get3A_616, %get3A_617] {strides = array<i32>} : memref<4x128xi32, #tpu.memory_space<vmem>>, vector<1x16xi32>,
    %get3A_619 = vector.shape_cast %get3A_618 : vector<1x16xi32> to vector<16xi32>
    %shift_right_arithmetic3A_620 = arith.constant 7 : i32
    %shift_right_arithmetic3A_621 = vector.broadcast %shift_right_arithmetic3A_620 : i32 to vector<16xi32>
    %shift_right_arithmetic3A_622 = arith.shrsi %get3A_619, %shift_right_arithmetic3A_621 : vector<16xi32>
    %shift_left3A_623 = arith.constant 10 : i32
    %shift_left3A_624 = vector.broadcast %shift_left3A_623 : i32 to vector<16xi32>
    %shift_left3A_625 = arith.shli %shift_right_arithmetic3A_622, %shift_left3A_624 : vector<16xi32>
    %and3A_626 = arith.constant 127 : i32
    %and3A_627 = vector.broadcast %and3A_626 : i32 to vector<16xi32>
    %and3A_628 = arith.andi %get3A_619, %and3A_627 : vector<16xi32>
    %add3A_629 = arith.addi %shift_left3A_625, %and3A_628 : vector<16xi32>
    %swap3A_630 = arith.constant 96 : index
    %swap3A_631 = tpu.vector_load %arg7[%swap3A_630] {strides = array<i32>} : memref<128xi32, #tpu.memory_space<vmem>>, vector<16xi32>,
    %swap3A_632 = vector.shape_cast %swap3A_631 : vector<16xi32> to vector<16xi32>
    %swap3A_633 = vector.shape_cast %add3A_629 : vector<16xi32> to vector<16xi32>
    tpu.vector_store %arg7[%swap3A_630], %swap3A_633 {strides = array<i32>} : memref<128xi32, #tpu.memory_space<vmem>>, vector<16xi32>,
    %get3A_634 = arith.constant 3 : i32
    %get3A_635 = arith.index_cast %get3A_634 : i32 to index
    %get3A_636 = arith.constant 112 : index
    %get3A_637 = tpu.vector_load %arg5[%get3A_635, %get3A_636] {strides = array<i32>} : memref<4x128xi32, #tpu.memory_space<vmem>>, vector<1x16xi32>,
    %get3A_638 = vector.shape_cast %get3A_637 : vector<1x16xi32> to vector<16xi32>
    %shift_right_arithmetic3A_639 = arith.constant 7 : i32
    %shift_right_arithmetic3A_640 = vector.broadcast %shift_right_arithmetic3A_639 : i32 to vector<16xi32>
    %shift_right_arithmetic3A_641 = arith.shrsi %get3A_638, %shift_right_arithmetic3A_640 : vector<16xi32>
    %shift_left3A_642 = arith.constant 10 : i32
    %shift_left3A_643 = vector.broadcast %shift_left3A_642 : i32 to vector<16xi32>
    %shift_left3A_644 = arith.shli %shift_right_arithmetic3A_641, %shift_left3A_643 : vector<16xi32>
    %and3A_645 = arith.constant 127 : i32
    %and3A_646 = vector.broadcast %and3A_645 : i32 to vector<16xi32>
    %and3A_647 = arith.andi %get3A_638, %and3A_646 : vector<16xi32>
    %add3A_648 = arith.addi %shift_left3A_644, %and3A_647 : vector<16xi32>
    %swap3A_649 = arith.constant 112 : index
    %swap3A_650 = tpu.vector_load %arg7[%swap3A_649] {strides = array<i32>} : memref<128xi32, #tpu.memory_space<vmem>>, vector<16xi32>,
    %swap3A_651 = vector.shape_cast %swap3A_650 : vector<16xi32> to vector<16xi32>
    %swap3A_652 = vector.shape_cast %add3A_648 : vector<16xi32> to vector<16xi32>
    tpu.vector_store %arg7[%swap3A_649], %swap3A_652 {strides = array<i32>} : memref<128xi32, #tpu.memory_space<vmem>>, vector<16xi32>,
    %scan3A_653 = arith.constant 0 : i32
    %scan3A_654 = arith.constant 0 : i32
    %scan3A_655 = arith.constant 64 : i32
    %scan3A_656 = arith.addi %scan3A_654, %scan3A_655 : i32
    %scan3A_657 = arith.constant 1 : i32
    scf.for %scan3A_691 = %scan3A_654 to %scan3A_656 step %scan3A_657  : i32 {
      %jit3A = arith.constant 8 : i32
      %div3A = arith.divsi %scan3A_691, %jit3A : i32
      %sign3A = arith.constant 0 : i32
      %sign3A_692 = arith.cmpi sgt, %scan3A_691, %sign3A : i32
      %sign3A_693 = arith.extui %sign3A_692 : i1 to i32
      %sign3A_694 = arith.constant 0 : i32
      %sign3A_695 = arith.cmpi slt, %scan3A_691, %sign3A_694 : i32
      %sign3A_696 = arith.extui %sign3A_695 : i1 to i32
      %sign3A_697 = arith.subi %sign3A_693, %sign3A_696 : i32
      %sign3A_698 = arith.constant 0 : i32
      %sign3A_699 = arith.cmpi sgt, %jit3A, %sign3A_698 : i32
      %sign3A_700 = arith.extui %sign3A_699 : i1 to i32
      %sign3A_701 = arith.constant 0 : i32
      %sign3A_702 = arith.cmpi slt, %jit3A, %sign3A_701 : i32
      %sign3A_703 = arith.extui %sign3A_702 : i1 to i32
      %sign3A_704 = arith.subi %sign3A_700, %sign3A_703 : i32
      %ne3A = arith.cmpi ne, %sign3A_697, %sign3A_704 : i32
      %rem3A = arith.remsi %scan3A_691, %jit3A : i32
      %ne3A_705 = arith.constant 0 : i32
      %ne3A_706 = arith.cmpi ne, %rem3A, %ne3A_705 : i32
      %and3A_707 = arith.andi %ne3A, %ne3A_706 : i1
      %sub3A = arith.constant 1 : i32
      %sub3A_708 = arith.subi %div3A, %sub3A : i32
      %select_n3A = arith.select %and3A_707, %sub3A_708, %div3A : i32
      %mul3A_709 = arith.constant 8388608 : i32
      %mul3A_710 = arith.muli %select_n3A, %mul3A_709 : i32
      %jit3A_711 = arith.constant 8 : i32
      %eq3A = arith.constant 0 : i32
      %eq3A_712 = arith.cmpi eq, %jit3A_711, %eq3A : i32
      %jit3A_713 = arith.constant 1 : i32
      %select_n3A_714 = arith.select %eq3A_712, %jit3A_713, %jit3A_711 : i32
      %rem3A_715 = arith.remsi %scan3A_691, %select_n3A_714 : i32
      %ne3A_716 = arith.constant 0 : i32
      %ne3A_717 = arith.cmpi ne, %rem3A_715, %ne3A_716 : i32
      %lt3A = arith.constant 0 : i32
      %lt3A_718 = arith.cmpi slt, %rem3A_715, %lt3A : i32
      %lt3A_719 = arith.constant 0 : i32
      %lt3A_720 = arith.cmpi slt, %select_n3A_714, %lt3A_719 : i32
      %ne3A_721 = arith.xori %lt3A_718, %lt3A_720 : i1
      %and3A_722 = arith.andi %ne3A_721, %ne3A_717 : i1
      %add3A_723 = arith.addi %rem3A_715, %select_n3A_714 : i32
      %select_n3A_724 = arith.select %and3A_722, %add3A_723, %rem3A_715 : i32
      %mul3A_725 = arith.constant 128 : i32
      %mul3A_726 = arith.muli %select_n3A_724, %mul3A_725 : i32
      %add3A_727 = arith.addi %mul3A_710, %mul3A_726 : i32
      %dma_start3A_728 = arith.constant 0 : i32
      %dma_start3A_729 = tpu.memref_slice %arg9[%scan3A_691, %dma_start3A_728] : memref<64x128xf32, #tpu.memory_space<vmem>> -> memref<1x128xf32, #tpu.memory_space<vmem>>
      %dma_start3A_730 = tpu.memref_squeeze %dma_start3A_729 : memref<1x128xf32, #tpu.memory_space<vmem>> -> memref<128xf32, #tpu.memory_space<vmem>>
      %dma_start3A_731 = tpu.memref_slice %arg2[%add3A_727] : memref<67108864xf32, #tpu.memory_space<hbm>> -> memref<8388608xf32, #tpu.memory_space<hbm>>
      %dma_start3A_732 = arith.constant 0 : i32
      %dma_start3A_733 = tpu.memref_slice %dma_start3A_731[%dma_start3A_732] : memref<8388608xf32, #tpu.memory_space<hbm>> -> memref<8388608xf32, #tpu.memory_space<hbm>>
      tpu.enqueue_indirect_dma source(%dma_start3A_733 : memref<8388608xf32, #tpu.memory_space<hbm>>) target(%dma_start3A_730 : memref<128xf32, #tpu.memory_space<vmem>>) offsets(%arg7 : memref<128xi32, #tpu.memory_space<vmem>>) semaphore(%arg11 : memref<!tpu.dma_semaphore, #tpu.memory_space<semaphore_mem>>)
    }
    %scan3A_658 = arith.constant 64 : i32
    %dma_wait3A_659 = arith.constant 0 : i32
    %dma_wait3A_660 = arith.constant 0 : i32
    %dma_wait3A_661 = tpu.memref_slice %arg4[%dma_wait3A_659, %dma_wait3A_660] : memref<64x16384xf32, #tpu.memory_space<hbm>> -> memref<64x128xf32, #tpu.memory_space<hbm>>
    %dma_wait3A_662 = arith.constant 0 : i32
    %dma_wait3A_663 = arith.constant 0 : i32
    %dma_wait3A_664 = tpu.memref_slice %arg4[%dma_wait3A_662, %dma_wait3A_663] : memref<64x16384xf32, #tpu.memory_space<hbm>> -> memref<64x128xf32, #tpu.memory_space<hbm>>
    tpu.wait_dma2 semaphore(%arg10 : memref<!tpu.dma_semaphore, #tpu.memory_space<semaphore_mem>>) src(%dma_wait3A_664 : memref<64x128xf32, #tpu.memory_space<hbm>>) dst(%arg8 : memref<64x128xf32, #tpu.memory_space<vmem>>)
    %add3A_665 = arith.constant 256 : i32
    %add3A_666 = arith.addi %mul3A_2, %add3A_665 : i32
    %dma_start3A_667 = arith.constant 0 : i32
    %dma_start3A_668 = tpu.memref_slice %arg4[%dma_start3A_667, %add3A_666] : memref<64x16384xf32, #tpu.memory_space<hbm>> -> memref<64x128xf32, #tpu.memory_space<hbm>>
    %dma_start3A_669 = arith.constant 0 : i32
    %dma_start3A_670 = tpu.memref_slice %arg4[%dma_start3A_669, %add3A_666] : memref<64x16384xf32, #tpu.memory_space<hbm>> -> memref<64x128xf32, #tpu.memory_space<hbm>>
    tpu.enqueue_dma source(%arg8 : memref<64x128xf32, #tpu.memory_space<vmem>>) target(%dma_start3A_670 : memref<64x128xf32, #tpu.memory_space<hbm>>) target_semaphore(%arg12 : memref<!tpu.dma_semaphore, #tpu.memory_space<semaphore_mem>>)
    %dma_wait3A_671 = arith.constant 0 : i32
    %dma_wait3A_672 = arith.constant 0 : i32
    %dma_wait3A_673 = tpu.memref_slice %arg4[%dma_wait3A_671, %dma_wait3A_672] : memref<64x16384xf32, #tpu.memory_space<hbm>> -> memref<64x128xf32, #tpu.memory_space<hbm>>
    %dma_wait3A_674 = arith.constant 0 : i32
    %dma_wait3A_675 = arith.constant 0 : i32
    %dma_wait3A_676 = tpu.memref_slice %arg4[%dma_wait3A_674, %dma_wait3A_675] : memref<64x16384xf32, #tpu.memory_space<hbm>> -> memref<64x128xf32, #tpu.memory_space<hbm>>
    tpu.wait_dma2 semaphore(%arg11 : memref<!tpu.dma_semaphore, #tpu.memory_space<semaphore_mem>>) src(%dma_wait3A_676 : memref<64x128xf32, #tpu.memory_space<hbm>>) dst(%arg9 : memref<64x128xf32, #tpu.memory_space<vmem>>)
    %add3A_677 = arith.constant 384 : i32
    %add3A_678 = arith.addi %mul3A_2, %add3A_677 : i32
    %dma_start3A_679 = arith.constant 0 : i32
    %dma_start3A_680 = tpu.memref_slice %arg4[%dma_start3A_679, %add3A_678] : memref<64x16384xf32, #tpu.memory_space<hbm>> -> memref<64x128xf32, #tpu.memory_space<hbm>>
    %dma_start3A_681 = arith.constant 0 : i32
    %dma_start3A_682 = tpu.memref_slice %arg4[%dma_start3A_681, %add3A_678] : memref<64x16384xf32, #tpu.memory_space<hbm>> -> memref<64x128xf32, #tpu.memory_space<hbm>>
    tpu.enqueue_dma source(%arg9 : memref<64x128xf32, #tpu.memory_space<vmem>>) target(%dma_start3A_682 : memref<64x128xf32, #tpu.memory_space<hbm>>) target_semaphore(%arg13 : memref<!tpu.dma_semaphore, #tpu.memory_space<semaphore_mem>>)
    %dma_wait3A_683 = arith.constant 0 : i32
    %dma_wait3A_684 = tpu.memref_slice %arg4[%dma_wait3A_683, %add3A_666] : memref<64x16384xf32, #tpu.memory_space<hbm>> -> memref<64x128xf32, #tpu.memory_space<hbm>>
    %dma_wait3A_685 = arith.constant 0 : i32
    %dma_wait3A_686 = tpu.memref_slice %arg4[%dma_wait3A_685, %add3A_666] : memref<64x16384xf32, #tpu.memory_space<hbm>> -> memref<64x128xf32, #tpu.memory_space<hbm>>
    tpu.wait_dma2 semaphore(%arg12 : memref<!tpu.dma_semaphore, #tpu.memory_space<semaphore_mem>>) src(%arg8 : memref<64x128xf32, #tpu.memory_space<vmem>>) dst(%dma_wait3A_686 : memref<64x128xf32, #tpu.memory_space<hbm>>)
    %dma_wait3A_687 = arith.constant 0 : i32
    %dma_wait3A_688 = tpu.memref_slice %arg4[%dma_wait3A_687, %add3A_678] : memref<64x16384xf32, #tpu.memory_space<hbm>> -> memref<64x128xf32, #tpu.memory_space<hbm>>
    %dma_wait3A_689 = arith.constant 0 : i32
    %dma_wait3A_690 = tpu.memref_slice %arg4[%dma_wait3A_689, %add3A_678] : memref<64x16384xf32, #tpu.memory_space<hbm>> -> memref<64x128xf32, #tpu.memory_space<hbm>>
    tpu.wait_dma2 semaphore(%arg13 : memref<!tpu.dma_semaphore, #tpu.memory_space<semaphore_mem>>) src(%arg9 : memref<64x128xf32, #tpu.memory_space<vmem>>) dst(%dma_wait3A_690 : memref<64x128xf32, #tpu.memory_space<hbm>>)
    return
  }
}

module attributes {stable_mosaic.version = 14 : i64} {
  func.func @_score_body(%arg0: i32, %arg1: memref<64x1024xf32, #tpu.memory_space<vmem>>, %arg2: memref<1x64x1xf32, #tpu.memory_space<vmem>>, %arg3: memref<64x64xf32, #tpu.memory_space<vmem>>, %arg4: memref<1x64xf32, #tpu.memory_space<vmem>>, %arg5: memref<1x1024xf32, #tpu.memory_space<vmem>>) attributes {dimension_semantics = [#tpu.dimension_semantics<arbitrary>], iteration_bounds = array<i64: 40>, scalar_prefetch = 0 : i64, scratch_operands = 0 : i64, tpu.core_type = #tpu.core_type<tc>, window_params = [{transform_indices = @transform_0, window_bounds = array<i64: 64, 1024>}, {transform_indices = @transform_1, window_bounds = array<i64: 1, 64, 1>}, {pipeline_mode = #tpu.pipeline_mode<synchronous>, transform_indices = @transform_2, window_bounds = array<i64: 64, 64>}, {pipeline_mode = #tpu.pipeline_mode<synchronous>, transform_indices = @transform_3, window_bounds = array<i64: 1, 64>}, {transform_indices = @transform_4, window_bounds = array<i64: 1, 1024>}]} {
    %get3A = arith.constant 0 : index
    %get3A_0 = arith.constant 0 : index
    %get3A_1 = vector.load %arg3[%get3A, %get3A_0] : memref<64x64xf32, #tpu.memory_space<vmem>>, vector<64x64xf32>
    %get3A_2 = arith.constant 0 : index
    %get3A_3 = arith.constant 0 : index
    %get3A_4 = vector.load %arg1[%get3A_2, %get3A_3] : memref<64x1024xf32, #tpu.memory_space<vmem>>, vector<64x1024xf32>
    %dot_general3A = arith.constant dense<0.000000e+00> : vector<64x1024xf32>
    %dot_general3A_5 = tpu.matmul %get3A_1, %get3A_4, %dot_general3A {dimension_numbers = #tpu.dot_dimension_numbers<[1], [0], [0], [1], [0, 0, 1, 1], [], []>, transpose_lhs_hint = false} : vector<64x64xf32>, vector<64x1024xf32>, vector<64x1024xf32> -> vector<64x1024xf32>
    %get3A_6 = arith.constant 0 : index
    %get3A_7 = arith.constant 0 : index
    %get3A_8 = arith.constant 0 : index
    %get3A_9 = vector.load %arg2[%get3A_6, %get3A_7, %get3A_8] : memref<1x64x1xf32, #tpu.memory_space<vmem>>, vector<1x64x1xf32>
    %reshape3A = vector.shape_cast %get3A_9 : vector<1x64x1xf32> to vector<64x1xf32>
    %add3A = vector.broadcast %reshape3A : vector<64x1xf32> to vector<64x1024xf32>
    %add3A_10 = arith.addf %dot_general3A_5, %add3A : vector<64x1024xf32>
    %max3A = arith.constant 0.000000e+00 : f32
    %max3A_11 = vector.broadcast %max3A : f32 to vector<64x1024xf32>
    %max3A_12 = arith.maximumf %add3A_10, %max3A_11 : vector<64x1024xf32>
    %get3A_13 = arith.constant 0 : index
    %get3A_14 = arith.constant 0 : index
    %get3A_15 = vector.load %arg4[%get3A_13, %get3A_14] : memref<1x64xf32, #tpu.memory_space<vmem>>, vector<1x64xf32>
    %dot_general3A_16 = arith.constant dense<0.000000e+00> : vector<1x1024xf32>
    %dot_general3A_17 = tpu.matmul %get3A_15, %max3A_12, %dot_general3A_16 {dimension_numbers = #tpu.dot_dimension_numbers<[1], [0], [0], [1], [0, 0, 1, 1], [], []>, transpose_lhs_hint = false} : vector<1x64xf32>, vector<64x1024xf32>, vector<1x1024xf32> -> vector<1x1024xf32>
    %swap3A = arith.constant 0 : index
    %swap3A_18 = arith.constant 0 : index
    %swap3A_19 = vector.load %arg5[%swap3A, %swap3A_18] : memref<1x1024xf32, #tpu.memory_space<vmem>>, vector<1x1024xf32>
    tpu.vector_store %arg5[%swap3A, %swap3A_18], %dot_general3A_17 {strides = array<i32>} : memref<1x1024xf32, #tpu.memory_space<vmem>>, vector<1x1024xf32>,
    return
  }
  func.func @transform_0(%arg0: i32) -> (i32, i32) {
    %c0_i32 = arith.constant 0 : i32
    %c0_i32_0 = arith.constant 0 : i32
    return %c0_i32, %arg0 : i32, i32
  }
  func.func @transform_1(%arg0: i32) -> (i32, i32, i32) {
    %c0_i32 = arith.constant 0 : i32
    %c0_i32_0 = arith.constant 0 : i32
    %c0_i32_1 = arith.constant 0 : i32
    return %arg0, %c0_i32, %c0_i32_0 : i32, i32, i32
  }
  func.func @transform_2(%arg0: i32) -> (i32, i32) {
    %c0_i32 = arith.constant 0 : i32
    %c0_i32_0 = arith.constant 0 : i32
    %c0_i32_1 = arith.constant 0 : i32
    return %c0_i32, %c0_i32_0 : i32, i32
  }
  func.func @transform_3(%arg0: i32) -> (i32, i32) {
    %c0_i32 = arith.constant 0 : i32
    %c0_i32_0 = arith.constant 0 : i32
    %c0_i32_1 = arith.constant 0 : i32
    return %c0_i32, %c0_i32_0 : i32, i32
  }
  func.func @transform_4(%arg0: i32) -> (i32, i32) {
    %c0_i32 = arith.constant 0 : i32
    %c0_i32_0 = arith.constant 0 : i32
    return %c0_i32, %arg0 : i32, i32
  }
}

module attributes {stable_mosaic.version = 14 : i64} {
  func.func @_prep_body(%arg0: memref<1x128xf32, #tpu.memory_space<vmem>>, %arg1: memref<128x64xf32, #tpu.memory_space<vmem>>, %arg2: memref<1x64xf32, #tpu.memory_space<vmem>>, %arg3: memref<1x64xf32, #tpu.memory_space<vmem>>, %arg4: memref<1x1xf32, #tpu.memory_space<vmem>>, %arg5: memref<128x64xf32, #tpu.memory_space<vmem>>, %arg6: memref<64x64xf32, #tpu.memory_space<vmem>>, %arg7: memref<1x64xf32, #tpu.memory_space<vmem>>, %arg8: memref<1x64xf32, #tpu.memory_space<vmem>>, %arg9: memref<4x64xf32, #tpu.memory_space<vmem>>, %arg10: memref<4x1xf32, #tpu.memory_space<vmem>>, %arg11: memref<70x4xf32, #tpu.memory_space<vmem>>, %arg12: memref<1x1xf32, #tpu.memory_space<vmem>>, %arg13: memref<70x64xf32, #tpu.memory_space<vmem>>) attributes {dimension_semantics = [], scalar_prefetch = 0 : i64, scratch_operands = 0 : i64, tpu.core_type = #tpu.core_type<tc>} {
    %get3A = arith.constant 0 : index
    %get3A_0 = arith.constant 0 : index
    %get3A_1 = vector.load %arg0[%get3A, %get3A_0] : memref<1x128xf32, #tpu.memory_space<vmem>>, vector<1x128xf32>
    %get3A_2 = arith.constant 0 : index
    %get3A_3 = arith.constant 0 : index
    %get3A_4 = vector.load %arg1[%get3A_2, %get3A_3] : memref<128x64xf32, #tpu.memory_space<vmem>>, vector<128x64xf32>
    %dot_general3A = arith.constant dense<0.000000e+00> : vector<1x64xf32>
    %dot_general3A_5 = tpu.matmul %get3A_1, %get3A_4, %dot_general3A {dimension_numbers = #tpu.dot_dimension_numbers<[1], [0], [0], [1], [0, 0, 1, 1], [], []>, transpose_lhs_hint = false} : vector<1x128xf32>, vector<128x64xf32>, vector<1x64xf32> -> vector<1x64xf32>
    %get3A_6 = arith.constant 0 : index
    %get3A_7 = arith.constant 0 : index
    %get3A_8 = vector.load %arg2[%get3A_6, %get3A_7] : memref<1x64xf32, #tpu.memory_space<vmem>>, vector<1x64xf32>
    %add3A = arith.addf %dot_general3A_5, %get3A_8 : vector<1x64xf32>
    %max3A = arith.constant 0.000000e+00 : f32
    %max3A_9 = vector.broadcast %max3A : f32 to vector<1x64xf32>
    %max3A_10 = arith.maximumf %add3A, %max3A_9 : vector<1x64xf32>
    %get3A_11 = arith.constant 0 : index
    %get3A_12 = arith.constant 0 : index
    %get3A_13 = vector.load %arg3[%get3A_11, %get3A_12] : memref<1x64xf32, #tpu.memory_space<vmem>>, vector<1x64xf32>
    %mul3A = arith.mulf %max3A_10, %get3A_13 : vector<1x64xf32>
    %reduce_sum3A = arith.constant dense<0.000000e+00> : vector<1xf32>
    %reduce_sum3A_14 = vector.multi_reduction <add>, %mul3A, %reduce_sum3A [1] : vector<1x64xf32> to vector<1xf32>
    %broadcast_in_dim3A = vector.shape_cast %reduce_sum3A_14 : vector<1xf32> to vector<1x1xf32>
    %get3A_15 = arith.constant 0 : index
    %get3A_16 = arith.constant 0 : index
    %get3A_17 = vector.load %arg4[%get3A_15, %get3A_16] : memref<1x1xf32, #tpu.memory_space<vmem>>, vector<1x1xf32>
    %add3A_18 = arith.addf %broadcast_in_dim3A, %get3A_17 : vector<1x1xf32>
    %max3A_19 = arith.constant 0.000000e+00 : f32
    %max3A_20 = vector.broadcast %max3A_19 : f32 to vector<1x1xf32>
    %max3A_21 = arith.maximumf %add3A_18, %max3A_20 : vector<1x1xf32>
    %abs3A = math.absf %add3A_18 : vector<1x1xf32>
    %neg3A = arith.constant 0.000000e+00 : f32
    %neg3A_22 = vector.broadcast %neg3A : f32 to vector<1x1xf32>
    %neg3A_23 = arith.subf %neg3A_22, %abs3A : vector<1x1xf32>
    %exp3A = math.exp %neg3A_23 : vector<1x1xf32>
    %add3A_24 = arith.constant 1.000000e+00 : f32
    %add3A_25 = vector.broadcast %add3A_24 : f32 to vector<1x1xf32>
    %add3A_26 = arith.addf %add3A_25, %exp3A : vector<1x1xf32>
    %log3A = math.log %add3A_26 : vector<1x1xf32>
    %add3A_27 = arith.addf %max3A_21, %log3A : vector<1x1xf32>
    %swap3A = arith.constant 0 : index
    %swap3A_28 = arith.constant 0 : index
    %swap3A_29 = vector.load %arg12[%swap3A, %swap3A_28] : memref<1x1xf32, #tpu.memory_space<vmem>>, vector<1x1xf32>
    tpu.vector_store %arg12[%swap3A, %swap3A_28], %add3A_27 {strides = array<i32>} : memref<1x1xf32, #tpu.memory_space<vmem>>, vector<1x1xf32>,
    %get3A_30 = arith.constant 0 : index
    %get3A_31 = arith.constant 0 : index
    %get3A_32 = vector.load %arg0[%get3A_30, %get3A_31] : memref<1x128xf32, #tpu.memory_space<vmem>>, vector<1x128xf32>
    %get3A_33 = arith.constant 0 : index
    %get3A_34 = arith.constant 0 : index
    %get3A_35 = vector.load %arg5[%get3A_33, %get3A_34] : memref<128x64xf32, #tpu.memory_space<vmem>>, vector<128x64xf32>
    %dot_general3A_36 = arith.constant dense<0.000000e+00> : vector<1x64xf32>
    %dot_general3A_37 = tpu.matmul %get3A_32, %get3A_35, %dot_general3A_36 {dimension_numbers = #tpu.dot_dimension_numbers<[1], [0], [0], [1], [0, 0, 1, 1], [], []>, transpose_lhs_hint = false} : vector<1x128xf32>, vector<128x64xf32>, vector<1x64xf32> -> vector<1x64xf32>
    %get3A_38 = arith.constant 0 : index
    %get3A_39 = arith.constant 0 : index
    %get3A_40 = vector.load %arg9[%get3A_38, %get3A_39] : memref<4x64xf32, #tpu.memory_space<vmem>>, vector<4x64xf32>
    %get3A_41 = arith.constant 0 : index
    %get3A_42 = arith.constant 0 : index
    %get3A_43 = vector.load %arg6[%get3A_41, %get3A_42] : memref<64x64xf32, #tpu.memory_space<vmem>>, vector<64x64xf32>
    %dot_general3A_44 = arith.constant dense<0.000000e+00> : vector<4x64xf32>
    %dot_general3A_45 = tpu.matmul %get3A_40, %get3A_43, %dot_general3A_44 {dimension_numbers = #tpu.dot_dimension_numbers<[1], [0], [0], [1], [0, 0, 1, 1], [], []>, transpose_lhs_hint = false} : vector<4x64xf32>, vector<64x64xf32>, vector<4x64xf32> -> vector<4x64xf32>
    %add3A_46 = vector.broadcast %dot_general3A_37 : vector<1x64xf32> to vector<4x64xf32>
    %add3A_47 = arith.addf %add3A_46, %dot_general3A_45 : vector<4x64xf32>
    %get3A_48 = arith.constant 0 : index
    %get3A_49 = arith.constant 0 : index
    %get3A_50 = vector.load %arg10[%get3A_48, %get3A_49] : memref<4x1xf32, #tpu.memory_space<vmem>>, vector<4x1xf32>
    %get3A_51 = arith.constant 0 : index
    %get3A_52 = arith.constant 0 : index
    %get3A_53 = vector.load %arg7[%get3A_51, %get3A_52] : memref<1x64xf32, #tpu.memory_space<vmem>>, vector<1x64xf32>
    %mul3A_54 = vector.broadcast %get3A_50 : vector<4x1xf32> to vector<4x64xf32>
    %mul3A_55 = vector.broadcast %get3A_53 : vector<1x64xf32> to vector<4x64xf32>
    %mul3A_56 = arith.mulf %mul3A_54, %mul3A_55 : vector<4x64xf32>
    %add3A_57 = arith.addf %add3A_47, %mul3A_56 : vector<4x64xf32>
    %get3A_58 = arith.constant 0 : index
    %get3A_59 = arith.constant 0 : index
    %get3A_60 = vector.load %arg8[%get3A_58, %get3A_59] : memref<1x64xf32, #tpu.memory_space<vmem>>, vector<1x64xf32>
    %add3A_61 = vector.broadcast %get3A_60 : vector<1x64xf32> to vector<4x64xf32>
    %add3A_62 = arith.addf %add3A_57, %add3A_61 : vector<4x64xf32>
    %get3A_63 = arith.constant 0 : index
    %get3A_64 = arith.constant 0 : index
    %get3A_65 = vector.load %arg11[%get3A_63, %get3A_64] : memref<70x4xf32, #tpu.memory_space<vmem>>, vector<70x4xf32>
    %dot_general3A_66 = arith.constant dense<0.000000e+00> : vector<70x64xf32>
    %dot_general3A_67 = tpu.matmul %get3A_65, %add3A_62, %dot_general3A_66 {dimension_numbers = #tpu.dot_dimension_numbers<[1], [0], [0], [1], [0, 0, 1, 1], [], []>, transpose_lhs_hint = false} : vector<70x4xf32>, vector<4x64xf32>, vector<70x64xf32> -> vector<70x64xf32>
    %swap3A_68 = arith.constant 0 : index
    %swap3A_69 = arith.constant 0 : index
    %swap3A_70 = vector.load %arg13[%swap3A_68, %swap3A_69] : memref<70x64xf32, #tpu.memory_space<vmem>>, vector<70x64xf32>
    tpu.vector_store %arg13[%swap3A_68, %swap3A_69], %dot_general3A_67 {strides = array<i32>} : memref<70x64xf32, #tpu.memory_space<vmem>>, vector<70x64xf32>,
    return
  }
}

module attributes {stable_mosaic.version = 14 : i64} {
  func.func @_score_body(%arg0: i32, %arg1: memref<64x1024xf32, #tpu.memory_space<vmem>>, %arg2: memref<1x64x1xf32, #tpu.memory_space<vmem>>, %arg3: memref<64x64xf32, #tpu.memory_space<vmem>>, %arg4: memref<1x64xf32, #tpu.memory_space<vmem>>, %arg5: memref<1x1024xf32, #tpu.memory_space<vmem>>) attributes {dimension_semantics = [#tpu.dimension_semantics<arbitrary>], iteration_bounds = array<i64: 16>, scalar_prefetch = 0 : i64, scratch_operands = 0 : i64, tpu.core_type = #tpu.core_type<tc>, window_params = [{transform_indices = @transform_0, window_bounds = array<i64: 64, 1024>}, {transform_indices = @transform_1, window_bounds = array<i64: 1, 64, 1>}, {pipeline_mode = #tpu.pipeline_mode<synchronous>, transform_indices = @transform_2, window_bounds = array<i64: 64, 64>}, {pipeline_mode = #tpu.pipeline_mode<synchronous>, transform_indices = @transform_3, window_bounds = array<i64: 1, 64>}, {transform_indices = @transform_4, window_bounds = array<i64: 1, 1024>}]} {
    %get3A = arith.constant 0 : index
    %get3A_0 = arith.constant 0 : index
    %get3A_1 = vector.load %arg3[%get3A, %get3A_0] : memref<64x64xf32, #tpu.memory_space<vmem>>, vector<64x64xf32>
    %get3A_2 = arith.constant 0 : index
    %get3A_3 = arith.constant 0 : index
    %get3A_4 = vector.load %arg1[%get3A_2, %get3A_3] : memref<64x1024xf32, #tpu.memory_space<vmem>>, vector<64x1024xf32>
    %dot_general3A = arith.constant dense<0.000000e+00> : vector<64x1024xf32>
    %dot_general3A_5 = tpu.matmul %get3A_1, %get3A_4, %dot_general3A {dimension_numbers = #tpu.dot_dimension_numbers<[1], [0], [0], [1], [0, 0, 1, 1], [], []>, transpose_lhs_hint = false} : vector<64x64xf32>, vector<64x1024xf32>, vector<64x1024xf32> -> vector<64x1024xf32>
    %get3A_6 = arith.constant 0 : index
    %get3A_7 = arith.constant 0 : index
    %get3A_8 = arith.constant 0 : index
    %get3A_9 = vector.load %arg2[%get3A_6, %get3A_7, %get3A_8] : memref<1x64x1xf32, #tpu.memory_space<vmem>>, vector<1x64x1xf32>
    %reshape3A = vector.shape_cast %get3A_9 : vector<1x64x1xf32> to vector<64x1xf32>
    %add3A = vector.broadcast %reshape3A : vector<64x1xf32> to vector<64x1024xf32>
    %add3A_10 = arith.addf %dot_general3A_5, %add3A : vector<64x1024xf32>
    %max3A = arith.constant 0.000000e+00 : f32
    %max3A_11 = vector.broadcast %max3A : f32 to vector<64x1024xf32>
    %max3A_12 = arith.maximumf %add3A_10, %max3A_11 : vector<64x1024xf32>
    %get3A_13 = arith.constant 0 : index
    %get3A_14 = arith.constant 0 : index
    %get3A_15 = vector.load %arg4[%get3A_13, %get3A_14] : memref<1x64xf32, #tpu.memory_space<vmem>>, vector<1x64xf32>
    %dot_general3A_16 = arith.constant dense<0.000000e+00> : vector<1x1024xf32>
    %dot_general3A_17 = tpu.matmul %get3A_15, %max3A_12, %dot_general3A_16 {dimension_numbers = #tpu.dot_dimension_numbers<[1], [0], [0], [1], [0, 0, 1, 1], [], []>, transpose_lhs_hint = false} : vector<1x64xf32>, vector<64x1024xf32>, vector<1x1024xf32> -> vector<1x1024xf32>
    %swap3A = arith.constant 0 : index
    %swap3A_18 = arith.constant 0 : index
    %swap3A_19 = vector.load %arg5[%swap3A, %swap3A_18] : memref<1x1024xf32, #tpu.memory_space<vmem>>, vector<1x1024xf32>
    tpu.vector_store %arg5[%swap3A, %swap3A_18], %dot_general3A_17 {strides = array<i32>} : memref<1x1024xf32, #tpu.memory_space<vmem>>, vector<1x1024xf32>,
    return
  }
  func.func @transform_0(%arg0: i32) -> (i32, i32) {
    %c0_i32 = arith.constant 0 : i32
    %c0_i32_0 = arith.constant 0 : i32
    return %c0_i32, %arg0 : i32, i32
  }
  func.func @transform_1(%arg0: i32) -> (i32, i32, i32) {
    %c0_i32 = arith.constant 0 : i32
    %c0_i32_0 = arith.constant 0 : i32
    %c0_i32_1 = arith.constant 0 : i32
    return %arg0, %c0_i32, %c0_i32_0 : i32, i32, i32
  }
  func.func @transform_2(%arg0: i32) -> (i32, i32) {
    %c0_i32 = arith.constant 0 : i32
    %c0_i32_0 = arith.constant 0 : i32
    %c0_i32_1 = arith.constant 0 : i32
    return %c0_i32, %c0_i32_0 : i32, i32
  }
  func.func @transform_3(%arg0: i32) -> (i32, i32) {
    %c0_i32 = arith.constant 0 : i32
    %c0_i32_0 = arith.constant 0 : i32
    %c0_i32_1 = arith.constant 0 : i32
    return %c0_i32, %c0_i32_0 : i32, i32
  }
  func.func @transform_4(%arg0: i32) -> (i32, i32) {
    %c0_i32 = arith.constant 0 : i32
    %c0_i32_0 = arith.constant 0 : i32
    return %c0_i32, %arg0 : i32, i32
  }
}

module attributes {stable_mosaic.version = 14 : i64} {
  func.func @_score_body(%arg0: i32, %arg1: memref<64x1024xf32, #tpu.memory_space<vmem>>, %arg2: memref<1x64x1xf32, #tpu.memory_space<vmem>>, %arg3: memref<64x64xf32, #tpu.memory_space<vmem>>, %arg4: memref<1x64xf32, #tpu.memory_space<vmem>>, %arg5: memref<1x1024xf32, #tpu.memory_space<vmem>>) attributes {dimension_semantics = [#tpu.dimension_semantics<arbitrary>], iteration_bounds = array<i64: 14>, scalar_prefetch = 0 : i64, scratch_operands = 0 : i64, tpu.core_type = #tpu.core_type<tc>, window_params = [{transform_indices = @transform_0, window_bounds = array<i64: 64, 1024>}, {transform_indices = @transform_1, window_bounds = array<i64: 1, 64, 1>}, {pipeline_mode = #tpu.pipeline_mode<synchronous>, transform_indices = @transform_2, window_bounds = array<i64: 64, 64>}, {pipeline_mode = #tpu.pipeline_mode<synchronous>, transform_indices = @transform_3, window_bounds = array<i64: 1, 64>}, {transform_indices = @transform_4, window_bounds = array<i64: 1, 1024>}]} {
    %get3A = arith.constant 0 : index
    %get3A_0 = arith.constant 0 : index
    %get3A_1 = vector.load %arg3[%get3A, %get3A_0] : memref<64x64xf32, #tpu.memory_space<vmem>>, vector<64x64xf32>
    %get3A_2 = arith.constant 0 : index
    %get3A_3 = arith.constant 0 : index
    %get3A_4 = vector.load %arg1[%get3A_2, %get3A_3] : memref<64x1024xf32, #tpu.memory_space<vmem>>, vector<64x1024xf32>
    %dot_general3A = arith.constant dense<0.000000e+00> : vector<64x1024xf32>
    %dot_general3A_5 = tpu.matmul %get3A_1, %get3A_4, %dot_general3A {dimension_numbers = #tpu.dot_dimension_numbers<[1], [0], [0], [1], [0, 0, 1, 1], [], []>, transpose_lhs_hint = false} : vector<64x64xf32>, vector<64x1024xf32>, vector<64x1024xf32> -> vector<64x1024xf32>
    %get3A_6 = arith.constant 0 : index
    %get3A_7 = arith.constant 0 : index
    %get3A_8 = arith.constant 0 : index
    %get3A_9 = vector.load %arg2[%get3A_6, %get3A_7, %get3A_8] : memref<1x64x1xf32, #tpu.memory_space<vmem>>, vector<1x64x1xf32>
    %reshape3A = vector.shape_cast %get3A_9 : vector<1x64x1xf32> to vector<64x1xf32>
    %add3A = vector.broadcast %reshape3A : vector<64x1xf32> to vector<64x1024xf32>
    %add3A_10 = arith.addf %dot_general3A_5, %add3A : vector<64x1024xf32>
    %max3A = arith.constant 0.000000e+00 : f32
    %max3A_11 = vector.broadcast %max3A : f32 to vector<64x1024xf32>
    %max3A_12 = arith.maximumf %add3A_10, %max3A_11 : vector<64x1024xf32>
    %get3A_13 = arith.constant 0 : index
    %get3A_14 = arith.constant 0 : index
    %get3A_15 = vector.load %arg4[%get3A_13, %get3A_14] : memref<1x64xf32, #tpu.memory_space<vmem>>, vector<1x64xf32>
    %dot_general3A_16 = arith.constant dense<0.000000e+00> : vector<1x1024xf32>
    %dot_general3A_17 = tpu.matmul %get3A_15, %max3A_12, %dot_general3A_16 {dimension_numbers = #tpu.dot_dimension_numbers<[1], [0], [0], [1], [0, 0, 1, 1], [], []>, transpose_lhs_hint = false} : vector<1x64xf32>, vector<64x1024xf32>, vector<1x1024xf32> -> vector<1x1024xf32>
    %swap3A = arith.constant 0 : index
    %swap3A_18 = arith.constant 0 : index
    %swap3A_19 = vector.load %arg5[%swap3A, %swap3A_18] : memref<1x1024xf32, #tpu.memory_space<vmem>>, vector<1x1024xf32>
    tpu.vector_store %arg5[%swap3A, %swap3A_18], %dot_general3A_17 {strides = array<i32>} : memref<1x1024xf32, #tpu.memory_space<vmem>>, vector<1x1024xf32>,
    return
  }
  func.func @transform_0(%arg0: i32) -> (i32, i32) {
    %c0_i32 = arith.constant 0 : i32
    %c0_i32_0 = arith.constant 0 : i32
    return %c0_i32, %arg0 : i32, i32
  }
  func.func @transform_1(%arg0: i32) -> (i32, i32, i32) {
    %c0_i32 = arith.constant 0 : i32
    %c0_i32_0 = arith.constant 0 : i32
    %c0_i32_1 = arith.constant 0 : i32
    return %arg0, %c0_i32, %c0_i32_0 : i32, i32, i32
  }
  func.func @transform_2(%arg0: i32) -> (i32, i32) {
    %c0_i32 = arith.constant 0 : i32
    %c0_i32_0 = arith.constant 0 : i32
    %c0_i32_1 = arith.constant 0 : i32
    return %c0_i32, %c0_i32_0 : i32, i32
  }
  func.func @transform_3(%arg0: i32) -> (i32, i32) {
    %c0_i32 = arith.constant 0 : i32
    %c0_i32_0 = arith.constant 0 : i32
    %c0_i32_1 = arith.constant 0 : i32
    return %c0_i32, %c0_i32_0 : i32, i32
  }
  func.func @transform_4(%arg0: i32) -> (i32, i32) {
    %c0_i32 = arith.constant 0 : i32
    %c0_i32_0 = arith.constant 0 : i32
    return %c0_i32, %arg0 : i32, i32
  }
}

module attributes {stable_mosaic.version = 14 : i64} {
  func.func @_mass_body(%arg0: memref<2560x16xf32, #tpu.memory_space<vmem>>, %arg1: memref<1024x16xf32, #tpu.memory_space<vmem>>, %arg2: memref<1024x16xf32, #tpu.memory_space<vmem>>, %arg3: memref<1x1xf32, #tpu.memory_space<vmem>>, %arg4: memref<1x16xf32, #tpu.memory_space<vmem>>, %arg5: memref<16x16xf32, #tpu.memory_space<vmem>>, %arg6: memref<256x16xf32, #tpu.memory_space<vmem>>, %arg7: memref<4096x16xf32, #tpu.memory_space<vmem>>) attributes {dimension_semantics = [], scalar_prefetch = 0 : i64, scratch_operands = 0 : i64, tpu.core_type = #tpu.core_type<tc>} {
    %get3A = arith.constant 0 : index
    %get3A_0 = arith.constant 0 : index
    %get3A_1 = vector.load %arg3[%get3A, %get3A_0] : memref<1x1xf32, #tpu.memory_space<vmem>>, vector<1x1xf32>
    %get3A_2 = arith.constant 0 : index
    %get3A_3 = arith.constant 0 : index
    %get3A_4 = vector.load %arg0[%get3A_2, %get3A_3] : memref<2560x16xf32, #tpu.memory_space<vmem>>, vector<1x16xf32>
    %reduce_max3A = arith.constant dense<0xFF800000> : vector<1xf32>
    %reduce_max3A_5 = vector.multi_reduction <maximumf>, %get3A_4, %reduce_max3A [1] : vector<1x16xf32> to vector<1xf32>
    %broadcast_in_dim3A = vector.shape_cast %reduce_max3A_5 : vector<1xf32> to vector<1x1xf32>
    %sub3A = vector.broadcast %broadcast_in_dim3A : vector<1x1xf32> to vector<1x16xf32>
    %sub3A_6 = arith.subf %get3A_4, %sub3A : vector<1x16xf32>
    %exp3A = math.exp %sub3A_6 : vector<1x16xf32>
    %reduce_sum3A = arith.constant dense<0.000000e+00> : vector<1xf32>
    %reduce_sum3A_7 = vector.multi_reduction <add>, %exp3A, %reduce_sum3A [1] : vector<1x16xf32> to vector<1xf32>
    %broadcast_in_dim3A_8 = vector.shape_cast %reduce_sum3A_7 : vector<1xf32> to vector<1x1xf32>
    %div3A = vector.broadcast %broadcast_in_dim3A_8 : vector<1x1xf32> to vector<1x16xf32>
    %div3A_9 = arith.divf %exp3A, %div3A : vector<1x16xf32>
    %mul3A = vector.broadcast %get3A_1 : vector<1x1xf32> to vector<1x16xf32>
    %mul3A_10 = arith.mulf %div3A_9, %mul3A : vector<1x16xf32>
    %swap3A = arith.constant 0 : index
    %swap3A_11 = arith.constant 0 : index
    %swap3A_12 = vector.load %arg4[%swap3A, %swap3A_11] : memref<1x16xf32, #tpu.memory_space<vmem>>, vector<1x16xf32>
    tpu.vector_store %arg4[%swap3A, %swap3A_11], %mul3A_10 {strides = array<i32>} : memref<1x16xf32, #tpu.memory_space<vmem>>, vector<1x16xf32>,
    %get3A_13 = arith.constant 64 : index
    %get3A_14 = arith.constant 0 : index
    %get3A_15 = vector.load %arg0[%get3A_13, %get3A_14] : memref<2560x16xf32, #tpu.memory_space<vmem>>, vector<16x16xf32>
    %reduce_max3A_16 = arith.constant dense<0xFF800000> : vector<16xf32>
    %reduce_max3A_17 = vector.multi_reduction <maximumf>, %get3A_15, %reduce_max3A_16 [1] : vector<16x16xf32> to vector<16xf32>
    %broadcast_in_dim3A_18 = vector.shape_cast %reduce_max3A_17 : vector<16xf32> to vector<16x1xf32>
    %sub3A_19 = vector.broadcast %broadcast_in_dim3A_18 : vector<16x1xf32> to vector<16x16xf32>
    %sub3A_20 = arith.subf %get3A_15, %sub3A_19 : vector<16x16xf32>
    %exp3A_21 = math.exp %sub3A_20 : vector<16x16xf32>
    %reduce_sum3A_22 = arith.constant dense<0.000000e+00> : vector<16xf32>
    %reduce_sum3A_23 = vector.multi_reduction <add>, %exp3A_21, %reduce_sum3A_22 [1] : vector<16x16xf32> to vector<16xf32>
    %broadcast_in_dim3A_24 = vector.shape_cast %reduce_sum3A_23 : vector<16xf32> to vector<16x1xf32>
    %div3A_25 = vector.broadcast %broadcast_in_dim3A_24 : vector<16x1xf32> to vector<16x16xf32>
    %div3A_26 = arith.divf %exp3A_21, %div3A_25 : vector<16x16xf32>
    %reshape3A = vector.shape_cast %div3A_26 : vector<16x16xf32> to vector<1x16x16xf32>
    %broadcast_in_dim3A_27 = vector.shape_cast %mul3A_10 : vector<1x16xf32> to vector<1x16x1xf32>
    %mul3A_28 = vector.broadcast %broadcast_in_dim3A_27 : vector<1x16x1xf32> to vector<1x16x16xf32>
    %mul3A_29 = arith.mulf %reshape3A, %mul3A_28 : vector<1x16x16xf32>
    %reshape3A_30 = vector.shape_cast %mul3A_29 : vector<1x16x16xf32> to vector<16x16xf32>
    %swap3A_31 = arith.constant 0 : index
    %swap3A_32 = arith.constant 0 : index
    %swap3A_33 = vector.load %arg5[%swap3A_31, %swap3A_32] : memref<16x16xf32, #tpu.memory_space<vmem>>, vector<16x16xf32>
    tpu.vector_store %arg5[%swap3A_31, %swap3A_32], %reshape3A_30 {strides = array<i32>} : memref<16x16xf32, #tpu.memory_space<vmem>>, vector<16x16xf32>,
    %get3A_34 = arith.constant 128 : index
    %get3A_35 = arith.constant 0 : index
    %get3A_36 = vector.load %arg0[%get3A_34, %get3A_35] : memref<2560x16xf32, #tpu.memory_space<vmem>>, vector<256x16xf32>
    %reduce_max3A_37 = arith.constant dense<0xFF800000> : vector<256xf32>
    %reduce_max3A_38 = vector.multi_reduction <maximumf>, %get3A_36, %reduce_max3A_37 [1] : vector<256x16xf32> to vector<256xf32>
    %broadcast_in_dim3A_39 = vector.shape_cast %reduce_max3A_38 : vector<256xf32> to vector<256x1xf32>
    %sub3A_40 = vector.broadcast %broadcast_in_dim3A_39 : vector<256x1xf32> to vector<256x16xf32>
    %sub3A_41 = arith.subf %get3A_36, %sub3A_40 : vector<256x16xf32>
    %exp3A_42 = math.exp %sub3A_41 : vector<256x16xf32>
    %reduce_sum3A_43 = arith.constant dense<0.000000e+00> : vector<256xf32>
    %reduce_sum3A_44 = vector.multi_reduction <add>, %exp3A_42, %reduce_sum3A_43 [1] : vector<256x16xf32> to vector<256xf32>
    %broadcast_in_dim3A_45 = vector.shape_cast %reduce_sum3A_44 : vector<256xf32> to vector<256x1xf32>
    %div3A_46 = vector.broadcast %broadcast_in_dim3A_45 : vector<256x1xf32> to vector<256x16xf32>
    %div3A_47 = arith.divf %exp3A_42, %div3A_46 : vector<256x16xf32>
    %reshape3A_48 = vector.shape_cast %div3A_47 : vector<256x16xf32> to vector<16x16x16xf32>
    %broadcast_in_dim3A_49 = vector.shape_cast %reshape3A_30 : vector<16x16xf32> to vector<16x16x1xf32>
    %mul3A_50 = vector.broadcast %broadcast_in_dim3A_49 : vector<16x16x1xf32> to vector<16x16x16xf32>
    %mul3A_51 = arith.mulf %reshape3A_48, %mul3A_50 : vector<16x16x16xf32>
    %reshape3A_52 = vector.shape_cast %mul3A_51 : vector<16x16x16xf32> to vector<256x16xf32>
    %swap3A_53 = arith.constant 0 : index
    %swap3A_54 = arith.constant 0 : index
    %swap3A_55 = vector.load %arg6[%swap3A_53, %swap3A_54] : memref<256x16xf32, #tpu.memory_space<vmem>>, vector<256x16xf32>
    tpu.vector_store %arg6[%swap3A_53, %swap3A_54], %reshape3A_52 {strides = array<i32>} : memref<256x16xf32, #tpu.memory_space<vmem>>, vector<256x16xf32>,
    %get3A_56 = arith.constant 384 : index
    %get3A_57 = arith.constant 0 : index
    %get3A_58 = vector.load %arg0[%get3A_56, %get3A_57] : memref<2560x16xf32, #tpu.memory_space<vmem>>, vector<2176x16xf32>
    %get3A_59 = arith.constant 0 : index
    %get3A_60 = arith.constant 0 : index
    %get3A_61 = vector.load %arg1[%get3A_59, %get3A_60] : memref<1024x16xf32, #tpu.memory_space<vmem>>, vector<1024x16xf32>
    %get3A_62 = arith.constant 0 : index
    %get3A_63 = arith.constant 0 : index
    %get3A_64 = vector.load %arg2[%get3A_62, %get3A_63] : memref<1024x16xf32, #tpu.memory_space<vmem>>, vector<896x16xf32>
    %concatenate3A = tpu.concatenate %get3A_58, %get3A_61, %get3A_64 in 0 : vector<2176x16xf32>, vector<1024x16xf32>, vector<896x16xf32> -> vector<4096x16xf32>
    %reduce_max3A_65 = arith.constant dense<0xFF800000> : vector<4096xf32>
    %reduce_max3A_66 = vector.multi_reduction <maximumf>, %concatenate3A, %reduce_max3A_65 [1] : vector<4096x16xf32> to vector<4096xf32>
    %broadcast_in_dim3A_67 = vector.shape_cast %reduce_max3A_66 : vector<4096xf32> to vector<4096x1xf32>
    %sub3A_68 = vector.broadcast %broadcast_in_dim3A_67 : vector<4096x1xf32> to vector<4096x16xf32>
    %sub3A_69 = arith.subf %concatenate3A, %sub3A_68 : vector<4096x16xf32>
    %exp3A_70 = math.exp %sub3A_69 : vector<4096x16xf32>
    %reduce_sum3A_71 = arith.constant dense<0.000000e+00> : vector<4096xf32>
    %reduce_sum3A_72 = vector.multi_reduction <add>, %exp3A_70, %reduce_sum3A_71 [1] : vector<4096x16xf32> to vector<4096xf32>
    %broadcast_in_dim3A_73 = vector.shape_cast %reduce_sum3A_72 : vector<4096xf32> to vector<4096x1xf32>
    %div3A_74 = vector.broadcast %broadcast_in_dim3A_73 : vector<4096x1xf32> to vector<4096x16xf32>
    %div3A_75 = arith.divf %exp3A_70, %div3A_74 : vector<4096x16xf32>
    %reshape3A_76 = vector.shape_cast %div3A_75 : vector<4096x16xf32> to vector<256x16x16xf32>
    %broadcast_in_dim3A_77 = vector.shape_cast %reshape3A_52 : vector<256x16xf32> to vector<256x16x1xf32>
    %mul3A_78 = vector.broadcast %broadcast_in_dim3A_77 : vector<256x16x1xf32> to vector<256x16x16xf32>
    %mul3A_79 = arith.mulf %reshape3A_76, %mul3A_78 : vector<256x16x16xf32>
    %reshape3A_80 = vector.shape_cast %mul3A_79 : vector<256x16x16xf32> to vector<4096x16xf32>
    %swap3A_81 = arith.constant 0 : index
    %swap3A_82 = arith.constant 0 : index
    %swap3A_83 = vector.load %arg7[%swap3A_81, %swap3A_82] : memref<4096x16xf32, #tpu.memory_space<vmem>>, vector<4096x16xf32>
    tpu.vector_store %arg7[%swap3A_81, %swap3A_82], %reshape3A_80 {strides = array<i32>} : memref<4096x16xf32, #tpu.memory_space<vmem>>, vector<4096x16xf32>,
    return
  }
}

</mosaic_0001>

<sc_bundles>
// kernel: kernel.10.cloned.1.call-start
scs
__scs_entry_jumppad:
0x0: {  	(pc) =	sbr.rel $0x88, $3  }
0x1: {  	(tag) =	ssettag $0x0;
	lr =	simm.s32 $0x1  }
0x2: {  	[smem:$0x3F96] =	sst lr;
	_ =	strace $0xD0000000  }
0x3: {  	_ = 	snop  }
0x4: {  	_ = 	snop  }
0x5: {  	_ = 	snop  }
0x6: {  	_ = 	snop  }
0x7: {  	_ = 	snop  }
__scs_overlays_trampoline_lowered:
0x8: {  	[smem:$0x3FA5] =	sst s0  }
0x9: {  	[smem:$0x3FA6] =	sst s1  }
0xa: {  	[smem:$0x3FA7] =	sst s2  }
0xb: {  	[smem:$0x3FA8] =	sst s3  }
0xc: {  	[smem:$0x3FA9] =	sst s4  }
0xd: {  	[smem:$0x3FAA] =	sst s5  }
0xe: {  	[smem:$0x3FAB] =	sst s6  }
0xf: {  	[smem:$0x3FAC] =	sst s7  }
0x10: {  	[smem:$0x3FAD] =	sst s8  }
0x11: {  	[smem:$0x3FAE] =	sst s9;
	s0 =	simm.s32 @!p0 $0x0  }
0x12: {  	s1 =	sld [smem:$0x3F94];
	s0 =	simm.s32 @p0 $0x1  }
0x13: {  	[smem:$0x3FAF] =	sst s0;
	s0 =	simm.s32 @!p1 $0x0  }
0x14: {  	s2 =	sld [smem:$0x3F93];
	s0 =	simm.s32 @p1 $0x1  }
0x15: {  	[smem:$0x3FB0] =	sst s0;
	s0 =	simm.s32 @!p2 $0x0  }
0x16: {  	s3 =	sld [smem:$0x3FDB];
	s0 =	simm.s32 @p2 $0x1  }
0x17: {  	s4 =	simm.s32 $0x1BF5;
	[smem:$0x3FB2] =	sst s0  }
0x18: {  	s0 =	sld [smem:$0x3F95];
	_ =	swait.ge [sflag:s4], $0x0  }
0x19: {  	s7 =	sld [smem:$0x3F96]  }
0x1a: {  	s8 =	sadd.s32 $0xFFFFE003, lr  }
0x1b: {  	s9 =	sadd.s32 $0xFFFFFEF7, lr;
	s5 =	simm.s32 $0xFFFFFFFF;
	p2 =	slt.u32 s8, $0xFFFFF086  }
0x1c: {  	p1 =	slt.u32 s9, $0xF7A;
	s5 =	simm.s32 @!p2 $0x0  }
0x1d: {  	s5 =	simm.s32 @p1 $0x1;
	p0 =	seq.s32 s7, s2  }
0x1e: {  	s7 =	smul.u32 @!p0 $0xF7A, s2;
	p2 =	seq.s32 @!p0 s5, $0x0  }
0x1f: {  	s9 =	smul.u32 $0xF7A, s1;
	s8 =	simm.s32 @!p0 $0x1BF5;
	p2 =	por !p2, p0  }
0x20: {  	[sflag:s8] =	ssyncset.s32 @!p0 $0xFFFFF086;
	s6 =	sadd.s32 @!p0 s3, s7;
	s7 =	simm.s32 @!p0 $0x108  }
0x21: {  	s3 =	sadd.s32 s3, s9;
	s6 =	sadd.s32 @!p0 $0x88, s6;
	s7 =	simm.s32 @p2 $0x1082  }
0x22: {  	[simem:s7], [sflag:s8] =	dma.local @!p0 [hbm:s6], $0xF7A  }
0x23: {  	s9 =	sor.u32 $0xD0000000, s2;
	s6 =	simm.s32 $0x108;
	_ =	swait.ge @!p0 [sflag:s8], $0x0  }
0x24: {  	s3 =	sadd.s32 $0x88, s3;
	s6 =	simm.s32 @!p1 $0x1082;
	[sflag:s4] =	ssyncset.s32 $0xFFFFF086  }
0x25: {  	[simem:s6], [sflag:s4] =	dma.local [hbm:s3], $0xF7A  }
0x26: {  	[smem:$0x3F96] =	sst s1;
	(tag) =	ssettag s2;
	_ =	strace s9  }
0x27: {  	s1 =	sld [smem:$0x3FA6]  }
0x28: {  	s2 =	sld [smem:$0x3FA7]  }
0x29: {  	s4 =	sld [smem:$0x3FA9]  }
0x2a: {  	p0 =	seq.s32 s5, $0x0;
	s5 =	sld [smem:$0x3FAA]  }
0x2b: {  	s6 =	sld [smem:$0x3FAB]  }
0x2c: {  	s7 =	sld [smem:$0x3FAC]  }
0x2d: {  	s3 =	simm.s32 $0x108;
	s8 =	sld [smem:$0x3FAD]  }
0x2e: {  	s3 =	simm.s32 @!p0 $0x1082;
	s9 =	sld [smem:$0x3FAE]  }
0x2f: {  	lr =	sadd.s32 s0, s3;
	s0 =	sld [smem:$0x3FA5]  }
0x30: {  	s3 =	sld [smem:$0x3FA8]  }
0x31: {  	[smem:$0x3FB1] =	sst s10  }
0x32: {  	s10 =	sld [smem:$0x3FAF];
	_ =	sdelay $0x3  }
0x33: {  	p0 =	seq.s32 s10, $0x1;
	s10 =	sld [smem:$0x3FB1];
	_ =	sdelay $0x3  }
0x34: {  	[smem:$0x3FB1] =	sst s10  }
0x35: {  	s10 =	sld [smem:$0x3FB0];
	_ =	sdelay $0x3  }
0x36: {  	p1 =	seq.s32 s10, $0x1;
	s10 =	sld [smem:$0x3FB1];
	_ =	sdelay $0x3  }
0x37: {  	[smem:$0x3FB1] =	sst s10  }
0x38: {  	s10 =	sld [smem:$0x3FB2]  }
0x39: {  	_ = 	snop;
	(pc) =	sbr.ind lr, $3  }
0x3a: {  	_ = 	snop  }
0x3b: {  	_ = 	snop  }
0x3c: {  	p2 =	seq.s32 s10, $0x1;
	s10 =	sld [smem:$0x3FB1]  }
0x3d: {  	_ =	shalt  }
0x3e: {  	_ =	shalt  }
0x3f: {  	_ =	shalt  }
0x40: {  	_ =	shalt  }
0x41: {  	_ =	shalt  }
0x42: {  	_ =	shalt  }
0x43: {  	_ =	shalt  }
0x44: {  	_ =	shalt  }
0x45: {  	_ =	shalt  }
0x46: {  	_ =	shalt  }
0x47: {  	_ =	shalt  }
0x48: {  	_ =	shalt  }
0x49: {  	_ =	shalt  }
0x4a: {  	_ =	shalt  }
0x4b: {  	_ =	shalt  }
0x4c: {  	_ =	shalt  }
0x4d: {  	_ =	shalt  }
0x4e: {  	_ =	shalt  }
0x4f: {  	_ =	shalt  }
0x50: {  	_ =	shalt  }
0x51: {  	_ =	shalt  }
0x52: {  	_ =	shalt  }
0x53: {  	_ =	shalt  }
0x54: {  	_ =	shalt  }
0x55: {  	_ =	shalt  }
0x56: {  	_ =	shalt  }
0x57: {  	_ =	shalt  }
0x58: {  	_ =	shalt  }
0x59: {  	_ =	shalt  }
0x5a: {  	_ =	shalt  }
0x5b: {  	_ =	shalt  }
0x5c: {  	_ =	shalt  }
0x5d: {  	_ =	shalt  }
0x5e: {  	_ =	shalt  }
0x5f: {  	_ =	shalt  }
0x60: {  	_ =	shalt  }
0x61: {  	_ =	shalt  }
0x62: {  	_ =	shalt  }
0x63: {  	_ =	shalt  }
0x64: {  	_ =	shalt  }
0x65: {  	_ =	shalt  }
0x66: {  	_ =	shalt  }
0x67: {  	_ =	shalt  }
0x68: {  	_ =	shalt  }
0x69: {  	_ =	shalt  }
0x6a: {  	_ =	shalt  }
0x6b: {  	_ =	shalt  }
0x6c: {  	_ =	shalt  }
0x6d: {  	_ =	shalt  }
0x6e: {  	_ =	shalt  }
0x6f: {  	_ =	shalt  }
0x70: {  	_ =	shalt  }
0x71: {  	_ =	shalt  }
0x72: {  	_ =	shalt  }
0x73: {  	_ =	shalt  }
0x74: {  	_ =	shalt  }
0x75: {  	_ =	shalt  }
0x76: {  	_ =	shalt  }
0x77: {  	_ =	shalt  }
0x78: {  	_ =	shalt  }
0x79: {  	_ =	shalt  }
0x7a: {  	_ =	shalt  }
0x7b: {  	_ =	shalt  }
0x7c: {  	_ =	shalt  }
0x7d: {  	_ =	shalt  }
0x7e: {  	_ =	shalt  }
0x7f: {  	_ =	shalt  }
0x80: {  	_ =	shalt  }
0x81: {  	_ =	shalt  }
0x82: {  	_ =	shalt  }
0x83: {  	_ =	shalt  }
0x84: {  	_ =	shalt  }
0x85: {  	_ =	shalt  }
0x86: {  	_ =	shalt  }
0x87: {  	_ =	shalt  }
.Lfunc_end0:
.L_simem_size_0:
called_computation_lowered:
.L_overlay_start_0:
0x88: {  	s2 =	sld [smem:$0x3FD9]  }
0x89: {  	s3 =	sld [smem:$0x3FFE];
	_ =	sdelay $0x1  }
0x8a: {  	s1 =	srdreg.scid  }
0x8b: {  	s0 =	sand.u32 $0x1, s1  }
0x8c: {  	s14 =	sshll.u32 s0, $0xA;
	s2 =	sadd.s32 s3, s2  }
0x8d: {  	s2 =	sadd.s32 s2, s14  }
0x8e: {  	[smem:$0x3FBD] =	sst s2  }
0x8f: {  	_ = 	snop  }
0x90: {  	s2 =	sld [smem:$0x3FD0];
	_ =	sdelay $0x2  }
0x91: {  	s4 =	simm.s32 $0xC;
	s5 =	simm.s32 $0x10;
	s15 =	sld [smem:$0x3FC7]  }
0x92: {  	[smem:s5], [sflag:s4] =	dma.local [hbm:s2], $0x1  }
0x93: {  	_ =	swait.eq [sflag:s4], $0x1  }
0x94: {  	[sflag:s4] =	ssyncset.done $0x0  }
0x95: {  	[sflag:s4] =	ssyncadd.s32 $0xFFFFFFFF  }
0x96: {  	s16 =	sld [smem:$0x15];
	(tm) =	ssettm $0x1  }
0x97: {  	s17 =	sld [smem:$0x3FFB];
	_ =	sdelay $0x3  }
0x98: {  	_ =	strace s17  }
0x99: {  	s4 =	sld [smem:$0x3FFC];
	_ =	sdelay $0x3  }
0x9a: {  	_ =	strace s4  }
0x9b: {  	s4 =	sld [smem:$0x3FFD];
	_ =	sdelay $0x3  }
0x9c: {  	_ =	strace s4  }
0x9d: {  	_ =	strace $0x8FFFFFFF  }
0x9e: {  	s18 =	sld [smem:$0x3FDB];
	_ =	sdelay $0x1  }
0x9f: {  	s19 =	simm.s32 $_scs_section_size  }
0xa0: {  	s6 =	simm.s32 $_size__tile_overlayer_lowered;
	s7 =	simm.s32 $_tile_overlayer_lowered  }
0xa1: {  	s22 =	simm.s32 $0x1BFF;
	s21 =	sshll.u32 s7, $0x1;
	s4 =	sadd.s32 s19, s18  }
0xa2: {  	s8 =	simm.s32 $0x0;
	s20 =	sshll.u32 s6, $0x1;
	s6 =	sadd.s32 s21, s4  }
0xa3: {  	[timem:s8], [sflag:s22] =	dma.local [hbm:s6], s20  }
0xa4: {  	_ =	swait.ge [sflag:s22], s20  }
0xa5: {  	s5 =	ssub.s32 $0x0, s20;
	[sflag:s22] =	ssyncset.done $0x0  }
0xa6: {  	[sflag:s22] =	ssyncadd.s32 s5;
	_ =	sdelay $0x1  }
0xa7: {  	s23 =	simm.s32 $0x1B8B  }
0xa8: {  	_ =	swait.ge [sflag:s23], $0x1  }
0xa9: {  	[sflag:s23] =	ssyncset.done $0x0  }
0xaa: {  	s25 =	simm.s32 $0x1B8E;
	s24 =	sld [smem:$0x3FFE];
	[sflag:s23] =	ssyncadd.s32 $0xFFFFFFFF  }
0xab: {  	s26 =	simm.s32 $execute0_lowered;
	[smem:$0x3FD2] =	sst s25  }
0xac: {  	s6 =	sshll.u32 s26, $0x1;
	_ =	strace $0x80000046;
	[dreg:$0x1] =	wrdreg $0xFFFFFFFF  }
0xad: {  	s28 =	simm.s32 $_size_execute0_lowered;
	s4 =	sadd.s32 s4, s6;
	[dreg:$0x0] =	wrdreg $0x0  }
0xae: {  	s6 =	sshll.u32 s28, $0x1;
	[dreg:$0x2] =	wrdreg s4  }
0xaf: {  	[dreg:$0x3] =	wrdreg s6  }
0xb0: {  	[dreg:$0x4] =	wrdreg $0xC0  }
0xb1: {  	_ =	task [dreg:s8], $0x5FFFF  }
0xb2: {  	[dreg:$0x1] =	wrdreg $0xFFFFFFFF  }
0xb3: {  	[dreg:$0x0] =	wrdreg $0x60  }
0xb4: {  	[dreg:$0x2] =	wrdreg s15  }
0xb5: {  	[dreg:$0x3] =	wrdreg s16  }
0xb6: {  	[dreg:$0x4] =	wrdreg s24  }
0xb7: {  	[dreg:$0x5] =	wrdreg $0x9  }
0xb8: {  	_ =	task.clear_ibuf [dreg:s8], $0x6FFFF;
	_ =	strace $0x90000046  }
0xb9: {  	s29 =	simm.s32 $0x9;
	_ =	strace $0x80000048  }
0xba: {  	_ =	swait.ge [sflag:s29], $0x1  }
0xbb: {  	[sflag:s29] =	ssyncadd.s32 $0xFFFFFFFF  }
0xbc: {  	_ =	strace $0x90000048  }
0xbd: {  	_ =	sfence  }
0xbe: {  	s30 =	sld [smem:$0x0];
	_ =	sdelay $0x2  }
0xbf: {  	s31 =	sshll.u32 s1, $0xD;
	s1 =	sshrl.u32 s1, $0x2  }
0xc0: {  	s3 =	sand.u32 $0x4000, s31;
	s1 =	sadd.s32 s1, s30  }
0xc1: {  	s0 =	sor.u32 s3, s0;
	s1 =	sshll.u32 s1, $0x11  }
0xc2: {  	s0 =	sor.u32 s1, s0  }
0xc3: {  	s0 =	sadd.s32 $0x8F2B, s0  }
0xc4: {  	[sflag:s0] =	ssyncadd.remote.s32 $0x1  }
0xc5: {  	_ =	sfence.sel $0xFFFF  }
0xc6: {  	[dreg:$0x0] =	wrdreg $0xFFFFFFFF;
	(pc) =	sbr.abs _section_cstart, $3  }
0xc7: {  	[dreg:$0x1] =	wrdreg $0xFFFFFFFF  }
0xc8: {  	_ =	task.clear_ibuf [dreg:s8], $0x2FFFF;
	_ =	strace $0x9FFFFFFF  }
0xc9: {  	(tm) =	ssettm $0x7FFFFFFF  }
tec
execute0_lowered:
.L_overlay_start_1:
0x0: {  	(tag) =	ssettag $0x1  }
0x1: {  	s1 =	rddreg [dreg:$0x0]  }
0x2: {  	s2 =	rddreg [dreg:$0x1];
	s3 =	srdreg.scid  }
0x3: {  	s0 =	stileid.u32;
	s4 =	rddreg [dreg:$0x2]  }
0x4: {  	s16 =	simm.s32 $0x5;
	s17 =	simm.s32 $0x80;
	s18 =	simm.s32 $0x800  }
0x5: {  	s19 =	simm.s32 $0x880;
	s20 =	simm.s32 $0x1;
	s21 =	simm.s32 $0x400  }
0x6: {  	s22 =	simm.s32 $0x50000;
	s23 =	simm.s32 $0x3;
	s24 =	simm.s32 $0x2  }
0x7: {  	s25 =	simm.s32 $0x4;
	s26 =	simm.s32 $0x900;
	s29 =	simm.s32 $0x0  }
0x8: {  	s5 =	sand.u32 $0x1, s3;
	s6 =	sshll.u32 s0, $0x1;
	s3 =	simm.s32 $0x0  }
0x9: {  	s10 =	sadd.s32 $0x4400, s4;
	s6 =	sor.u32 s5, s6;
	[smem:$0x7FF] =	sst s3  }
0xa: {  	s5 =	ssub.s32 $0x2, s5;
	s7 =	smul.u32 $0x2800, s6;
	_ =	strace $0x80000047  }
0xb: {  	s8 =	sshrl.u32 s5, $0x1;
	s9 =	smul.u32 $0x500, s6;
	s6 =	sshll.u32 s6, $0x8  }
0xc: {  	s15 =	ssub.s32 s5, s8;
	s5 =	sadd.s32 s2, s6;
	s31 =	sshrl.u32 s7, $0x3  }
0xd: {  	s4 =	sadd.s32 s10, s9;
	s15 =	smax.u32 s15, $0x1;
	s14 =	sadd.s32 s10, s31  }
0xe: {  	s6 =	sadd.s32 $0x80, s4;
	s7 =	sadd.s32 $0x100, s14;
	s8 =	sadd.s32 $0x180, s14  }
0xf: {  	s9 =	sadd.s32 $0x200, s14;
	s10 =	sadd.s32 $0x280, s14;
	s11 =	sadd.s32 $0x300, s14  }
0x10: {  	s12 =	sadd.s32 $0x380, s14;
	s13 =	sadd.s32 $0x400, s14;
	s14 =	sadd.s32 $0x480, s14  }
.LBB2_1:
0x11: {  	[tilespmem:s3], [sflag:$0x5] =	stream.linear.gather [hbm4b:s5+s3], $0x500, $0x38;
	[tilespmem:$0x4900] =	vst v63  }
0x12: {  	_ =	swait.ge [sflag:s16], $0x500  }
0x13: {  	[sflag:s16] =	ssyncset.done $0x0  }
0x14: {  	[sflag:s16] =	ssyncadd.s32 $0xFFFFFB00  }
0x15: {  	v0 =	vld [tilespmem:$0x0]  }
0x16: {  	v1 =	vld [tilespmem:$0x10]  }
0x17: {  	v2 =	vld [tilespmem:$0x20]  }
0x18: {  	v3 =	vld [tilespmem:$0x30]  }
0x19: {  	v5 =	vld [tilespmem:$0x40]  }
0x1a: {  	v7 =	vld [tilespmem:$0x50]  }
0x1b: {  	v4 =	vshll.u32 v0, $0x3  }
0x1c: {  	v48 =	vld [tilespmem:$0x70];
	v0 =	vand.u32 $0x7F, v0;
	v6 =	vshll.u32 v1, $0x3;
	v46 =	vshll.u32 v2, $0x3  }
0x1d: {  	v1 =	vand.u32 $0x7F, v1;
	v2 =	vand.u32 $0x7F, v2;
	v47 =	vshll.u32 v3, $0x3  }
0x1e: {  	v3 =	vand.u32 $0x7F, v3;
	v50 =	vshll.u32 v5, $0x3;
	v4 =	vand.u32 $0xFFFFFC00, v4  }
0x1f: {  	v8 =	vld [tilespmem:$0x60];
	v52 =	vshll.u32 v7, $0x3;
	v45 =	vand.u32 $0xFFFFFC00, v6;
	v0 =	vor.u32 v0, v4  }
0x20: {  	v53 =	vand.u32 $0x7F, v5;
	v6 =	vand.u32 $0xFFFFFC00, v46;
	v1 =	vor.u32 v1, v45;
	[tilespmem:$0x800] =	vst v0  }
0x21: {  	v60 =	vshll.u32 v48, $0x3;
	v51 =	vand.u32 $0xFFFFFC00, v50;
	v2 =	vor.u32 v2, v6;
	[tilespmem:$0x810] =	vst v1  }
0x22: {  	v62 =	vand.u32 $0x7F, v48;
	v61 =	vand.u32 $0xFFFFFC00, v60;
	v55 =	vor.u32 v53, v51;
	[tilespmem:$0x820] =	vst v2  }
0x23: {  	v54 =	vand.u32 $0x7F, v7;
	v49 =	vand.u32 $0xFFFFFC00, v47;
	v63 =	vor.u32 v62, v61;
	[tilespmem:$0x840] =	vst v55  }
0x24: {  	v57 =	vshll.u32 v8, $0x3;
	v0 =	vor.u32 v3, v49;
	v3 =	vand.u32 $0xFFFFFC00, v52;
	[tilespmem:$0x870] =	vst v63  }
0x25: {  	s2 =	sand.u32 $0x70, s3;
	v59 =	vand.u32 $0x7F, v8;
	v58 =	vand.u32 $0xFFFFFC00, v57;
	[tilespmem:$0x830] =	vst v0;
	v56 =	vor.u32 v54, v3  }
0x26: {  	s30 =	sand.u32 $0x700000, s3;
	s2 =	sadd.s32 s1, s2;
	v0 =	vor.u32 v59, v58;
	[tilespmem:$0x850] =	vst v56  }
0x27: {  	s2 =	sadd.s32 s30, s2;
	[tilespmem:$0x860] =	vst v0  }
0x28: {  	[tilespmem:s26], [sflag:$0x1] =	stream.indirect.gather [hbm4b:s2+s17], $0x1, s18, s17, $0xb8;
	[tilespmem:$0x4900] =	vst v63  }
0x29: {  	s31 =	simm.s32 $0x20000;
	s30 =	simm.s32 $0x10;
	s2 =	simm.s32 $0x900  }
.LBB2_2:
0x2a: {  	s0 =	sand.u32 $0x70, s30;
	p0 =	sne.s32 s30, $0x3F0;
	s30 =	sadd.s32 $0x10, s30  }
.Ltmp0:
0x2b: {  	s28 =	sand.u32 $0x700000, s31;
	s0 =	sadd.s32 s1, s0;
	(pc) =	sbr.rel @p0 .LBB2_2-.Ltmp0, $4  }
0x2c: {  	s2 =	sadd.s32 $0x80, s2;
	s0 =	sadd.s32 s28, s0  }
0x2d: {  	[tilespmem:s2], [sflag:$0x1] =	stream.indirect.gather [hbm4b:s0+s17], $0x1, s18, s17, $0xb8;
	[tilespmem:$0x4900] =	vst v63  }
0x2e: {  	_ = 	snop  }
0x2f: {  	s31 =	sadd.s32 $0x20000, s31  }
0x30: {  	v0 =	vld [tilespmem:$0x80]  }
0x31: {  	v1 =	vld [tilespmem:$0x90]  }
0x32: {  	v2 =	vld [tilespmem:$0xA0]  }
0x33: {  	v3 =	vld [tilespmem:$0xB0]  }
0x34: {  	v5 =	vld [tilespmem:$0xC0]  }
0x35: {  	v7 =	vld [tilespmem:$0xD0]  }
0x36: {  	v4 =	vshll.u32 v0, $0x3  }
0x37: {  	v48 =	vld [tilespmem:$0xF0];
	v0 =	vand.u32 $0x7F, v0;
	v6 =	vshll.u32 v1, $0x3;
	v46 =	vshll.u32 v2, $0x3  }
0x38: {  	v1 =	vand.u32 $0x7F, v1;
	v2 =	vand.u32 $0x7F, v2;
	v47 =	vshll.u32 v3, $0x3  }
0x39: {  	v3 =	vand.u32 $0x7F, v3;
	v50 =	vshll.u32 v5, $0x3;
	v4 =	vand.u32 $0xFFFFFC00, v4  }
0x3a: {  	v8 =	vld [tilespmem:$0xE0];
	v52 =	vshll.u32 v7, $0x3;
	v45 =	vand.u32 $0xFFFFFC00, v6;
	v0 =	vor.u32 v0, v4  }
0x3b: {  	v53 =	vand.u32 $0x7F, v5;
	v6 =	vand.u32 $0xFFFFFC00, v46;
	v1 =	vor.u32 v1, v45;
	[tilespmem:$0x880] =	vst v0  }
0x3c: {  	v60 =	vshll.u32 v48, $0x3;
	v51 =	vand.u32 $0xFFFFFC00, v50;
	v2 =	vor.u32 v2, v6;
	[tilespmem:$0x890] =	vst v1  }
0x3d: {  	v62 =	vand.u32 $0x7F, v48;
	v61 =	vand.u32 $0xFFFFFC00, v60;
	v55 =	vor.u32 v53, v51;
	[tilespmem:$0x8A0] =	vst v2  }
0x3e: {  	v54 =	vand.u32 $0x7F, v7;
	v49 =	vand.u32 $0xFFFFFC00, v47;
	v63 =	vor.u32 v62, v61;
	[tilespmem:$0x8C0] =	vst v55  }
0x3f: {  	s0 =	simm.s32 $0x0;
	v57 =	vshll.u32 v8, $0x3;
	v0 =	vor.u32 v3, v49;
	v3 =	vand.u32 $0xFFFFFC00, v52;
	[tilespmem:$0x8F0] =	vst v63  }
0x40: {  	s2 =	sand.u32 $0x70, s0;
	v59 =	vand.u32 $0x7F, v8;
	v58 =	vand.u32 $0xFFFFFC00, v57;
	[tilespmem:$0x8B0] =	vst v0;
	v56 =	vor.u32 v54, v3  }
0x41: {  	s30 =	simm.s32 $0x2900;
	s0 =	sand.u32 $0x700000, s0;
	s2 =	sadd.s32 s1, s2;
	v0 =	vor.u32 v59, v58;
	[tilespmem:$0x8D0] =	vst v56  }
0x42: {  	s31 =	simm.s32 $0x10;
	s0 =	sadd.s32 s0, s2;
	s2 =	simm.s32 $0x20000;
	[tilespmem:$0x8E0] =	vst v0  }
0x43: {  	[tilespmem:s30], [sflag:$0x2] =	stream.indirect.gather [hbm4b:s0+s17], $0x1, s19, s17, $0xb8;
	[tilespmem:$0x4900] =	vst v63  }
.LBB2_4:
0x44: {  	s0 =	sand.u32 $0x70, s31;
	p0 =	sne.s32 s31, $0x3F0;
	s31 =	sadd.s32 $0x10, s31  }
.Ltmp1:
0x45: {  	s28 =	sand.u32 $0x700000, s2;
	s0 =	sadd.s32 s1, s0;
	(pc) =	sbr.rel @p0 .LBB2_4-.Ltmp1, $4  }
0x46: {  	s30 =	sadd.s32 $0x80, s30;
	s0 =	sadd.s32 s28, s0  }
0x47: {  	[tilespmem:s30], [sflag:$0x2] =	stream.indirect.gather [hbm4b:s0+s17], $0x1, s19, s17, $0xb8;
	[tilespmem:$0x4900] =	vst v63  }
0x48: {  	_ = 	snop  }
0x49: {  	s2 =	sadd.s32 $0x20000, s2  }
0x4a: {  	_ =	swait.ge [sflag:s20], $0x2000  }
0x4b: {  	[sflag:s20] =	ssyncset.done $0x0  }
0x4c: {  	s30 =	simm.s32 $0x900;
	[sflag:s20] =	ssyncadd.s32 $0xFFFFE000  }
0x4d: {  	[hbm4b:s4+s21] =	stream.strided.scatter [tilespmem:s30], [sflag:$0x3], $0x2000, s22, s21, $0x38;
	[tilespmem:$0x4900] =	vst v63  }
0x4e: {  	_ =	swait.ge [sflag:s23], $0x2000  }
0x4f: {  	[sflag:s23] =	ssyncset.done $0x0  }
0x50: {  	[sflag:s23] =	ssyncadd.s32 $0xFFFFE000  }
0x51: {  	v0 =	vld [tilespmem:$0x100]  }
0x52: {  	v1 =	vld [tilespmem:$0x110]  }
0x53: {  	v2 =	vld [tilespmem:$0x120]  }
0x54: {  	v3 =	vld [tilespmem:$0x130]  }
0x55: {  	v5 =	vld [tilespmem:$0x140]  }
0x56: {  	v7 =	vld [tilespmem:$0x150]  }
0x57: {  	v4 =	vshll.u32 v0, $0x3  }
0x58: {  	v48 =	vld [tilespmem:$0x170];
	v0 =	vand.u32 $0x7F, v0;
	v6 =	vshll.u32 v1, $0x3;
	v46 =	vshll.u32 v2, $0x3  }
0x59: {  	v1 =	vand.u32 $0x7F, v1;
	v2 =	vand.u32 $0x7F, v2;
	v47 =	vshll.u32 v3, $0x3  }
0x5a: {  	v3 =	vand.u32 $0x7F, v3;
	v50 =	vshll.u32 v5, $0x3;
	v4 =	vand.u32 $0xFFFFFC00, v4  }
0x5b: {  	v8 =	vld [tilespmem:$0x160];
	v52 =	vshll.u32 v7, $0x3;
	v45 =	vand.u32 $0xFFFFFC00, v6;
	v0 =	vor.u32 v0, v4  }
0x5c: {  	v53 =	vand.u32 $0x7F, v5;
	v6 =	vand.u32 $0xFFFFFC00, v46;
	v1 =	vor.u32 v1, v45;
	[tilespmem:$0x800] =	vst v0  }
0x5d: {  	v60 =	vshll.u32 v48, $0x3;
	v51 =	vand.u32 $0xFFFFFC00, v50;
	v2 =	vor.u32 v2, v6;
	[tilespmem:$0x810] =	vst v1  }
0x5e: {  	v62 =	vand.u32 $0x7F, v48;
	v61 =	vand.u32 $0xFFFFFC00, v60;
	v55 =	vor.u32 v53, v51;
	[tilespmem:$0x820] =	vst v2  }
0x5f: {  	v54 =	vand.u32 $0x7F, v7;
	v49 =	vand.u32 $0xFFFFFC00, v47;
	v63 =	vor.u32 v62, v61;
	[tilespmem:$0x840] =	vst v55  }
0x60: {  	s0 =	simm.s32 $0x0;
	v57 =	vshll.u32 v8, $0x3;
	v0 =	vor.u32 v3, v49;
	v3 =	vand.u32 $0xFFFFFC00, v52;
	[tilespmem:$0x870] =	vst v63  }
0x61: {  	s2 =	sand.u32 $0x70, s0;
	v59 =	vand.u32 $0x7F, v8;
	v58 =	vand.u32 $0xFFFFFC00, v57;
	[tilespmem:$0x830] =	vst v0;
	v56 =	vor.u32 v54, v3  }
0x62: {  	s0 =	sand.u32 $0x700000, s0;
	s2 =	sadd.s32 s1, s2;
	v0 =	vor.u32 v59, v58;
	[tilespmem:$0x850] =	vst v56  }
0x63: {  	s31 =	simm.s32 $0x10;
	s0 =	sadd.s32 s0, s2;
	s2 =	simm.s32 $0x20000;
	[tilespmem:$0x860] =	vst v0  }
0x64: {  	[tilespmem:s30], [sflag:$0x1] =	stream.indirect.gather [hbm4b:s0+s17], $0x1, s18, s17, $0xb8;
	[tilespmem:$0x4900] =	vst v63  }
.LBB2_6:
0x65: {  	s0 =	sand.u32 $0x70, s31;
	p0 =	sne.s32 s31, $0x3F0;
	s31 =	sadd.s32 $0x10, s31  }
.Ltmp2:
0x66: {  	s28 =	sand.u32 $0x700000, s2;
	s0 =	sadd.s32 s1, s0;
	(pc) =	sbr.rel @p0 .LBB2_6-.Ltmp2, $4  }
0x67: {  	s30 =	sadd.s32 $0x80, s30;
	s0 =	sadd.s32 s28, s0  }
0x68: {  	[tilespmem:s30], [sflag:$0x1] =	stream.indirect.gather [hbm4b:s0+s17], $0x1, s18, s17, $0xb8;
	[tilespmem:$0x4900] =	vst v63  }
0x69: {  	_ = 	snop  }
0x6a: {  	s2 =	sadd.s32 $0x20000, s2  }
0x6b: {  	_ =	swait.ge [sflag:s24], $0x2000  }
0x6c: {  	[sflag:s24] =	ssyncset.done $0x0  }
0x6d: {  	s30 =	simm.s32 $0x2900;
	[sflag:s24] =	ssyncadd.s32 $0xFFFFE000  }
0x6e: {  	[hbm4b:s6+s21] =	stream.strided.scatter [tilespmem:s30], [sflag:$0x4], $0x2000, s22, s21, $0x38;
	[tilespmem:$0x4900] =	vst v63  }
0x6f: {  	_ =	swait.ge [sflag:s25], $0x2000  }
0x70: {  	[sflag:s25] =	ssyncset.done $0x0  }
0x71: {  	[sflag:s25] =	ssyncadd.s32 $0xFFFFE000  }
0x72: {  	v0 =	vld [tilespmem:$0x180]  }
0x73: {  	v1 =	vld [tilespmem:$0x190]  }
0x74: {  	v2 =	vld [tilespmem:$0x1A0]  }
0x75: {  	v3 =	vld [tilespmem:$0x1B0]  }
0x76: {  	v5 =	vld [tilespmem:$0x1C0]  }
0x77: {  	v7 =	vld [tilespmem:$0x1D0]  }
0x78: {  	v4 =	vshll.u32 v0, $0x3  }
0x79: {  	v48 =	vld [tilespmem:$0x1F0];
	v0 =	vand.u32 $0x7F, v0;
	v6 =	vshll.u32 v1, $0x3;
	v46 =	vshll.u32 v2, $0x3  }
0x7a: {  	v1 =	vand.u32 $0x7F, v1;
	v2 =	vand.u32 $0x7F, v2;
	v47 =	vshll.u32 v3, $0x3  }
0x7b: {  	v3 =	vand.u32 $0x7F, v3;
	v50 =	vshll.u32 v5, $0x3;
	v4 =	vand.u32 $0xFFFFFC00, v4  }
0x7c: {  	v8 =	vld [tilespmem:$0x1E0];
	v52 =	vshll.u32 v7, $0x3;
	v45 =	vand.u32 $0xFFFFFC00, v6;
	v0 =	vor.u32 v0, v4  }
0x7d: {  	v53 =	vand.u32 $0x7F, v5;
	v6 =	vand.u32 $0xFFFFFC00, v46;
	v1 =	vor.u32 v1, v45;
	[tilespmem:$0x880] =	vst v0  }
0x7e: {  	v60 =	vshll.u32 v48, $0x3;
	v51 =	vand.u32 $0xFFFFFC00, v50;
	v2 =	vor.u32 v2, v6;
	[tilespmem:$0x890] =	vst v1  }
0x7f: {  	v62 =	vand.u32 $0x7F, v48;
	v61 =	vand.u32 $0xFFFFFC00, v60;
	v55 =	vor.u32 v53, v51;
	[tilespmem:$0x8A0] =	vst v2  }
0x80: {  	v54 =	vand.u32 $0x7F, v7;
	v49 =	vand.u32 $0xFFFFFC00, v47;
	v63 =	vor.u32 v62, v61;
	[tilespmem:$0x8C0] =	vst v55  }
0x81: {  	s0 =	simm.s32 $0x0;
	v57 =	vshll.u32 v8, $0x3;
	v0 =	vor.u32 v3, v49;
	v3 =	vand.u32 $0xFFFFFC00, v52;
	[tilespmem:$0x8F0] =	vst v63  }
0x82: {  	s2 =	sand.u32 $0x70, s0;
	v59 =	vand.u32 $0x7F, v8;
	v58 =	vand.u32 $0xFFFFFC00, v57;
	[tilespmem:$0x8B0] =	vst v0;
	v56 =	vor.u32 v54, v3  }
0x83: {  	s0 =	sand.u32 $0x700000, s0;
	s2 =	sadd.s32 s1, s2;
	v0 =	vor.u32 v59, v58;
	[tilespmem:$0x8D0] =	vst v56  }
0x84: {  	s31 =	simm.s32 $0x10;
	s0 =	sadd.s32 s0, s2;
	s2 =	simm.s32 $0x20000;
	[tilespmem:$0x8E0] =	vst v0  }
0x85: {  	[tilespmem:s30], [sflag:$0x2] =	stream.indirect.gather [hbm4b:s0+s17], $0x1, s19, s17, $0xb8;
	[tilespmem:$0x4900] =	vst v63  }
.LBB2_8:
0x86: {  	s0 =	sand.u32 $0x70, s31;
	p0 =	sne.s32 s31, $0x3F0;
	s31 =	sadd.s32 $0x10, s31  }
.Ltmp3:
0x87: {  	s28 =	sand.u32 $0x700000, s2;
	s0 =	sadd.s32 s1, s0;
	(pc) =	sbr.rel @p0 .LBB2_8-.Ltmp3, $4  }
0x88: {  	s30 =	sadd.s32 $0x80, s30;
	s0 =	sadd.s32 s28, s0  }
0x89: {  	[tilespmem:s30], [sflag:$0x2] =	stream.indirect.gather [hbm4b:s0+s17], $0x1, s19, s17, $0xb8;
	[tilespmem:$0x4900] =	vst v63  }
0x8a: {  	_ = 	snop  }
0x8b: {  	s2 =	sadd.s32 $0x20000, s2  }
0x8c: {  	_ =	swait.ge [sflag:s20], $0x2000  }
0x8d: {  	[sflag:s20] =	ssyncset.done $0x0  }
0x8e: {  	s30 =	simm.s32 $0x900;
	[sflag:s20] =	ssyncadd.s32 $0xFFFFE000  }
0x8f: {  	[hbm4b:s7+s21] =	stream.strided.scatter [tilespmem:s30], [sflag:$0x3], $0x2000, s22, s21, $0x38;
	[tilespmem:$0x4900] =	vst v63  }
0x90: {  	_ =	swait.ge [sflag:s23], $0x2000  }
0x91: {  	[sflag:s23] =	ssyncset.done $0x0  }
0x92: {  	[sflag:s23] =	ssyncadd.s32 $0xFFFFE000  }
0x93: {  	v0 =	vld [tilespmem:$0x200]  }
0x94: {  	v1 =	vld [tilespmem:$0x210]  }
0x95: {  	v2 =	vld [tilespmem:$0x220]  }
0x96: {  	v3 =	vld [tilespmem:$0x230]  }
0x97: {  	v5 =	vld [tilespmem:$0x240]  }
0x98: {  	v7 =	vld [tilespmem:$0x250]  }
0x99: {  	v4 =	vshll.u32 v0, $0x3  }
0x9a: {  	v48 =	vld [tilespmem:$0x270];
	v0 =	vand.u32 $0x7F, v0;
	v6 =	vshll.u32 v1, $0x3;
	v46 =	vshll.u32 v2, $0x3  }
0x9b: {  	v1 =	vand.u32 $0x7F, v1;
	v2 =	vand.u32 $0x7F, v2;
	v47 =	vshll.u32 v3, $0x3  }
0x9c: {  	v3 =	vand.u32 $0x7F, v3;
	v50 =	vshll.u32 v5, $0x3;
	v4 =	vand.u32 $0xFFFFFC00, v4  }
0x9d: {  	v8 =	vld [tilespmem:$0x260];
	v52 =	vshll.u32 v7, $0x3;
	v45 =	vand.u32 $0xFFFFFC00, v6;
	v0 =	vor.u32 v0, v4  }
0x9e: {  	v53 =	vand.u32 $0x7F, v5;
	v6 =	vand.u32 $0xFFFFFC00, v46;
	v1 =	vor.u32 v1, v45;
	[tilespmem:$0x800] =	vst v0  }
0x9f: {  	v60 =	vshll.u32 v48, $0x3;
	v51 =	vand.u32 $0xFFFFFC00, v50;
	v2 =	vor.u32 v2, v6;
	[tilespmem:$0x810] =	vst v1  }
0xa0: {  	v62 =	vand.u32 $0x7F, v48;
	v61 =	vand.u32 $0xFFFFFC00, v60;
	v55 =	vor.u32 v53, v51;
	[tilespmem:$0x820] =	vst v2  }
0xa1: {  	v54 =	vand.u32 $0x7F, v7;
	v49 =	vand.u32 $0xFFFFFC00, v47;
	v63 =	vor.u32 v62, v61;
	[tilespmem:$0x840] =	vst v55  }
0xa2: {  	s0 =	simm.s32 $0x0;
	v57 =	vshll.u32 v8, $0x3;
	v0 =	vor.u32 v3, v49;
	v3 =	vand.u32 $0xFFFFFC00, v52;
	[tilespmem:$0x870] =	vst v63  }
0xa3: {  	s2 =	sand.u32 $0x70, s0;
	v59 =	vand.u32 $0x7F, v8;
	v58 =	vand.u32 $0xFFFFFC00, v57;
	[tilespmem:$0x830] =	vst v0;
	v56 =	vor.u32 v54, v3  }
0xa4: {  	s0 =	sand.u32 $0x700000, s0;
	s2 =	sadd.s32 s1, s2;
	v0 =	vor.u32 v59, v58;
	[tilespmem:$0x850] =	vst v56  }
0xa5: {  	s31 =	simm.s32 $0x10;
	s0 =	sadd.s32 s0, s2;
	s2 =	simm.s32 $0x20000;
	[tilespmem:$0x860] =	vst v0  }
0xa6: {  	[tilespmem:s30], [sflag:$0x1] =	stream.indirect.gather [hbm4b:s0+s17], $0x1, s18, s17, $0xb8;
	[tilespmem:$0x4900] =	vst v63  }
.LBB2_10:
0xa7: {  	s0 =	sand.u32 $0x70, s31;
	p0 =	sne.s32 s31, $0x3F0;
	s31 =	sadd.s32 $0x10, s31  }
.Ltmp4:
0xa8: {  	s28 =	sand.u32 $0x700000, s2;
	s0 =	sadd.s32 s1, s0;
	(pc) =	sbr.rel @p0 .LBB2_10-.Ltmp4, $4  }
0xa9: {  	s30 =	sadd.s32 $0x80, s30;
	s0 =	sadd.s32 s28, s0  }
0xaa: {  	[tilespmem:s30], [sflag:$0x1] =	stream.indirect.gather [hbm4b:s0+s17], $0x1, s18, s17, $0xb8;
	[tilespmem:$0x4900] =	vst v63  }
0xab: {  	_ = 	snop  }
0xac: {  	s2 =	sadd.s32 $0x20000, s2  }
0xad: {  	_ =	swait.ge [sflag:s24], $0x2000  }
0xae: {  	[sflag:s24] =	ssyncset.done $0x0  }
0xaf: {  	s30 =	simm.s32 $0x2900;
	[sflag:s24] =	ssyncadd.s32 $0xFFFFE000  }
0xb0: {  	[hbm4b:s8+s21] =	stream.strided.scatter [tilespmem:s30], [sflag:$0x4], $0x2000, s22, s21, $0x38;
	[tilespmem:$0x4900] =	vst v63  }
0xb1: {  	_ =	swait.ge [sflag:s25], $0x2000  }
0xb2: {  	[sflag:s25] =	ssyncset.done $0x0  }
0xb3: {  	[sflag:s25] =	ssyncadd.s32 $0xFFFFE000  }
0xb4: {  	v0 =	vld [tilespmem:$0x280]  }
0xb5: {  	v1 =	vld [tilespmem:$0x290]  }
0xb6: {  	v2 =	vld [tilespmem:$0x2A0]  }
0xb7: {  	v3 =	vld [tilespmem:$0x2B0]  }
0xb8: {  	v5 =	vld [tilespmem:$0x2C0]  }
0xb9: {  	v7 =	vld [tilespmem:$0x2D0]  }
0xba: {  	v4 =	vshll.u32 v0, $0x3  }
0xbb: {  	v48 =	vld [tilespmem:$0x2F0];
	v0 =	vand.u32 $0x7F, v0;
	v6 =	vshll.u32 v1, $0x3;
	v46 =	vshll.u32 v2, $0x3  }
0xbc: {  	v1 =	vand.u32 $0x7F, v1;
	v2 =	vand.u32 $0x7F, v2;
	v47 =	vshll.u32 v3, $0x3  }
0xbd: {  	v3 =	vand.u32 $0x7F, v3;
	v50 =	vshll.u32 v5, $0x3;
	v4 =	vand.u32 $0xFFFFFC00, v4  }
0xbe: {  	v8 =	vld [tilespmem:$0x2E0];
	v52 =	vshll.u32 v7, $0x3;
	v45 =	vand.u32 $0xFFFFFC00, v6;
	v0 =	vor.u32 v0, v4  }
0xbf: {  	v53 =	vand.u32 $0x7F, v5;
	v6 =	vand.u32 $0xFFFFFC00, v46;
	v1 =	vor.u32 v1, v45;
	[tilespmem:$0x880] =	vst v0  }
0xc0: {  	v60 =	vshll.u32 v48, $0x3;
	v51 =	vand.u32 $0xFFFFFC00, v50;
	v2 =	vor.u32 v2, v6;
	[tilespmem:$0x890] =	vst v1  }
0xc1: {  	v62 =	vand.u32 $0x7F, v48;
	v61 =	vand.u32 $0xFFFFFC00, v60;
	v55 =	vor.u32 v53, v51;
	[tilespmem:$0x8A0] =	vst v2  }
0xc2: {  	v54 =	vand.u32 $0x7F, v7;
	v49 =	vand.u32 $0xFFFFFC00, v47;
	v63 =	vor.u32 v62, v61;
	[tilespmem:$0x8C0] =	vst v55  }
0xc3: {  	s0 =	simm.s32 $0x0;
	v57 =	vshll.u32 v8, $0x3;
	v0 =	vor.u32 v3, v49;
	v3 =	vand.u32 $0xFFFFFC00, v52;
	[tilespmem:$0x8F0] =	vst v63  }
0xc4: {  	s2 =	sand.u32 $0x70, s0;
	v59 =	vand.u32 $0x7F, v8;
	v58 =	vand.u32 $0xFFFFFC00, v57;
	[tilespmem:$0x8B0] =	vst v0;
	v56 =	vor.u32 v54, v3  }
0xc5: {  	s0 =	sand.u32 $0x700000, s0;
	s2 =	sadd.s32 s1, s2;
	v0 =	vor.u32 v59, v58;
	[tilespmem:$0x8D0] =	vst v56  }
0xc6: {  	s31 =	simm.s32 $0x10;
	s0 =	sadd.s32 s0, s2;
	s2 =	simm.s32 $0x20000;
	[tilespmem:$0x8E0] =	vst v0  }
0xc7: {  	[tilespmem:s30], [sflag:$0x2] =	stream.indirect.gather [hbm4b:s0+s17], $0x1, s19, s17, $0xb8;
	[tilespmem:$0x4900] =	vst v63  }
.LBB2_12:
0xc8: {  	s0 =	sand.u32 $0x70, s31;
	p0 =	sne.s32 s31, $0x3F0;
	s31 =	sadd.s32 $0x10, s31  }
.Ltmp5:
0xc9: {  	s28 =	sand.u32 $0x700000, s2;
	s0 =	sadd.s32 s1, s0;
	(pc) =	sbr.rel @p0 .LBB2_12-.Ltmp5, $4  }
0xca: {  	s30 =	sadd.s32 $0x80, s30;
	s0 =	sadd.s32 s28, s0  }
0xcb: {  	[tilespmem:s30], [sflag:$0x2] =	stream.indirect.gather [hbm4b:s0+s17], $0x1, s19, s17, $0xb8;
	[tilespmem:$0x4900] =	vst v63  }
0xcc: {  	_ = 	snop  }
0xcd: {  	s2 =	sadd.s32 $0x20000, s2  }
0xce: {  	_ =	swait.ge [sflag:s20], $0x2000  }
0xcf: {  	[sflag:s20] =	ssyncset.done $0x0  }
0xd0: {  	s30 =	simm.s32 $0x900;
	[sflag:s20] =	ssyncadd.s32 $0xFFFFE000  }
0xd1: {  	[hbm4b:s9+s21] =	stream.strided.scatter [tilespmem:s30], [sflag:$0x3], $0x2000, s22, s21, $0x38;
	[tilespmem:$0x4900] =	vst v63  }
0xd2: {  	_ =	swait.ge [sflag:s23], $0x2000  }
0xd3: {  	[sflag:s23] =	ssyncset.done $0x0  }
0xd4: {  	[sflag:s23] =	ssyncadd.s32 $0xFFFFE000  }
0xd5: {  	v0 =	vld [tilespmem:$0x300]  }
0xd6: {  	v1 =	vld [tilespmem:$0x310]  }
0xd7: {  	v2 =	vld [tilespmem:$0x320]  }
0xd8: {  	v3 =	vld [tilespmem:$0x330]  }
0xd9: {  	v5 =	vld [tilespmem:$0x340]  }
0xda: {  	v7 =	vld [tilespmem:$0x350]  }
0xdb: {  	v4 =	vshll.u32 v0, $0x3  }
0xdc: {  	v48 =	vld [tilespmem:$0x370];
	v0 =	vand.u32 $0x7F, v0;
	v6 =	vshll.u32 v1, $0x3;
	v46 =	vshll.u32 v2, $0x3  }
0xdd: {  	v1 =	vand.u32 $0x7F, v1;
	v2 =	vand.u32 $0x7F, v2;
	v47 =	vshll.u32 v3, $0x3  }
0xde: {  	v3 =	vand.u32 $0x7F, v3;
	v50 =	vshll.u32 v5, $0x3;
	v4 =	vand.u32 $0xFFFFFC00, v4  }
0xdf: {  	v8 =	vld [tilespmem:$0x360];
	v52 =	vshll.u32 v7, $0x3;
	v45 =	vand.u32 $0xFFFFFC00, v6;
	v0 =	vor.u32 v0, v4  }
0xe0: {  	v53 =	vand.u32 $0x7F, v5;
	v6 =	vand.u32 $0xFFFFFC00, v46;
	v1 =	vor.u32 v1, v45;
	[tilespmem:$0x800] =	vst v0  }
0xe1: {  	v60 =	vshll.u32 v48, $0x3;
	v51 =	vand.u32 $0xFFFFFC00, v50;
	v2 =	vor.u32 v2, v6;
	[tilespmem:$0x810] =	vst v1  }
0xe2: {  	v62 =	vand.u32 $0x7F, v48;
	v61 =	vand.u32 $0xFFFFFC00, v60;
	v55 =	vor.u32 v53, v51;
	[tilespmem:$0x820] =	vst v2  }
0xe3: {  	v54 =	vand.u32 $0x7F, v7;
	v49 =	vand.u32 $0xFFFFFC00, v47;
	v63 =	vor.u32 v62, v61;
	[tilespmem:$0x840] =	vst v55  }
0xe4: {  	s0 =	simm.s32 $0x0;
	v57 =	vshll.u32 v8, $0x3;
	v0 =	vor.u32 v3, v49;
	v3 =	vand.u32 $0xFFFFFC00, v52;
	[tilespmem:$0x870] =	vst v63  }
0xe5: {  	s2 =	sand.u32 $0x70, s0;
	v59 =	vand.u32 $0x7F, v8;
	v58 =	vand.u32 $0xFFFFFC00, v57;
	[tilespmem:$0x830] =	vst v0;
	v56 =	vor.u32 v54, v3  }
0xe6: {  	s0 =	sand.u32 $0x700000, s0;
	s2 =	sadd.s32 s1, s2;
	v0 =	vor.u32 v59, v58;
	[tilespmem:$0x850] =	vst v56  }
0xe7: {  	s31 =	simm.s32 $0x10;
	s0 =	sadd.s32 s0, s2;
	s2 =	simm.s32 $0x20000;
	[tilespmem:$0x860] =	vst v0  }
0xe8: {  	[tilespmem:s30], [sflag:$0x1] =	stream.indirect.gather [hbm4b:s0+s17], $0x1, s18, s17, $0xb8;
	[tilespmem:$0x4900] =	vst v63  }
.LBB2_14:
0xe9: {  	s0 =	sand.u32 $0x70, s31;
	p0 =	sne.s32 s31, $0x3F0;
	s31 =	sadd.s32 $0x10, s31  }
.Ltmp6:
0xea: {  	s28 =	sand.u32 $0x700000, s2;
	s0 =	sadd.s32 s1, s0;
	(pc) =	sbr.rel @p0 .LBB2_14-.Ltmp6, $4  }
0xeb: {  	s30 =	sadd.s32 $0x80, s30;
	s0 =	sadd.s32 s28, s0  }
0xec: {  	[tilespmem:s30], [sflag:$0x1] =	stream.indirect.gather [hbm4b:s0+s17], $0x1, s18, s17, $0xb8;
	[tilespmem:$0x4900] =	vst v63  }
0xed: {  	_ = 	snop  }
0xee: {  	s2 =	sadd.s32 $0x20000, s2  }
0xef: {  	_ =	swait.ge [sflag:s24], $0x2000  }
0xf0: {  	[sflag:s24] =	ssyncset.done $0x0  }
0xf1: {  	s30 =	simm.s32 $0x2900;
	[sflag:s24] =	ssyncadd.s32 $0xFFFFE000  }
0xf2: {  	[hbm4b:s10+s21] =	stream.strided.scatter [tilespmem:s30], [sflag:$0x4], $0x2000, s22, s21, $0x38;
	[tilespmem:$0x4900] =	vst v63  }
0xf3: {  	_ =	swait.ge [sflag:s25], $0x2000  }
0xf4: {  	[sflag:s25] =	ssyncset.done $0x0  }
0xf5: {  	[sflag:s25] =	ssyncadd.s32 $0xFFFFE000  }
0xf6: {  	v0 =	vld [tilespmem:$0x380]  }
0xf7: {  	v1 =	vld [tilespmem:$0x390]  }
0xf8: {  	v2 =	vld [tilespmem:$0x3A0]  }
0xf9: {  	v3 =	vld [tilespmem:$0x3B0]  }
0xfa: {  	v5 =	vld [tilespmem:$0x3C0]  }
0xfb: {  	v7 =	vld [tilespmem:$0x3D0]  }
0xfc: {  	v4 =	vshll.u32 v0, $0x3  }
0xfd: {  	v48 =	vld [tilespmem:$0x3F0];
	v0 =	vand.u32 $0x7F, v0;
	v6 =	vshll.u32 v1, $0x3;
	v46 =	vshll.u32 v2, $0x3  }
0xfe: {  	v1 =	vand.u32 $0x7F, v1;
	v2 =	vand.u32 $0x7F, v2;
	v47 =	vshll.u32 v3, $0x3  }
0xff: {  	v3 =	vand.u32 $0x7F, v3;
	v50 =	vshll.u32 v5, $0x3;
	v4 =	vand.u32 $0xFFFFFC00, v4  }
0x100: {  	v8 =	vld [tilespmem:$0x3E0];
	v52 =	vshll.u32 v7, $0x3;
	v45 =	vand.u32 $0xFFFFFC00, v6;
	v0 =	vor.u32 v0, v4  }
0x101: {  	v53 =	vand.u32 $0x7F, v5;
	v6 =	vand.u32 $0xFFFFFC00, v46;
	v1 =	vor.u32 v1, v45;
	[tilespmem:$0x880] =	vst v0  }
0x102: {  	v60 =	vshll.u32 v48, $0x3;
	v51 =	vand.u32 $0xFFFFFC00, v50;
	v2 =	vor.u32 v2, v6;
	[tilespmem:$0x890] =	vst v1  }
0x103: {  	v62 =	vand.u32 $0x7F, v48;
	v61 =	vand.u32 $0xFFFFFC00, v60;
	v55 =	vor.u32 v53, v51;
	[tilespmem:$0x8A0] =	vst v2  }
0x104: {  	v54 =	vand.u32 $0x7F, v7;
	v49 =	vand.u32 $0xFFFFFC00, v47;
	v63 =	vor.u32 v62, v61;
	[tilespmem:$0x8C0] =	vst v55  }
0x105: {  	s0 =	simm.s32 $0x0;
	v57 =	vshll.u32 v8, $0x3;
	v0 =	vor.u32 v3, v49;
	v3 =	vand.u32 $0xFFFFFC00, v52;
	[tilespmem:$0x8F0] =	vst v63  }
0x106: {  	s2 =	sand.u32 $0x70, s0;
	v59 =	vand.u32 $0x7F, v8;
	v58 =	vand.u32 $0xFFFFFC00, v57;
	[tilespmem:$0x8B0] =	vst v0;
	v56 =	vor.u32 v54, v3  }
0x107: {  	s0 =	sand.u32 $0x700000, s0;
	s2 =	sadd.s32 s1, s2;
	v0 =	vor.u32 v59, v58;
	[tilespmem:$0x8D0] =	vst v56  }
0x108: {  	s31 =	simm.s32 $0x10;
	s0 =	sadd.s32 s0, s2;
	s2 =	simm.s32 $0x20000;
	[tilespmem:$0x8E0] =	vst v0  }
0x109: {  	[tilespmem:s30], [sflag:$0x2] =	stream.indirect.gather [hbm4b:s0+s17], $0x1, s19, s17, $0xb8;
	[tilespmem:$0x4900] =	vst v63  }
.LBB2_16:
0x10a: {  	s0 =	sand.u32 $0x70, s31;
	p0 =	sne.s32 s31, $0x3F0;
	s31 =	sadd.s32 $0x10, s31  }
.Ltmp7:
0x10b: {  	s28 =	sand.u32 $0x700000, s2;
	s0 =	sadd.s32 s1, s0;
	(pc) =	sbr.rel @p0 .LBB2_16-.Ltmp7, $4  }
0x10c: {  	s30 =	sadd.s32 $0x80, s30;
	s0 =	sadd.s32 s28, s0  }
0x10d: {  	[tilespmem:s30], [sflag:$0x2] =	stream.indirect.gather [hbm4b:s0+s17], $0x1, s19, s17, $0xb8;
	[tilespmem:$0x4900] =	vst v63  }
0x10e: {  	_ = 	snop  }
0x10f: {  	s2 =	sadd.s32 $0x20000, s2  }
0x110: {  	_ =	swait.ge [sflag:s20], $0x2000  }
0x111: {  	[sflag:s20] =	ssyncset.done $0x0  }
0x112: {  	s30 =	simm.s32 $0x900;
	[sflag:s20] =	ssyncadd.s32 $0xFFFFE000  }
0x113: {  	[hbm4b:s11+s21] =	stream.strided.scatter [tilespmem:s30], [sflag:$0x3], $0x2000, s22, s21, $0x38;
	[tilespmem:$0x4900] =	vst v63  }
0x114: {  	_ =	swait.ge [sflag:s23], $0x2000  }
0x115: {  	[sflag:s23] =	ssyncset.done $0x0  }
0x116: {  	[sflag:s23] =	ssyncadd.s32 $0xFFFFE000  }
0x117: {  	v0 =	vld [tilespmem:$0x400]  }
0x118: {  	v1 =	vld [tilespmem:$0x410]  }
0x119: {  	v2 =	vld [tilespmem:$0x420]  }
0x11a: {  	v3 =	vld [tilespmem:$0x430]  }
0x11b: {  	v5 =	vld [tilespmem:$0x440]  }
0x11c: {  	v7 =	vld [tilespmem:$0x450]  }
0x11d: {  	v4 =	vshll.u32 v0, $0x3  }
0x11e: {  	v48 =	vld [tilespmem:$0x470];
	v0 =	vand.u32 $0x7F, v0;
	v6 =	vshll.u32 v1, $0x3;
	v46 =	vshll.u32 v2, $0x3  }
0x11f: {  	v1 =	vand.u32 $0x7F, v1;
	v2 =	vand.u32 $0x7F, v2;
	v47 =	vshll.u32 v3, $0x3  }
0x120: {  	v3 =	vand.u32 $0x7F, v3;
	v50 =	vshll.u32 v5, $0x3;
	v4 =	vand.u32 $0xFFFFFC00, v4  }
0x121: {  	v8 =	vld [tilespmem:$0x460];
	v52 =	vshll.u32 v7, $0x3;
	v45 =	vand.u32 $0xFFFFFC00, v6;
	v0 =	vor.u32 v0, v4  }
0x122: {  	v53 =	vand.u32 $0x7F, v5;
	v6 =	vand.u32 $0xFFFFFC00, v46;
	v1 =	vor.u32 v1, v45;
	[tilespmem:$0x800] =	vst v0  }
0x123: {  	v60 =	vshll.u32 v48, $0x3;
	v51 =	vand.u32 $0xFFFFFC00, v50;
	v2 =	vor.u32 v2, v6;
	[tilespmem:$0x810] =	vst v1  }
0x124: {  	v62 =	vand.u32 $0x7F, v48;
	v61 =	vand.u32 $0xFFFFFC00, v60;
	v55 =	vor.u32 v53, v51;
	[tilespmem:$0x820] =	vst v2  }
0x125: {  	v54 =	vand.u32 $0x7F, v7;
	v49 =	vand.u32 $0xFFFFFC00, v47;
	v63 =	vor.u32 v62, v61;
	[tilespmem:$0x840] =	vst v55  }
0x126: {  	s0 =	simm.s32 $0x0;
	v57 =	vshll.u32 v8, $0x3;
	v0 =	vor.u32 v3, v49;
	v3 =	vand.u32 $0xFFFFFC00, v52;
	[tilespmem:$0x870] =	vst v63  }
0x127: {  	s2 =	sand.u32 $0x70, s0;
	v59 =	vand.u32 $0x7F, v8;
	v58 =	vand.u32 $0xFFFFFC00, v57;
	[tilespmem:$0x830] =	vst v0;
	v56 =	vor.u32 v54, v3  }
0x128: {  	s0 =	sand.u32 $0x700000, s0;
	s2 =	sadd.s32 s1, s2;
	v0 =	vor.u32 v59, v58;
	[tilespmem:$0x850] =	vst v56  }
0x129: {  	s31 =	simm.s32 $0x10;
	s0 =	sadd.s32 s0, s2;
	s2 =	simm.s32 $0x20000;
	[tilespmem:$0x860] =	vst v0  }
0x12a: {  	[tilespmem:s30], [sflag:$0x1] =	stream.indirect.gather [hbm4b:s0+s17], $0x1, s18, s17, $0xb8;
	[tilespmem:$0x4900] =	vst v63  }
.LBB2_18:
0x12b: {  	s0 =	sand.u32 $0x70, s31;
	p0 =	sne.s32 s31, $0x3F0;
	s31 =	sadd.s32 $0x10, s31  }
.Ltmp8:
0x12c: {  	s28 =	sand.u32 $0x700000, s2;
	s0 =	sadd.s32 s1, s0;
	(pc) =	sbr.rel @p0 .LBB2_18-.Ltmp8, $4  }
0x12d: {  	s30 =	sadd.s32 $0x80, s30;
	s0 =	sadd.s32 s28, s0  }
0x12e: {  	[tilespmem:s30], [sflag:$0x1] =	stream.indirect.gather [hbm4b:s0+s17], $0x1, s18, s17, $0xb8;
	[tilespmem:$0x4900] =	vst v63  }
0x12f: {  	_ = 	snop  }
0x130: {  	s2 =	sadd.s32 $0x20000, s2  }
0x131: {  	_ =	swait.ge [sflag:s24], $0x2000  }
0x132: {  	[sflag:s24] =	ssyncset.done $0x0  }
0x133: {  	s30 =	simm.s32 $0x2900;
	[sflag:s24] =	ssyncadd.s32 $0xFFFFE000  }
0x134: {  	[hbm4b:s12+s21] =	stream.strided.scatter [tilespmem:s30], [sflag:$0x4], $0x2000, s22, s21, $0x38;
	[tilespmem:$0x4900] =	vst v63  }
0x135: {  	_ =	swait.ge [sflag:s25], $0x2000  }
0x136: {  	[sflag:s25] =	ssyncset.done $0x0  }
0x137: {  	[sflag:s25] =	ssyncadd.s32 $0xFFFFE000  }
0x138: {  	v0 =	vld [tilespmem:$0x480]  }
0x139: {  	v1 =	vld [tilespmem:$0x490]  }
0x13a: {  	v2 =	vld [tilespmem:$0x4A0]  }
0x13b: {  	v3 =	vld [tilespmem:$0x4B0]  }
0x13c: {  	v5 =	vld [tilespmem:$0x4C0]  }
0x13d: {  	v7 =	vld [tilespmem:$0x4D0]  }
0x13e: {  	v4 =	vshll.u32 v0, $0x3  }
0x13f: {  	v48 =	vld [tilespmem:$0x4F0];
	v0 =	vand.u32 $0x7F, v0;
	v6 =	vshll.u32 v1, $0x3;
	v46 =	vshll.u32 v2, $0x3  }
0x140: {  	v1 =	vand.u32 $0x7F, v1;
	v2 =	vand.u32 $0x7F, v2;
	v47 =	vshll.u32 v3, $0x3  }
0x141: {  	v3 =	vand.u32 $0x7F, v3;
	v50 =	vshll.u32 v5, $0x3;
	v4 =	vand.u32 $0xFFFFFC00, v4  }
0x142: {  	v8 =	vld [tilespmem:$0x4E0];
	v52 =	vshll.u32 v7, $0x3;
	v45 =	vand.u32 $0xFFFFFC00, v6;
	v0 =	vor.u32 v0, v4  }
0x143: {  	v53 =	vand.u32 $0x7F, v5;
	v6 =	vand.u32 $0xFFFFFC00, v46;
	v1 =	vor.u32 v1, v45;
	[tilespmem:$0x880] =	vst v0  }
0x144: {  	v60 =	vshll.u32 v48, $0x3;
	v51 =	vand.u32 $0xFFFFFC00, v50;
	v2 =	vor.u32 v2, v6;
	[tilespmem:$0x890] =	vst v1  }
0x145: {  	v62 =	vand.u32 $0x7F, v48;
	v61 =	vand.u32 $0xFFFFFC00, v60;
	v55 =	vor.u32 v53, v51;
	[tilespmem:$0x8A0] =	vst v2  }
0x146: {  	v54 =	vand.u32 $0x7F, v7;
	v49 =	vand.u32 $0xFFFFFC00, v47;
	v63 =	vor.u32 v62, v61;
	[tilespmem:$0x8C0] =	vst v55  }
0x147: {  	s0 =	simm.s32 $0x0;
	v57 =	vshll.u32 v8, $0x3;
	v0 =	vor.u32 v3, v49;
	v3 =	vand.u32 $0xFFFFFC00, v52;
	[tilespmem:$0x8F0] =	vst v63  }
0x148: {  	s2 =	sand.u32 $0x70, s0;
	v59 =	vand.u32 $0x7F, v8;
	v58 =	vand.u32 $0xFFFFFC00, v57;
	[tilespmem:$0x8B0] =	vst v0;
	v56 =	vor.u32 v54, v3  }
0x149: {  	s0 =	sand.u32 $0x700000, s0;
	s2 =	sadd.s32 s1, s2;
	v0 =	vor.u32 v59, v58;
	[tilespmem:$0x8D0] =	vst v56  }
0x14a: {  	s31 =	simm.s32 $0x10;
	s0 =	sadd.s32 s0, s2;
	s2 =	simm.s32 $0x20000;
	[tilespmem:$0x8E0] =	vst v0  }
0x14b: {  	[tilespmem:s30], [sflag:$0x2] =	stream.indirect.gather [hbm4b:s0+s17], $0x1, s19, s17, $0xb8;
	[tilespmem:$0x4900] =	vst v63  }
.LBB2_20:
0x14c: {  	s0 =	sand.u32 $0x70, s31;
	p0 =	sne.s32 s31, $0x3F0;
	s31 =	sadd.s32 $0x10, s31  }
.Ltmp9:
0x14d: {  	s28 =	sand.u32 $0x700000, s2;
	s0 =	sadd.s32 s1, s0;
	(pc) =	sbr.rel @p0 .LBB2_20-.Ltmp9, $4  }
0x14e: {  	s30 =	sadd.s32 $0x80, s30;
	s0 =	sadd.s32 s28, s0  }
0x14f: {  	[tilespmem:s30], [sflag:$0x2] =	stream.indirect.gather [hbm4b:s0+s17], $0x1, s19, s17, $0xb8;
	[tilespmem:$0x4900] =	vst v63  }
0x150: {  	_ = 	snop  }
0x151: {  	s2 =	sadd.s32 $0x20000, s2  }
0x152: {  	_ =	swait.ge [sflag:s20], $0x2000  }
0x153: {  	[sflag:s20] =	ssyncset.done $0x0  }
0x154: {  	[sflag:s20] =	ssyncadd.s32 $0xFFFFE000  }
0x155: {  	[hbm4b:s13+s21] =	stream.strided.scatter [tilespmem:s26], [sflag:$0x3], $0x2000, s22, s21, $0x38;
	[tilespmem:$0x4900] =	vst v63  }
0x156: {  	_ =	swait.ge [sflag:s24], $0x2000  }
0x157: {  	[sflag:s24] =	ssyncset.done $0x0  }
0x158: {  	s0 =	simm.s32 $0x2900;
	s29 =	sadd.s32 $0x1, s29;
	[sflag:s24] =	ssyncadd.s32 $0xFFFFE000  }
0x159: {  	[hbm4b:s14+s21] =	stream.strided.scatter [tilespmem:s0], [sflag:$0x4], $0x2000, s22, s21, $0x38;
	[tilespmem:$0x4900] =	vst v63  }
0x15a: {  	p0 =	sne.s32 s29, s15;
	_ =	swait.ge [sflag:s23], $0x2000  }
.Ltmp10:
0x15b: {  	[sflag:s23] =	ssyncset.done $0x0;
	(pc) =	sbr.rel @p0 .LBB2_1-.Ltmp10, $4  }
0x15c: {  	[sflag:s23] =	ssyncadd.s32 $0xFFFFE000  }
0x15d: {  	_ =	swait.ge [sflag:s25], $0x2000  }
0x15e: {  	[sflag:s25] =	ssyncset.done $0x0  }
0x15f: {  	[sflag:s25] =	ssyncadd.s32 $0xFFFFE000  }
0x160: {  	_ =	sfence.sel $0x180000  }
0x161: {  	[bflag:$0x0] =	sbarrier.arrive $0xFFFF  }
0x162: {  	_ =	strace $0x90000047  }
0x163: {  	s0 =	stileid.u32;
	[bflag:$0x2] =	sbarrier.arrive $0xFFFF  }
0x164: {  	p0 =	sne.s32 s0, $0x0;
	s0 =	rddreg [dreg:$0x3]  }
0x165: {  	s0 =	sadd.s32 @!p0 $0x100000, s0  }
0x166: {  	[sflag:s0] =	ssyncadd.tile.s32 @!p0 $0x1;
	_ =	shalt  }
.Lfunc_end2:
_tile_overlayer_lowered:
.L_overlay_start_2:
0x167: {  	(tag) =	ssettag $0x2  }
0x168: {  	s0 =	rddreg [dreg:$0x0];
	s2 =	stileid.u32  }
0x169: {  	s1 =	rddreg [dreg:$0x1];
	p0 =	sne.s32 s2, $0x0  }
0x16a: {  	s3 =	rddreg [dreg:$0x2];
	[bflag:$0x3] =	sbarrier.arrive $0xFFFF;
	s2 =	simm.s32 @!p0 $0x1C05  }
0x16b: {  	[timem:s3], [sflag:s2] =	dma.local @!p0 [hbm:s0], s1  }
0x16c: {  	s0 =	simm.s32 @!p0 $0x5  }
0x16d: {  	_ =	swait.ge @!p0 [sflag:s0], s1  }
0x16e: {  	s1 =	ssub.s32 @!p0 $0x0, s1;
	[sflag:s0] =	ssyncset.done @!p0 $0x0  }
0x16f: {  	[sflag:s0] =	ssyncadd.s32 @!p0 s1  }
0x170: {  	[bflag:$0x3] =	sbarrier.arrive $0xFFFF  }
0x171: {  	_ =	shalt  }

// kernel: kernel.13.cloned.1.call-start
scs
__scs_entry_jumppad:
0x0: {  	(pc) =	sbr.rel $0x88, $3  }
0x1: {  	(tag) =	ssettag $0x0;
	lr =	simm.s32 $0x1  }
0x2: {  	[smem:$0x3F96] =	sst lr;
	_ =	strace $0xD0000000  }
0x3: {  	_ = 	snop  }
0x4: {  	_ = 	snop  }
0x5: {  	_ = 	snop  }
0x6: {  	_ = 	snop  }
0x7: {  	_ = 	snop  }
__scs_overlays_trampoline_lowered:
0x8: {  	[smem:$0x3FA5] =	sst s0  }
0x9: {  	[smem:$0x3FA6] =	sst s1  }
0xa: {  	[smem:$0x3FA7] =	sst s2  }
0xb: {  	[smem:$0x3FA8] =	sst s3  }
0xc: {  	[smem:$0x3FA9] =	sst s4  }
0xd: {  	[smem:$0x3FAA] =	sst s5  }
0xe: {  	[smem:$0x3FAB] =	sst s6  }
0xf: {  	[smem:$0x3FAC] =	sst s7  }
0x10: {  	[smem:$0x3FAD] =	sst s8  }
0x11: {  	[smem:$0x3FAE] =	sst s9;
	s0 =	simm.s32 @!p0 $0x0  }
0x12: {  	s1 =	sld [smem:$0x3F94];
	s0 =	simm.s32 @p0 $0x1  }
0x13: {  	[smem:$0x3FAF] =	sst s0;
	s0 =	simm.s32 @!p1 $0x0  }
0x14: {  	s2 =	sld [smem:$0x3F93];
	s0 =	simm.s32 @p1 $0x1  }
0x15: {  	[smem:$0x3FB0] =	sst s0;
	s0 =	simm.s32 @!p2 $0x0  }
0x16: {  	s3 =	sld [smem:$0x3FDB];
	s0 =	simm.s32 @p2 $0x1  }
0x17: {  	s4 =	simm.s32 $0x1BF5;
	[smem:$0x3FB2] =	sst s0  }
0x18: {  	s0 =	sld [smem:$0x3F95];
	_ =	swait.ge [sflag:s4], $0x0  }
0x19: {  	s7 =	sld [smem:$0x3F96]  }
0x1a: {  	s8 =	sadd.s32 $0xFFFFE003, lr  }
0x1b: {  	s9 =	sadd.s32 $0xFFFFFEF7, lr;
	s5 =	simm.s32 $0xFFFFFFFF;
	p2 =	slt.u32 s8, $0xFFFFF086  }
0x1c: {  	p1 =	slt.u32 s9, $0xF7A;
	s5 =	simm.s32 @!p2 $0x0  }
0x1d: {  	s5 =	simm.s32 @p1 $0x1;
	p0 =	seq.s32 s7, s2  }
0x1e: {  	s7 =	smul.u32 @!p0 $0xF7A, s2;
	p2 =	seq.s32 @!p0 s5, $0x0  }
0x1f: {  	s9 =	smul.u32 $0xF7A, s1;
	s8 =	simm.s32 @!p0 $0x1BF5;
	p2 =	por !p2, p0  }
0x20: {  	[sflag:s8] =	ssyncset.s32 @!p0 $0xFFFFF086;
	s6 =	sadd.s32 @!p0 s3, s7;
	s7 =	simm.s32 @!p0 $0x108  }
0x21: {  	s3 =	sadd.s32 s3, s9;
	s6 =	sadd.s32 @!p0 $0x88, s6;
	s7 =	simm.s32 @p2 $0x1082  }
0x22: {  	[simem:s7], [sflag:s8] =	dma.local @!p0 [hbm:s6], $0xF7A  }
0x23: {  	s9 =	sor.u32 $0xD0000000, s2;
	s6 =	simm.s32 $0x108;
	_ =	swait.ge @!p0 [sflag:s8], $0x0  }
0x24: {  	s3 =	sadd.s32 $0x88, s3;
	s6 =	simm.s32 @!p1 $0x1082;
	[sflag:s4] =	ssyncset.s32 $0xFFFFF086  }
0x25: {  	[simem:s6], [sflag:s4] =	dma.local [hbm:s3], $0xF7A  }
0x26: {  	[smem:$0x3F96] =	sst s1;
	(tag) =	ssettag s2;
	_ =	strace s9  }
0x27: {  	s1 =	sld [smem:$0x3FA6]  }
0x28: {  	s2 =	sld [smem:$0x3FA7]  }
0x29: {  	s4 =	sld [smem:$0x3FA9]  }
0x2a: {  	p0 =	seq.s32 s5, $0x0;
	s5 =	sld [smem:$0x3FAA]  }
0x2b: {  	s6 =	sld [smem:$0x3FAB]  }
0x2c: {  	s7 =	sld [smem:$0x3FAC]  }
0x2d: {  	s3 =	simm.s32 $0x108;
	s8 =	sld [smem:$0x3FAD]  }
0x2e: {  	s3 =	simm.s32 @!p0 $0x1082;
	s9 =	sld [smem:$0x3FAE]  }
0x2f: {  	lr =	sadd.s32 s0, s3;
	s0 =	sld [smem:$0x3FA5]  }
0x30: {  	s3 =	sld [smem:$0x3FA8]  }
0x31: {  	[smem:$0x3FB1] =	sst s10  }
0x32: {  	s10 =	sld [smem:$0x3FAF];
	_ =	sdelay $0x3  }
0x33: {  	p0 =	seq.s32 s10, $0x1;
	s10 =	sld [smem:$0x3FB1];
	_ =	sdelay $0x3  }
0x34: {  	[smem:$0x3FB1] =	sst s10  }
0x35: {  	s10 =	sld [smem:$0x3FB0];
	_ =	sdelay $0x3  }
0x36: {  	p1 =	seq.s32 s10, $0x1;
	s10 =	sld [smem:$0x3FB1];
	_ =	sdelay $0x3  }
0x37: {  	[smem:$0x3FB1] =	sst s10  }
0x38: {  	s10 =	sld [smem:$0x3FB2]  }
0x39: {  	_ = 	snop;
	(pc) =	sbr.ind lr, $3  }
0x3a: {  	_ = 	snop  }
0x3b: {  	_ = 	snop  }
0x3c: {  	p2 =	seq.s32 s10, $0x1;
	s10 =	sld [smem:$0x3FB1]  }
0x3d: {  	_ =	shalt  }
0x3e: {  	_ =	shalt  }
0x3f: {  	_ =	shalt  }
0x40: {  	_ =	shalt  }
0x41: {  	_ =	shalt  }
0x42: {  	_ =	shalt  }
0x43: {  	_ =	shalt  }
0x44: {  	_ =	shalt  }
0x45: {  	_ =	shalt  }
0x46: {  	_ =	shalt  }
0x47: {  	_ =	shalt  }
0x48: {  	_ =	shalt  }
0x49: {  	_ =	shalt  }
0x4a: {  	_ =	shalt  }
0x4b: {  	_ =	shalt  }
0x4c: {  	_ =	shalt  }
0x4d: {  	_ =	shalt  }
0x4e: {  	_ =	shalt  }
0x4f: {  	_ =	shalt  }
0x50: {  	_ =	shalt  }
0x51: {  	_ =	shalt  }
0x52: {  	_ =	shalt  }
0x53: {  	_ =	shalt  }
0x54: {  	_ =	shalt  }
0x55: {  	_ =	shalt  }
0x56: {  	_ =	shalt  }
0x57: {  	_ =	shalt  }
0x58: {  	_ =	shalt  }
0x59: {  	_ =	shalt  }
0x5a: {  	_ =	shalt  }
0x5b: {  	_ =	shalt  }
0x5c: {  	_ =	shalt  }
0x5d: {  	_ =	shalt  }
0x5e: {  	_ =	shalt  }
0x5f: {  	_ =	shalt  }
0x60: {  	_ =	shalt  }
0x61: {  	_ =	shalt  }
0x62: {  	_ =	shalt  }
0x63: {  	_ =	shalt  }
0x64: {  	_ =	shalt  }
0x65: {  	_ =	shalt  }
0x66: {  	_ =	shalt  }
0x67: {  	_ =	shalt  }
0x68: {  	_ =	shalt  }
0x69: {  	_ =	shalt  }
0x6a: {  	_ =	shalt  }
0x6b: {  	_ =	shalt  }
0x6c: {  	_ =	shalt  }
0x6d: {  	_ =	shalt  }
0x6e: {  	_ =	shalt  }
0x6f: {  	_ =	shalt  }
0x70: {  	_ =	shalt  }
0x71: {  	_ =	shalt  }
0x72: {  	_ =	shalt  }
0x73: {  	_ =	shalt  }
0x74: {  	_ =	shalt  }
0x75: {  	_ =	shalt  }
0x76: {  	_ =	shalt  }
0x77: {  	_ =	shalt  }
0x78: {  	_ =	shalt  }
0x79: {  	_ =	shalt  }
0x7a: {  	_ =	shalt  }
0x7b: {  	_ =	shalt  }
0x7c: {  	_ =	shalt  }
0x7d: {  	_ =	shalt  }
0x7e: {  	_ =	shalt  }
0x7f: {  	_ =	shalt  }
0x80: {  	_ =	shalt  }
0x81: {  	_ =	shalt  }
0x82: {  	_ =	shalt  }
0x83: {  	_ =	shalt  }
0x84: {  	_ =	shalt  }
0x85: {  	_ =	shalt  }
0x86: {  	_ =	shalt  }
0x87: {  	_ =	shalt  }
.Lfunc_end0:
.L_simem_size_0:
called_computation.1_lowered:
.L_overlay_start_0:
0x88: {  	s2 =	sld [smem:$0x3FD9]  }
0x89: {  	s3 =	sld [smem:$0x3FFE];
	_ =	sdelay $0x1  }
0x8a: {  	s1 =	srdreg.scid  }
0x8b: {  	s0 =	sand.u32 $0x1, s1  }
0x8c: {  	s17 =	sshll.u32 s0, $0xA;
	s2 =	sadd.s32 s3, s2  }
0x8d: {  	s2 =	sadd.s32 s2, s17  }
0x8e: {  	[smem:$0x3FBD] =	sst s2  }
0x8f: {  	_ = 	snop  }
0x90: {  	s18 =	sld [smem:$0x3FC7];
	(tm) =	ssettm $0x1  }
0x91: {  	s19 =	sld [smem:$0x3FFB];
	_ =	sdelay $0x3  }
0x92: {  	_ =	strace s19  }
0x93: {  	s2 =	sld [smem:$0x3FFC];
	_ =	sdelay $0x3  }
0x94: {  	_ =	strace s2  }
0x95: {  	s2 =	sld [smem:$0x3FFD];
	_ =	sdelay $0x3  }
0x96: {  	_ =	strace s2  }
0x97: {  	_ =	strace $0x8FFFFFFF  }
0x98: {  	s20 =	sld [smem:$0x3FDB];
	_ =	sdelay $0x1  }
0x99: {  	s4 =	simm.s32 $_scs_section_size  }
0x9a: {  	s5 =	simm.s32 $_size__tile_overlayer_lowered;
	s6 =	simm.s32 $_tile_overlayer_lowered  }
0x9b: {  	s7 =	simm.s32 $0x1BFF;
	s21 =	sshll.u32 s6, $0x1;
	s4 =	sadd.s32 s4, s20  }
0x9c: {  	s22 =	simm.s32 $0x0;
	s5 =	sshll.u32 s5, $0x1;
	s6 =	sadd.s32 s21, s4  }
0x9d: {  	[timem:s22], [sflag:s7] =	dma.local [hbm:s6], s5  }
0x9e: {  	_ =	swait.ge [sflag:s7], s5  }
0x9f: {  	s5 =	ssub.s32 $0x0, s5;
	[sflag:s7] =	ssyncset.done $0x0  }
0xa0: {  	[sflag:s7] =	ssyncadd.s32 s5;
	_ =	sdelay $0x1  }
0xa1: {  	s23 =	simm.s32 $0x1B8B  }
0xa2: {  	_ =	swait.ge [sflag:s23], $0x1  }
0xa3: {  	[sflag:s23] =	ssyncset.done $0x0  }
0xa4: {  	[sflag:s23] =	ssyncadd.s32 $0xFFFFFFFF  }
0xa5: {  	s5 =	sld [smem:$0x0]  }
0xa6: {  	s6 =	sand.u32 $0xFFFFFFFE, s1  }
0xa7: {  	p0 =	sne.s32 s1, s6  }
0xa8: {  	s6 =	sshll.u32 @p0 s6, $0xE  }
0xa9: {  	s6 =	sadd.s32 @p0 $0x11B8D, s6;
	s7 =	sshll.u32 @p0 s5, $0x11  }
0xaa: {  	s6 =	sor.u32 @p0 s7, s6  }
0xab: {  	[sflag:s6] =	ssyncadd.remote.s32 @p0 $0x1;
	_ =	sdelay $0x1  }
0xac: {  	s6 =	simm.s32 @p0 $0x1B8D  }
0xad: {  	_ =	swait.eq @p0 [sflag:s6], $0x1  }
0xae: {  	[sflag:s6] =	ssyncadd.s32 @p0 $0xFFFFFFFF  }
0xaf: {  	s7 =	sshll.u32 @!p0 s1, $0xE  }
0xb0: {  	s7 =	sor.u32 @!p0 $0x4000, s7;
	s6 =	simm.s32 @!p0 $0x1B8D  }
0xb1: {  	s5 =	sshll.u32 @!p0 s5, $0x11;
	s7 =	sadd.s32 @!p0 $0x11B8D, s7;
	_ =	swait.eq @!p0 [sflag:s6], $0x1  }
0xb2: {  	s5 =	sor.u32 @!p0 s5, s7;
	[sflag:s6] =	ssyncadd.s32 @!p0 $0xFFFFFFFF  }
0xb3: {  	s25 =	simm.s32 $0x1B8E;
	s24 =	sld [smem:$0x3FFE];
	[sflag:s5] =	ssyncadd.remote.s32 @!p0 $0x1  }
0xb4: {  	s26 =	simm.s32 $execute0_lowered;
	[smem:$0x3FD2] =	sst s25  }
0xb5: {  	s6 =	sshll.u32 s26, $0x1;
	_ =	strace $0x80000049;
	[dreg:$0x1] =	wrdreg $0xFFFFFFFF  }
0xb6: {  	s28 =	simm.s32 $_size_execute0_lowered;
	s4 =	sadd.s32 s4, s6;
	[dreg:$0x0] =	wrdreg $0x0  }
0xb7: {  	s6 =	sshll.u32 s28, $0x1;
	[dreg:$0x2] =	wrdreg s4  }
0xb8: {  	[dreg:$0x3] =	wrdreg s6  }
0xb9: {  	[dreg:$0x4] =	wrdreg $0xC0  }
0xba: {  	_ =	task [dreg:s22], $0x5FFFF  }
0xbb: {  	[dreg:$0x1] =	wrdreg $0xFFFFFFFF  }
0xbc: {  	[dreg:$0x0] =	wrdreg $0x60  }
0xbd: {  	[dreg:$0x2] =	wrdreg s18  }
0xbe: {  	[dreg:$0x3] =	wrdreg s24  }
0xbf: {  	[dreg:$0x4] =	wrdreg $0xA  }
0xc0: {  	_ =	task.clear_ibuf [dreg:s22], $0x5FFFF;
	_ =	strace $0x90000049  }
0xc1: {  	s29 =	simm.s32 $0xA;
	_ =	strace $0x8000004B  }
0xc2: {  	_ =	swait.ge [sflag:s29], $0x1  }
0xc3: {  	[sflag:s29] =	ssyncadd.s32 $0xFFFFFFFF  }
0xc4: {  	_ =	strace $0x9000004B  }
0xc5: {  	_ =	sfence  }
0xc6: {  	s30 =	sld [smem:$0x0];
	_ =	sdelay $0x2  }
0xc7: {  	s31 =	sshll.u32 s1, $0xD;
	s1 =	sshrl.u32 s1, $0x2  }
0xc8: {  	s4 =	sand.u32 $0x4000, s31;
	s1 =	sadd.s32 s1, s30  }
0xc9: {  	s0 =	sor.u32 s4, s0;
	s1 =	sshll.u32 s1, $0x11  }
0xca: {  	s0 =	sor.u32 s1, s0  }
0xcb: {  	s0 =	sadd.s32 $0x8F2B, s0  }
0xcc: {  	[sflag:s0] =	ssyncadd.remote.s32 $0x1  }
0xcd: {  	_ =	sfence.sel $0xFFFF  }
0xce: {  	[dreg:$0x0] =	wrdreg $0xFFFFFFFF;
	(pc) =	sbr.abs _section_cstart, $3  }
0xcf: {  	[dreg:$0x1] =	wrdreg $0xFFFFFFFF  }
0xd0: {  	_ =	task.clear_ibuf [dreg:s22], $0x2FFFF;
	_ =	strace $0x9FFFFFFF  }
0xd1: {  	(tm) =	ssettm $0x7FFFFFFF  }
tec
execute0_lowered:
.L_overlay_start_1:
0x0: {  	(tag) =	ssettag $0x1  }
0x1: {  	s1 =	srdreg.scid;
	s2 =	rddreg [dreg:$0x0]  }
0x2: {  	s0 =	stileid.u32;
	s5 =	rddreg [dreg:$0x1]  }
0x3: {  	s3 =	simm.s32 $0x0;
	s11 =	simm.s32 $0x80;
	s12 =	simm.s32 $0x200  }
0x4: {  	s13 =	simm.s32 $0x280;
	s14 =	simm.s32 $0x1;
	s15 =	simm.s32 $0x400  }
0x5: {  	s16 =	simm.s32 $0x20000;
	s17 =	simm.s32 $0x3;
	s18 =	simm.s32 $0x2  }
0x6: {  	s19 =	simm.s32 $0x4;
	s20 =	simm.s32 $0x300;
	s21 =	simm.s32 $0x2300  }
0x7: {  	s22 =	simm.s32 $0x0;
	s4 =	sand.u32 $0x1, s1;
	s1 =	rddreg [dreg:$0x2]  }
0x8: {  	s6 =	sshll.u32 s0, $0xA;
	[smem:$0x7FF] =	sst s3;
	s7 =	sshll.u32 s4, $0x9  }
0x9: {  	s4 =	ssub.s32 $0x2, s4;
	_ =	strace $0x8000004A;
	s6 =	sor.u32 s7, s6  }
0xa: {  	s8 =	sshrl.u32 s4, $0x1;
	s7 =	sshrl.u32 s6, $0x3;
	s9 =	sadd.s32 s6, s5  }
0xb: {  	s10 =	ssub.s32 s4, s8;
	s7 =	sadd.s32 s7, s5;
	s5 =	sadd.s32 $0x54C00, s9  }
0xc: {  	s6 =	sadd.s32 $0x54C80, s9;
	s8 =	sadd.s32 $0x54D80, s9;
	s4 =	sadd.s32 $0x54400, s7  }
0xd: {  	s7 =	sadd.s32 $0x54D00, s9;
	s9 =	smax.u32 s10, $0x1;
	s10 =	simm.s32 $0x5  }
.LBB2_1:
0xe: {  	[tilespmem:s3], [sflag:$0x5] =	stream.linear.gather [hbm4b:s4+s3], $0x200, $0x38;
	[tilespmem:$0x4300] =	vst v63  }
0xf: {  	_ =	swait.ge [sflag:s10], $0x200  }
0x10: {  	[sflag:s10] =	ssyncset.done $0x0  }
0x11: {  	[sflag:s10] =	ssyncadd.s32 $0xFFFFFE00  }
0x12: {  	v0 =	vld [tilespmem:$0x0]  }
0x13: {  	v1 =	vld [tilespmem:$0x10]  }
0x14: {  	v2 =	vld [tilespmem:$0x20]  }
0x15: {  	v3 =	vld [tilespmem:$0x30]  }
0x16: {  	v5 =	vld [tilespmem:$0x40]  }
0x17: {  	v7 =	vld [tilespmem:$0x50]  }
0x18: {  	v4 =	vshll.u32 v0, $0x3  }
0x19: {  	v48 =	vld [tilespmem:$0x70];
	v0 =	vand.u32 $0x7F, v0;
	v6 =	vshll.u32 v1, $0x3;
	v46 =	vshll.u32 v2, $0x3  }
0x1a: {  	v1 =	vand.u32 $0x7F, v1;
	v2 =	vand.u32 $0x7F, v2;
	v47 =	vshll.u32 v3, $0x3  }
0x1b: {  	v3 =	vand.u32 $0x7F, v3;
	v50 =	vshll.u32 v5, $0x3;
	v4 =	vand.u32 $0xFFFFFC00, v4  }
0x1c: {  	v8 =	vld [tilespmem:$0x60];
	v52 =	vshll.u32 v7, $0x3;
	v45 =	vand.u32 $0xFFFFFC00, v6;
	v0 =	vor.u32 v0, v4  }
0x1d: {  	v53 =	vand.u32 $0x7F, v5;
	v6 =	vand.u32 $0xFFFFFC00, v46;
	v1 =	vor.u32 v1, v45;
	[tilespmem:$0x200] =	vst v0  }
0x1e: {  	v60 =	vshll.u32 v48, $0x3;
	v51 =	vand.u32 $0xFFFFFC00, v50;
	v2 =	vor.u32 v2, v6;
	[tilespmem:$0x210] =	vst v1  }
0x1f: {  	v62 =	vand.u32 $0x7F, v48;
	v61 =	vand.u32 $0xFFFFFC00, v60;
	v55 =	vor.u32 v53, v51;
	[tilespmem:$0x220] =	vst v2  }
0x20: {  	v54 =	vand.u32 $0x7F, v7;
	v49 =	vand.u32 $0xFFFFFC00, v47;
	v63 =	vor.u32 v62, v61;
	[tilespmem:$0x240] =	vst v55  }
0x21: {  	v57 =	vshll.u32 v8, $0x3;
	v0 =	vor.u32 v3, v49;
	v3 =	vand.u32 $0xFFFFFC00, v52;
	[tilespmem:$0x270] =	vst v63  }
0x22: {  	s23 =	sand.u32 $0x70, s3;
	v59 =	vand.u32 $0x7F, v8;
	v58 =	vand.u32 $0xFFFFFC00, v57;
	[tilespmem:$0x230] =	vst v0;
	v56 =	vor.u32 v54, v3  }
0x23: {  	s24 =	sand.u32 $0x700000, s3;
	s23 =	sadd.s32 s2, s23;
	v0 =	vor.u32 v59, v58;
	[tilespmem:$0x250] =	vst v56  }
0x24: {  	s23 =	sadd.s32 s24, s23;
	[tilespmem:$0x260] =	vst v0  }
0x25: {  	[tilespmem:s20], [sflag:$0x1] =	stream.indirect.gather [hbm4b:s23+s11], $0x1, s12, s11, $0xb8;
	[tilespmem:$0x4300] =	vst v63  }
0x26: {  	s25 =	simm.s32 $0x300;
	s24 =	simm.s32 $0x20000;
	s23 =	simm.s32 $0x10  }
.LBB2_2:
0x27: {  	s26 =	sand.u32 $0x70, s23;
	p0 =	sne.s32 s23, $0x3F0;
	s23 =	sadd.s32 $0x10, s23  }
.Ltmp0:
0x28: {  	s28 =	sand.u32 $0x700000, s24;
	s26 =	sadd.s32 s2, s26;
	(pc) =	sbr.rel @p0 .LBB2_2-.Ltmp0, $4  }
0x29: {  	s25 =	sadd.s32 $0x80, s25;
	s26 =	sadd.s32 s28, s26  }
0x2a: {  	[tilespmem:s25], [sflag:$0x1] =	stream.indirect.gather [hbm4b:s26+s11], $0x1, s12, s11, $0xb8;
	[tilespmem:$0x4300] =	vst v63  }
0x2b: {  	_ = 	snop  }
0x2c: {  	s24 =	sadd.s32 $0x20000, s24  }
0x2d: {  	v0 =	vld [tilespmem:$0x80]  }
0x2e: {  	v1 =	vld [tilespmem:$0x90]  }
0x2f: {  	v2 =	vld [tilespmem:$0xA0]  }
0x30: {  	v3 =	vld [tilespmem:$0xB0]  }
0x31: {  	v5 =	vld [tilespmem:$0xC0]  }
0x32: {  	v7 =	vld [tilespmem:$0xD0]  }
0x33: {  	v4 =	vshll.u32 v0, $0x3  }
0x34: {  	v48 =	vld [tilespmem:$0xF0];
	v0 =	vand.u32 $0x7F, v0;
	v6 =	vshll.u32 v1, $0x3;
	v46 =	vshll.u32 v2, $0x3  }
0x35: {  	v1 =	vand.u32 $0x7F, v1;
	v2 =	vand.u32 $0x7F, v2;
	v47 =	vshll.u32 v3, $0x3  }
0x36: {  	v3 =	vand.u32 $0x7F, v3;
	v50 =	vshll.u32 v5, $0x3;
	v4 =	vand.u32 $0xFFFFFC00, v4  }
0x37: {  	v8 =	vld [tilespmem:$0xE0];
	v52 =	vshll.u32 v7, $0x3;
	v45 =	vand.u32 $0xFFFFFC00, v6;
	v0 =	vor.u32 v0, v4  }
0x38: {  	v53 =	vand.u32 $0x7F, v5;
	v6 =	vand.u32 $0xFFFFFC00, v46;
	v1 =	vor.u32 v1, v45;
	[tilespmem:$0x280] =	vst v0  }
0x39: {  	v60 =	vshll.u32 v48, $0x3;
	v51 =	vand.u32 $0xFFFFFC00, v50;
	v2 =	vor.u32 v2, v6;
	[tilespmem:$0x290] =	vst v1  }
0x3a: {  	v62 =	vand.u32 $0x7F, v48;
	v61 =	vand.u32 $0xFFFFFC00, v60;
	v55 =	vor.u32 v53, v51;
	[tilespmem:$0x2A0] =	vst v2  }
0x3b: {  	v54 =	vand.u32 $0x7F, v7;
	v49 =	vand.u32 $0xFFFFFC00, v47;
	v63 =	vor.u32 v62, v61;
	[tilespmem:$0x2C0] =	vst v55  }
0x3c: {  	s23 =	simm.s32 $0x0;
	v57 =	vshll.u32 v8, $0x3;
	v0 =	vor.u32 v3, v49;
	v3 =	vand.u32 $0xFFFFFC00, v52;
	[tilespmem:$0x2F0] =	vst v63  }
0x3d: {  	s24 =	sand.u32 $0x70, s23;
	v59 =	vand.u32 $0x7F, v8;
	v58 =	vand.u32 $0xFFFFFC00, v57;
	[tilespmem:$0x2B0] =	vst v0;
	v56 =	vor.u32 v54, v3  }
0x3e: {  	s25 =	sand.u32 $0x700000, s23;
	s24 =	sadd.s32 s2, s24;
	v0 =	vor.u32 v59, v58;
	[tilespmem:$0x2D0] =	vst v56  }
0x3f: {  	s23 =	simm.s32 $0x2300;
	s24 =	sadd.s32 s25, s24;
	[tilespmem:$0x2E0] =	vst v0  }
0x40: {  	[tilespmem:s23], [sflag:$0x2] =	stream.indirect.gather [hbm4b:s24+s11], $0x1, s13, s11, $0xb8;
	[tilespmem:$0x4300] =	vst v63  }
0x41: {  	s25 =	simm.s32 $0x20000;
	s24 =	simm.s32 $0x10  }
.LBB2_4:
0x42: {  	s26 =	sand.u32 $0x70, s24;
	p0 =	sne.s32 s24, $0x3F0;
	s24 =	sadd.s32 $0x10, s24  }
.Ltmp1:
0x43: {  	s28 =	sand.u32 $0x700000, s25;
	s26 =	sadd.s32 s2, s26;
	(pc) =	sbr.rel @p0 .LBB2_4-.Ltmp1, $4  }
0x44: {  	s23 =	sadd.s32 $0x80, s23;
	s26 =	sadd.s32 s28, s26  }
0x45: {  	[tilespmem:s23], [sflag:$0x2] =	stream.indirect.gather [hbm4b:s26+s11], $0x1, s13, s11, $0xb8;
	[tilespmem:$0x4300] =	vst v63  }
0x46: {  	_ = 	snop  }
0x47: {  	s25 =	sadd.s32 $0x20000, s25  }
0x48: {  	_ =	swait.ge [sflag:s14], $0x2000  }
0x49: {  	[sflag:s14] =	ssyncset.done $0x0  }
0x4a: {  	s23 =	simm.s32 $0x300;
	[sflag:s14] =	ssyncadd.s32 $0xFFFFE000  }
0x4b: {  	[hbm4b:s5+s15] =	stream.strided.scatter [tilespmem:s23], [sflag:$0x3], $0x2000, s16, s15, $0x38;
	[tilespmem:$0x4300] =	vst v63  }
0x4c: {  	_ =	swait.ge [sflag:s17], $0x2000  }
0x4d: {  	[sflag:s17] =	ssyncset.done $0x0  }
0x4e: {  	[sflag:s17] =	ssyncadd.s32 $0xFFFFE000  }
0x4f: {  	v0 =	vld [tilespmem:$0x100]  }
0x50: {  	v1 =	vld [tilespmem:$0x110]  }
0x51: {  	v2 =	vld [tilespmem:$0x120]  }
0x52: {  	v3 =	vld [tilespmem:$0x130]  }
0x53: {  	v5 =	vld [tilespmem:$0x140]  }
0x54: {  	v7 =	vld [tilespmem:$0x150]  }
0x55: {  	v4 =	vshll.u32 v0, $0x3  }
0x56: {  	v48 =	vld [tilespmem:$0x170];
	v0 =	vand.u32 $0x7F, v0;
	v6 =	vshll.u32 v1, $0x3;
	v46 =	vshll.u32 v2, $0x3  }
0x57: {  	v1 =	vand.u32 $0x7F, v1;
	v2 =	vand.u32 $0x7F, v2;
	v47 =	vshll.u32 v3, $0x3  }
0x58: {  	v3 =	vand.u32 $0x7F, v3;
	v50 =	vshll.u32 v5, $0x3;
	v4 =	vand.u32 $0xFFFFFC00, v4  }
0x59: {  	v8 =	vld [tilespmem:$0x160];
	v52 =	vshll.u32 v7, $0x3;
	v45 =	vand.u32 $0xFFFFFC00, v6;
	v0 =	vor.u32 v0, v4  }
0x5a: {  	v53 =	vand.u32 $0x7F, v5;
	v6 =	vand.u32 $0xFFFFFC00, v46;
	v1 =	vor.u32 v1, v45;
	[tilespmem:$0x200] =	vst v0  }
0x5b: {  	v60 =	vshll.u32 v48, $0x3;
	v51 =	vand.u32 $0xFFFFFC00, v50;
	v2 =	vor.u32 v2, v6;
	[tilespmem:$0x210] =	vst v1  }
0x5c: {  	v62 =	vand.u32 $0x7F, v48;
	v61 =	vand.u32 $0xFFFFFC00, v60;
	v55 =	vor.u32 v53, v51;
	[tilespmem:$0x220] =	vst v2  }
0x5d: {  	v54 =	vand.u32 $0x7F, v7;
	v49 =	vand.u32 $0xFFFFFC00, v47;
	v63 =	vor.u32 v62, v61;
	[tilespmem:$0x240] =	vst v55  }
0x5e: {  	s24 =	simm.s32 $0x0;
	v57 =	vshll.u32 v8, $0x3;
	v0 =	vor.u32 v3, v49;
	v3 =	vand.u32 $0xFFFFFC00, v52;
	[tilespmem:$0x270] =	vst v63  }
0x5f: {  	s25 =	sand.u32 $0x70, s24;
	v59 =	vand.u32 $0x7F, v8;
	v58 =	vand.u32 $0xFFFFFC00, v57;
	[tilespmem:$0x230] =	vst v0;
	v56 =	vor.u32 v54, v3  }
0x60: {  	s24 =	sand.u32 $0x700000, s24;
	s25 =	sadd.s32 s2, s25;
	v0 =	vor.u32 v59, v58;
	[tilespmem:$0x250] =	vst v56  }
0x61: {  	s24 =	sadd.s32 s24, s25;
	[tilespmem:$0x260] =	vst v0  }
0x62: {  	[tilespmem:s23], [sflag:$0x1] =	stream.indirect.gather [hbm4b:s24+s11], $0x1, s12, s11, $0xb8;
	[tilespmem:$0x4300] =	vst v63  }
0x63: {  	s25 =	simm.s32 $0x20000;
	s24 =	simm.s32 $0x10  }
.LBB2_6:
0x64: {  	s26 =	sand.u32 $0x70, s24;
	p0 =	sne.s32 s24, $0x3F0;
	s24 =	sadd.s32 $0x10, s24  }
.Ltmp2:
0x65: {  	s28 =	sand.u32 $0x700000, s25;
	s26 =	sadd.s32 s2, s26;
	(pc) =	sbr.rel @p0 .LBB2_6-.Ltmp2, $4  }
0x66: {  	s23 =	sadd.s32 $0x80, s23;
	s26 =	sadd.s32 s28, s26  }
0x67: {  	[tilespmem:s23], [sflag:$0x1] =	stream.indirect.gather [hbm4b:s26+s11], $0x1, s12, s11, $0xb8;
	[tilespmem:$0x4300] =	vst v63  }
0x68: {  	_ = 	snop  }
0x69: {  	s25 =	sadd.s32 $0x20000, s25  }
0x6a: {  	_ =	swait.ge [sflag:s18], $0x2000  }
0x6b: {  	[sflag:s18] =	ssyncset.done $0x0  }
0x6c: {  	s23 =	simm.s32 $0x2300;
	[sflag:s18] =	ssyncadd.s32 $0xFFFFE000  }
0x6d: {  	[hbm4b:s6+s15] =	stream.strided.scatter [tilespmem:s23], [sflag:$0x4], $0x2000, s16, s15, $0x38;
	[tilespmem:$0x4300] =	vst v63  }
0x6e: {  	_ =	swait.ge [sflag:s19], $0x2000  }
0x6f: {  	[sflag:s19] =	ssyncset.done $0x0  }
0x70: {  	[sflag:s19] =	ssyncadd.s32 $0xFFFFE000  }
0x71: {  	v0 =	vld [tilespmem:$0x180]  }
0x72: {  	v1 =	vld [tilespmem:$0x190]  }
0x73: {  	v2 =	vld [tilespmem:$0x1A0]  }
0x74: {  	v3 =	vld [tilespmem:$0x1B0]  }
0x75: {  	v5 =	vld [tilespmem:$0x1C0]  }
0x76: {  	v7 =	vld [tilespmem:$0x1D0]  }
0x77: {  	v4 =	vshll.u32 v0, $0x3  }
0x78: {  	v48 =	vld [tilespmem:$0x1F0];
	v0 =	vand.u32 $0x7F, v0;
	v6 =	vshll.u32 v1, $0x3;
	v46 =	vshll.u32 v2, $0x3  }
0x79: {  	v1 =	vand.u32 $0x7F, v1;
	v2 =	vand.u32 $0x7F, v2;
	v47 =	vshll.u32 v3, $0x3  }
0x7a: {  	v3 =	vand.u32 $0x7F, v3;
	v50 =	vshll.u32 v5, $0x3;
	v4 =	vand.u32 $0xFFFFFC00, v4  }
0x7b: {  	v8 =	vld [tilespmem:$0x1E0];
	v52 =	vshll.u32 v7, $0x3;
	v45 =	vand.u32 $0xFFFFFC00, v6;
	v0 =	vor.u32 v0, v4  }
0x7c: {  	v53 =	vand.u32 $0x7F, v5;
	v6 =	vand.u32 $0xFFFFFC00, v46;
	v1 =	vor.u32 v1, v45;
	[tilespmem:$0x280] =	vst v0  }
0x7d: {  	v60 =	vshll.u32 v48, $0x3;
	v51 =	vand.u32 $0xFFFFFC00, v50;
	v2 =	vor.u32 v2, v6;
	[tilespmem:$0x290] =	vst v1  }
0x7e: {  	v62 =	vand.u32 $0x7F, v48;
	v61 =	vand.u32 $0xFFFFFC00, v60;
	v55 =	vor.u32 v53, v51;
	[tilespmem:$0x2A0] =	vst v2  }
0x7f: {  	v54 =	vand.u32 $0x7F, v7;
	v49 =	vand.u32 $0xFFFFFC00, v47;
	v63 =	vor.u32 v62, v61;
	[tilespmem:$0x2C0] =	vst v55  }
0x80: {  	s24 =	simm.s32 $0x0;
	v57 =	vshll.u32 v8, $0x3;
	v0 =	vor.u32 v3, v49;
	v3 =	vand.u32 $0xFFFFFC00, v52;
	[tilespmem:$0x2F0] =	vst v63  }
0x81: {  	s25 =	sand.u32 $0x70, s24;
	v59 =	vand.u32 $0x7F, v8;
	v58 =	vand.u32 $0xFFFFFC00, v57;
	[tilespmem:$0x2B0] =	vst v0;
	v56 =	vor.u32 v54, v3  }
0x82: {  	s24 =	sand.u32 $0x700000, s24;
	s25 =	sadd.s32 s2, s25;
	v0 =	vor.u32 v59, v58;
	[tilespmem:$0x2D0] =	vst v56  }
0x83: {  	s24 =	sadd.s32 s24, s25;
	[tilespmem:$0x2E0] =	vst v0  }
0x84: {  	[tilespmem:s23], [sflag:$0x2] =	stream.indirect.gather [hbm4b:s24+s11], $0x1, s13, s11, $0xb8;
	[tilespmem:$0x4300] =	vst v63  }
0x85: {  	s25 =	simm.s32 $0x20000;
	s24 =	simm.s32 $0x10  }
.LBB2_8:
0x86: {  	s26 =	sand.u32 $0x70, s24;
	p0 =	sne.s32 s24, $0x3F0;
	s24 =	sadd.s32 $0x10, s24  }
.Ltmp3:
0x87: {  	s28 =	sand.u32 $0x700000, s25;
	s26 =	sadd.s32 s2, s26;
	(pc) =	sbr.rel @p0 .LBB2_8-.Ltmp3, $4  }
0x88: {  	s23 =	sadd.s32 $0x80, s23;
	s26 =	sadd.s32 s28, s26  }
0x89: {  	[tilespmem:s23], [sflag:$0x2] =	stream.indirect.gather [hbm4b:s26+s11], $0x1, s13, s11, $0xb8;
	[tilespmem:$0x4300] =	vst v63  }
0x8a: {  	_ = 	snop  }
0x8b: {  	s25 =	sadd.s32 $0x20000, s25  }
0x8c: {  	_ =	swait.ge [sflag:s14], $0x2000  }
0x8d: {  	[sflag:s14] =	ssyncset.done $0x0  }
0x8e: {  	[sflag:s14] =	ssyncadd.s32 $0xFFFFE000  }
0x8f: {  	[hbm4b:s7+s15] =	stream.strided.scatter [tilespmem:s20], [sflag:$0x3], $0x2000, s16, s15, $0x38;
	[tilespmem:$0x4300] =	vst v63  }
0x90: {  	_ =	swait.ge [sflag:s18], $0x2000  }
0x91: {  	[sflag:s18] =	ssyncset.done $0x0  }
0x92: {  	s22 =	sadd.s32 $0x1, s22;
	[sflag:s18] =	ssyncadd.s32 $0xFFFFE000  }
0x93: {  	[hbm4b:s8+s15] =	stream.strided.scatter [tilespmem:s21], [sflag:$0x4], $0x2000, s16, s15, $0x38;
	[tilespmem:$0x4300] =	vst v63  }
0x94: {  	p0 =	sne.s32 s22, s9;
	_ =	swait.ge [sflag:s17], $0x2000  }
.Ltmp4:
0x95: {  	[sflag:s17] =	ssyncset.done $0x0;
	(pc) =	sbr.rel @p0 .LBB2_1-.Ltmp4, $4  }
0x96: {  	[sflag:s17] =	ssyncadd.s32 $0xFFFFE000  }
0x97: {  	_ =	swait.ge [sflag:s19], $0x2000  }
0x98: {  	[sflag:s19] =	ssyncset.done $0x0  }
0x99: {  	[sflag:s19] =	ssyncadd.s32 $0xFFFFE000  }
0x9a: {  	_ =	sfence.sel $0x180000  }
0x9b: {  	[bflag:$0x0] =	sbarrier.arrive $0xFFFF  }
0x9c: {  	p0 =	sne.s32 s0, $0x0;
	_ =	strace $0x9000004A  }
0x9d: {  	s0 =	sadd.s32 @!p0 $0x100000, s1;
	[bflag:$0x2] =	sbarrier.arrive $0xFFFF  }
0x9e: {  	[sflag:s0] =	ssyncadd.tile.s32 @!p0 $0x1;
	_ =	shalt  }
.Lfunc_end2:
_tile_overlayer_lowered:
.L_overlay_start_2:
0x9f: {  	(tag) =	ssettag $0x2  }
0xa0: {  	s0 =	rddreg [dreg:$0x0];
	s2 =	stileid.u32  }
0xa1: {  	s1 =	rddreg [dreg:$0x1];
	p0 =	sne.s32 s2, $0x0  }
0xa2: {  	s3 =	rddreg [dreg:$0x2];
	[bflag:$0x3] =	sbarrier.arrive $0xFFFF;
	s2 =	simm.s32 @!p0 $0x1C05  }
0xa3: {  	[timem:s3], [sflag:s2] =	dma.local @!p0 [hbm:s0], s1  }
0xa4: {  	s0 =	simm.s32 @!p0 $0x5  }
0xa5: {  	_ =	swait.ge @!p0 [sflag:s0], s1  }
0xa6: {  	s1 =	ssub.s32 @!p0 $0x0, s1;
	[sflag:s0] =	ssyncset.done @!p0 $0x0  }
0xa7: {  	[sflag:s0] =	ssyncadd.s32 @!p0 s1  }
0xa8: {  	[bflag:$0x3] =	sbarrier.arrive $0xFFFF  }
0xa9: {  	_ =	shalt  }

// kernel: kernel.16.cloned.1.call-start
scs
__scs_entry_jumppad:
0x0: {  	(pc) =	sbr.rel $0x88, $3  }
0x1: {  	(tag) =	ssettag $0x0;
	lr =	simm.s32 $0x1  }
0x2: {  	[smem:$0x3F96] =	sst lr;
	_ =	strace $0xD0000000  }
0x3: {  	_ = 	snop  }
0x4: {  	_ = 	snop  }
0x5: {  	_ = 	snop  }
0x6: {  	_ = 	snop  }
0x7: {  	_ = 	snop  }
__scs_overlays_trampoline_lowered:
0x8: {  	[smem:$0x3FA5] =	sst s0  }
0x9: {  	[smem:$0x3FA6] =	sst s1  }
0xa: {  	[smem:$0x3FA7] =	sst s2  }
0xb: {  	[smem:$0x3FA8] =	sst s3  }
0xc: {  	[smem:$0x3FA9] =	sst s4  }
0xd: {  	[smem:$0x3FAA] =	sst s5  }
0xe: {  	[smem:$0x3FAB] =	sst s6  }
0xf: {  	[smem:$0x3FAC] =	sst s7  }
0x10: {  	[smem:$0x3FAD] =	sst s8  }
0x11: {  	[smem:$0x3FAE] =	sst s9;
	s0 =	simm.s32 @!p0 $0x0  }
0x12: {  	s1 =	sld [smem:$0x3F94];
	s0 =	simm.s32 @p0 $0x1  }
0x13: {  	[smem:$0x3FAF] =	sst s0;
	s0 =	simm.s32 @!p1 $0x0  }
0x14: {  	s2 =	sld [smem:$0x3F93];
	s0 =	simm.s32 @p1 $0x1  }
0x15: {  	[smem:$0x3FB0] =	sst s0;
	s0 =	simm.s32 @!p2 $0x0  }
0x16: {  	s3 =	sld [smem:$0x3FDB];
	s0 =	simm.s32 @p2 $0x1  }
0x17: {  	s4 =	simm.s32 $0x1BF5;
	[smem:$0x3FB2] =	sst s0  }
0x18: {  	s0 =	sld [smem:$0x3F95];
	_ =	swait.ge [sflag:s4], $0x0  }
0x19: {  	s7 =	sld [smem:$0x3F96]  }
0x1a: {  	s8 =	sadd.s32 $0xFFFFE003, lr  }
0x1b: {  	s9 =	sadd.s32 $0xFFFFFEF7, lr;
	s5 =	simm.s32 $0xFFFFFFFF;
	p2 =	slt.u32 s8, $0xFFFFF086  }
0x1c: {  	p1 =	slt.u32 s9, $0xF7A;
	s5 =	simm.s32 @!p2 $0x0  }
0x1d: {  	s5 =	simm.s32 @p1 $0x1;
	p0 =	seq.s32 s7, s2  }
0x1e: {  	s7 =	smul.u32 @!p0 $0xF7A, s2;
	p2 =	seq.s32 @!p0 s5, $0x0  }
0x1f: {  	s9 =	smul.u32 $0xF7A, s1;
	s8 =	simm.s32 @!p0 $0x1BF5;
	p2 =	por !p2, p0  }
0x20: {  	[sflag:s8] =	ssyncset.s32 @!p0 $0xFFFFF086;
	s6 =	sadd.s32 @!p0 s3, s7;
	s7 =	simm.s32 @!p0 $0x108  }
0x21: {  	s3 =	sadd.s32 s3, s9;
	s6 =	sadd.s32 @!p0 $0x88, s6;
	s7 =	simm.s32 @p2 $0x1082  }
0x22: {  	[simem:s7], [sflag:s8] =	dma.local @!p0 [hbm:s6], $0xF7A  }
0x23: {  	s9 =	sor.u32 $0xD0000000, s2;
	s6 =	simm.s32 $0x108;
	_ =	swait.ge @!p0 [sflag:s8], $0x0  }
0x24: {  	s3 =	sadd.s32 $0x88, s3;
	s6 =	simm.s32 @!p1 $0x1082;
	[sflag:s4] =	ssyncset.s32 $0xFFFFF086  }
0x25: {  	[simem:s6], [sflag:s4] =	dma.local [hbm:s3], $0xF7A  }
0x26: {  	[smem:$0x3F96] =	sst s1;
	(tag) =	ssettag s2;
	_ =	strace s9  }
0x27: {  	s1 =	sld [smem:$0x3FA6]  }
0x28: {  	s2 =	sld [smem:$0x3FA7]  }
0x29: {  	s4 =	sld [smem:$0x3FA9]  }
0x2a: {  	p0 =	seq.s32 s5, $0x0;
	s5 =	sld [smem:$0x3FAA]  }
0x2b: {  	s6 =	sld [smem:$0x3FAB]  }
0x2c: {  	s7 =	sld [smem:$0x3FAC]  }
0x2d: {  	s3 =	simm.s32 $0x108;
	s8 =	sld [smem:$0x3FAD]  }
0x2e: {  	s3 =	simm.s32 @!p0 $0x1082;
	s9 =	sld [smem:$0x3FAE]  }
0x2f: {  	lr =	sadd.s32 s0, s3;
	s0 =	sld [smem:$0x3FA5]  }
0x30: {  	s3 =	sld [smem:$0x3FA8]  }
0x31: {  	[smem:$0x3FB1] =	sst s10  }
0x32: {  	s10 =	sld [smem:$0x3FAF];
	_ =	sdelay $0x3  }
0x33: {  	p0 =	seq.s32 s10, $0x1;
	s10 =	sld [smem:$0x3FB1];
	_ =	sdelay $0x3  }
0x34: {  	[smem:$0x3FB1] =	sst s10  }
0x35: {  	s10 =	sld [smem:$0x3FB0];
	_ =	sdelay $0x3  }
0x36: {  	p1 =	seq.s32 s10, $0x1;
	s10 =	sld [smem:$0x3FB1];
	_ =	sdelay $0x3  }
0x37: {  	[smem:$0x3FB1] =	sst s10  }
0x38: {  	s10 =	sld [smem:$0x3FB2]  }
0x39: {  	_ = 	snop;
	(pc) =	sbr.ind lr, $3  }
0x3a: {  	_ = 	snop  }
0x3b: {  	_ = 	snop  }
0x3c: {  	p2 =	seq.s32 s10, $0x1;
	s10 =	sld [smem:$0x3FB1]  }
0x3d: {  	_ =	shalt  }
0x3e: {  	_ =	shalt  }
0x3f: {  	_ =	shalt  }
0x40: {  	_ =	shalt  }
0x41: {  	_ =	shalt  }
0x42: {  	_ =	shalt  }
0x43: {  	_ =	shalt  }
0x44: {  	_ =	shalt  }
0x45: {  	_ =	shalt  }
0x46: {  	_ =	shalt  }
0x47: {  	_ =	shalt  }
0x48: {  	_ =	shalt  }
0x49: {  	_ =	shalt  }
0x4a: {  	_ =	shalt  }
0x4b: {  	_ =	shalt  }
0x4c: {  	_ =	shalt  }
0x4d: {  	_ =	shalt  }
0x4e: {  	_ =	shalt  }
0x4f: {  	_ =	shalt  }
0x50: {  	_ =	shalt  }
0x51: {  	_ =	shalt  }
0x52: {  	_ =	shalt  }
0x53: {  	_ =	shalt  }
0x54: {  	_ =	shalt  }
0x55: {  	_ =	shalt  }
0x56: {  	_ =	shalt  }
0x57: {  	_ =	shalt  }
0x58: {  	_ =	shalt  }
0x59: {  	_ =	shalt  }
0x5a: {  	_ =	shalt  }
0x5b: {  	_ =	shalt  }
0x5c: {  	_ =	shalt  }
0x5d: {  	_ =	shalt  }
0x5e: {  	_ =	shalt  }
0x5f: {  	_ =	shalt  }
0x60: {  	_ =	shalt  }
0x61: {  	_ =	shalt  }
0x62: {  	_ =	shalt  }
0x63: {  	_ =	shalt  }
0x64: {  	_ =	shalt  }
0x65: {  	_ =	shalt  }
0x66: {  	_ =	shalt  }
0x67: {  	_ =	shalt  }
0x68: {  	_ =	shalt  }
0x69: {  	_ =	shalt  }
0x6a: {  	_ =	shalt  }
0x6b: {  	_ =	shalt  }
0x6c: {  	_ =	shalt  }
0x6d: {  	_ =	shalt  }
0x6e: {  	_ =	shalt  }
0x6f: {  	_ =	shalt  }
0x70: {  	_ =	shalt  }
0x71: {  	_ =	shalt  }
0x72: {  	_ =	shalt  }
0x73: {  	_ =	shalt  }
0x74: {  	_ =	shalt  }
0x75: {  	_ =	shalt  }
0x76: {  	_ =	shalt  }
0x77: {  	_ =	shalt  }
0x78: {  	_ =	shalt  }
0x79: {  	_ =	shalt  }
0x7a: {  	_ =	shalt  }
0x7b: {  	_ =	shalt  }
0x7c: {  	_ =	shalt  }
0x7d: {  	_ =	shalt  }
0x7e: {  	_ =	shalt  }
0x7f: {  	_ =	shalt  }
0x80: {  	_ =	shalt  }
0x81: {  	_ =	shalt  }
0x82: {  	_ =	shalt  }
0x83: {  	_ =	shalt  }
0x84: {  	_ =	shalt  }
0x85: {  	_ =	shalt  }
0x86: {  	_ =	shalt  }
0x87: {  	_ =	shalt  }
.Lfunc_end0:
.L_simem_size_0:
called_computation.2_lowered:
.L_overlay_start_0:
0x88: {  	s2 =	sld [smem:$0x3FD9]  }
0x89: {  	s3 =	sld [smem:$0x3FFE];
	_ =	sdelay $0x1  }
0x8a: {  	s1 =	srdreg.scid  }
0x8b: {  	s0 =	sand.u32 $0x1, s1  }
0x8c: {  	s15 =	sshll.u32 s0, $0xA;
	s2 =	sadd.s32 s3, s2  }
0x8d: {  	s2 =	sadd.s32 s2, s15  }
0x8e: {  	[smem:$0x3FBD] =	sst s2  }
0x8f: {  	_ = 	snop  }
0x90: {  	s16 =	sld [smem:$0x3FD0];
	_ =	sdelay $0x2  }
0x91: {  	s4 =	simm.s32 $0xC;
	s5 =	simm.s32 $0x10;
	s2 =	sld [smem:$0x3FC7]  }
0x92: {  	[smem:s5], [sflag:s4] =	dma.local [hbm:s16], $0x1  }
0x93: {  	_ =	swait.eq [sflag:s4], $0x1  }
0x94: {  	[sflag:s4] =	ssyncset.done $0x0  }
0x95: {  	[sflag:s4] =	ssyncadd.s32 $0xFFFFFFFF  }
0x96: {  	s17 =	sld [smem:$0x10];
	(tm) =	ssettm $0x1  }
0x97: {  	s18 =	sld [smem:$0x3FFB];
	_ =	sdelay $0x3  }
0x98: {  	_ =	strace s18  }
0x99: {  	s3 =	sld [smem:$0x3FFC];
	_ =	sdelay $0x3  }
0x9a: {  	_ =	strace s3  }
0x9b: {  	s3 =	sld [smem:$0x3FFD];
	_ =	sdelay $0x3  }
0x9c: {  	_ =	strace s3  }
0x9d: {  	_ =	strace $0x8FFFFFFF  }
0x9e: {  	s19 =	sld [smem:$0x3FDB];
	_ =	sdelay $0x1  }
0x9f: {  	s20 =	simm.s32 $_scs_section_size  }
0xa0: {  	s6 =	simm.s32 $_size__tile_overlayer_lowered;
	s7 =	simm.s32 $_tile_overlayer_lowered  }
0xa1: {  	s8 =	simm.s32 $0x1BFF;
	s21 =	sshll.u32 s7, $0x1;
	s5 =	sadd.s32 s20, s19  }
0xa2: {  	s22 =	simm.s32 $0x0;
	s6 =	sshll.u32 s6, $0x1;
	s7 =	sadd.s32 s21, s5  }
0xa3: {  	[timem:s22], [sflag:s8] =	dma.local [hbm:s7], s6  }
0xa4: {  	_ =	swait.ge [sflag:s8], s6  }
0xa5: {  	s6 =	ssub.s32 $0x0, s6;
	[sflag:s8] =	ssyncset.done $0x0  }
0xa6: {  	[sflag:s8] =	ssyncadd.s32 s6;
	_ =	sdelay $0x1  }
0xa7: {  	s23 =	simm.s32 $0x1B8B  }
0xa8: {  	_ =	swait.ge [sflag:s23], $0x1  }
0xa9: {  	[sflag:s23] =	ssyncset.done $0x0  }
0xaa: {  	[sflag:s23] =	ssyncadd.s32 $0xFFFFFFFF  }
0xab: {  	s6 =	sld [smem:$0x0]  }
0xac: {  	s7 =	sand.u32 $0xFFFFFFFE, s1  }
0xad: {  	p0 =	sne.s32 s1, s7  }
0xae: {  	s7 =	sshll.u32 @p0 s7, $0xE  }
0xaf: {  	s7 =	sadd.s32 @p0 $0x11B8D, s7;
	s8 =	sshll.u32 @p0 s6, $0x11  }
0xb0: {  	s7 =	sor.u32 @p0 s8, s7  }
0xb1: {  	[sflag:s7] =	ssyncadd.remote.s32 @p0 $0x1;
	_ =	sdelay $0x1  }
0xb2: {  	s7 =	simm.s32 @p0 $0x1B8D  }
0xb3: {  	_ =	swait.eq @p0 [sflag:s7], $0x1  }
0xb4: {  	[sflag:s7] =	ssyncadd.s32 @p0 $0xFFFFFFFF  }
0xb5: {  	s8 =	sshll.u32 @!p0 s1, $0xE  }
0xb6: {  	s8 =	sor.u32 @!p0 $0x4000, s8;
	s7 =	simm.s32 @!p0 $0x1B8D  }
0xb7: {  	s6 =	sshll.u32 @!p0 s6, $0x11;
	s8 =	sadd.s32 @!p0 $0x11B8D, s8;
	_ =	swait.eq @!p0 [sflag:s7], $0x1  }
0xb8: {  	s6 =	sor.u32 @!p0 s6, s8;
	[sflag:s7] =	ssyncadd.s32 @!p0 $0xFFFFFFFF  }
0xb9: {  	s25 =	simm.s32 $0x1B8E;
	s24 =	sld [smem:$0x3FFE];
	[sflag:s6] =	ssyncadd.remote.s32 @!p0 $0x1  }
0xba: {  	s26 =	simm.s32 $execute0_lowered;
	[smem:$0x3FD2] =	sst s25  }
0xbb: {  	s7 =	sshll.u32 s26, $0x1;
	_ =	strace $0x8000004C;
	[dreg:$0x1] =	wrdreg $0xFFFFFFFF  }
0xbc: {  	s28 =	simm.s32 $_size_execute0_lowered;
	s5 =	sadd.s32 s5, s7;
	[dreg:$0x0] =	wrdreg $0x0  }
0xbd: {  	s7 =	sshll.u32 s28, $0x1;
	[dreg:$0x2] =	wrdreg s5  }
0xbe: {  	[dreg:$0x3] =	wrdreg s7  }
0xbf: {  	[dreg:$0x4] =	wrdreg $0xC0  }
0xc0: {  	_ =	task [dreg:s22], $0x5FFFF  }
0xc1: {  	[dreg:$0x1] =	wrdreg $0xFFFFFFFF  }
0xc2: {  	[dreg:$0x0] =	wrdreg $0x60  }
0xc3: {  	[dreg:$0x2] =	wrdreg s2  }
0xc4: {  	[dreg:$0x3] =	wrdreg s17  }
0xc5: {  	[dreg:$0x4] =	wrdreg s24  }
0xc6: {  	[dreg:$0x5] =	wrdreg $0xB  }
0xc7: {  	_ =	task.clear_ibuf [dreg:s22], $0x6FFFF;
	_ =	strace $0x9000004C  }
0xc8: {  	s29 =	simm.s32 $0xB;
	_ =	strace $0x8000004E  }
0xc9: {  	_ =	swait.ge [sflag:s29], $0x1  }
0xca: {  	[sflag:s29] =	ssyncadd.s32 $0xFFFFFFFF  }
0xcb: {  	_ =	strace $0x9000004E  }
0xcc: {  	_ =	sfence  }
0xcd: {  	s30 =	sld [smem:$0x0];
	_ =	sdelay $0x2  }
0xce: {  	s31 =	sshll.u32 s1, $0xD;
	s1 =	sshrl.u32 s1, $0x2  }
0xcf: {  	s4 =	sand.u32 $0x4000, s31;
	s1 =	sadd.s32 s1, s30  }
0xd0: {  	s0 =	sor.u32 s4, s0;
	s1 =	sshll.u32 s1, $0x11  }
0xd1: {  	s0 =	sor.u32 s1, s0  }
0xd2: {  	s0 =	sadd.s32 $0x8F2B, s0  }
0xd3: {  	[sflag:s0] =	ssyncadd.remote.s32 $0x1  }
0xd4: {  	_ =	sfence.sel $0xFFFF  }
0xd5: {  	[dreg:$0x0] =	wrdreg $0xFFFFFFFF;
	(pc) =	sbr.abs _section_cstart, $3  }
0xd6: {  	[dreg:$0x1] =	wrdreg $0xFFFFFFFF  }
0xd7: {  	_ =	task.clear_ibuf [dreg:s22], $0x2FFFF;
	_ =	strace $0x9FFFFFFF  }
0xd8: {  	(tm) =	ssettm $0x7FFFFFFF  }
0xd9: {  	_ =	shalt  }
tec
execute0_lowered:
.L_overlay_start_1:
0x0: {  	(tag) =	ssettag $0x1  }
0x1: {  	s1 =	rddreg [dreg:$0x0]  }
0x2: {  	s4 =	rddreg [dreg:$0x1]  }
0x3: {  	s5 =	rddreg [dreg:$0x2];
	s3 =	srdreg.scid  }
0x4: {  	s0 =	rddreg [dreg:$0x3];
	s2 =	stileid.u32;
	s12 =	simm.s32 $0x200  }
0x5: {  	s13 =	simm.s32 $0x280;
	s14 =	simm.s32 $0x1;
	s15 =	simm.s32 $0x400  }
0x6: {  	s16 =	simm.s32 $0x20000;
	s17 =	simm.s32 $0x3;
	s18 =	simm.s32 $0x2  }
0x7: {  	s19 =	simm.s32 $0x4;
	s20 =	simm.s32 $0x300;
	s21 =	simm.s32 $0x2300  }
0x8: {  	s22 =	simm.s32 $0x0;
	s6 =	sand.u32 $0x1, s3;
	s3 =	simm.s32 $0x0  }
0x9: {  	s7 =	sshll.u32 s2, $0xA;
	s8 =	sshll.u32 s6, $0x9;
	[smem:$0x7FF] =	sst s3  }
0xa: {  	s6 =	ssub.s32 $0x2, s6;
	s7 =	sor.u32 s8, s7;
	_ =	strace $0x8000004D  }
0xb: {  	s31 =	sshrl.u32 s6, $0x1;
	s9 =	sshrl.u32 s7, $0x3;
	s10 =	sadd.s32 s7, s5  }
0xc: {  	s11 =	ssub.s32 s6, s31;
	s4 =	sadd.s32 s4, s9;
	s5 =	sadd.s32 $0x74C00, s10  }
0xd: {  	s6 =	sadd.s32 $0x74C80, s10;
	s7 =	sadd.s32 $0x74D00, s10;
	s8 =	sadd.s32 $0x74D80, s10  }
0xe: {  	s9 =	smax.u32 s11, $0x1;
	s10 =	simm.s32 $0x5;
	s11 =	simm.s32 $0x80  }
.LBB2_1:
0xf: {  	[tilespmem:s3], [sflag:$0x5] =	stream.linear.gather [hbm4b:s4+s3], $0x200, $0x38;
	[tilespmem:$0x4300] =	vst v63  }
0x10: {  	_ =	swait.ge [sflag:s10], $0x200  }
0x11: {  	[sflag:s10] =	ssyncset.done $0x0  }
0x12: {  	[sflag:s10] =	ssyncadd.s32 $0xFFFFFE00  }
0x13: {  	v0 =	vld [tilespmem:$0x0]  }
0x14: {  	v1 =	vld [tilespmem:$0x10]  }
0x15: {  	v2 =	vld [tilespmem:$0x20]  }
0x16: {  	v3 =	vld [tilespmem:$0x30]  }
0x17: {  	v5 =	vld [tilespmem:$0x40]  }
0x18: {  	v7 =	vld [tilespmem:$0x50]  }
0x19: {  	v4 =	vshll.u32 v0, $0x3  }
0x1a: {  	v48 =	vld [tilespmem:$0x70];
	v0 =	vand.u32 $0x7F, v0;
	v6 =	vshll.u32 v1, $0x3;
	v46 =	vshll.u32 v2, $0x3  }
0x1b: {  	v1 =	vand.u32 $0x7F, v1;
	v2 =	vand.u32 $0x7F, v2;
	v47 =	vshll.u32 v3, $0x3  }
0x1c: {  	v3 =	vand.u32 $0x7F, v3;
	v50 =	vshll.u32 v5, $0x3;
	v4 =	vand.u32 $0xFFFFFC00, v4  }
0x1d: {  	v8 =	vld [tilespmem:$0x60];
	v52 =	vshll.u32 v7, $0x3;
	v45 =	vand.u32 $0xFFFFFC00, v6;
	v0 =	vor.u32 v0, v4  }
0x1e: {  	v53 =	vand.u32 $0x7F, v5;
	v6 =	vand.u32 $0xFFFFFC00, v46;
	v1 =	vor.u32 v1, v45;
	[tilespmem:$0x200] =	vst v0  }
0x1f: {  	v60 =	vshll.u32 v48, $0x3;
	v51 =	vand.u32 $0xFFFFFC00, v50;
	v2 =	vor.u32 v2, v6;
	[tilespmem:$0x210] =	vst v1  }
0x20: {  	v62 =	vand.u32 $0x7F, v48;
	v61 =	vand.u32 $0xFFFFFC00, v60;
	v55 =	vor.u32 v53, v51;
	[tilespmem:$0x220] =	vst v2  }
0x21: {  	v54 =	vand.u32 $0x7F, v7;
	v49 =	vand.u32 $0xFFFFFC00, v47;
	v63 =	vor.u32 v62, v61;
	[tilespmem:$0x240] =	vst v55  }
0x22: {  	v57 =	vshll.u32 v8, $0x3;
	v0 =	vor.u32 v3, v49;
	v3 =	vand.u32 $0xFFFFFC00, v52;
	[tilespmem:$0x270] =	vst v63  }
0x23: {  	s23 =	sand.u32 $0x70, s3;
	v59 =	vand.u32 $0x7F, v8;
	v58 =	vand.u32 $0xFFFFFC00, v57;
	[tilespmem:$0x230] =	vst v0;
	v56 =	vor.u32 v54, v3  }
0x24: {  	s24 =	sand.u32 $0x700000, s3;
	s23 =	sadd.s32 s1, s23;
	v0 =	vor.u32 v59, v58;
	[tilespmem:$0x250] =	vst v56  }
0x25: {  	s23 =	sadd.s32 s24, s23;
	[tilespmem:$0x260] =	vst v0  }
0x26: {  	[tilespmem:s20], [sflag:$0x1] =	stream.indirect.gather [hbm4b:s23+s11], $0x1, s12, s11, $0xb8;
	[tilespmem:$0x4300] =	vst v63  }
0x27: {  	s25 =	simm.s32 $0x300;
	s24 =	simm.s32 $0x20000;
	s23 =	simm.s32 $0x10  }
.LBB2_2:
0x28: {  	s26 =	sand.u32 $0x70, s23;
	p0 =	sne.s32 s23, $0x3F0;
	s23 =	sadd.s32 $0x10, s23  }
.Ltmp0:
0x29: {  	s28 =	sand.u32 $0x700000, s24;
	s26 =	sadd.s32 s1, s26;
	(pc) =	sbr.rel @p0 .LBB2_2-.Ltmp0, $4  }
0x2a: {  	s25 =	sadd.s32 $0x80, s25;
	s26 =	sadd.s32 s28, s26  }
0x2b: {  	[tilespmem:s25], [sflag:$0x1] =	stream.indirect.gather [hbm4b:s26+s11], $0x1, s12, s11, $0xb8;
	[tilespmem:$0x4300] =	vst v63  }
0x2c: {  	_ = 	snop  }
0x2d: {  	s24 =	sadd.s32 $0x20000, s24  }
0x2e: {  	v0 =	vld [tilespmem:$0x80]  }
0x2f: {  	v1 =	vld [tilespmem:$0x90]  }
0x30: {  	v2 =	vld [tilespmem:$0xA0]  }
0x31: {  	v3 =	vld [tilespmem:$0xB0]  }
0x32: {  	v5 =	vld [tilespmem:$0xC0]  }
0x33: {  	v7 =	vld [tilespmem:$0xD0]  }
0x34: {  	v4 =	vshll.u32 v0, $0x3  }
0x35: {  	v48 =	vld [tilespmem:$0xF0];
	v0 =	vand.u32 $0x7F, v0;
	v6 =	vshll.u32 v1, $0x3;
	v46 =	vshll.u32 v2, $0x3  }
0x36: {  	v1 =	vand.u32 $0x7F, v1;
	v2 =	vand.u32 $0x7F, v2;
	v47 =	vshll.u32 v3, $0x3  }
0x37: {  	v3 =	vand.u32 $0x7F, v3;
	v50 =	vshll.u32 v5, $0x3;
	v4 =	vand.u32 $0xFFFFFC00, v4  }
0x38: {  	v8 =	vld [tilespmem:$0xE0];
	v52 =	vshll.u32 v7, $0x3;
	v45 =	vand.u32 $0xFFFFFC00, v6;
	v0 =	vor.u32 v0, v4  }
0x39: {  	v53 =	vand.u32 $0x7F, v5;
	v6 =	vand.u32 $0xFFFFFC00, v46;
	v1 =	vor.u32 v1, v45;
	[tilespmem:$0x280] =	vst v0  }
0x3a: {  	v60 =	vshll.u32 v48, $0x3;
	v51 =	vand.u32 $0xFFFFFC00, v50;
	v2 =	vor.u32 v2, v6;
	[tilespmem:$0x290] =	vst v1  }
0x3b: {  	v62 =	vand.u32 $0x7F, v48;
	v61 =	vand.u32 $0xFFFFFC00, v60;
	v55 =	vor.u32 v53, v51;
	[tilespmem:$0x2A0] =	vst v2  }
0x3c: {  	v54 =	vand.u32 $0x7F, v7;
	v49 =	vand.u32 $0xFFFFFC00, v47;
	v63 =	vor.u32 v62, v61;
	[tilespmem:$0x2C0] =	vst v55  }
0x3d: {  	s23 =	simm.s32 $0x0;
	v57 =	vshll.u32 v8, $0x3;
	v0 =	vor.u32 v3, v49;
	v3 =	vand.u32 $0xFFFFFC00, v52;
	[tilespmem:$0x2F0] =	vst v63  }
0x3e: {  	s24 =	sand.u32 $0x70, s23;
	v59 =	vand.u32 $0x7F, v8;
	v58 =	vand.u32 $0xFFFFFC00, v57;
	[tilespmem:$0x2B0] =	vst v0;
	v56 =	vor.u32 v54, v3  }
0x3f: {  	s25 =	sand.u32 $0x700000, s23;
	s24 =	sadd.s32 s1, s24;
	v0 =	vor.u32 v59, v58;
	[tilespmem:$0x2D0] =	vst v56  }
0x40: {  	s23 =	simm.s32 $0x2300;
	s24 =	sadd.s32 s25, s24;
	[tilespmem:$0x2E0] =	vst v0  }
0x41: {  	[tilespmem:s23], [sflag:$0x2] =	stream.indirect.gather [hbm4b:s24+s11], $0x1, s13, s11, $0xb8;
	[tilespmem:$0x4300] =	vst v63  }
0x42: {  	s25 =	simm.s32 $0x20000;
	s24 =	simm.s32 $0x10  }
.LBB2_4:
0x43: {  	s26 =	sand.u32 $0x70, s24;
	p0 =	sne.s32 s24, $0x3F0;
	s24 =	sadd.s32 $0x10, s24  }
.Ltmp1:
0x44: {  	s28 =	sand.u32 $0x700000, s25;
	s26 =	sadd.s32 s1, s26;
	(pc) =	sbr.rel @p0 .LBB2_4-.Ltmp1, $4  }
0x45: {  	s23 =	sadd.s32 $0x80, s23;
	s26 =	sadd.s32 s28, s26  }
0x46: {  	[tilespmem:s23], [sflag:$0x2] =	stream.indirect.gather [hbm4b:s26+s11], $0x1, s13, s11, $0xb8;
	[tilespmem:$0x4300] =	vst v63  }
0x47: {  	_ = 	snop  }
0x48: {  	s25 =	sadd.s32 $0x20000, s25  }
0x49: {  	_ =	swait.ge [sflag:s14], $0x2000  }
0x4a: {  	[sflag:s14] =	ssyncset.done $0x0  }
0x4b: {  	s23 =	simm.s32 $0x300;
	[sflag:s14] =	ssyncadd.s32 $0xFFFFE000  }
0x4c: {  	[hbm4b:s5+s15] =	stream.strided.scatter [tilespmem:s23], [sflag:$0x3], $0x2000, s16, s15, $0x38;
	[tilespmem:$0x4300] =	vst v63  }
0x4d: {  	_ =	swait.ge [sflag:s17], $0x2000  }
0x4e: {  	[sflag:s17] =	ssyncset.done $0x0  }
0x4f: {  	[sflag:s17] =	ssyncadd.s32 $0xFFFFE000  }
0x50: {  	v0 =	vld [tilespmem:$0x100]  }
0x51: {  	v1 =	vld [tilespmem:$0x110]  }
0x52: {  	v2 =	vld [tilespmem:$0x120]  }
0x53: {  	v3 =	vld [tilespmem:$0x130]  }
0x54: {  	v5 =	vld [tilespmem:$0x140]  }
0x55: {  	v7 =	vld [tilespmem:$0x150]  }
0x56: {  	v4 =	vshll.u32 v0, $0x3  }
0x57: {  	v48 =	vld [tilespmem:$0x170];
	v0 =	vand.u32 $0x7F, v0;
	v6 =	vshll.u32 v1, $0x3;
	v46 =	vshll.u32 v2, $0x3  }
0x58: {  	v1 =	vand.u32 $0x7F, v1;
	v2 =	vand.u32 $0x7F, v2;
	v47 =	vshll.u32 v3, $0x3  }
0x59: {  	v3 =	vand.u32 $0x7F, v3;
	v50 =	vshll.u32 v5, $0x3;
	v4 =	vand.u32 $0xFFFFFC00, v4  }
0x5a: {  	v8 =	vld [tilespmem:$0x160];
	v52 =	vshll.u32 v7, $0x3;
	v45 =	vand.u32 $0xFFFFFC00, v6;
	v0 =	vor.u32 v0, v4  }
0x5b: {  	v53 =	vand.u32 $0x7F, v5;
	v6 =	vand.u32 $0xFFFFFC00, v46;
	v1 =	vor.u32 v1, v45;
	[tilespmem:$0x200] =	vst v0  }
0x5c: {  	v60 =	vshll.u32 v48, $0x3;
	v51 =	vand.u32 $0xFFFFFC00, v50;
	v2 =	vor.u32 v2, v6;
	[tilespmem:$0x210] =	vst v1  }
0x5d: {  	v62 =	vand.u32 $0x7F, v48;
	v61 =	vand.u32 $0xFFFFFC00, v60;
	v55 =	vor.u32 v53, v51;
	[tilespmem:$0x220] =	vst v2  }
0x5e: {  	v54 =	vand.u32 $0x7F, v7;
	v49 =	vand.u32 $0xFFFFFC00, v47;
	v63 =	vor.u32 v62, v61;
	[tilespmem:$0x240] =	vst v55  }
0x5f: {  	s24 =	simm.s32 $0x0;
	v57 =	vshll.u32 v8, $0x3;
	v0 =	vor.u32 v3, v49;
	v3 =	vand.u32 $0xFFFFFC00, v52;
	[tilespmem:$0x270] =	vst v63  }
0x60: {  	s25 =	sand.u32 $0x70, s24;
	v59 =	vand.u32 $0x7F, v8;
	v58 =	vand.u32 $0xFFFFFC00, v57;
	[tilespmem:$0x230] =	vst v0;
	v56 =	vor.u32 v54, v3  }
0x61: {  	s24 =	sand.u32 $0x700000, s24;
	s25 =	sadd.s32 s1, s25;
	v0 =	vor.u32 v59, v58;
	[tilespmem:$0x250] =	vst v56  }
0x62: {  	s24 =	sadd.s32 s24, s25;
	[tilespmem:$0x260] =	vst v0  }
0x63: {  	[tilespmem:s23], [sflag:$0x1] =	stream.indirect.gather [hbm4b:s24+s11], $0x1, s12, s11, $0xb8;
	[tilespmem:$0x4300] =	vst v63  }
0x64: {  	s25 =	simm.s32 $0x20000;
	s24 =	simm.s32 $0x10  }
.LBB2_6:
0x65: {  	s26 =	sand.u32 $0x70, s24;
	p0 =	sne.s32 s24, $0x3F0;
	s24 =	sadd.s32 $0x10, s24  }
.Ltmp2:
0x66: {  	s28 =	sand.u32 $0x700000, s25;
	s26 =	sadd.s32 s1, s26;
	(pc) =	sbr.rel @p0 .LBB2_6-.Ltmp2, $4  }
0x67: {  	s23 =	sadd.s32 $0x80, s23;
	s26 =	sadd.s32 s28, s26  }
0x68: {  	[tilespmem:s23], [sflag:$0x1] =	stream.indirect.gather [hbm4b:s26+s11], $0x1, s12, s11, $0xb8;
	[tilespmem:$0x4300] =	vst v63  }
0x69: {  	_ = 	snop  }
0x6a: {  	s25 =	sadd.s32 $0x20000, s25  }
0x6b: {  	_ =	swait.ge [sflag:s18], $0x2000  }
0x6c: {  	[sflag:s18] =	ssyncset.done $0x0  }
0x6d: {  	s23 =	simm.s32 $0x2300;
	[sflag:s18] =	ssyncadd.s32 $0xFFFFE000  }
0x6e: {  	[hbm4b:s6+s15] =	stream.strided.scatter [tilespmem:s23], [sflag:$0x4], $0x2000, s16, s15, $0x38;
	[tilespmem:$0x4300] =	vst v63  }
0x6f: {  	_ =	swait.ge [sflag:s19], $0x2000  }
0x70: {  	[sflag:s19] =	ssyncset.done $0x0  }
0x71: {  	[sflag:s19] =	ssyncadd.s32 $0xFFFFE000  }
0x72: {  	v0 =	vld [tilespmem:$0x180]  }
0x73: {  	v1 =	vld [tilespmem:$0x190]  }
0x74: {  	v2 =	vld [tilespmem:$0x1A0]  }
0x75: {  	v3 =	vld [tilespmem:$0x1B0]  }
0x76: {  	v5 =	vld [tilespmem:$0x1C0]  }
0x77: {  	v7 =	vld [tilespmem:$0x1D0]  }
0x78: {  	v4 =	vshll.u32 v0, $0x3  }
0x79: {  	v48 =	vld [tilespmem:$0x1F0];
	v0 =	vand.u32 $0x7F, v0;
	v6 =	vshll.u32 v1, $0x3;
	v46 =	vshll.u32 v2, $0x3  }
0x7a: {  	v1 =	vand.u32 $0x7F, v1;
	v2 =	vand.u32 $0x7F, v2;
	v47 =	vshll.u32 v3, $0x3  }
0x7b: {  	v3 =	vand.u32 $0x7F, v3;
	v50 =	vshll.u32 v5, $0x3;
	v4 =	vand.u32 $0xFFFFFC00, v4  }
0x7c: {  	v8 =	vld [tilespmem:$0x1E0];
	v52 =	vshll.u32 v7, $0x3;
	v45 =	vand.u32 $0xFFFFFC00, v6;
	v0 =	vor.u32 v0, v4  }
0x7d: {  	v53 =	vand.u32 $0x7F, v5;
	v6 =	vand.u32 $0xFFFFFC00, v46;
	v1 =	vor.u32 v1, v45;
	[tilespmem:$0x280] =	vst v0  }
0x7e: {  	v60 =	vshll.u32 v48, $0x3;
	v51 =	vand.u32 $0xFFFFFC00, v50;
	v2 =	vor.u32 v2, v6;
	[tilespmem:$0x290] =	vst v1  }
0x7f: {  	v62 =	vand.u32 $0x7F, v48;
	v61 =	vand.u32 $0xFFFFFC00, v60;
	v55 =	vor.u32 v53, v51;
	[tilespmem:$0x2A0] =	vst v2  }
0x80: {  	v54 =	vand.u32 $0x7F, v7;
	v49 =	vand.u32 $0xFFFFFC00, v47;
	v63 =	vor.u32 v62, v61;
	[tilespmem:$0x2C0] =	vst v55  }
0x81: {  	s24 =	simm.s32 $0x0;
	v57 =	vshll.u32 v8, $0x3;
	v0 =	vor.u32 v3, v49;
	v3 =	vand.u32 $0xFFFFFC00, v52;
	[tilespmem:$0x2F0] =	vst v63  }
0x82: {  	s25 =	sand.u32 $0x70, s24;
	v59 =	vand.u32 $0x7F, v8;
	v58 =	vand.u32 $0xFFFFFC00, v57;
	[tilespmem:$0x2B0] =	vst v0;
	v56 =	vor.u32 v54, v3  }
0x83: {  	s24 =	sand.u32 $0x700000, s24;
	s25 =	sadd.s32 s1, s25;
	v0 =	vor.u32 v59, v58;
	[tilespmem:$0x2D0] =	vst v56  }
0x84: {  	s24 =	sadd.s32 s24, s25;
	[tilespmem:$0x2E0] =	vst v0  }
0x85: {  	[tilespmem:s23], [sflag:$0x2] =	stream.indirect.gather [hbm4b:s24+s11], $0x1, s13, s11, $0xb8;
	[tilespmem:$0x4300] =	vst v63  }
0x86: {  	s25 =	simm.s32 $0x20000;
	s24 =	simm.s32 $0x10  }
.LBB2_8:
0x87: {  	s26 =	sand.u32 $0x70, s24;
	p0 =	sne.s32 s24, $0x3F0;
	s24 =	sadd.s32 $0x10, s24  }
.Ltmp3:
0x88: {  	s28 =	sand.u32 $0x700000, s25;
	s26 =	sadd.s32 s1, s26;
	(pc) =	sbr.rel @p0 .LBB2_8-.Ltmp3, $4  }
0x89: {  	s23 =	sadd.s32 $0x80, s23;
	s26 =	sadd.s32 s28, s26  }
0x8a: {  	[tilespmem:s23], [sflag:$0x2] =	stream.indirect.gather [hbm4b:s26+s11], $0x1, s13, s11, $0xb8;
	[tilespmem:$0x4300] =	vst v63  }
0x8b: {  	_ = 	snop  }
0x8c: {  	s25 =	sadd.s32 $0x20000, s25  }
0x8d: {  	_ =	swait.ge [sflag:s14], $0x2000  }
0x8e: {  	[sflag:s14] =	ssyncset.done $0x0  }
0x8f: {  	[sflag:s14] =	ssyncadd.s32 $0xFFFFE000  }
0x90: {  	[hbm4b:s7+s15] =	stream.strided.scatter [tilespmem:s20], [sflag:$0x3], $0x2000, s16, s15, $0x38;
	[tilespmem:$0x4300] =	vst v63  }
0x91: {  	_ =	swait.ge [sflag:s18], $0x2000  }
0x92: {  	[sflag:s18] =	ssyncset.done $0x0  }
0x93: {  	s22 =	sadd.s32 $0x1, s22;
	[sflag:s18] =	ssyncadd.s32 $0xFFFFE000  }
0x94: {  	[hbm4b:s8+s15] =	stream.strided.scatter [tilespmem:s21], [sflag:$0x4], $0x2000, s16, s15, $0x38;
	[tilespmem:$0x4300] =	vst v63  }
0x95: {  	p0 =	sne.s32 s22, s9;
	_ =	swait.ge [sflag:s17], $0x2000  }
.Ltmp4:
0x96: {  	[sflag:s17] =	ssyncset.done $0x0;
	(pc) =	sbr.rel @p0 .LBB2_1-.Ltmp4, $4  }
0x97: {  	[sflag:s17] =	ssyncadd.s32 $0xFFFFE000  }
0x98: {  	_ =	swait.ge [sflag:s19], $0x2000  }
0x99: {  	[sflag:s19] =	ssyncset.done $0x0  }
0x9a: {  	[sflag:s19] =	ssyncadd.s32 $0xFFFFE000  }
0x9b: {  	_ =	sfence.sel $0x180000  }
0x9c: {  	[bflag:$0x0] =	sbarrier.arrive $0xFFFF  }
0x9d: {  	p0 =	sne.s32 s2, $0x0;
	_ =	strace $0x9000004D  }
0x9e: {  	s0 =	sadd.s32 @!p0 $0x100000, s0;
	[bflag:$0x2] =	sbarrier.arrive $0xFFFF  }
0x9f: {  	[sflag:s0] =	ssyncadd.tile.s32 @!p0 $0x1;
	_ =	shalt  }
.Lfunc_end2:
_tile_overlayer_lowered:
.L_overlay_start_2:
0xa0: {  	(tag) =	ssettag $0x2  }
0xa1: {  	s0 =	rddreg [dreg:$0x0];
	s2 =	stileid.u32  }
0xa2: {  	s1 =	rddreg [dreg:$0x1];
	p0 =	sne.s32 s2, $0x0  }
0xa3: {  	s3 =	rddreg [dreg:$0x2];
	[bflag:$0x3] =	sbarrier.arrive $0xFFFF;
	s2 =	simm.s32 @!p0 $0x1C05  }
0xa4: {  	[timem:s3], [sflag:s2] =	dma.local @!p0 [hbm:s0], s1  }
0xa5: {  	s0 =	simm.s32 @!p0 $0x5  }
0xa6: {  	_ =	swait.ge @!p0 [sflag:s0], s1  }
0xa7: {  	s1 =	ssub.s32 @!p0 $0x0, s1;
	[sflag:s0] =	ssyncset.done @!p0 $0x0  }
0xa8: {  	[sflag:s0] =	ssyncadd.s32 @!p0 s1  }
0xa9: {  	[bflag:$0x3] =	sbarrier.arrive $0xFFFF  }
0xaa: {  	_ =	shalt  }

</sc_bundles>
